<compile_context>
chip_gen: v7x
topology: tpu7x:2x2x1
jax: 0.10.2.dev20260603
libtpu: 0.0.44.dev20260713+nightly
codegen_flags: <defaults>
</compile_context>

<pallas_src>
import functools

import jax
import jax.numpy as jnp
from jax import lax
from jax.experimental import pallas as pl
from jax.experimental.pallas import tpu as pltpu
from jax.experimental.pallas import tpu_sc as plsc

N = 100000
E = 3200000
G = 1024
H = 14
OUT = 2

NC, NS, LANES = 2, 16, 16
NW = NC * NS

WIN = 1024
CHUNK = 128
EPW = 100352
EPAD = EPW * NW
NWIN = EPW // WIN
NPAD = 100352
GPAD = 1040

@functools.cache
def _vmesh():
    return plsc.VectorSubcoreMesh(core_axis_name="c", subcore_axis_name="s")


_SC_PARAMS = pltpu.CompilerParams(
    needs_layout_passes=False, use_tc_tiling_on_sc=False)


def _mink_ip(a, b):
    return (a[:, 1:2] * b[:, 1:2] + a[:, 2:3] * b[:, 2:3]
            + a[:, 3:4] * b[:, 3:4] - a[:, 0:1] * b[:, 0:1])


def _tc0_body(x_ref, t_ref):
    xb = x_ref[...]
    ip = _mink_ip(xb, xb)
    t_ref[...] = jnp.concatenate(
        [xb, ip, jnp.zeros((xb.shape[0], 3), jnp.float32)], axis=1)


def _build_table(x):
    nb = 5000
    return pl.pallas_call(
        _tc0_body,
        grid=(N // nb,),
        in_specs=[pl.BlockSpec((nb, 4), lambda i: (i, 0))],
        out_specs=pl.BlockSpec((nb, 8), lambda i: (i, 0)),
        out_shape=jax.ShapeDtypeStruct((N, 8), jnp.float32),
    )(x)


def _sc1_body(t_hbm, row_hbm, col_hbm, eraw_hbm,
              idxr0, idxr1, idxc0, idxc1, sr0, sr1, dr0, dr1, eo0, eo1,
              isem, gsem, osem):
    wid = lax.axis_index("c") * NS + lax.axis_index("s")
    base_chunk = wid * (EPW // CHUNK)
    nch = WIN // CHUNK
    idxr, idxc = (idxr0, idxr1), (idxc0, idxc1)
    srs, drs, eos = (sr0, sr1), (dr0, dr1), (eo0, eo1)

    def issue_idx(w, b):
        crow = base_chunk + w * nch
        pltpu.async_copy(row_hbm.at[pl.ds(crow, nch)], idxr[b], isem.at[b])
        pltpu.async_copy(col_hbm.at[pl.ds(crow, nch)], idxc[b], isem.at[b])

    def fire_gathers(w, b):
        for j in range(nch):
            pltpu.async_copy(t_hbm.at[idxr[b].at[j]],
                             srs[b].at[pl.ds(j * CHUNK, CHUNK)], gsem.at[b])
            pltpu.async_copy(t_hbm.at[idxc[b].at[j]],
                             drs[b].at[pl.ds(j * CHUNK, CHUNK)], gsem.at[b])

    def drain_gathers(b):
        for j in range(nch):
            pltpu.make_async_copy(
                t_hbm.at[idxr[b].at[j]],
                srs[b].at[pl.ds(j * CHUNK, CHUNK)], gsem.at[b]).wait()
            pltpu.make_async_copy(
                t_hbm.at[idxc[b].at[j]],
                drs[b].at[pl.ds(j * CHUNK, CHUNK)], gsem.at[b]).wait()

    def wait_idx(w, b):
        crow = base_chunk + w * nch
        pltpu.make_async_copy(
            row_hbm.at[pl.ds(crow, nch)], idxr[b], isem.at[b]).wait()
        pltpu.make_async_copy(
            col_hbm.at[pl.ds(crow, nch)], idxc[b], isem.at[b]).wait()

    issue_idx(0, 0)
    issue_idx(1, 1)
    wait_idx(0, 0)
    fire_gathers(0, 0)
    iota = lax.broadcasted_iota(jnp.int32, (LANES,), 0)
    bq = wid // 8
    rbase0 = (wid % 8) * (EPW // 8)

    @pl.loop(0, NWIN, step=2)
    def _outer(w0):
        for b in (0, 1):
            w = w0 + b
            drain_gathers(b)

            @pl.when(w + 2 < NWIN)
            def _pf():
                issue_idx(w + 2, b)

            @pl.when(w + 1 < NWIN)
            def _fg():
                wait_idx(w + 1, 1 - b)
                fire_gathers(w + 1, 1 - b)

            @pl.when(w >= 2)
            def _wo():
                pltpu.make_async_copy(
                    eos[b], eraw_hbm.at[pl.ds(0, CHUNK), pl.ds(0, 32)],
                    osem.at[b]).wait()

            sr_b, dr_b, eo_b = srs[b], drs[b], eos[b]

            @pl.loop(0, WIN, step=LANES)
            def _grp(g):
                r = g + iota

                def col(ref, c):
                    return plsc.load_gather(
                        ref, [r, jnp.full((LANES,), c, jnp.int32)])

                s0, s1, s2, s3, ipss = (col(sr_b, c) for c in range(5))
                d0, d1, d2, d3, ipdd = (col(dr_b, c) for c in range(5))
                ipsd = s1 * d1 + s2 * d2 + s3 * d3 - s0 * d0
                ipdf = ipss - 2.0 * ipsd + ipdd
                orow = r >> 3
                ocol = (r & 7) * 4
                for c, v in ((0, ipss), (1, ipsd), (2, ipdd), (3, ipdf)):
                    plsc.store_scatter(eo_b, [orow, ocol + c], v)

            pltpu.async_copy(
                eos[b],
                eraw_hbm.at[pl.ds(rbase0 + w * CHUNK, CHUNK),
                            pl.ds(32 * bq, 32)],
                osem.at[b])

    for b in (0, 1):
        pltpu.make_async_copy(
            eos[b], eraw_hbm.at[pl.ds(0, CHUNK), pl.ds(0, 32)],
            osem.at[b]).wait()


def _sc1_gather_ip(t, row2d, col2d):
    k = pl.kernel(
        _sc1_body,
        out_type=jax.ShapeDtypeStruct((EPAD // 32, 128), jnp.float32),
        mesh=_vmesh(),
        scratch_types=(
            [pltpu.VMEM((WIN // CHUNK, CHUNK), jnp.int32)] * 4
            + [pltpu.VMEM((WIN, 8), jnp.float32)] * 4
            + [pltpu.VMEM((CHUNK, 32), jnp.float32)] * 2
            + [pltpu.SemaphoreType.DMA((2,)),
               pltpu.SemaphoreType.DMA((2,)),
               pltpu.SemaphoreType.DMA((2,))]
        ),
        compiler_params=_SC_PARAMS,
    )
    return k(t, row2d, col2d)


def _tc2_body(raw_ref, a1, b1, a2, b2, c1, rc, bc, c2, bc2, *out_refs):
    raw = raw_ref[...]
    lane = lax.broadcasted_iota(jnp.int32, raw.shape, 1)
    psi = jnp.sign(raw) * jnp.log(jnp.abs(raw) + 1.0)
    rawp = jnp.where(lane % 4 >= 2, psi, raw)
    dot = functools.partial(jnp.dot, preferred_element_type=jnp.float32)
    bf = jnp.bfloat16
    rawp16 = rawp.astype(bf)
    h1 = jax.nn.relu(dot(rawp16, a1[...]) + b1[...]).astype(bf)
    ea = (dot(h1, a2[...]) + b2[...]).astype(bf)
    h2 = jax.nn.relu(dot(ea, c1[...]) + dot(rawp16, rc[...]) + bc[...])
    h2 = h2.astype(bf)
    for j in range(4):
        out_refs[j][...] = (dot(h2, c2[...][:, 128 * j:128 * j + 128])
                            + bc2[...][:, 128 * j:128 * j + 128])


def _tc2_mlp(eraw32, ew1, eb1, ew2, eb2, n1w1, n1b1, n1w2, n1b2):
    p = 32
    eye = jnp.eye(p, dtype=jnp.float32)
    a1 = jnp.kron(eye, ew1)
    a2 = jnp.kron(eye, ew2)
    c1 = jnp.kron(eye, n1w1[1:, :])
    rc = jnp.zeros((4 * p, H * p), jnp.float32).at[::4, :].set(
        jnp.kron(eye, n1w1[0:1, :]))
    w2p = jnp.pad(n1w2, ((0, 0), (0, 2)))
    c2 = jnp.kron(eye, w2p)
    b1 = jnp.tile(eb1, p)[None, :]
    b2 = jnp.tile(eb2, p)[None, :]
    bc = jnp.tile(n1b1, p)[None, :]
    bc2 = jnp.tile(jnp.concatenate(
        [n1b2, jnp.array([1.0, 0.0], jnp.float32)]), p)[None, :]

    a1, a2, c1, rc, c2 = (m.astype(jnp.bfloat16) for m in (a1, a2, c1, rc, c2))
    rows = EPAD // p
    rb = 1024
    full = lambda s: pl.BlockSpec(s, lambda i: (0, 0))
    return pl.pallas_call(
        _tc2_body,
        grid=(rows // rb,),
        in_specs=[pl.BlockSpec((rb, 128), lambda i: (i, 0)),
                  full((128, 448)), full((1, 448)),
                  full((448, 448)), full((1, 448)),
                  full((448, 448)), full((128, 448)), full((1, 448)),
                  full((448, 512)), full((1, 512))],
        out_specs=[pl.BlockSpec((rb, 128), lambda i: (i, 0))] * 4,
        out_shape=[jax.ShapeDtypeStruct((rows, 128), jnp.float32)] * 4,
    )(eraw32, a1, b1, a2, b2, c1, rc, bc, c2, bc2)


def _sc3_body(nh0, nh1, nh2, nh3, ix, out_hbm,
              idxv0, idxv1, rowsv0, rowsv1, zbuf, acc, csem):
    cid = lax.axis_index("c")
    sid = lax.axis_index("s")
    wid = cid * NS + sid

    zvec = jnp.zeros((LANES,), jnp.float32)

    @pl.loop(0, 196)
    def _z(i):
        zbuf[i, :] = zvec

    zrows = NPAD // NS

    @pl.loop(0, zrows, step=196)
    def _zc(rr):
        pltpu.sync_copy(zbuf, acc.at[pl.ds(sid * zrows + rr, 196)])

    plsc.subcore_barrier()

    win = 512
    epw4 = EPAD // 4 // NW
    nwin = epw4 // win
    nhl = (nh0, nh1, nh2, nh3)
    idxvs = (idxv0, idxv1)
    rowsvs = (rowsv0, rowsv1)
    qrows = EPAD // 4 // CHUNK

    def issue(w, a):
        b = a % 2
        base = wid * epw4 + w * win
        pltpu.async_copy(
            ix.at[pl.ds(a * qrows + base // CHUNK, win // CHUNK)], idxvs[b],
            csem.at[b])
        pltpu.async_copy(nhl[a].at[pl.ds(base, win)], rowsvs[b], csem.at[b])

    issue(0, 0)
    issue(0, 1)

    @pl.loop(0, nwin)
    def _win(w):
        for a in range(4):
            b = a % 2
            base = wid * epw4 + w * win
            pltpu.make_async_copy(
                ix.at[pl.ds(a * qrows + base // CHUNK, win // CHUNK)],
                idxvs[b], csem.at[b]).wait()
            pltpu.make_async_copy(
                nhl[a].at[pl.ds(base, win)], rowsvs[b], csem.at[b]).wait()
            for j in range(win // CHUNK):
                pltpu.sync_copy(rowsvs[b].at[pl.ds(j * CHUNK, CHUNK)],
                                acc.at[idxvs[b].at[j]], add=True)
            na = (a + 2) % 4
            nw = w + (1 if a >= 2 else 0)

            @pl.when(nw < nwin)
            def _n():
                issue(nw, na)

    plsc.subcore_barrier()

    @pl.loop(0, zrows, step=196)
    def _out(rr):
        pltpu.sync_copy(acc.at[pl.ds(sid * zrows + rr, 196)],
                        out_hbm.at[cid, pl.ds(sid * zrows + rr, 196)])


def _sc_scatter_edges(nhs, col2d):
    k = pl.kernel(
        _sc3_body,
        out_type=jax.ShapeDtypeStruct((NC, NPAD, 16), jnp.float32),
        mesh=_vmesh(),
        scratch_types=(
            [pltpu.VMEM((4, CHUNK), jnp.int32)] * 2
            + [pltpu.VMEM((512, 16), jnp.float32)] * 2
            + [pltpu.VMEM((196, 16), jnp.float32),
               pltpu.VMEM_SHARED((NPAD, 16), jnp.float32),
               pltpu.SemaphoreType.DMA((2,))]
        ),
        compiler_params=_SC_PARAMS,
    )
    return k(*nhs, col2d)


def _sc5_body(xn_hbm, idx_hbm, out_hbm, idxv, rowsv, zbuf, acc):
    cid = lax.axis_index("c")
    sid = lax.axis_index("s")
    wid = cid * NS + sid
    zvec = jnp.zeros((LANES,), jnp.float32)

    @pl.loop(0, 65)
    def _z(i):
        zbuf[i, :] = zvec

    pltpu.sync_copy(zbuf, acc.at[pl.ds(sid * 65, 65)])
    plsc.subcore_barrier()

    nchunks = NPAD // CHUNK

    @pl.loop(wid, nchunks, step=NW)
    def _c(j):
        pltpu.sync_copy(idx_hbm.at[pl.ds(j, 1)], idxv)
        pltpu.sync_copy(xn_hbm.at[pl.ds(j * CHUNK, CHUNK)], rowsv)
        pltpu.sync_copy(rowsv, acc.at[idxv.at[0]], add=True)

    plsc.subcore_barrier()
    pltpu.sync_copy(acc.at[pl.ds(sid * 65, 65)],
                    out_hbm.at[cid, pl.ds(sid * 65, 65)])


def _sc_scatter_nodes(xn16, batch2d):
    k = pl.kernel(
        _sc5_body,
        out_type=jax.ShapeDtypeStruct((NC, GPAD, 16), jnp.float32),
        mesh=_vmesh(),
        scratch_types=[
            pltpu.VMEM((1, CHUNK), jnp.int32),
            pltpu.VMEM((CHUNK, 16), jnp.float32),
            pltpu.VMEM((65, 16), jnp.float32),
            pltpu.VMEM_SHARED((GPAD, 16), jnp.float32),
        ],
        compiler_params=_SC_PARAMS,
    )
    return k(xn16, batch2d)


def _tc4_body(x_ref, agg_ref, w1, b1, w2, b2, out_ref):
    a = agg_ref[...]
    s = a[0] + a[1]
    mean = s[:, :H] / jnp.maximum(s[:, H:H + 1], 1.0)
    xb = x_ref[...]
    ip = _mink_ip(xb, xb)
    n2in = jnp.concatenate([ip, mean], axis=1)
    dot = functools.partial(jnp.dot, preferred_element_type=jnp.float32)
    h = jax.nn.relu(dot(n2in, w1[...]) + b1[...])
    xn = dot(h, w2[...]) + b2[...]
    nb = xn.shape[0]
    xn16 = jnp.concatenate(
        [xn, jnp.ones((nb, 1), jnp.float32), jnp.zeros((nb, 1), jnp.float32)],
        axis=1)
    out_ref[...] = xn16.reshape(out_ref.shape)


def _tc4_node(xpad, aggp, n2w1, n2b1, n2w2, n2b2):
    nb = 3136
    full = lambda s: pl.BlockSpec(s, lambda i: tuple(0 for _ in s))
    return pl.pallas_call(
        _tc4_body,
        grid=(NPAD // nb,),
        in_specs=[pl.BlockSpec((nb, 4), lambda i: (i, 0)),
                  pl.BlockSpec((NC, nb, 16), lambda i: (0, i, 0)),
                  full((15, H)), full((1, H)), full((H, H)), full((1, H))],
        out_specs=pl.BlockSpec((nb, 16), lambda i: (i, 0)),
        out_shape=jax.ShapeDtypeStruct((NPAD, 16), jnp.float32),
    )(xpad, aggp, n2w1, n2b1[None, :], n2w2, n2b2[None, :])


def _tc6_body(gp_ref, w1, b1, w2, b2, out_ref):
    a = gp_ref[...]
    s = a[0, :G, :] + a[1, :G, :]
    g = s[:, :H] / jnp.maximum(s[:, H:H + 1], 1.0)
    dot = functools.partial(jnp.dot, preferred_element_type=jnp.float32)
    h = jax.nn.relu(dot(g, w1[...]) + b1[...])
    out_ref[...] = dot(h, w2[...]) + b2[...]


def _tc6_global(gp, gw1, gb1, gw2, gb2):
    full = lambda s: pl.BlockSpec(s, lambda: tuple(0 for _ in s))
    return pl.pallas_call(
        _tc6_body,
        in_specs=[full((NC, GPAD, 16)),
                  full((H, H)), full((1, H)), full((H, OUT)), full((1, OUT))],
        out_specs=full((G, OUT)),
        out_shape=jax.ShapeDtypeStruct((G, OUT), jnp.float32),
    )(gp, gw1, gb1[None, :], gw2, gb2[None, :])


def kernel(x, edge_index, batch, ew1, eb1, ew2, eb2,
           n1w1, n1b1, n1w2, n1b2, n2w1, n2b1, n2w2, n2b2,
           gw1, gb1, gw2, gb2):
    row = edge_index[0].astype(jnp.int32)
    col = edge_index[1].astype(jnp.int32)
    npad_e = EPAD - E
    pad_iota = jnp.arange(npad_e, dtype=jnp.int32)
    row_p = jnp.concatenate([row, pad_iota % N])
    col_p = jnp.concatenate([col, N + (pad_iota % (NPAD - N))])
    row2d = row_p.reshape(EPAD // CHUNK, CHUNK)
    col2d = col_p.reshape(EPAD // CHUNK, CHUNK)

    t = _build_table(x)
    eraw32 = _sc1_gather_ip(t, row2d, col2d)
    nhs = _tc2_mlp(eraw32, ew1, eb1, ew2, eb2, n1w1, n1b1, n1w2, n1b2)
    nhs16 = [nh.reshape(EPAD // 4, 16) for nh in nhs]
    aggp = _sc_scatter_edges(nhs16, col2d)

    xpad = jnp.pad(x, ((0, NPAD - N), (0, 0)))
    xn16 = _tc4_node(xpad, aggp, n2w1, n2b1, n2w2, n2b2)

    pad_n = jnp.arange(NPAD - N, dtype=jnp.int32)
    batch_p = jnp.concatenate(
        [batch.astype(jnp.int32), G + (pad_n % (GPAD - G))])
    batch2d = batch_p.reshape(NPAD // CHUNK, CHUNK)
    gp = _sc_scatter_nodes(xn16, batch2d)

    return _tc6_global(gp, gw1, gb1, gw2, gb2)

# --- scband reference (transcript-rebuilt; emitter-appended) ---
"""Pipeline reference for scband-lorentz-interaction-network-69861938037253 (READ-ONLY COPY).

The authoritative reference and input builder live on the scoring server;
editing this copy changes nothing except your own understanding.
"""

import jax, jax.numpy as jnp
import numpy as np

N = 100000
E = 3200000
G = 1024
H = 14
OUT = 2

MINK = jnp.diag(jnp.array([-1.0, 1.0, 1.0, 1.0], dtype=jnp.float32))


def innerprod(x1, x2):
    return jnp.sum((x1 @ MINK) * x2, axis=1, keepdims=True)


def psi(x):
    return jnp.sign(x) * jnp.log(jnp.abs(x) + 1.0)


def scatter_mean(data, idx, num_segments):
    s = jax.ops.segment_sum(data, idx, num_segments=num_segments)
    c = jax.ops.segment_sum(jnp.ones((data.shape[0], 1), dtype=data.dtype), idx, num_segments=num_segments)
    return s / jnp.maximum(c, 1.0)


def setup_inputs(seed: int = 0) -> dict:
    key = jax.random.key(seed)
    ks = [jax.random.fold_in(key, i) for i in range(32)]
    x = jax.random.normal(ks[0], (N, 4), dtype=jnp.float32)
    edge_index = jax.random.randint(ks[1], (2, E), 0, N, dtype=jnp.int64)
    batch = jnp.sort(jax.random.randint(ks[2], (N,), 0, G, dtype=jnp.int64))

    def lin(k, din, dout):
        kw, kb = jax.random.fold_in(k, 0), jax.random.fold_in(k, 1)
        bound = 1.0 / np.sqrt(din)
        W = jax.random.uniform(kw, (din, dout), minval=-bound, maxval=bound, dtype=jnp.float32)
        b = jax.random.uniform(kb, (dout,), minval=-bound, maxval=bound, dtype=jnp.float32)
        return W, b

    ew1, eb1 = lin(ks[3], 4, H)
    ew2, eb2 = lin(ks[4], H, H)
    n1w1, n1b1 = lin(ks[5], 1 + H, H)
    n1w2, n1b2 = lin(ks[6], H, H)
    n2w1, n2b1 = lin(ks[7], 1 + H, H)
    n2w2, n2b2 = lin(ks[8], H, H)
    gw1, gb1 = lin(ks[9], H, H)
    gw2, gb2 = lin(ks[10], H, OUT)
    return {"x": x, "edge_index": edge_index, "batch": batch,
            "ew1": ew1, "eb1": eb1, "ew2": ew2, "eb2": eb2,
            "n1w1": n1w1, "n1b1": n1b1, "n1w2": n1w2, "n1b2": n1b2,
            "n2w1": n2w1, "n2b1": n2b1, "n2w2": n2w2, "n2b2": n2b2,
            "gw1": gw1, "gb1": gb1, "gw2": gw2, "gb2": gb2}


def reference(x, edge_index, batch, ew1, eb1, ew2, eb2,
              n1w1, n1b1, n1w2, n1b2, n2w1, n2b1, n2w2, n2b2,
              gw1, gb1, gw2, gb2):
    row, col = edge_index[0], edge_index[1]
    src = x[row]
    dest = x[col]
    # Edge block
    e_in = jnp.concatenate([
        innerprod(src, src),
        innerprod(src, dest),
        psi(innerprod(dest, dest)),
        psi(innerprod(src - dest, src - dest)),
    ], axis=1)
    edge_attr = jax.nn.relu(e_in @ ew1 + eb1) @ ew2 + eb2
    # Node block
    n_in = jnp.concatenate([innerprod(src, src), edge_attr], axis=1)
    n_h = jax.nn.relu(n_in @ n1w1 + n1b1) @ n1w2 + n1b2
    agg = scatter_mean(n_h, col, N)
    n2_in = jnp.concatenate([innerprod(x, x), agg], axis=1)
    x_new = jax.nn.relu(n2_in @ n2w1 + n2b1) @ n2w2 + n2b2
    # Global block
    g = scatter_mean(x_new, batch, G)
    u = jax.nn.relu(g @ gw1 + gb1) @ gw2 + gb2
    return u

if __name__ == "__main__":
    import jax
    _d = setup_inputs()
    print(jax.jit(kernel)(*tuple(_d.values())))

</pallas_src>

<mosaic_0001>
#map = affine_map<(d0, d1) -> (0, 0)>
#map1 = affine_map<(d0, d1) -> (0, 0, 0)>
module attributes {stable_mosaic.version = 14 : i64} {
  func.func @_sc3_body(%arg0: i32, %arg1: i32, %arg2: memref<802816x16xf32, #tpu.memory_space<hbm>>, %arg3: memref<802816x16xf32, #tpu.memory_space<hbm>>, %arg4: memref<802816x16xf32, #tpu.memory_space<hbm>>, %arg5: memref<802816x16xf32, #tpu.memory_space<hbm>>, %arg6: memref<25088x128xi32, #tpu.memory_space<hbm>>, %arg7: memref<2x100352x16xf32, #tpu.memory_space<hbm>>, %arg8: memref<4x128xi32, #tpu.memory_space<vmem>>, %arg9: memref<4x128xi32, #tpu.memory_space<vmem>>, %arg10: memref<512x16xf32, #tpu.memory_space<vmem>>, %arg11: memref<512x16xf32, #tpu.memory_space<vmem>>, %arg12: memref<196x16xf32, #tpu.memory_space<vmem>>, %arg13: memref<100352x16xf32, #tpu.memory_space<vmem_shared>>, %arg14: memref<2x!tpu.dma_semaphore, #tpu.memory_space<semaphore_mem>>) attributes {dimension_semantics = [#tpu.dimension_semantics<core_parallel>, #tpu.dimension_semantics<subcore_parallel>], iteration_bounds = array<i64: 2, 16>, scalar_prefetch = 0 : i64, scratch_operands = 7 : i64, tpu.core_type = #tpu.core_type<sc_vector_subcore>, window_params = [{transform_indices = #map}, {transform_indices = #map}, {transform_indices = #map}, {transform_indices = #map}, {transform_indices = #map}, {transform_indices = #map1}]} {
    %mul3A = arith.constant 16 : i32
    %mul3A_0 = arith.muli %arg0, %mul3A : i32
    %add3A = arith.addi %mul3A_0, %arg1 : i32
    %broadcast_in_dim3A = arith.constant 0.000000e+00 : f32
    %broadcast_in_dim3A_1 = vector.broadcast %broadcast_in_dim3A : f32 to vector<16xf32>
    %scan3A = arith.constant 0 : i32
    %scan3A_2 = arith.constant 196 : i32
    %scan3A_3 = arith.addi %scan3A, %scan3A_2 : i32
    %scan3A_4 = arith.constant 1 : i32
    scf.for %scan3A_101 = %scan3A to %scan3A_3 step %scan3A_4  : i32 {
      %mul3A_102 = arith.constant 1 : i32
      %mul3A_103 = arith.muli %scan3A_101, %mul3A_102 : i32
      %add3A_104 = arith.constant 0 : i32
      %add3A_105 = arith.addi %add3A_104, %mul3A_103 : i32
      %swap3A = arith.index_cast %add3A_105 : i32 to index
      %swap3A_106 = arith.constant 0 : index
      %swap3A_107 = tpu.vector_load %arg12[%swap3A, %swap3A_106] {strides = array<i32>} : memref<196x16xf32, #tpu.memory_space<vmem>>, vector<16xf32>,
      tpu.vector_store %arg12[%swap3A, %swap3A_106], %broadcast_in_dim3A_1 {strides = array<i32>} : memref<196x16xf32, #tpu.memory_space<vmem>>, vector<16xf32>,
    }
    %scan3A_5 = arith.constant 196 : i32
    %scan3A_6 = arith.constant 0 : i32
    %scan3A_7 = arith.constant 32 : i32
    %scan3A_8 = arith.addi %scan3A_6, %scan3A_7 : i32
    %scan3A_9 = arith.constant 1 : i32
    scf.for %scan3A_101 = %scan3A_6 to %scan3A_8 step %scan3A_9  : i32 {
      %mul3A_102 = arith.constant 196 : i32
      %mul3A_103 = arith.muli %scan3A_101, %mul3A_102 : i32
      %add3A_104 = arith.constant 0 : i32
      %add3A_105 = arith.addi %add3A_104, %mul3A_103 : i32
      %mul3A_106 = arith.constant 6272 : i32
      %mul3A_107 = arith.muli %arg1, %mul3A_106 : i32
      %add3A_108 = arith.addi %mul3A_107, %add3A_105 : i32
      "tpu.region"() ({
        %run_scoped3A = tpu.sem_alloc : memref<!tpu.dma_semaphore, #tpu.memory_space<semaphore_mem>>
        %dma_start3A_109 = arith.constant 0 : i32
        %dma_start3A_110 = tpu.memref_slice %arg13[%add3A_108, %dma_start3A_109] : memref<100352x16xf32, #tpu.memory_space<vmem_shared>> -> memref<196x16xf32, #tpu.memory_space<vmem_shared>>
        %dma_start3A_111 = arith.constant 0 : i32
        %dma_start3A_112 = tpu.memref_slice %arg13[%add3A_108, %dma_start3A_111] : memref<100352x16xf32, #tpu.memory_space<vmem_shared>> -> memref<196x16xf32, #tpu.memory_space<vmem_shared>>
        tpu.enqueue_dma source(%arg12 : memref<196x16xf32, #tpu.memory_space<vmem>>) target(%dma_start3A_112 : memref<196x16xf32, #tpu.memory_space<vmem_shared>>) target_semaphore(%run_scoped3A : memref<!tpu.dma_semaphore, #tpu.memory_space<semaphore_mem>>)
        %dma_wait3A = arith.constant 0 : i32
        %dma_wait3A_113 = tpu.memref_slice %arg13[%add3A_108, %dma_wait3A] : memref<100352x16xf32, #tpu.memory_space<vmem_shared>> -> memref<196x16xf32, #tpu.memory_space<vmem_shared>>
        %dma_wait3A_114 = arith.constant 0 : i32
        %dma_wait3A_115 = tpu.memref_slice %arg13[%add3A_108, %dma_wait3A_114] : memref<100352x16xf32, #tpu.memory_space<vmem_shared>> -> memref<196x16xf32, #tpu.memory_space<vmem_shared>>
        tpu.wait_dma2 semaphore(%run_scoped3A : memref<!tpu.dma_semaphore, #tpu.memory_space<semaphore_mem>>) src(%arg12 : memref<196x16xf32, #tpu.memory_space<vmem>>) dst(%dma_wait3A_115 : memref<196x16xf32, #tpu.memory_space<vmem_shared>>)
        tpu.yield
      }) : () -> ()
    }
    %scan3A_10 = arith.constant 32 : i32
    %barrier3A = arith.constant 0 : index
    tpu.barrier barrier_id(%barrier3A)
    %mul3A_11 = arith.constant 25088 : i32
    %mul3A_12 = arith.muli %add3A, %mul3A_11 : i32
    %add3A_13 = arith.constant 0 : i32
    %add3A_14 = arith.addi %mul3A_12, %add3A_13 : i32
    %jit3A = arith.constant 128 : i32
    %div3A = arith.divsi %add3A_14, %jit3A : i32
    %sign3A = arith.constant 0 : i32
    %sign3A_15 = arith.cmpi sgt, %add3A_14, %sign3A : i32
    %sign3A_16 = arith.extui %sign3A_15 : i1 to i32
    %sign3A_17 = arith.constant 0 : i32
    %sign3A_18 = arith.cmpi slt, %add3A_14, %sign3A_17 : i32
    %sign3A_19 = arith.extui %sign3A_18 : i1 to i32
    %sign3A_20 = arith.subi %sign3A_16, %sign3A_19 : i32
    %sign3A_21 = arith.constant 0 : i32
    %sign3A_22 = arith.cmpi sgt, %jit3A, %sign3A_21 : i32
    %sign3A_23 = arith.extui %sign3A_22 : i1 to i32
    %sign3A_24 = arith.constant 0 : i32
    %sign3A_25 = arith.cmpi slt, %jit3A, %sign3A_24 : i32
    %sign3A_26 = arith.extui %sign3A_25 : i1 to i32
    %sign3A_27 = arith.subi %sign3A_23, %sign3A_26 : i32
    %ne3A = arith.cmpi ne, %sign3A_20, %sign3A_27 : i32
    %rem3A = arith.remsi %add3A_14, %jit3A : i32
    %ne3A_28 = arith.constant 0 : i32
    %ne3A_29 = arith.cmpi ne, %rem3A, %ne3A_28 : i32
    %and3A = arith.andi %ne3A, %ne3A_29 : i1
    %sub3A = arith.constant 1 : i32
    %sub3A_30 = arith.subi %div3A, %sub3A : i32
    %select_n3A = arith.select %and3A, %sub3A_30, %div3A : i32
    %add3A_31 = arith.constant 0 : i32
    %add3A_32 = arith.addi %add3A_31, %select_n3A : i32
    %dma_start3A = arith.constant 0 : i32
    %dma_start3A_33 = arith.constant 0 : i32
    %dma_start3A_34 = tpu.memref_slice %arg6[%add3A_32, %dma_start3A_33] : memref<25088x128xi32, #tpu.memory_space<hbm>> -> memref<4x128xi32, #tpu.memory_space<hbm>>
    %dma_start3A_35 = tpu.memref_slice %arg14[%dma_start3A] : memref<2x!tpu.dma_semaphore, #tpu.memory_space<semaphore_mem>> -> memref<1x!tpu.dma_semaphore, #tpu.memory_space<semaphore_mem>>
    %dma_start3A_36 = tpu.memref_squeeze %dma_start3A_35 : memref<1x!tpu.dma_semaphore, #tpu.memory_space<semaphore_mem>> -> memref<!tpu.dma_semaphore, #tpu.memory_space<semaphore_mem>>
    %dma_start3A_37 = arith.constant 0 : i32
    %dma_start3A_38 = tpu.memref_slice %arg6[%add3A_32, %dma_start3A_37] : memref<25088x128xi32, #tpu.memory_space<hbm>> -> memref<4x128xi32, #tpu.memory_space<hbm>>
    tpu.enqueue_dma source(%dma_start3A_38 : memref<4x128xi32, #tpu.memory_space<hbm>>) target(%arg8 : memref<4x128xi32, #tpu.memory_space<vmem>>) target_semaphore(%dma_start3A_36 : memref<!tpu.dma_semaphore, #tpu.memory_space<semaphore_mem>>)
    %dma_start3A_39 = arith.constant 0 : i32
    %dma_start3A_40 = arith.constant 0 : i32
    %dma_start3A_41 = tpu.memref_slice %arg2[%add3A_14, %dma_start3A_40] : memref<802816x16xf32, #tpu.memory_space<hbm>> -> memref<512x16xf32, #tpu.memory_space<hbm>>
    %dma_start3A_42 = tpu.memref_slice %arg14[%dma_start3A_39] : memref<2x!tpu.dma_semaphore, #tpu.memory_space<semaphore_mem>> -> memref<1x!tpu.dma_semaphore, #tpu.memory_space<semaphore_mem>>
    %dma_start3A_43 = tpu.memref_squeeze %dma_start3A_42 : memref<1x!tpu.dma_semaphore, #tpu.memory_space<semaphore_mem>> -> memref<!tpu.dma_semaphore, #tpu.memory_space<semaphore_mem>>
    %dma_start3A_44 = arith.constant 0 : i32
    %dma_start3A_45 = tpu.memref_slice %arg2[%add3A_14, %dma_start3A_44] : memref<802816x16xf32, #tpu.memory_space<hbm>> -> memref<512x16xf32, #tpu.memory_space<hbm>>
    tpu.enqueue_dma source(%dma_start3A_45 : memref<512x16xf32, #tpu.memory_space<hbm>>) target(%arg10 : memref<512x16xf32, #tpu.memory_space<vmem>>) target_semaphore(%dma_start3A_43 : memref<!tpu.dma_semaphore, #tpu.memory_space<semaphore_mem>>)
    %mul3A_46 = arith.constant 25088 : i32
    %mul3A_47 = arith.muli %add3A, %mul3A_46 : i32
    %add3A_48 = arith.constant 0 : i32
    %add3A_49 = arith.addi %mul3A_47, %add3A_48 : i32
    %jit3A_50 = arith.constant 128 : i32
    %div3A_51 = arith.divsi %add3A_49, %jit3A_50 : i32
    %sign3A_52 = arith.constant 0 : i32
    %sign3A_53 = arith.cmpi sgt, %add3A_49, %sign3A_52 : i32
    %sign3A_54 = arith.extui %sign3A_53 : i1 to i32
    %sign3A_55 = arith.constant 0 : i32
    %sign3A_56 = arith.cmpi slt, %add3A_49, %sign3A_55 : i32
    %sign3A_57 = arith.extui %sign3A_56 : i1 to i32
    %sign3A_58 = arith.subi %sign3A_54, %sign3A_57 : i32
    %sign3A_59 = arith.constant 0 : i32
    %sign3A_60 = arith.cmpi sgt, %jit3A_50, %sign3A_59 : i32
    %sign3A_61 = arith.extui %sign3A_60 : i1 to i32
    %sign3A_62 = arith.constant 0 : i32
    %sign3A_63 = arith.cmpi slt, %jit3A_50, %sign3A_62 : i32
    %sign3A_64 = arith.extui %sign3A_63 : i1 to i32
    %sign3A_65 = arith.subi %sign3A_61, %sign3A_64 : i32
    %ne3A_66 = arith.cmpi ne, %sign3A_58, %sign3A_65 : i32
    %rem3A_67 = arith.remsi %add3A_49, %jit3A_50 : i32
    %ne3A_68 = arith.constant 0 : i32
    %ne3A_69 = arith.cmpi ne, %rem3A_67, %ne3A_68 : i32
    %and3A_70 = arith.andi %ne3A_66, %ne3A_69 : i1
    %sub3A_71 = arith.constant 1 : i32
    %sub3A_72 = arith.subi %div3A_51, %sub3A_71 : i32
    %select_n3A_73 = arith.select %and3A_70, %sub3A_72, %div3A_51 : i32
    %add3A_74 = arith.constant 6272 : i32
    %add3A_75 = arith.addi %add3A_74, %select_n3A_73 : i32
    %dma_start3A_76 = arith.constant 1 : i32
    %dma_start3A_77 = arith.constant 0 : i32
    %dma_start3A_78 = tpu.memref_slice %arg6[%add3A_75, %dma_start3A_77] : memref<25088x128xi32, #tpu.memory_space<hbm>> -> memref<4x128xi32, #tpu.memory_space<hbm>>
    %dma_start3A_79 = tpu.memref_slice %arg14[%dma_start3A_76] : memref<2x!tpu.dma_semaphore, #tpu.memory_space<semaphore_mem>> -> memref<1x!tpu.dma_semaphore, #tpu.memory_space<semaphore_mem>>
    %dma_start3A_80 = tpu.memref_squeeze %dma_start3A_79 : memref<1x!tpu.dma_semaphore, #tpu.memory_space<semaphore_mem>> -> memref<!tpu.dma_semaphore, #tpu.memory_space<semaphore_mem>>
    %dma_start3A_81 = arith.constant 0 : i32
    %dma_start3A_82 = tpu.memref_slice %arg6[%add3A_75, %dma_start3A_81] : memref<25088x128xi32, #tpu.memory_space<hbm>> -> memref<4x128xi32, #tpu.memory_space<hbm>>
    tpu.enqueue_dma source(%dma_start3A_82 : memref<4x128xi32, #tpu.memory_space<hbm>>) target(%arg9 : memref<4x128xi32, #tpu.memory_space<vmem>>) target_semaphore(%dma_start3A_80 : memref<!tpu.dma_semaphore, #tpu.memory_space<semaphore_mem>>)
    %dma_start3A_83 = arith.constant 1 : i32
    %dma_start3A_84 = arith.constant 0 : i32
    %dma_start3A_85 = tpu.memref_slice %arg3[%add3A_49, %dma_start3A_84] : memref<802816x16xf32, #tpu.memory_space<hbm>> -> memref<512x16xf32, #tpu.memory_space<hbm>>
    %dma_start3A_86 = tpu.memref_slice %arg14[%dma_start3A_83] : memref<2x!tpu.dma_semaphore, #tpu.memory_space<semaphore_mem>> -> memref<1x!tpu.dma_semaphore, #tpu.memory_space<semaphore_mem>>
    %dma_start3A_87 = tpu.memref_squeeze %dma_start3A_86 : memref<1x!tpu.dma_semaphore, #tpu.memory_space<semaphore_mem>> -> memref<!tpu.dma_semaphore, #tpu.memory_space<semaphore_mem>>
    %dma_start3A_88 = arith.constant 0 : i32
    %dma_start3A_89 = tpu.memref_slice %arg3[%add3A_49, %dma_start3A_88] : memref<802816x16xf32, #tpu.memory_space<hbm>> -> memref<512x16xf32, #tpu.memory_space<hbm>>
    tpu.enqueue_dma source(%dma_start3A_89 : memref<512x16xf32, #tpu.memory_space<hbm>>) target(%arg11 : memref<512x16xf32, #tpu.memory_space<vmem>>) target_semaphore(%dma_start3A_87 : memref<!tpu.dma_semaphore, #tpu.memory_space<semaphore_mem>>)
    %scan3A_90 = arith.constant 0 : i32
    %scan3A_91 = arith.constant 49 : i32
    %scan3A_92 = arith.addi %scan3A_90, %scan3A_91 : i32
    %scan3A_93 = arith.constant 1 : i32
    scf.for %scan3A_101 = %scan3A_90 to %scan3A_92 step %scan3A_93  : i32 {
      %mul3A_102 = arith.constant 1 : i32
      %mul3A_103 = arith.muli %scan3A_101, %mul3A_102 : i32
      %add3A_104 = arith.constant 0 : i32
      %add3A_105 = arith.addi %add3A_104, %mul3A_103 : i32
      %mul3A_106 = arith.constant 25088 : i32
      %mul3A_107 = arith.muli %add3A, %mul3A_106 : i32
      %mul3A_108 = arith.constant 512 : i32
      %mul3A_109 = arith.muli %add3A_105, %mul3A_108 : i32
      %add3A_110 = arith.addi %mul3A_107, %mul3A_109 : i32
      %jit3A_111 = arith.constant 128 : i32
      %div3A_112 = arith.divsi %add3A_110, %jit3A_111 : i32
      %sign3A_113 = arith.constant 0 : i32
      %sign3A_114 = arith.cmpi sgt, %add3A_110, %sign3A_113 : i32
      %sign3A_115 = arith.extui %sign3A_114 : i1 to i32
      %sign3A_116 = arith.constant 0 : i32
      %sign3A_117 = arith.cmpi slt, %add3A_110, %sign3A_116 : i32
      %sign3A_118 = arith.extui %sign3A_117 : i1 to i32
      %sign3A_119 = arith.subi %sign3A_115, %sign3A_118 : i32
      %sign3A_120 = arith.constant 0 : i32
      %sign3A_121 = arith.cmpi sgt, %jit3A_111, %sign3A_120 : i32
      %sign3A_122 = arith.extui %sign3A_121 : i1 to i32
      %sign3A_123 = arith.constant 0 : i32
      %sign3A_124 = arith.cmpi slt, %jit3A_111, %sign3A_123 : i32
      %sign3A_125 = arith.extui %sign3A_124 : i1 to i32
      %sign3A_126 = arith.subi %sign3A_122, %sign3A_125 : i32
      %ne3A_127 = arith.cmpi ne, %sign3A_119, %sign3A_126 : i32
      %rem3A_128 = arith.remsi %add3A_110, %jit3A_111 : i32
      %ne3A_129 = arith.constant 0 : i32
      %ne3A_130 = arith.cmpi ne, %rem3A_128, %ne3A_129 : i32
      %and3A_131 = arith.andi %ne3A_127, %ne3A_130 : i1
      %sub3A_132 = arith.constant 1 : i32
      %sub3A_133 = arith.subi %div3A_112, %sub3A_132 : i32
      %select_n3A_134 = arith.select %and3A_131, %sub3A_133, %div3A_112 : i32
      %add3A_135 = arith.constant 0 : i32
      %add3A_136 = arith.addi %add3A_135, %select_n3A_134 : i32
      %dma_wait3A = arith.constant 0 : i32
      %dma_wait3A_137 = arith.constant 0 : i32
      %dma_wait3A_138 = tpu.memref_slice %arg6[%add3A_136, %dma_wait3A_137] : memref<25088x128xi32, #tpu.memory_space<hbm>> -> memref<4x128xi32, #tpu.memory_space<hbm>>
      %dma_wait3A_139 = tpu.memref_slice %arg14[%dma_wait3A] : memref<2x!tpu.dma_semaphore, #tpu.memory_space<semaphore_mem>> -> memref<1x!tpu.dma_semaphore, #tpu.memory_space<semaphore_mem>>
      %dma_wait3A_140 = tpu.memref_squeeze %dma_wait3A_139 : memref<1x!tpu.dma_semaphore, #tpu.memory_space<semaphore_mem>> -> memref<!tpu.dma_semaphore, #tpu.memory_space<semaphore_mem>>
      %dma_wait3A_141 = arith.constant 0 : i32
      %dma_wait3A_142 = tpu.memref_slice %arg6[%add3A_136, %dma_wait3A_141] : memref<25088x128xi32, #tpu.memory_space<hbm>> -> memref<4x128xi32, #tpu.memory_space<hbm>>
      tpu.wait_dma2 semaphore(%dma_wait3A_140 : memref<!tpu.dma_semaphore, #tpu.memory_space<semaphore_mem>>) src(%dma_wait3A_142 : memref<4x128xi32, #tpu.memory_space<hbm>>) dst(%arg8 : memref<4x128xi32, #tpu.memory_space<vmem>>)
      %dma_wait3A_143 = arith.constant 0 : i32
      %dma_wait3A_144 = arith.constant 0 : i32
      %dma_wait3A_145 = tpu.memref_slice %arg2[%add3A_110, %dma_wait3A_144] : memref<802816x16xf32, #tpu.memory_space<hbm>> -> memref<512x16xf32, #tpu.memory_space<hbm>>
      %dma_wait3A_146 = tpu.memref_slice %arg14[%dma_wait3A_143] : memref<2x!tpu.dma_semaphore, #tpu.memory_space<semaphore_mem>> -> memref<1x!tpu.dma_semaphore, #tpu.memory_space<semaphore_mem>>
      %dma_wait3A_147 = tpu.memref_squeeze %dma_wait3A_146 : memref<1x!tpu.dma_semaphore, #tpu.memory_space<semaphore_mem>> -> memref<!tpu.dma_semaphore, #tpu.memory_space<semaphore_mem>>
      %dma_wait3A_148 = arith.constant 0 : i32
      %dma_wait3A_149 = tpu.memref_slice %arg2[%add3A_110, %dma_wait3A_148] : memref<802816x16xf32, #tpu.memory_space<hbm>> -> memref<512x16xf32, #tpu.memory_space<hbm>>
      tpu.wait_dma2 semaphore(%dma_wait3A_147 : memref<!tpu.dma_semaphore, #tpu.memory_space<semaphore_mem>>) src(%dma_wait3A_149 : memref<512x16xf32, #tpu.memory_space<hbm>>) dst(%arg10 : memref<512x16xf32, #tpu.memory_space<vmem>>)
      %run_scoped3A = arith.constant 0 : i32
      "tpu.region"() ({
        %run_scoped3A_325 = tpu.sem_alloc : memref<!tpu.dma_semaphore, #tpu.memory_space<semaphore_mem>>
        %dma_start3A_326 = arith.constant 0 : i32
        %dma_start3A_327 = arith.constant 0 : i32
        %dma_start3A_328 = tpu.memref_slice %arg10[%dma_start3A_326, %dma_start3A_327] : memref<512x16xf32, #tpu.memory_space<vmem>> -> memref<128x16xf32, #tpu.memory_space<vmem>>
        %dma_start3A_329 = arith.constant 0 : i32
        %dma_start3A_330 = tpu.memref_slice %arg8[%run_scoped3A, %dma_start3A_329] : memref<4x128xi32, #tpu.memory_space<vmem>> -> memref<1x128xi32, #tpu.memory_space<vmem>>
        %dma_start3A_331 = tpu.memref_squeeze %dma_start3A_330 : memref<1x128xi32, #tpu.memory_space<vmem>> -> memref<128xi32, #tpu.memory_space<vmem>>
        %dma_start3A_332 = arith.constant 0 : i32
        %dma_start3A_333 = arith.constant 0 : i32
        %dma_start3A_334 = tpu.memref_slice %arg13[%dma_start3A_332, %dma_start3A_333] : memref<100352x16xf32, #tpu.memory_space<vmem_shared>> -> memref<100352x16xf32, #tpu.memory_space<vmem_shared>>
        tpu.enqueue_indirect_dma source(%dma_start3A_328 : memref<128x16xf32, #tpu.memory_space<vmem>>) target(%dma_start3A_334 : memref<100352x16xf32, #tpu.memory_space<vmem_shared>>) offsets(%dma_start3A_331 : memref<128xi32, #tpu.memory_space<vmem>>) semaphore(%run_scoped3A_325 : memref<!tpu.dma_semaphore, #tpu.memory_space<semaphore_mem>>) {add = true}
        %dma_wait3A_335 = arith.constant 0 : i32
        %dma_wait3A_336 = arith.constant 0 : i32
        %dma_wait3A_337 = tpu.memref_slice %arg10[%dma_wait3A_335, %dma_wait3A_336] : memref<512x16xf32, #tpu.memory_space<vmem>> -> memref<128x16xf32, #tpu.memory_space<vmem>>
        %dma_wait3A_338 = arith.constant 0 : i32
        %dma_wait3A_339 = tpu.memref_slice %arg8[%run_scoped3A, %dma_wait3A_338] : memref<4x128xi32, #tpu.memory_space<vmem>> -> memref<1x128xi32, #tpu.memory_space<vmem>>
        %dma_wait3A_340 = tpu.memref_squeeze %dma_wait3A_339 : memref<1x128xi32, #tpu.memory_space<vmem>> -> memref<128xi32, #tpu.memory_space<vmem>>
        %dma_wait3A_341 = arith.constant 0 : i32
        %dma_wait3A_342 = arith.constant 0 : i32
        %dma_wait3A_343 = tpu.memref_slice %arg13[%dma_wait3A_341, %dma_wait3A_342] : memref<100352x16xf32, #tpu.memory_space<vmem_shared>> -> memref<100352x16xf32, #tpu.memory_space<vmem_shared>>
        tpu.wait_indirect_dma semaphore(%run_scoped3A_325 : memref<!tpu.dma_semaphore, #tpu.memory_space<semaphore_mem>>) src(%dma_wait3A_337 : memref<128x16xf32, #tpu.memory_space<vmem>>) dst(%dma_wait3A_343 : memref<100352x16xf32, #tpu.memory_space<vmem_shared>>)
        tpu.yield
      }) : () -> ()
      %run_scoped3A_150 = arith.constant 1 : i32
      "tpu.region"() ({
        %run_scoped3A_325 = tpu.sem_alloc : memref<!tpu.dma_semaphore, #tpu.memory_space<semaphore_mem>>
        %dma_start3A_326 = arith.constant 128 : i32
        %dma_start3A_327 = arith.constant 0 : i32
        %dma_start3A_328 = tpu.memref_slice %arg10[%dma_start3A_326, %dma_start3A_327] : memref<512x16xf32, #tpu.memory_space<vmem>> -> memref<128x16xf32, #tpu.memory_space<vmem>>
        %dma_start3A_329 = arith.constant 0 : i32
        %dma_start3A_330 = tpu.memref_slice %arg8[%run_scoped3A_150, %dma_start3A_329] : memref<4x128xi32, #tpu.memory_space<vmem>> -> memref<1x128xi32, #tpu.memory_space<vmem>>
        %dma_start3A_331 = tpu.memref_squeeze %dma_start3A_330 : memref<1x128xi32, #tpu.memory_space<vmem>> -> memref<128xi32, #tpu.memory_space<vmem>>
        %dma_start3A_332 = arith.constant 0 : i32
        %dma_start3A_333 = arith.constant 0 : i32
        %dma_start3A_334 = tpu.memref_slice %arg13[%dma_start3A_332, %dma_start3A_333] : memref<100352x16xf32, #tpu.memory_space<vmem_shared>> -> memref<100352x16xf32, #tpu.memory_space<vmem_shared>>
        tpu.enqueue_indirect_dma source(%dma_start3A_328 : memref<128x16xf32, #tpu.memory_space<vmem>>) target(%dma_start3A_334 : memref<100352x16xf32, #tpu.memory_space<vmem_shared>>) offsets(%dma_start3A_331 : memref<128xi32, #tpu.memory_space<vmem>>) semaphore(%run_scoped3A_325 : memref<!tpu.dma_semaphore, #tpu.memory_space<semaphore_mem>>) {add = true}
        %dma_wait3A_335 = arith.constant 128 : i32
        %dma_wait3A_336 = arith.constant 0 : i32
        %dma_wait3A_337 = tpu.memref_slice %arg10[%dma_wait3A_335, %dma_wait3A_336] : memref<512x16xf32, #tpu.memory_space<vmem>> -> memref<128x16xf32, #tpu.memory_space<vmem>>
        %dma_wait3A_338 = arith.constant 0 : i32
        %dma_wait3A_339 = tpu.memref_slice %arg8[%run_scoped3A_150, %dma_wait3A_338] : memref<4x128xi32, #tpu.memory_space<vmem>> -> memref<1x128xi32, #tpu.memory_space<vmem>>
        %dma_wait3A_340 = tpu.memref_squeeze %dma_wait3A_339 : memref<1x128xi32, #tpu.memory_space<vmem>> -> memref<128xi32, #tpu.memory_space<vmem>>
        %dma_wait3A_341 = arith.constant 0 : i32
        %dma_wait3A_342 = arith.constant 0 : i32
        %dma_wait3A_343 = tpu.memref_slice %arg13[%dma_wait3A_341, %dma_wait3A_342] : memref<100352x16xf32, #tpu.memory_space<vmem_shared>> -> memref<100352x16xf32, #tpu.memory_space<vmem_shared>>
        tpu.wait_indirect_dma semaphore(%run_scoped3A_325 : memref<!tpu.dma_semaphore, #tpu.memory_space<semaphore_mem>>) src(%dma_wait3A_337 : memref<128x16xf32, #tpu.memory_space<vmem>>) dst(%dma_wait3A_343 : memref<100352x16xf32, #tpu.memory_space<vmem_shared>>)
        tpu.yield
      }) : () -> ()
      %run_scoped3A_151 = arith.constant 2 : i32
      "tpu.region"() ({
        %run_scoped3A_325 = tpu.sem_alloc : memref<!tpu.dma_semaphore, #tpu.memory_space<semaphore_mem>>
        %dma_start3A_326 = arith.constant 256 : i32
        %dma_start3A_327 = arith.constant 0 : i32
        %dma_start3A_328 = tpu.memref_slice %arg10[%dma_start3A_326, %dma_start3A_327] : memref<512x16xf32, #tpu.memory_space<vmem>> -> memref<128x16xf32, #tpu.memory_space<vmem>>
        %dma_start3A_329 = arith.constant 0 : i32
        %dma_start3A_330 = tpu.memref_slice %arg8[%run_scoped3A_151, %dma_start3A_329] : memref<4x128xi32, #tpu.memory_space<vmem>> -> memref<1x128xi32, #tpu.memory_space<vmem>>
        %dma_start3A_331 = tpu.memref_squeeze %dma_start3A_330 : memref<1x128xi32, #tpu.memory_space<vmem>> -> memref<128xi32, #tpu.memory_space<vmem>>
        %dma_start3A_332 = arith.constant 0 : i32
        %dma_start3A_333 = arith.constant 0 : i32
        %dma_start3A_334 = tpu.memref_slice %arg13[%dma_start3A_332, %dma_start3A_333] : memref<100352x16xf32, #tpu.memory_space<vmem_shared>> -> memref<100352x16xf32, #tpu.memory_space<vmem_shared>>
        tpu.enqueue_indirect_dma source(%dma_start3A_328 : memref<128x16xf32, #tpu.memory_space<vmem>>) target(%dma_start3A_334 : memref<100352x16xf32, #tpu.memory_space<vmem_shared>>) offsets(%dma_start3A_331 : memref<128xi32, #tpu.memory_space<vmem>>) semaphore(%run_scoped3A_325 : memref<!tpu.dma_semaphore, #tpu.memory_space<semaphore_mem>>) {add = true}
        %dma_wait3A_335 = arith.constant 256 : i32
        %dma_wait3A_336 = arith.constant 0 : i32
        %dma_wait3A_337 = tpu.memref_slice %arg10[%dma_wait3A_335, %dma_wait3A_336] : memref<512x16xf32, #tpu.memory_space<vmem>> -> memref<128x16xf32, #tpu.memory_space<vmem>>
        %dma_wait3A_338 = arith.constant 0 : i32
        %dma_wait3A_339 = tpu.memref_slice %arg8[%run_scoped3A_151, %dma_wait3A_338] : memref<4x128xi32, #tpu.memory_space<vmem>> -> memref<1x128xi32, #tpu.memory_space<vmem>>
        %dma_wait3A_340 = tpu.memref_squeeze %dma_wait3A_339 : memref<1x128xi32, #tpu.memory_space<vmem>> -> memref<128xi32, #tpu.memory_space<vmem>>
        %dma_wait3A_341 = arith.constant 0 : i32
        %dma_wait3A_342 = arith.constant 0 : i32
        %dma_wait3A_343 = tpu.memref_slice %arg13[%dma_wait3A_341, %dma_wait3A_342] : memref<100352x16xf32, #tpu.memory_space<vmem_shared>> -> memref<100352x16xf32, #tpu.memory_space<vmem_shared>>
        tpu.wait_indirect_dma semaphore(%run_scoped3A_325 : memref<!tpu.dma_semaphore, #tpu.memory_space<semaphore_mem>>) src(%dma_wait3A_337 : memref<128x16xf32, #tpu.memory_space<vmem>>) dst(%dma_wait3A_343 : memref<100352x16xf32, #tpu.memory_space<vmem_shared>>)
        tpu.yield
      }) : () -> ()
      %run_scoped3A_152 = arith.constant 3 : i32
      "tpu.region"() ({
        %run_scoped3A_325 = tpu.sem_alloc : memref<!tpu.dma_semaphore, #tpu.memory_space<semaphore_mem>>
        %dma_start3A_326 = arith.constant 384 : i32
        %dma_start3A_327 = arith.constant 0 : i32
        %dma_start3A_328 = tpu.memref_slice %arg10[%dma_start3A_326, %dma_start3A_327] : memref<512x16xf32, #tpu.memory_space<vmem>> -> memref<128x16xf32, #tpu.memory_space<vmem>>
        %dma_start3A_329 = arith.constant 0 : i32
        %dma_start3A_330 = tpu.memref_slice %arg8[%run_scoped3A_152, %dma_start3A_329] : memref<4x128xi32, #tpu.memory_space<vmem>> -> memref<1x128xi32, #tpu.memory_space<vmem>>
        %dma_start3A_331 = tpu.memref_squeeze %dma_start3A_330 : memref<1x128xi32, #tpu.memory_space<vmem>> -> memref<128xi32, #tpu.memory_space<vmem>>
        %dma_start3A_332 = arith.constant 0 : i32
        %dma_start3A_333 = arith.constant 0 : i32
        %dma_start3A_334 = tpu.memref_slice %arg13[%dma_start3A_332, %dma_start3A_333] : memref<100352x16xf32, #tpu.memory_space<vmem_shared>> -> memref<100352x16xf32, #tpu.memory_space<vmem_shared>>
        tpu.enqueue_indirect_dma source(%dma_start3A_328 : memref<128x16xf32, #tpu.memory_space<vmem>>) target(%dma_start3A_334 : memref<100352x16xf32, #tpu.memory_space<vmem_shared>>) offsets(%dma_start3A_331 : memref<128xi32, #tpu.memory_space<vmem>>) semaphore(%run_scoped3A_325 : memref<!tpu.dma_semaphore, #tpu.memory_space<semaphore_mem>>) {add = true}
        %dma_wait3A_335 = arith.constant 384 : i32
        %dma_wait3A_336 = arith.constant 0 : i32
        %dma_wait3A_337 = tpu.memref_slice %arg10[%dma_wait3A_335, %dma_wait3A_336] : memref<512x16xf32, #tpu.memory_space<vmem>> -> memref<128x16xf32, #tpu.memory_space<vmem>>
        %dma_wait3A_338 = arith.constant 0 : i32
        %dma_wait3A_339 = tpu.memref_slice %arg8[%run_scoped3A_152, %dma_wait3A_338] : memref<4x128xi32, #tpu.memory_space<vmem>> -> memref<1x128xi32, #tpu.memory_space<vmem>>
        %dma_wait3A_340 = tpu.memref_squeeze %dma_wait3A_339 : memref<1x128xi32, #tpu.memory_space<vmem>> -> memref<128xi32, #tpu.memory_space<vmem>>
        %dma_wait3A_341 = arith.constant 0 : i32
        %dma_wait3A_342 = arith.constant 0 : i32
        %dma_wait3A_343 = tpu.memref_slice %arg13[%dma_wait3A_341, %dma_wait3A_342] : memref<100352x16xf32, #tpu.memory_space<vmem_shared>> -> memref<100352x16xf32, #tpu.memory_space<vmem_shared>>
        tpu.wait_indirect_dma semaphore(%run_scoped3A_325 : memref<!tpu.dma_semaphore, #tpu.memory_space<semaphore_mem>>) src(%dma_wait3A_337 : memref<128x16xf32, #tpu.memory_space<vmem>>) dst(%dma_wait3A_343 : memref<100352x16xf32, #tpu.memory_space<vmem_shared>>)
        tpu.yield
      }) : () -> ()
      %add3A_153 = arith.constant 0 : i32
      %add3A_154 = arith.addi %add3A_105, %add3A_153 : i32
      %lt3A = arith.constant 49 : i32
      %lt3A_155 = arith.cmpi slt, %add3A_154, %lt3A : i32
      %convert_element_type3A = arith.extui %lt3A_155 : i1 to i32
      %cond3A = arith.constant 0 : i32
      %cond3A_156 = arith.cmpi ne, %convert_element_type3A, %cond3A : i32
      scf.if %cond3A_156 {
        %mul3A_325 = arith.constant 25088 : i32
        %mul3A_326 = arith.muli %add3A, %mul3A_325 : i32
        %mul3A_327 = arith.constant 512 : i32
        %mul3A_328 = arith.muli %add3A_154, %mul3A_327 : i32
        %add3A_329 = arith.addi %mul3A_326, %mul3A_328 : i32
        %jit3A_330 = arith.constant 128 : i32
        %div3A_331 = arith.divsi %add3A_329, %jit3A_330 : i32
        %sign3A_332 = arith.constant 0 : i32
        %sign3A_333 = arith.cmpi sgt, %add3A_329, %sign3A_332 : i32
        %sign3A_334 = arith.extui %sign3A_333 : i1 to i32
        %sign3A_335 = arith.constant 0 : i32
        %sign3A_336 = arith.cmpi slt, %add3A_329, %sign3A_335 : i32
        %sign3A_337 = arith.extui %sign3A_336 : i1 to i32
        %sign3A_338 = arith.subi %sign3A_334, %sign3A_337 : i32
        %sign3A_339 = arith.constant 0 : i32
        %sign3A_340 = arith.cmpi sgt, %jit3A_330, %sign3A_339 : i32
        %sign3A_341 = arith.extui %sign3A_340 : i1 to i32
        %sign3A_342 = arith.constant 0 : i32
        %sign3A_343 = arith.cmpi slt, %jit3A_330, %sign3A_342 : i32
        %sign3A_344 = arith.extui %sign3A_343 : i1 to i32
        %sign3A_345 = arith.subi %sign3A_341, %sign3A_344 : i32
        %ne3A_346 = arith.cmpi ne, %sign3A_338, %sign3A_345 : i32
        %rem3A_347 = arith.remsi %add3A_329, %jit3A_330 : i32
        %ne3A_348 = arith.constant 0 : i32
        %ne3A_349 = arith.cmpi ne, %rem3A_347, %ne3A_348 : i32
        %and3A_350 = arith.andi %ne3A_346, %ne3A_349 : i1
        %sub3A_351 = arith.constant 1 : i32
        %sub3A_352 = arith.subi %div3A_331, %sub3A_351 : i32
        %select_n3A_353 = arith.select %and3A_350, %sub3A_352, %div3A_331 : i32
        %add3A_354 = arith.constant 12544 : i32
        %add3A_355 = arith.addi %add3A_354, %select_n3A_353 : i32
        %dma_start3A_356 = arith.constant 0 : i32
        %dma_start3A_357 = arith.constant 0 : i32
        %dma_start3A_358 = tpu.memref_slice %arg6[%add3A_355, %dma_start3A_357] : memref<25088x128xi32, #tpu.memory_space<hbm>> -> memref<4x128xi32, #tpu.memory_space<hbm>>
        %dma_start3A_359 = tpu.memref_slice %arg14[%dma_start3A_356] : memref<2x!tpu.dma_semaphore, #tpu.memory_space<semaphore_mem>> -> memref<1x!tpu.dma_semaphore, #tpu.memory_space<semaphore_mem>>
        %dma_start3A_360 = tpu.memref_squeeze %dma_start3A_359 : memref<1x!tpu.dma_semaphore, #tpu.memory_space<semaphore_mem>> -> memref<!tpu.dma_semaphore, #tpu.memory_space<semaphore_mem>>
        %dma_start3A_361 = arith.constant 0 : i32
        %dma_start3A_362 = tpu.memref_slice %arg6[%add3A_355, %dma_start3A_361] : memref<25088x128xi32, #tpu.memory_space<hbm>> -> memref<4x128xi32, #tpu.memory_space<hbm>>
        tpu.enqueue_dma source(%dma_start3A_362 : memref<4x128xi32, #tpu.memory_space<hbm>>) target(%arg8 : memref<4x128xi32, #tpu.memory_space<vmem>>) target_semaphore(%dma_start3A_360 : memref<!tpu.dma_semaphore, #tpu.memory_space<semaphore_mem>>)
        %dma_start3A_363 = arith.constant 0 : i32
        %dma_start3A_364 = arith.constant 0 : i32
        %dma_start3A_365 = tpu.memref_slice %arg4[%add3A_329, %dma_start3A_364] : memref<802816x16xf32, #tpu.memory_space<hbm>> -> memref<512x16xf32, #tpu.memory_space<hbm>>
        %dma_start3A_366 = tpu.memref_slice %arg14[%dma_start3A_363] : memref<2x!tpu.dma_semaphore, #tpu.memory_space<semaphore_mem>> -> memref<1x!tpu.dma_semaphore, #tpu.memory_space<semaphore_mem>>
        %dma_start3A_367 = tpu.memref_squeeze %dma_start3A_366 : memref<1x!tpu.dma_semaphore, #tpu.memory_space<semaphore_mem>> -> memref<!tpu.dma_semaphore, #tpu.memory_space<semaphore_mem>>
        %dma_start3A_368 = arith.constant 0 : i32
        %dma_start3A_369 = tpu.memref_slice %arg4[%add3A_329, %dma_start3A_368] : memref<802816x16xf32, #tpu.memory_space<hbm>> -> memref<512x16xf32, #tpu.memory_space<hbm>>
        tpu.enqueue_dma source(%dma_start3A_369 : memref<512x16xf32, #tpu.memory_space<hbm>>) target(%arg10 : memref<512x16xf32, #tpu.memory_space<vmem>>) target_semaphore(%dma_start3A_367 : memref<!tpu.dma_semaphore, #tpu.memory_space<semaphore_mem>>)
      } else {
      }
      %mul3A_157 = arith.constant 25088 : i32
      %mul3A_158 = arith.muli %add3A, %mul3A_157 : i32
      %mul3A_159 = arith.constant 512 : i32
      %mul3A_160 = arith.muli %add3A_105, %mul3A_159 : i32
      %add3A_161 = arith.addi %mul3A_158, %mul3A_160 : i32
      %jit3A_162 = arith.constant 128 : i32
      %div3A_163 = arith.divsi %add3A_161, %jit3A_162 : i32
      %sign3A_164 = arith.constant 0 : i32
      %sign3A_165 = arith.cmpi sgt, %add3A_161, %sign3A_164 : i32
      %sign3A_166 = arith.extui %sign3A_165 : i1 to i32
      %sign3A_167 = arith.constant 0 : i32
      %sign3A_168 = arith.cmpi slt, %add3A_161, %sign3A_167 : i32
      %sign3A_169 = arith.extui %sign3A_168 : i1 to i32
      %sign3A_170 = arith.subi %sign3A_166, %sign3A_169 : i32
      %sign3A_171 = arith.constant 0 : i32
      %sign3A_172 = arith.cmpi sgt, %jit3A_162, %sign3A_171 : i32
      %sign3A_173 = arith.extui %sign3A_172 : i1 to i32
      %sign3A_174 = arith.constant 0 : i32
      %sign3A_175 = arith.cmpi slt, %jit3A_162, %sign3A_174 : i32
      %sign3A_176 = arith.extui %sign3A_175 : i1 to i32
      %sign3A_177 = arith.subi %sign3A_173, %sign3A_176 : i32
      %ne3A_178 = arith.cmpi ne, %sign3A_170, %sign3A_177 : i32
      %rem3A_179 = arith.remsi %add3A_161, %jit3A_162 : i32
      %ne3A_180 = arith.constant 0 : i32
      %ne3A_181 = arith.cmpi ne, %rem3A_179, %ne3A_180 : i32
      %and3A_182 = arith.andi %ne3A_178, %ne3A_181 : i1
      %sub3A_183 = arith.constant 1 : i32
      %sub3A_184 = arith.subi %div3A_163, %sub3A_183 : i32
      %select_n3A_185 = arith.select %and3A_182, %sub3A_184, %div3A_163 : i32
      %add3A_186 = arith.constant 6272 : i32
      %add3A_187 = arith.addi %add3A_186, %select_n3A_185 : i32
      %dma_wait3A_188 = arith.constant 1 : i32
      %dma_wait3A_189 = arith.constant 0 : i32
      %dma_wait3A_190 = tpu.memref_slice %arg6[%add3A_187, %dma_wait3A_189] : memref<25088x128xi32, #tpu.memory_space<hbm>> -> memref<4x128xi32, #tpu.memory_space<hbm>>
      %dma_wait3A_191 = tpu.memref_slice %arg14[%dma_wait3A_188] : memref<2x!tpu.dma_semaphore, #tpu.memory_space<semaphore_mem>> -> memref<1x!tpu.dma_semaphore, #tpu.memory_space<semaphore_mem>>
      %dma_wait3A_192 = tpu.memref_squeeze %dma_wait3A_191 : memref<1x!tpu.dma_semaphore, #tpu.memory_space<semaphore_mem>> -> memref<!tpu.dma_semaphore, #tpu.memory_space<semaphore_mem>>
      %dma_wait3A_193 = arith.constant 0 : i32
      %dma_wait3A_194 = tpu.memref_slice %arg6[%add3A_187, %dma_wait3A_193] : memref<25088x128xi32, #tpu.memory_space<hbm>> -> memref<4x128xi32, #tpu.memory_space<hbm>>
      tpu.wait_dma2 semaphore(%dma_wait3A_192 : memref<!tpu.dma_semaphore, #tpu.memory_space<semaphore_mem>>) src(%dma_wait3A_194 : memref<4x128xi32, #tpu.memory_space<hbm>>) dst(%arg9 : memref<4x128xi32, #tpu.memory_space<vmem>>)
      %dma_wait3A_195 = arith.constant 1 : i32
      %dma_wait3A_196 = arith.constant 0 : i32
      %dma_wait3A_197 = tpu.memref_slice %arg3[%add3A_161, %dma_wait3A_196] : memref<802816x16xf32, #tpu.memory_space<hbm>> -> memref<512x16xf32, #tpu.memory_space<hbm>>
      %dma_wait3A_198 = tpu.memref_slice %arg14[%dma_wait3A_195] : memref<2x!tpu.dma_semaphore, #tpu.memory_space<semaphore_mem>> -> memref<1x!tpu.dma_semaphore, #tpu.memory_space<semaphore_mem>>
      %dma_wait3A_199 = tpu.memref_squeeze %dma_wait3A_198 : memref<1x!tpu.dma_semaphore, #tpu.memory_space<semaphore_mem>> -> memref<!tpu.dma_semaphore, #tpu.memory_space<semaphore_mem>>
      %dma_wait3A_200 = arith.constant 0 : i32
      %dma_wait3A_201 = tpu.memref_slice %arg3[%add3A_161, %dma_wait3A_200] : memref<802816x16xf32, #tpu.memory_space<hbm>> -> memref<512x16xf32, #tpu.memory_space<hbm>>
      tpu.wait_dma2 semaphore(%dma_wait3A_199 : memref<!tpu.dma_semaphore, #tpu.memory_space<semaphore_mem>>) src(%dma_wait3A_201 : memref<512x16xf32, #tpu.memory_space<hbm>>) dst(%arg11 : memref<512x16xf32, #tpu.memory_space<vmem>>)
      %run_scoped3A_202 = arith.constant 0 : i32
      "tpu.region"() ({
        %run_scoped3A_325 = tpu.sem_alloc : memref<!tpu.dma_semaphore, #tpu.memory_space<semaphore_mem>>
        %dma_start3A_326 = arith.constant 0 : i32
        %dma_start3A_327 = arith.constant 0 : i32
        %dma_start3A_328 = tpu.memref_slice %arg11[%dma_start3A_326, %dma_start3A_327] : memref<512x16xf32, #tpu.memory_space<vmem>> -> memref<128x16xf32, #tpu.memory_space<vmem>>
        %dma_start3A_329 = arith.constant 0 : i32
        %dma_start3A_330 = tpu.memref_slice %arg9[%run_scoped3A_202, %dma_start3A_329] : memref<4x128xi32, #tpu.memory_space<vmem>> -> memref<1x128xi32, #tpu.memory_space<vmem>>
        %dma_start3A_331 = tpu.memref_squeeze %dma_start3A_330 : memref<1x128xi32, #tpu.memory_space<vmem>> -> memref<128xi32, #tpu.memory_space<vmem>>
        %dma_start3A_332 = arith.constant 0 : i32
        %dma_start3A_333 = arith.constant 0 : i32
        %dma_start3A_334 = tpu.memref_slice %arg13[%dma_start3A_332, %dma_start3A_333] : memref<100352x16xf32, #tpu.memory_space<vmem_shared>> -> memref<100352x16xf32, #tpu.memory_space<vmem_shared>>
        tpu.enqueue_indirect_dma source(%dma_start3A_328 : memref<128x16xf32, #tpu.memory_space<vmem>>) target(%dma_start3A_334 : memref<100352x16xf32, #tpu.memory_space<vmem_shared>>) offsets(%dma_start3A_331 : memref<128xi32, #tpu.memory_space<vmem>>) semaphore(%run_scoped3A_325 : memref<!tpu.dma_semaphore, #tpu.memory_space<semaphore_mem>>) {add = true}
        %dma_wait3A_335 = arith.constant 0 : i32
        %dma_wait3A_336 = arith.constant 0 : i32
        %dma_wait3A_337 = tpu.memref_slice %arg11[%dma_wait3A_335, %dma_wait3A_336] : memref<512x16xf32, #tpu.memory_space<vmem>> -> memref<128x16xf32, #tpu.memory_space<vmem>>
        %dma_wait3A_338 = arith.constant 0 : i32
        %dma_wait3A_339 = tpu.memref_slice %arg9[%run_scoped3A_202, %dma_wait3A_338] : memref<4x128xi32, #tpu.memory_space<vmem>> -> memref<1x128xi32, #tpu.memory_space<vmem>>
        %dma_wait3A_340 = tpu.memref_squeeze %dma_wait3A_339 : memref<1x128xi32, #tpu.memory_space<vmem>> -> memref<128xi32, #tpu.memory_space<vmem>>
        %dma_wait3A_341 = arith.constant 0 : i32
        %dma_wait3A_342 = arith.constant 0 : i32
        %dma_wait3A_343 = tpu.memref_slice %arg13[%dma_wait3A_341, %dma_wait3A_342] : memref<100352x16xf32, #tpu.memory_space<vmem_shared>> -> memref<100352x16xf32, #tpu.memory_space<vmem_shared>>
        tpu.wait_indirect_dma semaphore(%run_scoped3A_325 : memref<!tpu.dma_semaphore, #tpu.memory_space<semaphore_mem>>) src(%dma_wait3A_337 : memref<128x16xf32, #tpu.memory_space<vmem>>) dst(%dma_wait3A_343 : memref<100352x16xf32, #tpu.memory_space<vmem_shared>>)
        tpu.yield
      }) : () -> ()
      %run_scoped3A_203 = arith.constant 1 : i32
      "tpu.region"() ({
        %run_scoped3A_325 = tpu.sem_alloc : memref<!tpu.dma_semaphore, #tpu.memory_space<semaphore_mem>>
        %dma_start3A_326 = arith.constant 128 : i32
        %dma_start3A_327 = arith.constant 0 : i32
        %dma_start3A_328 = tpu.memref_slice %arg11[%dma_start3A_326, %dma_start3A_327] : memref<512x16xf32, #tpu.memory_space<vmem>> -> memref<128x16xf32, #tpu.memory_space<vmem>>
        %dma_start3A_329 = arith.constant 0 : i32
        %dma_start3A_330 = tpu.memref_slice %arg9[%run_scoped3A_203, %dma_start3A_329] : memref<4x128xi32, #tpu.memory_space<vmem>> -> memref<1x128xi32, #tpu.memory_space<vmem>>
        %dma_start3A_331 = tpu.memref_squeeze %dma_start3A_330 : memref<1x128xi32, #tpu.memory_space<vmem>> -> memref<128xi32, #tpu.memory_space<vmem>>
        %dma_start3A_332 = arith.constant 0 : i32
        %dma_start3A_333 = arith.constant 0 : i32
        %dma_start3A_334 = tpu.memref_slice %arg13[%dma_start3A_332, %dma_start3A_333] : memref<100352x16xf32, #tpu.memory_space<vmem_shared>> -> memref<100352x16xf32, #tpu.memory_space<vmem_shared>>
        tpu.enqueue_indirect_dma source(%dma_start3A_328 : memref<128x16xf32, #tpu.memory_space<vmem>>) target(%dma_start3A_334 : memref<100352x16xf32, #tpu.memory_space<vmem_shared>>) offsets(%dma_start3A_331 : memref<128xi32, #tpu.memory_space<vmem>>) semaphore(%run_scoped3A_325 : memref<!tpu.dma_semaphore, #tpu.memory_space<semaphore_mem>>) {add = true}
        %dma_wait3A_335 = arith.constant 128 : i32
        %dma_wait3A_336 = arith.constant 0 : i32
        %dma_wait3A_337 = tpu.memref_slice %arg11[%dma_wait3A_335, %dma_wait3A_336] : memref<512x16xf32, #tpu.memory_space<vmem>> -> memref<128x16xf32, #tpu.memory_space<vmem>>
        %dma_wait3A_338 = arith.constant 0 : i32
        %dma_wait3A_339 = tpu.memref_slice %arg9[%run_scoped3A_203, %dma_wait3A_338] : memref<4x128xi32, #tpu.memory_space<vmem>> -> memref<1x128xi32, #tpu.memory_space<vmem>>
        %dma_wait3A_340 = tpu.memref_squeeze %dma_wait3A_339 : memref<1x128xi32, #tpu.memory_space<vmem>> -> memref<128xi32, #tpu.memory_space<vmem>>
        %dma_wait3A_341 = arith.constant 0 : i32
        %dma_wait3A_342 = arith.constant 0 : i32
        %dma_wait3A_343 = tpu.memref_slice %arg13[%dma_wait3A_341, %dma_wait3A_342] : memref<100352x16xf32, #tpu.memory_space<vmem_shared>> -> memref<100352x16xf32, #tpu.memory_space<vmem_shared>>
        tpu.wait_indirect_dma semaphore(%run_scoped3A_325 : memref<!tpu.dma_semaphore, #tpu.memory_space<semaphore_mem>>) src(%dma_wait3A_337 : memref<128x16xf32, #tpu.memory_space<vmem>>) dst(%dma_wait3A_343 : memref<100352x16xf32, #tpu.memory_space<vmem_shared>>)
        tpu.yield
      }) : () -> ()
      %run_scoped3A_204 = arith.constant 2 : i32
      "tpu.region"() ({
        %run_scoped3A_325 = tpu.sem_alloc : memref<!tpu.dma_semaphore, #tpu.memory_space<semaphore_mem>>
        %dma_start3A_326 = arith.constant 256 : i32
        %dma_start3A_327 = arith.constant 0 : i32
        %dma_start3A_328 = tpu.memref_slice %arg11[%dma_start3A_326, %dma_start3A_327] : memref<512x16xf32, #tpu.memory_space<vmem>> -> memref<128x16xf32, #tpu.memory_space<vmem>>
        %dma_start3A_329 = arith.constant 0 : i32
        %dma_start3A_330 = tpu.memref_slice %arg9[%run_scoped3A_204, %dma_start3A_329] : memref<4x128xi32, #tpu.memory_space<vmem>> -> memref<1x128xi32, #tpu.memory_space<vmem>>
        %dma_start3A_331 = tpu.memref_squeeze %dma_start3A_330 : memref<1x128xi32, #tpu.memory_space<vmem>> -> memref<128xi32, #tpu.memory_space<vmem>>
        %dma_start3A_332 = arith.constant 0 : i32
        %dma_start3A_333 = arith.constant 0 : i32
        %dma_start3A_334 = tpu.memref_slice %arg13[%dma_start3A_332, %dma_start3A_333] : memref<100352x16xf32, #tpu.memory_space<vmem_shared>> -> memref<100352x16xf32, #tpu.memory_space<vmem_shared>>
        tpu.enqueue_indirect_dma source(%dma_start3A_328 : memref<128x16xf32, #tpu.memory_space<vmem>>) target(%dma_start3A_334 : memref<100352x16xf32, #tpu.memory_space<vmem_shared>>) offsets(%dma_start3A_331 : memref<128xi32, #tpu.memory_space<vmem>>) semaphore(%run_scoped3A_325 : memref<!tpu.dma_semaphore, #tpu.memory_space<semaphore_mem>>) {add = true}
        %dma_wait3A_335 = arith.constant 256 : i32
        %dma_wait3A_336 = arith.constant 0 : i32
        %dma_wait3A_337 = tpu.memref_slice %arg11[%dma_wait3A_335, %dma_wait3A_336] : memref<512x16xf32, #tpu.memory_space<vmem>> -> memref<128x16xf32, #tpu.memory_space<vmem>>
        %dma_wait3A_338 = arith.constant 0 : i32
        %dma_wait3A_339 = tpu.memref_slice %arg9[%run_scoped3A_204, %dma_wait3A_338] : memref<4x128xi32, #tpu.memory_space<vmem>> -> memref<1x128xi32, #tpu.memory_space<vmem>>
        %dma_wait3A_340 = tpu.memref_squeeze %dma_wait3A_339 : memref<1x128xi32, #tpu.memory_space<vmem>> -> memref<128xi32, #tpu.memory_space<vmem>>
        %dma_wait3A_341 = arith.constant 0 : i32
        %dma_wait3A_342 = arith.constant 0 : i32
        %dma_wait3A_343 = tpu.memref_slice %arg13[%dma_wait3A_341, %dma_wait3A_342] : memref<100352x16xf32, #tpu.memory_space<vmem_shared>> -> memref<100352x16xf32, #tpu.memory_space<vmem_shared>>
        tpu.wait_indirect_dma semaphore(%run_scoped3A_325 : memref<!tpu.dma_semaphore, #tpu.memory_space<semaphore_mem>>) src(%dma_wait3A_337 : memref<128x16xf32, #tpu.memory_space<vmem>>) dst(%dma_wait3A_343 : memref<100352x16xf32, #tpu.memory_space<vmem_shared>>)
        tpu.yield
      }) : () -> ()
      %run_scoped3A_205 = arith.constant 3 : i32
      "tpu.region"() ({
        %run_scoped3A_325 = tpu.sem_alloc : memref<!tpu.dma_semaphore, #tpu.memory_space<semaphore_mem>>
        %dma_start3A_326 = arith.constant 384 : i32
        %dma_start3A_327 = arith.constant 0 : i32
        %dma_start3A_328 = tpu.memref_slice %arg11[%dma_start3A_326, %dma_start3A_327] : memref<512x16xf32, #tpu.memory_space<vmem>> -> memref<128x16xf32, #tpu.memory_space<vmem>>
        %dma_start3A_329 = arith.constant 0 : i32
        %dma_start3A_330 = tpu.memref_slice %arg9[%run_scoped3A_205, %dma_start3A_329] : memref<4x128xi32, #tpu.memory_space<vmem>> -> memref<1x128xi32, #tpu.memory_space<vmem>>
        %dma_start3A_331 = tpu.memref_squeeze %dma_start3A_330 : memref<1x128xi32, #tpu.memory_space<vmem>> -> memref<128xi32, #tpu.memory_space<vmem>>
        %dma_start3A_332 = arith.constant 0 : i32
        %dma_start3A_333 = arith.constant 0 : i32
        %dma_start3A_334 = tpu.memref_slice %arg13[%dma_start3A_332, %dma_start3A_333] : memref<100352x16xf32, #tpu.memory_space<vmem_shared>> -> memref<100352x16xf32, #tpu.memory_space<vmem_shared>>
        tpu.enqueue_indirect_dma source(%dma_start3A_328 : memref<128x16xf32, #tpu.memory_space<vmem>>) target(%dma_start3A_334 : memref<100352x16xf32, #tpu.memory_space<vmem_shared>>) offsets(%dma_start3A_331 : memref<128xi32, #tpu.memory_space<vmem>>) semaphore(%run_scoped3A_325 : memref<!tpu.dma_semaphore, #tpu.memory_space<semaphore_mem>>) {add = true}
        %dma_wait3A_335 = arith.constant 384 : i32
        %dma_wait3A_336 = arith.constant 0 : i32
        %dma_wait3A_337 = tpu.memref_slice %arg11[%dma_wait3A_335, %dma_wait3A_336] : memref<512x16xf32, #tpu.memory_space<vmem>> -> memref<128x16xf32, #tpu.memory_space<vmem>>
        %dma_wait3A_338 = arith.constant 0 : i32
        %dma_wait3A_339 = tpu.memref_slice %arg9[%run_scoped3A_205, %dma_wait3A_338] : memref<4x128xi32, #tpu.memory_space<vmem>> -> memref<1x128xi32, #tpu.memory_space<vmem>>
        %dma_wait3A_340 = tpu.memref_squeeze %dma_wait3A_339 : memref<1x128xi32, #tpu.memory_space<vmem>> -> memref<128xi32, #tpu.memory_space<vmem>>
        %dma_wait3A_341 = arith.constant 0 : i32
        %dma_wait3A_342 = arith.constant 0 : i32
        %dma_wait3A_343 = tpu.memref_slice %arg13[%dma_wait3A_341, %dma_wait3A_342] : memref<100352x16xf32, #tpu.memory_space<vmem_shared>> -> memref<100352x16xf32, #tpu.memory_space<vmem_shared>>
        tpu.wait_indirect_dma semaphore(%run_scoped3A_325 : memref<!tpu.dma_semaphore, #tpu.memory_space<semaphore_mem>>) src(%dma_wait3A_337 : memref<128x16xf32, #tpu.memory_space<vmem>>) dst(%dma_wait3A_343 : memref<100352x16xf32, #tpu.memory_space<vmem_shared>>)
        tpu.yield
      }) : () -> ()
      %add3A_206 = arith.constant 0 : i32
      %add3A_207 = arith.addi %add3A_105, %add3A_206 : i32
      %lt3A_208 = arith.constant 49 : i32
      %lt3A_209 = arith.cmpi slt, %add3A_207, %lt3A_208 : i32
      %convert_element_type3A_210 = arith.extui %lt3A_209 : i1 to i32
      %cond3A_211 = arith.constant 0 : i32
      %cond3A_212 = arith.cmpi ne, %convert_element_type3A_210, %cond3A_211 : i32
      scf.if %cond3A_212 {
        %mul3A_325 = arith.constant 25088 : i32
        %mul3A_326 = arith.muli %add3A, %mul3A_325 : i32
        %mul3A_327 = arith.constant 512 : i32
        %mul3A_328 = arith.muli %add3A_207, %mul3A_327 : i32
        %add3A_329 = arith.addi %mul3A_326, %mul3A_328 : i32
        %jit3A_330 = arith.constant 128 : i32
        %div3A_331 = arith.divsi %add3A_329, %jit3A_330 : i32
        %sign3A_332 = arith.constant 0 : i32
        %sign3A_333 = arith.cmpi sgt, %add3A_329, %sign3A_332 : i32
        %sign3A_334 = arith.extui %sign3A_333 : i1 to i32
        %sign3A_335 = arith.constant 0 : i32
        %sign3A_336 = arith.cmpi slt, %add3A_329, %sign3A_335 : i32
        %sign3A_337 = arith.extui %sign3A_336 : i1 to i32
        %sign3A_338 = arith.subi %sign3A_334, %sign3A_337 : i32
        %sign3A_339 = arith.constant 0 : i32
        %sign3A_340 = arith.cmpi sgt, %jit3A_330, %sign3A_339 : i32
        %sign3A_341 = arith.extui %sign3A_340 : i1 to i32
        %sign3A_342 = arith.constant 0 : i32
        %sign3A_343 = arith.cmpi slt, %jit3A_330, %sign3A_342 : i32
        %sign3A_344 = arith.extui %sign3A_343 : i1 to i32
        %sign3A_345 = arith.subi %sign3A_341, %sign3A_344 : i32
        %ne3A_346 = arith.cmpi ne, %sign3A_338, %sign3A_345 : i32
        %rem3A_347 = arith.remsi %add3A_329, %jit3A_330 : i32
        %ne3A_348 = arith.constant 0 : i32
        %ne3A_349 = arith.cmpi ne, %rem3A_347, %ne3A_348 : i32
        %and3A_350 = arith.andi %ne3A_346, %ne3A_349 : i1
        %sub3A_351 = arith.constant 1 : i32
        %sub3A_352 = arith.subi %div3A_331, %sub3A_351 : i32
        %select_n3A_353 = arith.select %and3A_350, %sub3A_352, %div3A_331 : i32
        %add3A_354 = arith.constant 18816 : i32
        %add3A_355 = arith.addi %add3A_354, %select_n3A_353 : i32
        %dma_start3A_356 = arith.constant 1 : i32
        %dma_start3A_357 = arith.constant 0 : i32
        %dma_start3A_358 = tpu.memref_slice %arg6[%add3A_355, %dma_start3A_357] : memref<25088x128xi32, #tpu.memory_space<hbm>> -> memref<4x128xi32, #tpu.memory_space<hbm>>
        %dma_start3A_359 = tpu.memref_slice %arg14[%dma_start3A_356] : memref<2x!tpu.dma_semaphore, #tpu.memory_space<semaphore_mem>> -> memref<1x!tpu.dma_semaphore, #tpu.memory_space<semaphore_mem>>
        %dma_start3A_360 = tpu.memref_squeeze %dma_start3A_359 : memref<1x!tpu.dma_semaphore, #tpu.memory_space<semaphore_mem>> -> memref<!tpu.dma_semaphore, #tpu.memory_space<semaphore_mem>>
        %dma_start3A_361 = arith.constant 0 : i32
        %dma_start3A_362 = tpu.memref_slice %arg6[%add3A_355, %dma_start3A_361] : memref<25088x128xi32, #tpu.memory_space<hbm>> -> memref<4x128xi32, #tpu.memory_space<hbm>>
        tpu.enqueue_dma source(%dma_start3A_362 : memref<4x128xi32, #tpu.memory_space<hbm>>) target(%arg9 : memref<4x128xi32, #tpu.memory_space<vmem>>) target_semaphore(%dma_start3A_360 : memref<!tpu.dma_semaphore, #tpu.memory_space<semaphore_mem>>)
        %dma_start3A_363 = arith.constant 1 : i32
        %dma_start3A_364 = arith.constant 0 : i32
        %dma_start3A_365 = tpu.memref_slice %arg5[%add3A_329, %dma_start3A_364] : memref<802816x16xf32, #tpu.memory_space<hbm>> -> memref<512x16xf32, #tpu.memory_space<hbm>>
        %dma_start3A_366 = tpu.memref_slice %arg14[%dma_start3A_363] : memref<2x!tpu.dma_semaphore, #tpu.memory_space<semaphore_mem>> -> memref<1x!tpu.dma_semaphore, #tpu.memory_space<semaphore_mem>>
        %dma_start3A_367 = tpu.memref_squeeze %dma_start3A_366 : memref<1x!tpu.dma_semaphore, #tpu.memory_space<semaphore_mem>> -> memref<!tpu.dma_semaphore, #tpu.memory_space<semaphore_mem>>
        %dma_start3A_368 = arith.constant 0 : i32
        %dma_start3A_369 = tpu.memref_slice %arg5[%add3A_329, %dma_start3A_368] : memref<802816x16xf32, #tpu.memory_space<hbm>> -> memref<512x16xf32, #tpu.memory_space<hbm>>
        tpu.enqueue_dma source(%dma_start3A_369 : memref<512x16xf32, #tpu.memory_space<hbm>>) target(%arg11 : memref<512x16xf32, #tpu.memory_space<vmem>>) target_semaphore(%dma_start3A_367 : memref<!tpu.dma_semaphore, #tpu.memory_space<semaphore_mem>>)
      } else {
      }
      %mul3A_213 = arith.constant 25088 : i32
      %mul3A_214 = arith.muli %add3A, %mul3A_213 : i32
      %mul3A_215 = arith.constant 512 : i32
      %mul3A_216 = arith.muli %add3A_105, %mul3A_215 : i32
      %add3A_217 = arith.addi %mul3A_214, %mul3A_216 : i32
      %jit3A_218 = arith.constant 128 : i32
      %div3A_219 = arith.divsi %add3A_217, %jit3A_218 : i32
      %sign3A_220 = arith.constant 0 : i32
      %sign3A_221 = arith.cmpi sgt, %add3A_217, %sign3A_220 : i32
      %sign3A_222 = arith.extui %sign3A_221 : i1 to i32
      %sign3A_223 = arith.constant 0 : i32
      %sign3A_224 = arith.cmpi slt, %add3A_217, %sign3A_223 : i32
      %sign3A_225 = arith.extui %sign3A_224 : i1 to i32
      %sign3A_226 = arith.subi %sign3A_222, %sign3A_225 : i32
      %sign3A_227 = arith.constant 0 : i32
      %sign3A_228 = arith.cmpi sgt, %jit3A_218, %sign3A_227 : i32
      %sign3A_229 = arith.extui %sign3A_228 : i1 to i32
      %sign3A_230 = arith.constant 0 : i32
      %sign3A_231 = arith.cmpi slt, %jit3A_218, %sign3A_230 : i32
      %sign3A_232 = arith.extui %sign3A_231 : i1 to i32
      %sign3A_233 = arith.subi %sign3A_229, %sign3A_232 : i32
      %ne3A_234 = arith.cmpi ne, %sign3A_226, %sign3A_233 : i32
      %rem3A_235 = arith.remsi %add3A_217, %jit3A_218 : i32
      %ne3A_236 = arith.constant 0 : i32
      %ne3A_237 = arith.cmpi ne, %rem3A_235, %ne3A_236 : i32
      %and3A_238 = arith.andi %ne3A_234, %ne3A_237 : i1
      %sub3A_239 = arith.constant 1 : i32
      %sub3A_240 = arith.subi %div3A_219, %sub3A_239 : i32
      %select_n3A_241 = arith.select %and3A_238, %sub3A_240, %div3A_219 : i32
      %add3A_242 = arith.constant 12544 : i32
      %add3A_243 = arith.addi %add3A_242, %select_n3A_241 : i32
      %dma_wait3A_244 = arith.constant 0 : i32
      %dma_wait3A_245 = arith.constant 0 : i32
      %dma_wait3A_246 = tpu.memref_slice %arg6[%add3A_243, %dma_wait3A_245] : memref<25088x128xi32, #tpu.memory_space<hbm>> -> memref<4x128xi32, #tpu.memory_space<hbm>>
      %dma_wait3A_247 = tpu.memref_slice %arg14[%dma_wait3A_244] : memref<2x!tpu.dma_semaphore, #tpu.memory_space<semaphore_mem>> -> memref<1x!tpu.dma_semaphore, #tpu.memory_space<semaphore_mem>>
      %dma_wait3A_248 = tpu.memref_squeeze %dma_wait3A_247 : memref<1x!tpu.dma_semaphore, #tpu.memory_space<semaphore_mem>> -> memref<!tpu.dma_semaphore, #tpu.memory_space<semaphore_mem>>
      %dma_wait3A_249 = arith.constant 0 : i32
      %dma_wait3A_250 = tpu.memref_slice %arg6[%add3A_243, %dma_wait3A_249] : memref<25088x128xi32, #tpu.memory_space<hbm>> -> memref<4x128xi32, #tpu.memory_space<hbm>>
      tpu.wait_dma2 semaphore(%dma_wait3A_248 : memref<!tpu.dma_semaphore, #tpu.memory_space<semaphore_mem>>) src(%dma_wait3A_250 : memref<4x128xi32, #tpu.memory_space<hbm>>) dst(%arg8 : memref<4x128xi32, #tpu.memory_space<vmem>>)
      %dma_wait3A_251 = arith.constant 0 : i32
      %dma_wait3A_252 = arith.constant 0 : i32
      %dma_wait3A_253 = tpu.memref_slice %arg4[%add3A_217, %dma_wait3A_252] : memref<802816x16xf32, #tpu.memory_space<hbm>> -> memref<512x16xf32, #tpu.memory_space<hbm>>
      %dma_wait3A_254 = tpu.memref_slice %arg14[%dma_wait3A_251] : memref<2x!tpu.dma_semaphore, #tpu.memory_space<semaphore_mem>> -> memref<1x!tpu.dma_semaphore, #tpu.memory_space<semaphore_mem>>
      %dma_wait3A_255 = tpu.memref_squeeze %dma_wait3A_254 : memref<1x!tpu.dma_semaphore, #tpu.memory_space<semaphore_mem>> -> memref<!tpu.dma_semaphore, #tpu.memory_space<semaphore_mem>>
      %dma_wait3A_256 = arith.constant 0 : i32
      %dma_wait3A_257 = tpu.memref_slice %arg4[%add3A_217, %dma_wait3A_256] : memref<802816x16xf32, #tpu.memory_space<hbm>> -> memref<512x16xf32, #tpu.memory_space<hbm>>
      tpu.wait_dma2 semaphore(%dma_wait3A_255 : memref<!tpu.dma_semaphore, #tpu.memory_space<semaphore_mem>>) src(%dma_wait3A_257 : memref<512x16xf32, #tpu.memory_space<hbm>>) dst(%arg10 : memref<512x16xf32, #tpu.memory_space<vmem>>)
      %run_scoped3A_258 = arith.constant 0 : i32
      "tpu.region"() ({
        %run_scoped3A_325 = tpu.sem_alloc : memref<!tpu.dma_semaphore, #tpu.memory_space<semaphore_mem>>
        %dma_start3A_326 = arith.constant 0 : i32
        %dma_start3A_327 = arith.constant 0 : i32
        %dma_start3A_328 = tpu.memref_slice %arg10[%dma_start3A_326, %dma_start3A_327] : memref<512x16xf32, #tpu.memory_space<vmem>> -> memref<128x16xf32, #tpu.memory_space<vmem>>
        %dma_start3A_329 = arith.constant 0 : i32
        %dma_start3A_330 = tpu.memref_slice %arg8[%run_scoped3A_258, %dma_start3A_329] : memref<4x128xi32, #tpu.memory_space<vmem>> -> memref<1x128xi32, #tpu.memory_space<vmem>>
        %dma_start3A_331 = tpu.memref_squeeze %dma_start3A_330 : memref<1x128xi32, #tpu.memory_space<vmem>> -> memref<128xi32, #tpu.memory_space<vmem>>
        %dma_start3A_332 = arith.constant 0 : i32
        %dma_start3A_333 = arith.constant 0 : i32
        %dma_start3A_334 = tpu.memref_slice %arg13[%dma_start3A_332, %dma_start3A_333] : memref<100352x16xf32, #tpu.memory_space<vmem_shared>> -> memref<100352x16xf32, #tpu.memory_space<vmem_shared>>
        tpu.enqueue_indirect_dma source(%dma_start3A_328 : memref<128x16xf32, #tpu.memory_space<vmem>>) target(%dma_start3A_334 : memref<100352x16xf32, #tpu.memory_space<vmem_shared>>) offsets(%dma_start3A_331 : memref<128xi32, #tpu.memory_space<vmem>>) semaphore(%run_scoped3A_325 : memref<!tpu.dma_semaphore, #tpu.memory_space<semaphore_mem>>) {add = true}
        %dma_wait3A_335 = arith.constant 0 : i32
        %dma_wait3A_336 = arith.constant 0 : i32
        %dma_wait3A_337 = tpu.memref_slice %arg10[%dma_wait3A_335, %dma_wait3A_336] : memref<512x16xf32, #tpu.memory_space<vmem>> -> memref<128x16xf32, #tpu.memory_space<vmem>>
        %dma_wait3A_338 = arith.constant 0 : i32
        %dma_wait3A_339 = tpu.memref_slice %arg8[%run_scoped3A_258, %dma_wait3A_338] : memref<4x128xi32, #tpu.memory_space<vmem>> -> memref<1x128xi32, #tpu.memory_space<vmem>>
        %dma_wait3A_340 = tpu.memref_squeeze %dma_wait3A_339 : memref<1x128xi32, #tpu.memory_space<vmem>> -> memref<128xi32, #tpu.memory_space<vmem>>
        %dma_wait3A_341 = arith.constant 0 : i32
        %dma_wait3A_342 = arith.constant 0 : i32
        %dma_wait3A_343 = tpu.memref_slice %arg13[%dma_wait3A_341, %dma_wait3A_342] : memref<100352x16xf32, #tpu.memory_space<vmem_shared>> -> memref<100352x16xf32, #tpu.memory_space<vmem_shared>>
        tpu.wait_indirect_dma semaphore(%run_scoped3A_325 : memref<!tpu.dma_semaphore, #tpu.memory_space<semaphore_mem>>) src(%dma_wait3A_337 : memref<128x16xf32, #tpu.memory_space<vmem>>) dst(%dma_wait3A_343 : memref<100352x16xf32, #tpu.memory_space<vmem_shared>>)
        tpu.yield
      }) : () -> ()
      %run_scoped3A_259 = arith.constant 1 : i32
      "tpu.region"() ({
        %run_scoped3A_325 = tpu.sem_alloc : memref<!tpu.dma_semaphore, #tpu.memory_space<semaphore_mem>>
        %dma_start3A_326 = arith.constant 128 : i32
        %dma_start3A_327 = arith.constant 0 : i32
        %dma_start3A_328 = tpu.memref_slice %arg10[%dma_start3A_326, %dma_start3A_327] : memref<512x16xf32, #tpu.memory_space<vmem>> -> memref<128x16xf32, #tpu.memory_space<vmem>>
        %dma_start3A_329 = arith.constant 0 : i32
        %dma_start3A_330 = tpu.memref_slice %arg8[%run_scoped3A_259, %dma_start3A_329] : memref<4x128xi32, #tpu.memory_space<vmem>> -> memref<1x128xi32, #tpu.memory_space<vmem>>
        %dma_start3A_331 = tpu.memref_squeeze %dma_start3A_330 : memref<1x128xi32, #tpu.memory_space<vmem>> -> memref<128xi32, #tpu.memory_space<vmem>>
        %dma_start3A_332 = arith.constant 0 : i32
        %dma_start3A_333 = arith.constant 0 : i32
        %dma_start3A_334 = tpu.memref_slice %arg13[%dma_start3A_332, %dma_start3A_333] : memref<100352x16xf32, #tpu.memory_space<vmem_shared>> -> memref<100352x16xf32, #tpu.memory_space<vmem_shared>>
        tpu.enqueue_indirect_dma source(%dma_start3A_328 : memref<128x16xf32, #tpu.memory_space<vmem>>) target(%dma_start3A_334 : memref<100352x16xf32, #tpu.memory_space<vmem_shared>>) offsets(%dma_start3A_331 : memref<128xi32, #tpu.memory_space<vmem>>) semaphore(%run_scoped3A_325 : memref<!tpu.dma_semaphore, #tpu.memory_space<semaphore_mem>>) {add = true}
        %dma_wait3A_335 = arith.constant 128 : i32
        %dma_wait3A_336 = arith.constant 0 : i32
        %dma_wait3A_337 = tpu.memref_slice %arg10[%dma_wait3A_335, %dma_wait3A_336] : memref<512x16xf32, #tpu.memory_space<vmem>> -> memref<128x16xf32, #tpu.memory_space<vmem>>
        %dma_wait3A_338 = arith.constant 0 : i32
        %dma_wait3A_339 = tpu.memref_slice %arg8[%run_scoped3A_259, %dma_wait3A_338] : memref<4x128xi32, #tpu.memory_space<vmem>> -> memref<1x128xi32, #tpu.memory_space<vmem>>
        %dma_wait3A_340 = tpu.memref_squeeze %dma_wait3A_339 : memref<1x128xi32, #tpu.memory_space<vmem>> -> memref<128xi32, #tpu.memory_space<vmem>>
        %dma_wait3A_341 = arith.constant 0 : i32
        %dma_wait3A_342 = arith.constant 0 : i32
        %dma_wait3A_343 = tpu.memref_slice %arg13[%dma_wait3A_341, %dma_wait3A_342] : memref<100352x16xf32, #tpu.memory_space<vmem_shared>> -> memref<100352x16xf32, #tpu.memory_space<vmem_shared>>
        tpu.wait_indirect_dma semaphore(%run_scoped3A_325 : memref<!tpu.dma_semaphore, #tpu.memory_space<semaphore_mem>>) src(%dma_wait3A_337 : memref<128x16xf32, #tpu.memory_space<vmem>>) dst(%dma_wait3A_343 : memref<100352x16xf32, #tpu.memory_space<vmem_shared>>)
        tpu.yield
      }) : () -> ()
      %run_scoped3A_260 = arith.constant 2 : i32
      "tpu.region"() ({
        %run_scoped3A_325 = tpu.sem_alloc : memref<!tpu.dma_semaphore, #tpu.memory_space<semaphore_mem>>
        %dma_start3A_326 = arith.constant 256 : i32
        %dma_start3A_327 = arith.constant 0 : i32
        %dma_start3A_328 = tpu.memref_slice %arg10[%dma_start3A_326, %dma_start3A_327] : memref<512x16xf32, #tpu.memory_space<vmem>> -> memref<128x16xf32, #tpu.memory_space<vmem>>
        %dma_start3A_329 = arith.constant 0 : i32
        %dma_start3A_330 = tpu.memref_slice %arg8[%run_scoped3A_260, %dma_start3A_329] : memref<4x128xi32, #tpu.memory_space<vmem>> -> memref<1x128xi32, #tpu.memory_space<vmem>>
        %dma_start3A_331 = tpu.memref_squeeze %dma_start3A_330 : memref<1x128xi32, #tpu.memory_space<vmem>> -> memref<128xi32, #tpu.memory_space<vmem>>
        %dma_start3A_332 = arith.constant 0 : i32
        %dma_start3A_333 = arith.constant 0 : i32
        %dma_start3A_334 = tpu.memref_slice %arg13[%dma_start3A_332, %dma_start3A_333] : memref<100352x16xf32, #tpu.memory_space<vmem_shared>> -> memref<100352x16xf32, #tpu.memory_space<vmem_shared>>
        tpu.enqueue_indirect_dma source(%dma_start3A_328 : memref<128x16xf32, #tpu.memory_space<vmem>>) target(%dma_start3A_334 : memref<100352x16xf32, #tpu.memory_space<vmem_shared>>) offsets(%dma_start3A_331 : memref<128xi32, #tpu.memory_space<vmem>>) semaphore(%run_scoped3A_325 : memref<!tpu.dma_semaphore, #tpu.memory_space<semaphore_mem>>) {add = true}
        %dma_wait3A_335 = arith.constant 256 : i32
        %dma_wait3A_336 = arith.constant 0 : i32
        %dma_wait3A_337 = tpu.memref_slice %arg10[%dma_wait3A_335, %dma_wait3A_336] : memref<512x16xf32, #tpu.memory_space<vmem>> -> memref<128x16xf32, #tpu.memory_space<vmem>>
        %dma_wait3A_338 = arith.constant 0 : i32
        %dma_wait3A_339 = tpu.memref_slice %arg8[%run_scoped3A_260, %dma_wait3A_338] : memref<4x128xi32, #tpu.memory_space<vmem>> -> memref<1x128xi32, #tpu.memory_space<vmem>>
        %dma_wait3A_340 = tpu.memref_squeeze %dma_wait3A_339 : memref<1x128xi32, #tpu.memory_space<vmem>> -> memref<128xi32, #tpu.memory_space<vmem>>
        %dma_wait3A_341 = arith.constant 0 : i32
        %dma_wait3A_342 = arith.constant 0 : i32
        %dma_wait3A_343 = tpu.memref_slice %arg13[%dma_wait3A_341, %dma_wait3A_342] : memref<100352x16xf32, #tpu.memory_space<vmem_shared>> -> memref<100352x16xf32, #tpu.memory_space<vmem_shared>>
        tpu.wait_indirect_dma semaphore(%run_scoped3A_325 : memref<!tpu.dma_semaphore, #tpu.memory_space<semaphore_mem>>) src(%dma_wait3A_337 : memref<128x16xf32, #tpu.memory_space<vmem>>) dst(%dma_wait3A_343 : memref<100352x16xf32, #tpu.memory_space<vmem_shared>>)
        tpu.yield
      }) : () -> ()
      %run_scoped3A_261 = arith.constant 3 : i32
      "tpu.region"() ({
        %run_scoped3A_325 = tpu.sem_alloc : memref<!tpu.dma_semaphore, #tpu.memory_space<semaphore_mem>>
        %dma_start3A_326 = arith.constant 384 : i32
        %dma_start3A_327 = arith.constant 0 : i32
        %dma_start3A_328 = tpu.memref_slice %arg10[%dma_start3A_326, %dma_start3A_327] : memref<512x16xf32, #tpu.memory_space<vmem>> -> memref<128x16xf32, #tpu.memory_space<vmem>>
        %dma_start3A_329 = arith.constant 0 : i32
        %dma_start3A_330 = tpu.memref_slice %arg8[%run_scoped3A_261, %dma_start3A_329] : memref<4x128xi32, #tpu.memory_space<vmem>> -> memref<1x128xi32, #tpu.memory_space<vmem>>
        %dma_start3A_331 = tpu.memref_squeeze %dma_start3A_330 : memref<1x128xi32, #tpu.memory_space<vmem>> -> memref<128xi32, #tpu.memory_space<vmem>>
        %dma_start3A_332 = arith.constant 0 : i32
        %dma_start3A_333 = arith.constant 0 : i32
        %dma_start3A_334 = tpu.memref_slice %arg13[%dma_start3A_332, %dma_start3A_333] : memref<100352x16xf32, #tpu.memory_space<vmem_shared>> -> memref<100352x16xf32, #tpu.memory_space<vmem_shared>>
        tpu.enqueue_indirect_dma source(%dma_start3A_328 : memref<128x16xf32, #tpu.memory_space<vmem>>) target(%dma_start3A_334 : memref<100352x16xf32, #tpu.memory_space<vmem_shared>>) offsets(%dma_start3A_331 : memref<128xi32, #tpu.memory_space<vmem>>) semaphore(%run_scoped3A_325 : memref<!tpu.dma_semaphore, #tpu.memory_space<semaphore_mem>>) {add = true}
        %dma_wait3A_335 = arith.constant 384 : i32
        %dma_wait3A_336 = arith.constant 0 : i32
        %dma_wait3A_337 = tpu.memref_slice %arg10[%dma_wait3A_335, %dma_wait3A_336] : memref<512x16xf32, #tpu.memory_space<vmem>> -> memref<128x16xf32, #tpu.memory_space<vmem>>
        %dma_wait3A_338 = arith.constant 0 : i32
        %dma_wait3A_339 = tpu.memref_slice %arg8[%run_scoped3A_261, %dma_wait3A_338] : memref<4x128xi32, #tpu.memory_space<vmem>> -> memref<1x128xi32, #tpu.memory_space<vmem>>
        %dma_wait3A_340 = tpu.memref_squeeze %dma_wait3A_339 : memref<1x128xi32, #tpu.memory_space<vmem>> -> memref<128xi32, #tpu.memory_space<vmem>>
        %dma_wait3A_341 = arith.constant 0 : i32
        %dma_wait3A_342 = arith.constant 0 : i32
        %dma_wait3A_343 = tpu.memref_slice %arg13[%dma_wait3A_341, %dma_wait3A_342] : memref<100352x16xf32, #tpu.memory_space<vmem_shared>> -> memref<100352x16xf32, #tpu.memory_space<vmem_shared>>
        tpu.wait_indirect_dma semaphore(%run_scoped3A_325 : memref<!tpu.dma_semaphore, #tpu.memory_space<semaphore_mem>>) src(%dma_wait3A_337 : memref<128x16xf32, #tpu.memory_space<vmem>>) dst(%dma_wait3A_343 : memref<100352x16xf32, #tpu.memory_space<vmem_shared>>)
        tpu.yield
      }) : () -> ()
      %add3A_262 = arith.constant 1 : i32
      %add3A_263 = arith.addi %add3A_105, %add3A_262 : i32
      %lt3A_264 = arith.constant 49 : i32
      %lt3A_265 = arith.cmpi slt, %add3A_263, %lt3A_264 : i32
      %convert_element_type3A_266 = arith.extui %lt3A_265 : i1 to i32
      %cond3A_267 = arith.constant 0 : i32
      %cond3A_268 = arith.cmpi ne, %convert_element_type3A_266, %cond3A_267 : i32
      scf.if %cond3A_268 {
        %mul3A_325 = arith.constant 25088 : i32
        %mul3A_326 = arith.muli %add3A, %mul3A_325 : i32
        %mul3A_327 = arith.constant 512 : i32
        %mul3A_328 = arith.muli %add3A_263, %mul3A_327 : i32
        %add3A_329 = arith.addi %mul3A_326, %mul3A_328 : i32
        %jit3A_330 = arith.constant 128 : i32
        %div3A_331 = arith.divsi %add3A_329, %jit3A_330 : i32
        %sign3A_332 = arith.constant 0 : i32
        %sign3A_333 = arith.cmpi sgt, %add3A_329, %sign3A_332 : i32
        %sign3A_334 = arith.extui %sign3A_333 : i1 to i32
        %sign3A_335 = arith.constant 0 : i32
        %sign3A_336 = arith.cmpi slt, %add3A_329, %sign3A_335 : i32
        %sign3A_337 = arith.extui %sign3A_336 : i1 to i32
        %sign3A_338 = arith.subi %sign3A_334, %sign3A_337 : i32
        %sign3A_339 = arith.constant 0 : i32
        %sign3A_340 = arith.cmpi sgt, %jit3A_330, %sign3A_339 : i32
        %sign3A_341 = arith.extui %sign3A_340 : i1 to i32
        %sign3A_342 = arith.constant 0 : i32
        %sign3A_343 = arith.cmpi slt, %jit3A_330, %sign3A_342 : i32
        %sign3A_344 = arith.extui %sign3A_343 : i1 to i32
        %sign3A_345 = arith.subi %sign3A_341, %sign3A_344 : i32
        %ne3A_346 = arith.cmpi ne, %sign3A_338, %sign3A_345 : i32
        %rem3A_347 = arith.remsi %add3A_329, %jit3A_330 : i32
        %ne3A_348 = arith.constant 0 : i32
        %ne3A_349 = arith.cmpi ne, %rem3A_347, %ne3A_348 : i32
        %and3A_350 = arith.andi %ne3A_346, %ne3A_349 : i1
        %sub3A_351 = arith.constant 1 : i32
        %sub3A_352 = arith.subi %div3A_331, %sub3A_351 : i32
        %select_n3A_353 = arith.select %and3A_350, %sub3A_352, %div3A_331 : i32
        %add3A_354 = arith.constant 0 : i32
        %add3A_355 = arith.addi %add3A_354, %select_n3A_353 : i32
        %dma_start3A_356 = arith.constant 0 : i32
        %dma_start3A_357 = arith.constant 0 : i32
        %dma_start3A_358 = tpu.memref_slice %arg6[%add3A_355, %dma_start3A_357] : memref<25088x128xi32, #tpu.memory_space<hbm>> -> memref<4x128xi32, #tpu.memory_space<hbm>>
        %dma_start3A_359 = tpu.memref_slice %arg14[%dma_start3A_356] : memref<2x!tpu.dma_semaphore, #tpu.memory_space<semaphore_mem>> -> memref<1x!tpu.dma_semaphore, #tpu.memory_space<semaphore_mem>>
        %dma_start3A_360 = tpu.memref_squeeze %dma_start3A_359 : memref<1x!tpu.dma_semaphore, #tpu.memory_space<semaphore_mem>> -> memref<!tpu.dma_semaphore, #tpu.memory_space<semaphore_mem>>
        %dma_start3A_361 = arith.constant 0 : i32
        %dma_start3A_362 = tpu.memref_slice %arg6[%add3A_355, %dma_start3A_361] : memref<25088x128xi32, #tpu.memory_space<hbm>> -> memref<4x128xi32, #tpu.memory_space<hbm>>
        tpu.enqueue_dma source(%dma_start3A_362 : memref<4x128xi32, #tpu.memory_space<hbm>>) target(%arg8 : memref<4x128xi32, #tpu.memory_space<vmem>>) target_semaphore(%dma_start3A_360 : memref<!tpu.dma_semaphore, #tpu.memory_space<semaphore_mem>>)
        %dma_start3A_363 = arith.constant 0 : i32
        %dma_start3A_364 = arith.constant 0 : i32
        %dma_start3A_365 = tpu.memref_slice %arg2[%add3A_329, %dma_start3A_364] : memref<802816x16xf32, #tpu.memory_space<hbm>> -> memref<512x16xf32, #tpu.memory_space<hbm>>
        %dma_start3A_366 = tpu.memref_slice %arg14[%dma_start3A_363] : memref<2x!tpu.dma_semaphore, #tpu.memory_space<semaphore_mem>> -> memref<1x!tpu.dma_semaphore, #tpu.memory_space<semaphore_mem>>
        %dma_start3A_367 = tpu.memref_squeeze %dma_start3A_366 : memref<1x!tpu.dma_semaphore, #tpu.memory_space<semaphore_mem>> -> memref<!tpu.dma_semaphore, #tpu.memory_space<semaphore_mem>>
        %dma_start3A_368 = arith.constant 0 : i32
        %dma_start3A_369 = tpu.memref_slice %arg2[%add3A_329, %dma_start3A_368] : memref<802816x16xf32, #tpu.memory_space<hbm>> -> memref<512x16xf32, #tpu.memory_space<hbm>>
        tpu.enqueue_dma source(%dma_start3A_369 : memref<512x16xf32, #tpu.memory_space<hbm>>) target(%arg10 : memref<512x16xf32, #tpu.memory_space<vmem>>) target_semaphore(%dma_start3A_367 : memref<!tpu.dma_semaphore, #tpu.memory_space<semaphore_mem>>)
      } else {
      }
      %mul3A_269 = arith.constant 25088 : i32
      %mul3A_270 = arith.muli %add3A, %mul3A_269 : i32
      %mul3A_271 = arith.constant 512 : i32
      %mul3A_272 = arith.muli %add3A_105, %mul3A_271 : i32
      %add3A_273 = arith.addi %mul3A_270, %mul3A_272 : i32
      %jit3A_274 = arith.constant 128 : i32
      %div3A_275 = arith.divsi %add3A_273, %jit3A_274 : i32
      %sign3A_276 = arith.constant 0 : i32
      %sign3A_277 = arith.cmpi sgt, %add3A_273, %sign3A_276 : i32
      %sign3A_278 = arith.extui %sign3A_277 : i1 to i32
      %sign3A_279 = arith.constant 0 : i32
      %sign3A_280 = arith.cmpi slt, %add3A_273, %sign3A_279 : i32
      %sign3A_281 = arith.extui %sign3A_280 : i1 to i32
      %sign3A_282 = arith.subi %sign3A_278, %sign3A_281 : i32
      %sign3A_283 = arith.constant 0 : i32
      %sign3A_284 = arith.cmpi sgt, %jit3A_274, %sign3A_283 : i32
      %sign3A_285 = arith.extui %sign3A_284 : i1 to i32
      %sign3A_286 = arith.constant 0 : i32
      %sign3A_287 = arith.cmpi slt, %jit3A_274, %sign3A_286 : i32
      %sign3A_288 = arith.extui %sign3A_287 : i1 to i32
      %sign3A_289 = arith.subi %sign3A_285, %sign3A_288 : i32
      %ne3A_290 = arith.cmpi ne, %sign3A_282, %sign3A_289 : i32
      %rem3A_291 = arith.remsi %add3A_273, %jit3A_274 : i32
      %ne3A_292 = arith.constant 0 : i32
      %ne3A_293 = arith.cmpi ne, %rem3A_291, %ne3A_292 : i32
      %and3A_294 = arith.andi %ne3A_290, %ne3A_293 : i1
      %sub3A_295 = arith.constant 1 : i32
      %sub3A_296 = arith.subi %div3A_275, %sub3A_295 : i32
      %select_n3A_297 = arith.select %and3A_294, %sub3A_296, %div3A_275 : i32
      %add3A_298 = arith.constant 18816 : i32
      %add3A_299 = arith.addi %add3A_298, %select_n3A_297 : i32
      %dma_wait3A_300 = arith.constant 1 : i32
      %dma_wait3A_301 = arith.constant 0 : i32
      %dma_wait3A_302 = tpu.memref_slice %arg6[%add3A_299, %dma_wait3A_301] : memref<25088x128xi32, #tpu.memory_space<hbm>> -> memref<4x128xi32, #tpu.memory_space<hbm>>
      %dma_wait3A_303 = tpu.memref_slice %arg14[%dma_wait3A_300] : memref<2x!tpu.dma_semaphore, #tpu.memory_space<semaphore_mem>> -> memref<1x!tpu.dma_semaphore, #tpu.memory_space<semaphore_mem>>
      %dma_wait3A_304 = tpu.memref_squeeze %dma_wait3A_303 : memref<1x!tpu.dma_semaphore, #tpu.memory_space<semaphore_mem>> -> memref<!tpu.dma_semaphore, #tpu.memory_space<semaphore_mem>>
      %dma_wait3A_305 = arith.constant 0 : i32
      %dma_wait3A_306 = tpu.memref_slice %arg6[%add3A_299, %dma_wait3A_305] : memref<25088x128xi32, #tpu.memory_space<hbm>> -> memref<4x128xi32, #tpu.memory_space<hbm>>
      tpu.wait_dma2 semaphore(%dma_wait3A_304 : memref<!tpu.dma_semaphore, #tpu.memory_space<semaphore_mem>>) src(%dma_wait3A_306 : memref<4x128xi32, #tpu.memory_space<hbm>>) dst(%arg9 : memref<4x128xi32, #tpu.memory_space<vmem>>)
      %dma_wait3A_307 = arith.constant 1 : i32
      %dma_wait3A_308 = arith.constant 0 : i32
      %dma_wait3A_309 = tpu.memref_slice %arg5[%add3A_273, %dma_wait3A_308] : memref<802816x16xf32, #tpu.memory_space<hbm>> -> memref<512x16xf32, #tpu.memory_space<hbm>>
      %dma_wait3A_310 = tpu.memref_slice %arg14[%dma_wait3A_307] : memref<2x!tpu.dma_semaphore, #tpu.memory_space<semaphore_mem>> -> memref<1x!tpu.dma_semaphore, #tpu.memory_space<semaphore_mem>>
      %dma_wait3A_311 = tpu.memref_squeeze %dma_wait3A_310 : memref<1x!tpu.dma_semaphore, #tpu.memory_space<semaphore_mem>> -> memref<!tpu.dma_semaphore, #tpu.memory_space<semaphore_mem>>
      %dma_wait3A_312 = arith.constant 0 : i32
      %dma_wait3A_313 = tpu.memref_slice %arg5[%add3A_273, %dma_wait3A_312] : memref<802816x16xf32, #tpu.memory_space<hbm>> -> memref<512x16xf32, #tpu.memory_space<hbm>>
      tpu.wait_dma2 semaphore(%dma_wait3A_311 : memref<!tpu.dma_semaphore, #tpu.memory_space<semaphore_mem>>) src(%dma_wait3A_313 : memref<512x16xf32, #tpu.memory_space<hbm>>) dst(%arg11 : memref<512x16xf32, #tpu.memory_space<vmem>>)
      %run_scoped3A_314 = arith.constant 0 : i32
      "tpu.region"() ({
        %run_scoped3A_325 = tpu.sem_alloc : memref<!tpu.dma_semaphore, #tpu.memory_space<semaphore_mem>>
        %dma_start3A_326 = arith.constant 0 : i32
        %dma_start3A_327 = arith.constant 0 : i32
        %dma_start3A_328 = tpu.memref_slice %arg11[%dma_start3A_326, %dma_start3A_327] : memref<512x16xf32, #tpu.memory_space<vmem>> -> memref<128x16xf32, #tpu.memory_space<vmem>>
        %dma_start3A_329 = arith.constant 0 : i32
        %dma_start3A_330 = tpu.memref_slice %arg9[%run_scoped3A_314, %dma_start3A_329] : memref<4x128xi32, #tpu.memory_space<vmem>> -> memref<1x128xi32, #tpu.memory_space<vmem>>
        %dma_start3A_331 = tpu.memref_squeeze %dma_start3A_330 : memref<1x128xi32, #tpu.memory_space<vmem>> -> memref<128xi32, #tpu.memory_space<vmem>>
        %dma_start3A_332 = arith.constant 0 : i32
        %dma_start3A_333 = arith.constant 0 : i32
        %dma_start3A_334 = tpu.memref_slice %arg13[%dma_start3A_332, %dma_start3A_333] : memref<100352x16xf32, #tpu.memory_space<vmem_shared>> -> memref<100352x16xf32, #tpu.memory_space<vmem_shared>>
        tpu.enqueue_indirect_dma source(%dma_start3A_328 : memref<128x16xf32, #tpu.memory_space<vmem>>) target(%dma_start3A_334 : memref<100352x16xf32, #tpu.memory_space<vmem_shared>>) offsets(%dma_start3A_331 : memref<128xi32, #tpu.memory_space<vmem>>) semaphore(%run_scoped3A_325 : memref<!tpu.dma_semaphore, #tpu.memory_space<semaphore_mem>>) {add = true}
        %dma_wait3A_335 = arith.constant 0 : i32
        %dma_wait3A_336 = arith.constant 0 : i32
        %dma_wait3A_337 = tpu.memref_slice %arg11[%dma_wait3A_335, %dma_wait3A_336] : memref<512x16xf32, #tpu.memory_space<vmem>> -> memref<128x16xf32, #tpu.memory_space<vmem>>
        %dma_wait3A_338 = arith.constant 0 : i32
        %dma_wait3A_339 = tpu.memref_slice %arg9[%run_scoped3A_314, %dma_wait3A_338] : memref<4x128xi32, #tpu.memory_space<vmem>> -> memref<1x128xi32, #tpu.memory_space<vmem>>
        %dma_wait3A_340 = tpu.memref_squeeze %dma_wait3A_339 : memref<1x128xi32, #tpu.memory_space<vmem>> -> memref<128xi32, #tpu.memory_space<vmem>>
        %dma_wait3A_341 = arith.constant 0 : i32
        %dma_wait3A_342 = arith.constant 0 : i32
        %dma_wait3A_343 = tpu.memref_slice %arg13[%dma_wait3A_341, %dma_wait3A_342] : memref<100352x16xf32, #tpu.memory_space<vmem_shared>> -> memref<100352x16xf32, #tpu.memory_space<vmem_shared>>
        tpu.wait_indirect_dma semaphore(%run_scoped3A_325 : memref<!tpu.dma_semaphore, #tpu.memory_space<semaphore_mem>>) src(%dma_wait3A_337 : memref<128x16xf32, #tpu.memory_space<vmem>>) dst(%dma_wait3A_343 : memref<100352x16xf32, #tpu.memory_space<vmem_shared>>)
        tpu.yield
      }) : () -> ()
      %run_scoped3A_315 = arith.constant 1 : i32
      "tpu.region"() ({
        %run_scoped3A_325 = tpu.sem_alloc : memref<!tpu.dma_semaphore, #tpu.memory_space<semaphore_mem>>
        %dma_start3A_326 = arith.constant 128 : i32
        %dma_start3A_327 = arith.constant 0 : i32
        %dma_start3A_328 = tpu.memref_slice %arg11[%dma_start3A_326, %dma_start3A_327] : memref<512x16xf32, #tpu.memory_space<vmem>> -> memref<128x16xf32, #tpu.memory_space<vmem>>
        %dma_start3A_329 = arith.constant 0 : i32
        %dma_start3A_330 = tpu.memref_slice %arg9[%run_scoped3A_315, %dma_start3A_329] : memref<4x128xi32, #tpu.memory_space<vmem>> -> memref<1x128xi32, #tpu.memory_space<vmem>>
        %dma_start3A_331 = tpu.memref_squeeze %dma_start3A_330 : memref<1x128xi32, #tpu.memory_space<vmem>> -> memref<128xi32, #tpu.memory_space<vmem>>
        %dma_start3A_332 = arith.constant 0 : i32
        %dma_start3A_333 = arith.constant 0 : i32
        %dma_start3A_334 = tpu.memref_slice %arg13[%dma_start3A_332, %dma_start3A_333] : memref<100352x16xf32, #tpu.memory_space<vmem_shared>> -> memref<100352x16xf32, #tpu.memory_space<vmem_shared>>
        tpu.enqueue_indirect_dma source(%dma_start3A_328 : memref<128x16xf32, #tpu.memory_space<vmem>>) target(%dma_start3A_334 : memref<100352x16xf32, #tpu.memory_space<vmem_shared>>) offsets(%dma_start3A_331 : memref<128xi32, #tpu.memory_space<vmem>>) semaphore(%run_scoped3A_325 : memref<!tpu.dma_semaphore, #tpu.memory_space<semaphore_mem>>) {add = true}
        %dma_wait3A_335 = arith.constant 128 : i32
        %dma_wait3A_336 = arith.constant 0 : i32
        %dma_wait3A_337 = tpu.memref_slice %arg11[%dma_wait3A_335, %dma_wait3A_336] : memref<512x16xf32, #tpu.memory_space<vmem>> -> memref<128x16xf32, #tpu.memory_space<vmem>>
        %dma_wait3A_338 = arith.constant 0 : i32
        %dma_wait3A_339 = tpu.memref_slice %arg9[%run_scoped3A_315, %dma_wait3A_338] : memref<4x128xi32, #tpu.memory_space<vmem>> -> memref<1x128xi32, #tpu.memory_space<vmem>>
        %dma_wait3A_340 = tpu.memref_squeeze %dma_wait3A_339 : memref<1x128xi32, #tpu.memory_space<vmem>> -> memref<128xi32, #tpu.memory_space<vmem>>
        %dma_wait3A_341 = arith.constant 0 : i32
        %dma_wait3A_342 = arith.constant 0 : i32
        %dma_wait3A_343 = tpu.memref_slice %arg13[%dma_wait3A_341, %dma_wait3A_342] : memref<100352x16xf32, #tpu.memory_space<vmem_shared>> -> memref<100352x16xf32, #tpu.memory_space<vmem_shared>>
        tpu.wait_indirect_dma semaphore(%run_scoped3A_325 : memref<!tpu.dma_semaphore, #tpu.memory_space<semaphore_mem>>) src(%dma_wait3A_337 : memref<128x16xf32, #tpu.memory_space<vmem>>) dst(%dma_wait3A_343 : memref<100352x16xf32, #tpu.memory_space<vmem_shared>>)
        tpu.yield
      }) : () -> ()
      %run_scoped3A_316 = arith.constant 2 : i32
      "tpu.region"() ({
        %run_scoped3A_325 = tpu.sem_alloc : memref<!tpu.dma_semaphore, #tpu.memory_space<semaphore_mem>>
        %dma_start3A_326 = arith.constant 256 : i32
        %dma_start3A_327 = arith.constant 0 : i32
        %dma_start3A_328 = tpu.memref_slice %arg11[%dma_start3A_326, %dma_start3A_327] : memref<512x16xf32, #tpu.memory_space<vmem>> -> memref<128x16xf32, #tpu.memory_space<vmem>>
        %dma_start3A_329 = arith.constant 0 : i32
        %dma_start3A_330 = tpu.memref_slice %arg9[%run_scoped3A_316, %dma_start3A_329] : memref<4x128xi32, #tpu.memory_space<vmem>> -> memref<1x128xi32, #tpu.memory_space<vmem>>
        %dma_start3A_331 = tpu.memref_squeeze %dma_start3A_330 : memref<1x128xi32, #tpu.memory_space<vmem>> -> memref<128xi32, #tpu.memory_space<vmem>>
        %dma_start3A_332 = arith.constant 0 : i32
        %dma_start3A_333 = arith.constant 0 : i32
        %dma_start3A_334 = tpu.memref_slice %arg13[%dma_start3A_332, %dma_start3A_333] : memref<100352x16xf32, #tpu.memory_space<vmem_shared>> -> memref<100352x16xf32, #tpu.memory_space<vmem_shared>>
        tpu.enqueue_indirect_dma source(%dma_start3A_328 : memref<128x16xf32, #tpu.memory_space<vmem>>) target(%dma_start3A_334 : memref<100352x16xf32, #tpu.memory_space<vmem_shared>>) offsets(%dma_start3A_331 : memref<128xi32, #tpu.memory_space<vmem>>) semaphore(%run_scoped3A_325 : memref<!tpu.dma_semaphore, #tpu.memory_space<semaphore_mem>>) {add = true}
        %dma_wait3A_335 = arith.constant 256 : i32
        %dma_wait3A_336 = arith.constant 0 : i32
        %dma_wait3A_337 = tpu.memref_slice %arg11[%dma_wait3A_335, %dma_wait3A_336] : memref<512x16xf32, #tpu.memory_space<vmem>> -> memref<128x16xf32, #tpu.memory_space<vmem>>
        %dma_wait3A_338 = arith.constant 0 : i32
        %dma_wait3A_339 = tpu.memref_slice %arg9[%run_scoped3A_316, %dma_wait3A_338] : memref<4x128xi32, #tpu.memory_space<vmem>> -> memref<1x128xi32, #tpu.memory_space<vmem>>
        %dma_wait3A_340 = tpu.memref_squeeze %dma_wait3A_339 : memref<1x128xi32, #tpu.memory_space<vmem>> -> memref<128xi32, #tpu.memory_space<vmem>>
        %dma_wait3A_341 = arith.constant 0 : i32
        %dma_wait3A_342 = arith.constant 0 : i32
        %dma_wait3A_343 = tpu.memref_slice %arg13[%dma_wait3A_341, %dma_wait3A_342] : memref<100352x16xf32, #tpu.memory_space<vmem_shared>> -> memref<100352x16xf32, #tpu.memory_space<vmem_shared>>
        tpu.wait_indirect_dma semaphore(%run_scoped3A_325 : memref<!tpu.dma_semaphore, #tpu.memory_space<semaphore_mem>>) src(%dma_wait3A_337 : memref<128x16xf32, #tpu.memory_space<vmem>>) dst(%dma_wait3A_343 : memref<100352x16xf32, #tpu.memory_space<vmem_shared>>)
        tpu.yield
      }) : () -> ()
      %run_scoped3A_317 = arith.constant 3 : i32
      "tpu.region"() ({
        %run_scoped3A_325 = tpu.sem_alloc : memref<!tpu.dma_semaphore, #tpu.memory_space<semaphore_mem>>
        %dma_start3A_326 = arith.constant 384 : i32
        %dma_start3A_327 = arith.constant 0 : i32
        %dma_start3A_328 = tpu.memref_slice %arg11[%dma_start3A_326, %dma_start3A_327] : memref<512x16xf32, #tpu.memory_space<vmem>> -> memref<128x16xf32, #tpu.memory_space<vmem>>
        %dma_start3A_329 = arith.constant 0 : i32
        %dma_start3A_330 = tpu.memref_slice %arg9[%run_scoped3A_317, %dma_start3A_329] : memref<4x128xi32, #tpu.memory_space<vmem>> -> memref<1x128xi32, #tpu.memory_space<vmem>>
        %dma_start3A_331 = tpu.memref_squeeze %dma_start3A_330 : memref<1x128xi32, #tpu.memory_space<vmem>> -> memref<128xi32, #tpu.memory_space<vmem>>
        %dma_start3A_332 = arith.constant 0 : i32
        %dma_start3A_333 = arith.constant 0 : i32
        %dma_start3A_334 = tpu.memref_slice %arg13[%dma_start3A_332, %dma_start3A_333] : memref<100352x16xf32, #tpu.memory_space<vmem_shared>> -> memref<100352x16xf32, #tpu.memory_space<vmem_shared>>
        tpu.enqueue_indirect_dma source(%dma_start3A_328 : memref<128x16xf32, #tpu.memory_space<vmem>>) target(%dma_start3A_334 : memref<100352x16xf32, #tpu.memory_space<vmem_shared>>) offsets(%dma_start3A_331 : memref<128xi32, #tpu.memory_space<vmem>>) semaphore(%run_scoped3A_325 : memref<!tpu.dma_semaphore, #tpu.memory_space<semaphore_mem>>) {add = true}
        %dma_wait3A_335 = arith.constant 384 : i32
        %dma_wait3A_336 = arith.constant 0 : i32
        %dma_wait3A_337 = tpu.memref_slice %arg11[%dma_wait3A_335, %dma_wait3A_336] : memref<512x16xf32, #tpu.memory_space<vmem>> -> memref<128x16xf32, #tpu.memory_space<vmem>>
        %dma_wait3A_338 = arith.constant 0 : i32
        %dma_wait3A_339 = tpu.memref_slice %arg9[%run_scoped3A_317, %dma_wait3A_338] : memref<4x128xi32, #tpu.memory_space<vmem>> -> memref<1x128xi32, #tpu.memory_space<vmem>>
        %dma_wait3A_340 = tpu.memref_squeeze %dma_wait3A_339 : memref<1x128xi32, #tpu.memory_space<vmem>> -> memref<128xi32, #tpu.memory_space<vmem>>
        %dma_wait3A_341 = arith.constant 0 : i32
        %dma_wait3A_342 = arith.constant 0 : i32
        %dma_wait3A_343 = tpu.memref_slice %arg13[%dma_wait3A_341, %dma_wait3A_342] : memref<100352x16xf32, #tpu.memory_space<vmem_shared>> -> memref<100352x16xf32, #tpu.memory_space<vmem_shared>>
        tpu.wait_indirect_dma semaphore(%run_scoped3A_325 : memref<!tpu.dma_semaphore, #tpu.memory_space<semaphore_mem>>) src(%dma_wait3A_337 : memref<128x16xf32, #tpu.memory_space<vmem>>) dst(%dma_wait3A_343 : memref<100352x16xf32, #tpu.memory_space<vmem_shared>>)
        tpu.yield
      }) : () -> ()
      %add3A_318 = arith.constant 1 : i32
      %add3A_319 = arith.addi %add3A_105, %add3A_318 : i32
      %lt3A_320 = arith.constant 49 : i32
      %lt3A_321 = arith.cmpi slt, %add3A_319, %lt3A_320 : i32
      %convert_element_type3A_322 = arith.extui %lt3A_321 : i1 to i32
      %cond3A_323 = arith.constant 0 : i32
      %cond3A_324 = arith.cmpi ne, %convert_element_type3A_322, %cond3A_323 : i32
      scf.if %cond3A_324 {
        %mul3A_325 = arith.constant 25088 : i32
        %mul3A_326 = arith.muli %add3A, %mul3A_325 : i32
        %mul3A_327 = arith.constant 512 : i32
        %mul3A_328 = arith.muli %add3A_319, %mul3A_327 : i32
        %add3A_329 = arith.addi %mul3A_326, %mul3A_328 : i32
        %jit3A_330 = arith.constant 128 : i32
        %div3A_331 = arith.divsi %add3A_329, %jit3A_330 : i32
        %sign3A_332 = arith.constant 0 : i32
        %sign3A_333 = arith.cmpi sgt, %add3A_329, %sign3A_332 : i32
        %sign3A_334 = arith.extui %sign3A_333 : i1 to i32
        %sign3A_335 = arith.constant 0 : i32
        %sign3A_336 = arith.cmpi slt, %add3A_329, %sign3A_335 : i32
        %sign3A_337 = arith.extui %sign3A_336 : i1 to i32
        %sign3A_338 = arith.subi %sign3A_334, %sign3A_337 : i32
        %sign3A_339 = arith.constant 0 : i32
        %sign3A_340 = arith.cmpi sgt, %jit3A_330, %sign3A_339 : i32
        %sign3A_341 = arith.extui %sign3A_340 : i1 to i32
        %sign3A_342 = arith.constant 0 : i32
        %sign3A_343 = arith.cmpi slt, %jit3A_330, %sign3A_342 : i32
        %sign3A_344 = arith.extui %sign3A_343 : i1 to i32
        %sign3A_345 = arith.subi %sign3A_341, %sign3A_344 : i32
        %ne3A_346 = arith.cmpi ne, %sign3A_338, %sign3A_345 : i32
        %rem3A_347 = arith.remsi %add3A_329, %jit3A_330 : i32
        %ne3A_348 = arith.constant 0 : i32
        %ne3A_349 = arith.cmpi ne, %rem3A_347, %ne3A_348 : i32
        %and3A_350 = arith.andi %ne3A_346, %ne3A_349 : i1
        %sub3A_351 = arith.constant 1 : i32
        %sub3A_352 = arith.subi %div3A_331, %sub3A_351 : i32
        %select_n3A_353 = arith.select %and3A_350, %sub3A_352, %div3A_331 : i32
        %add3A_354 = arith.constant 6272 : i32
        %add3A_355 = arith.addi %add3A_354, %select_n3A_353 : i32
        %dma_start3A_356 = arith.constant 1 : i32
        %dma_start3A_357 = arith.constant 0 : i32
        %dma_start3A_358 = tpu.memref_slice %arg6[%add3A_355, %dma_start3A_357] : memref<25088x128xi32, #tpu.memory_space<hbm>> -> memref<4x128xi32, #tpu.memory_space<hbm>>
        %dma_start3A_359 = tpu.memref_slice %arg14[%dma_start3A_356] : memref<2x!tpu.dma_semaphore, #tpu.memory_space<semaphore_mem>> -> memref<1x!tpu.dma_semaphore, #tpu.memory_space<semaphore_mem>>
        %dma_start3A_360 = tpu.memref_squeeze %dma_start3A_359 : memref<1x!tpu.dma_semaphore, #tpu.memory_space<semaphore_mem>> -> memref<!tpu.dma_semaphore, #tpu.memory_space<semaphore_mem>>
        %dma_start3A_361 = arith.constant 0 : i32
        %dma_start3A_362 = tpu.memref_slice %arg6[%add3A_355, %dma_start3A_361] : memref<25088x128xi32, #tpu.memory_space<hbm>> -> memref<4x128xi32, #tpu.memory_space<hbm>>
        tpu.enqueue_dma source(%dma_start3A_362 : memref<4x128xi32, #tpu.memory_space<hbm>>) target(%arg9 : memref<4x128xi32, #tpu.memory_space<vmem>>) target_semaphore(%dma_start3A_360 : memref<!tpu.dma_semaphore, #tpu.memory_space<semaphore_mem>>)
        %dma_start3A_363 = arith.constant 1 : i32
        %dma_start3A_364 = arith.constant 0 : i32
        %dma_start3A_365 = tpu.memref_slice %arg3[%add3A_329, %dma_start3A_364] : memref<802816x16xf32, #tpu.memory_space<hbm>> -> memref<512x16xf32, #tpu.memory_space<hbm>>
        %dma_start3A_366 = tpu.memref_slice %arg14[%dma_start3A_363] : memref<2x!tpu.dma_semaphore, #tpu.memory_space<semaphore_mem>> -> memref<1x!tpu.dma_semaphore, #tpu.memory_space<semaphore_mem>>
        %dma_start3A_367 = tpu.memref_squeeze %dma_start3A_366 : memref<1x!tpu.dma_semaphore, #tpu.memory_space<semaphore_mem>> -> memref<!tpu.dma_semaphore, #tpu.memory_space<semaphore_mem>>
        %dma_start3A_368 = arith.constant 0 : i32
        %dma_start3A_369 = tpu.memref_slice %arg3[%add3A_329, %dma_start3A_368] : memref<802816x16xf32, #tpu.memory_space<hbm>> -> memref<512x16xf32, #tpu.memory_space<hbm>>
        tpu.enqueue_dma source(%dma_start3A_369 : memref<512x16xf32, #tpu.memory_space<hbm>>) target(%arg11 : memref<512x16xf32, #tpu.memory_space<vmem>>) target_semaphore(%dma_start3A_367 : memref<!tpu.dma_semaphore, #tpu.memory_space<semaphore_mem>>)
      } else {
      }
    }
    %scan3A_94 = arith.constant 49 : i32
    %barrier3A_95 = arith.constant 0 : index
    tpu.barrier barrier_id(%barrier3A_95)
    %scan3A_96 = arith.constant 0 : i32
    %scan3A_97 = arith.constant 32 : i32
    %scan3A_98 = arith.addi %scan3A_96, %scan3A_97 : i32
    %scan3A_99 = arith.constant 1 : i32
    scf.for %scan3A_101 = %scan3A_96 to %scan3A_98 step %scan3A_99  : i32 {
      %mul3A_102 = arith.constant 196 : i32
      %mul3A_103 = arith.muli %scan3A_101, %mul3A_102 : i32
      %add3A_104 = arith.constant 0 : i32
      %add3A_105 = arith.addi %add3A_104, %mul3A_103 : i32
      %mul3A_106 = arith.constant 6272 : i32
      %mul3A_107 = arith.muli %arg1, %mul3A_106 : i32
      %add3A_108 = arith.addi %mul3A_107, %add3A_105 : i32
      %mul3A_109 = arith.constant 6272 : i32
      %mul3A_110 = arith.muli %arg1, %mul3A_109 : i32
      %add3A_111 = arith.addi %mul3A_110, %add3A_105 : i32
      "tpu.region"() ({
        %run_scoped3A = tpu.sem_alloc : memref<!tpu.dma_semaphore, #tpu.memory_space<semaphore_mem>>
        %dma_start3A_112 = arith.constant 0 : i32
        %dma_start3A_113 = tpu.memref_slice %arg7[%arg0, %add3A_111, %dma_start3A_112] : memref<2x100352x16xf32, #tpu.memory_space<hbm>> -> memref<1x196x16xf32, #tpu.memory_space<hbm>>
        %dma_start3A_114 = tpu.memref_squeeze %dma_start3A_113 : memref<1x196x16xf32, #tpu.memory_space<hbm>> -> memref<196x16xf32, #tpu.memory_space<hbm>>
        %dma_start3A_115 = arith.constant 0 : i32
        %dma_start3A_116 = tpu.memref_slice %arg13[%add3A_108, %dma_start3A_115] : memref<100352x16xf32, #tpu.memory_space<vmem_shared>> -> memref<196x16xf32, #tpu.memory_space<vmem_shared>>
        tpu.enqueue_dma source(%dma_start3A_116 : memref<196x16xf32, #tpu.memory_space<vmem_shared>>) target(%dma_start3A_114 : memref<196x16xf32, #tpu.memory_space<hbm>>) target_semaphore(%run_scoped3A : memref<!tpu.dma_semaphore, #tpu.memory_space<semaphore_mem>>)
        %dma_wait3A = arith.constant 0 : i32
        %dma_wait3A_117 = tpu.memref_slice %arg7[%arg0, %add3A_111, %dma_wait3A] : memref<2x100352x16xf32, #tpu.memory_space<hbm>> -> memref<1x196x16xf32, #tpu.memory_space<hbm>>
        %dma_wait3A_118 = tpu.memref_squeeze %dma_wait3A_117 : memref<1x196x16xf32, #tpu.memory_space<hbm>> -> memref<196x16xf32, #tpu.memory_space<hbm>>
        %dma_wait3A_119 = arith.constant 0 : i32
        %dma_wait3A_120 = tpu.memref_slice %arg13[%add3A_108, %dma_wait3A_119] : memref<100352x16xf32, #tpu.memory_space<vmem_shared>> -> memref<196x16xf32, #tpu.memory_space<vmem_shared>>
        tpu.wait_dma2 semaphore(%run_scoped3A : memref<!tpu.dma_semaphore, #tpu.memory_space<semaphore_mem>>) src(%dma_wait3A_120 : memref<196x16xf32, #tpu.memory_space<vmem_shared>>) dst(%dma_wait3A_118 : memref<196x16xf32, #tpu.memory_space<hbm>>)
        tpu.yield
      }) : () -> ()
    }
    %scan3A_100 = arith.constant 32 : i32
    return
  }
}

#map = affine_map<(d0, d1) -> (0, 0)>
module attributes {stable_mosaic.version = 14 : i64} {
  func.func @_sc1_body(%arg0: i32, %arg1: i32, %arg2: memref<100000x8xf32, #tpu.memory_space<hbm>>, %arg3: memref<25088x128xi32, #tpu.memory_space<hbm>>, %arg4: memref<25088x128xi32, #tpu.memory_space<hbm>>, %arg5: memref<100352x128xf32, #tpu.memory_space<hbm>>, %arg6: memref<8x128xi32, #tpu.memory_space<vmem>>, %arg7: memref<8x128xi32, #tpu.memory_space<vmem>>, %arg8: memref<8x128xi32, #tpu.memory_space<vmem>>, %arg9: memref<8x128xi32, #tpu.memory_space<vmem>>, %arg10: memref<1024x8xf32, #tpu.memory_space<vmem>>, %arg11: memref<1024x8xf32, #tpu.memory_space<vmem>>, %arg12: memref<1024x8xf32, #tpu.memory_space<vmem>>, %arg13: memref<1024x8xf32, #tpu.memory_space<vmem>>, %arg14: memref<128x32xf32, #tpu.memory_space<vmem>>, %arg15: memref<128x32xf32, #tpu.memory_space<vmem>>, %arg16: memref<2x!tpu.dma_semaphore, #tpu.memory_space<semaphore_mem>>, %arg17: memref<2x!tpu.dma_semaphore, #tpu.memory_space<semaphore_mem>>, %arg18: memref<2x!tpu.dma_semaphore, #tpu.memory_space<semaphore_mem>>) attributes {dimension_semantics = [#tpu.dimension_semantics<core_parallel>, #tpu.dimension_semantics<subcore_parallel>], iteration_bounds = array<i64: 2, 16>, scalar_prefetch = 0 : i64, scratch_operands = 13 : i64, tpu.core_type = #tpu.core_type<sc_vector_subcore>, window_params = [{transform_indices = #map}, {transform_indices = #map}, {transform_indices = #map}, {transform_indices = #map}]} {
    %mul3A = arith.constant 16 : i32
    %mul3A_0 = arith.muli %arg0, %mul3A : i32
    %add3A = arith.addi %mul3A_0, %arg1 : i32
    %mul3A_1 = arith.constant 784 : i32
    %mul3A_2 = arith.muli %add3A, %mul3A_1 : i32
    %add3A_3 = arith.constant 0 : i32
    %add3A_4 = arith.addi %mul3A_2, %add3A_3 : i32
    %dma_start3A = arith.constant 0 : i32
    %dma_start3A_5 = arith.constant 0 : i32
    %dma_start3A_6 = tpu.memref_slice %arg3[%add3A_4, %dma_start3A_5] : memref<25088x128xi32, #tpu.memory_space<hbm>> -> memref<8x128xi32, #tpu.memory_space<hbm>>
    %dma_start3A_7 = tpu.memref_slice %arg16[%dma_start3A] : memref<2x!tpu.dma_semaphore, #tpu.memory_space<semaphore_mem>> -> memref<1x!tpu.dma_semaphore, #tpu.memory_space<semaphore_mem>>
    %dma_start3A_8 = tpu.memref_squeeze %dma_start3A_7 : memref<1x!tpu.dma_semaphore, #tpu.memory_space<semaphore_mem>> -> memref<!tpu.dma_semaphore, #tpu.memory_space<semaphore_mem>>
    %dma_start3A_9 = arith.constant 0 : i32
    %dma_start3A_10 = tpu.memref_slice %arg3[%add3A_4, %dma_start3A_9] : memref<25088x128xi32, #tpu.memory_space<hbm>> -> memref<8x128xi32, #tpu.memory_space<hbm>>
    tpu.enqueue_dma source(%dma_start3A_10 : memref<8x128xi32, #tpu.memory_space<hbm>>) target(%arg6 : memref<8x128xi32, #tpu.memory_space<vmem>>) target_semaphore(%dma_start3A_8 : memref<!tpu.dma_semaphore, #tpu.memory_space<semaphore_mem>>)
    %dma_start3A_11 = arith.constant 0 : i32
    %dma_start3A_12 = arith.constant 0 : i32
    %dma_start3A_13 = tpu.memref_slice %arg4[%add3A_4, %dma_start3A_12] : memref<25088x128xi32, #tpu.memory_space<hbm>> -> memref<8x128xi32, #tpu.memory_space<hbm>>
    %dma_start3A_14 = tpu.memref_slice %arg16[%dma_start3A_11] : memref<2x!tpu.dma_semaphore, #tpu.memory_space<semaphore_mem>> -> memref<1x!tpu.dma_semaphore, #tpu.memory_space<semaphore_mem>>
    %dma_start3A_15 = tpu.memref_squeeze %dma_start3A_14 : memref<1x!tpu.dma_semaphore, #tpu.memory_space<semaphore_mem>> -> memref<!tpu.dma_semaphore, #tpu.memory_space<semaphore_mem>>
    %dma_start3A_16 = arith.constant 0 : i32
    %dma_start3A_17 = tpu.memref_slice %arg4[%add3A_4, %dma_start3A_16] : memref<25088x128xi32, #tpu.memory_space<hbm>> -> memref<8x128xi32, #tpu.memory_space<hbm>>
    tpu.enqueue_dma source(%dma_start3A_17 : memref<8x128xi32, #tpu.memory_space<hbm>>) target(%arg8 : memref<8x128xi32, #tpu.memory_space<vmem>>) target_semaphore(%dma_start3A_15 : memref<!tpu.dma_semaphore, #tpu.memory_space<semaphore_mem>>)
    %add3A_18 = arith.constant 8 : i32
    %add3A_19 = arith.addi %mul3A_2, %add3A_18 : i32
    %dma_start3A_20 = arith.constant 1 : i32
    %dma_start3A_21 = arith.constant 0 : i32
    %dma_start3A_22 = tpu.memref_slice %arg3[%add3A_19, %dma_start3A_21] : memref<25088x128xi32, #tpu.memory_space<hbm>> -> memref<8x128xi32, #tpu.memory_space<hbm>>
    %dma_start3A_23 = tpu.memref_slice %arg16[%dma_start3A_20] : memref<2x!tpu.dma_semaphore, #tpu.memory_space<semaphore_mem>> -> memref<1x!tpu.dma_semaphore, #tpu.memory_space<semaphore_mem>>
    %dma_start3A_24 = tpu.memref_squeeze %dma_start3A_23 : memref<1x!tpu.dma_semaphore, #tpu.memory_space<semaphore_mem>> -> memref<!tpu.dma_semaphore, #tpu.memory_space<semaphore_mem>>
    %dma_start3A_25 = arith.constant 0 : i32
    %dma_start3A_26 = tpu.memref_slice %arg3[%add3A_19, %dma_start3A_25] : memref<25088x128xi32, #tpu.memory_space<hbm>> -> memref<8x128xi32, #tpu.memory_space<hbm>>
    tpu.enqueue_dma source(%dma_start3A_26 : memref<8x128xi32, #tpu.memory_space<hbm>>) target(%arg7 : memref<8x128xi32, #tpu.memory_space<vmem>>) target_semaphore(%dma_start3A_24 : memref<!tpu.dma_semaphore, #tpu.memory_space<semaphore_mem>>)
    %dma_start3A_27 = arith.constant 1 : i32
    %dma_start3A_28 = arith.constant 0 : i32
    %dma_start3A_29 = tpu.memref_slice %arg4[%add3A_19, %dma_start3A_28] : memref<25088x128xi32, #tpu.memory_space<hbm>> -> memref<8x128xi32, #tpu.memory_space<hbm>>
    %dma_start3A_30 = tpu.memref_slice %arg16[%dma_start3A_27] : memref<2x!tpu.dma_semaphore, #tpu.memory_space<semaphore_mem>> -> memref<1x!tpu.dma_semaphore, #tpu.memory_space<semaphore_mem>>
    %dma_start3A_31 = tpu.memref_squeeze %dma_start3A_30 : memref<1x!tpu.dma_semaphore, #tpu.memory_space<semaphore_mem>> -> memref<!tpu.dma_semaphore, #tpu.memory_space<semaphore_mem>>
    %dma_start3A_32 = arith.constant 0 : i32
    %dma_start3A_33 = tpu.memref_slice %arg4[%add3A_19, %dma_start3A_32] : memref<25088x128xi32, #tpu.memory_space<hbm>> -> memref<8x128xi32, #tpu.memory_space<hbm>>
    tpu.enqueue_dma source(%dma_start3A_33 : memref<8x128xi32, #tpu.memory_space<hbm>>) target(%arg9 : memref<8x128xi32, #tpu.memory_space<vmem>>) target_semaphore(%dma_start3A_31 : memref<!tpu.dma_semaphore, #tpu.memory_space<semaphore_mem>>)
    %add3A_34 = arith.constant 0 : i32
    %add3A_35 = arith.addi %mul3A_2, %add3A_34 : i32
    %dma_wait3A = arith.constant 0 : i32
    %dma_wait3A_36 = arith.constant 0 : i32
    %dma_wait3A_37 = tpu.memref_slice %arg3[%add3A_35, %dma_wait3A_36] : memref<25088x128xi32, #tpu.memory_space<hbm>> -> memref<8x128xi32, #tpu.memory_space<hbm>>
    %dma_wait3A_38 = tpu.memref_slice %arg16[%dma_wait3A] : memref<2x!tpu.dma_semaphore, #tpu.memory_space<semaphore_mem>> -> memref<1x!tpu.dma_semaphore, #tpu.memory_space<semaphore_mem>>
    %dma_wait3A_39 = tpu.memref_squeeze %dma_wait3A_38 : memref<1x!tpu.dma_semaphore, #tpu.memory_space<semaphore_mem>> -> memref<!tpu.dma_semaphore, #tpu.memory_space<semaphore_mem>>
    %dma_wait3A_40 = arith.constant 0 : i32
    %dma_wait3A_41 = tpu.memref_slice %arg3[%add3A_35, %dma_wait3A_40] : memref<25088x128xi32, #tpu.memory_space<hbm>> -> memref<8x128xi32, #tpu.memory_space<hbm>>
    tpu.wait_dma2 semaphore(%dma_wait3A_39 : memref<!tpu.dma_semaphore, #tpu.memory_space<semaphore_mem>>) src(%dma_wait3A_41 : memref<8x128xi32, #tpu.memory_space<hbm>>) dst(%arg6 : memref<8x128xi32, #tpu.memory_space<vmem>>)
    %dma_wait3A_42 = arith.constant 0 : i32
    %dma_wait3A_43 = arith.constant 0 : i32
    %dma_wait3A_44 = tpu.memref_slice %arg4[%add3A_35, %dma_wait3A_43] : memref<25088x128xi32, #tpu.memory_space<hbm>> -> memref<8x128xi32, #tpu.memory_space<hbm>>
    %dma_wait3A_45 = tpu.memref_slice %arg16[%dma_wait3A_42] : memref<2x!tpu.dma_semaphore, #tpu.memory_space<semaphore_mem>> -> memref<1x!tpu.dma_semaphore, #tpu.memory_space<semaphore_mem>>
    %dma_wait3A_46 = tpu.memref_squeeze %dma_wait3A_45 : memref<1x!tpu.dma_semaphore, #tpu.memory_space<semaphore_mem>> -> memref<!tpu.dma_semaphore, #tpu.memory_space<semaphore_mem>>
    %dma_wait3A_47 = arith.constant 0 : i32
    %dma_wait3A_48 = tpu.memref_slice %arg4[%add3A_35, %dma_wait3A_47] : memref<25088x128xi32, #tpu.memory_space<hbm>> -> memref<8x128xi32, #tpu.memory_space<hbm>>
    tpu.wait_dma2 semaphore(%dma_wait3A_46 : memref<!tpu.dma_semaphore, #tpu.memory_space<semaphore_mem>>) src(%dma_wait3A_48 : memref<8x128xi32, #tpu.memory_space<hbm>>) dst(%arg8 : memref<8x128xi32, #tpu.memory_space<vmem>>)
    %dma_start3A_49 = arith.constant 0 : i32
    %dma_start3A_50 = arith.constant 0 : i32
    %dma_start3A_51 = arith.constant 0 : i32
    %dma_start3A_52 = arith.constant 0 : i32
    %dma_start3A_53 = tpu.memref_slice %arg10[%dma_start3A_51, %dma_start3A_52] : memref<1024x8xf32, #tpu.memory_space<vmem>> -> memref<128x8xf32, #tpu.memory_space<vmem>>
    %dma_start3A_54 = arith.constant 0 : i32
    %dma_start3A_55 = tpu.memref_slice %arg6[%dma_start3A_49, %dma_start3A_54] : memref<8x128xi32, #tpu.memory_space<vmem>> -> memref<1x128xi32, #tpu.memory_space<vmem>>
    %dma_start3A_56 = tpu.memref_squeeze %dma_start3A_55 : memref<1x128xi32, #tpu.memory_space<vmem>> -> memref<128xi32, #tpu.memory_space<vmem>>
    %dma_start3A_57 = arith.constant 0 : i32
    %dma_start3A_58 = arith.constant 0 : i32
    %dma_start3A_59 = tpu.memref_slice %arg2[%dma_start3A_57, %dma_start3A_58] : memref<100000x8xf32, #tpu.memory_space<hbm>> -> memref<100000x8xf32, #tpu.memory_space<hbm>>
    %dma_start3A_60 = tpu.memref_slice %arg17[%dma_start3A_50] : memref<2x!tpu.dma_semaphore, #tpu.memory_space<semaphore_mem>> -> memref<1x!tpu.dma_semaphore, #tpu.memory_space<semaphore_mem>>
    %dma_start3A_61 = tpu.memref_squeeze %dma_start3A_60 : memref<1x!tpu.dma_semaphore, #tpu.memory_space<semaphore_mem>> -> memref<!tpu.dma_semaphore, #tpu.memory_space<semaphore_mem>>
    tpu.enqueue_indirect_dma source(%dma_start3A_59 : memref<100000x8xf32, #tpu.memory_space<hbm>>) target(%dma_start3A_53 : memref<128x8xf32, #tpu.memory_space<vmem>>) offsets(%dma_start3A_56 : memref<128xi32, #tpu.memory_space<vmem>>) semaphore(%dma_start3A_61 : memref<!tpu.dma_semaphore, #tpu.memory_space<semaphore_mem>>)
    %dma_start3A_62 = arith.constant 0 : i32
    %dma_start3A_63 = arith.constant 0 : i32
    %dma_start3A_64 = arith.constant 0 : i32
    %dma_start3A_65 = arith.constant 0 : i32
    %dma_start3A_66 = tpu.memref_slice %arg12[%dma_start3A_64, %dma_start3A_65] : memref<1024x8xf32, #tpu.memory_space<vmem>> -> memref<128x8xf32, #tpu.memory_space<vmem>>
    %dma_start3A_67 = arith.constant 0 : i32
    %dma_start3A_68 = tpu.memref_slice %arg8[%dma_start3A_62, %dma_start3A_67] : memref<8x128xi32, #tpu.memory_space<vmem>> -> memref<1x128xi32, #tpu.memory_space<vmem>>
    %dma_start3A_69 = tpu.memref_squeeze %dma_start3A_68 : memref<1x128xi32, #tpu.memory_space<vmem>> -> memref<128xi32, #tpu.memory_space<vmem>>
    %dma_start3A_70 = arith.constant 0 : i32
    %dma_start3A_71 = arith.constant 0 : i32
    %dma_start3A_72 = tpu.memref_slice %arg2[%dma_start3A_70, %dma_start3A_71] : memref<100000x8xf32, #tpu.memory_space<hbm>> -> memref<100000x8xf32, #tpu.memory_space<hbm>>
    %dma_start3A_73 = tpu.memref_slice %arg17[%dma_start3A_63] : memref<2x!tpu.dma_semaphore, #tpu.memory_space<semaphore_mem>> -> memref<1x!tpu.dma_semaphore, #tpu.memory_space<semaphore_mem>>
    %dma_start3A_74 = tpu.memref_squeeze %dma_start3A_73 : memref<1x!tpu.dma_semaphore, #tpu.memory_space<semaphore_mem>> -> memref<!tpu.dma_semaphore, #tpu.memory_space<semaphore_mem>>
    tpu.enqueue_indirect_dma source(%dma_start3A_72 : memref<100000x8xf32, #tpu.memory_space<hbm>>) target(%dma_start3A_66 : memref<128x8xf32, #tpu.memory_space<vmem>>) offsets(%dma_start3A_69 : memref<128xi32, #tpu.memory_space<vmem>>) semaphore(%dma_start3A_74 : memref<!tpu.dma_semaphore, #tpu.memory_space<semaphore_mem>>)
    %dma_start3A_75 = arith.constant 1 : i32
    %dma_start3A_76 = arith.constant 0 : i32
    %dma_start3A_77 = arith.constant 128 : i32
    %dma_start3A_78 = arith.constant 0 : i32
    %dma_start3A_79 = tpu.memref_slice %arg10[%dma_start3A_77, %dma_start3A_78] : memref<1024x8xf32, #tpu.memory_space<vmem>> -> memref<128x8xf32, #tpu.memory_space<vmem>>
    %dma_start3A_80 = arith.constant 0 : i32
    %dma_start3A_81 = tpu.memref_slice %arg6[%dma_start3A_75, %dma_start3A_80] : memref<8x128xi32, #tpu.memory_space<vmem>> -> memref<1x128xi32, #tpu.memory_space<vmem>>
    %dma_start3A_82 = tpu.memref_squeeze %dma_start3A_81 : memref<1x128xi32, #tpu.memory_space<vmem>> -> memref<128xi32, #tpu.memory_space<vmem>>
    %dma_start3A_83 = arith.constant 0 : i32
    %dma_start3A_84 = arith.constant 0 : i32
    %dma_start3A_85 = tpu.memref_slice %arg2[%dma_start3A_83, %dma_start3A_84] : memref<100000x8xf32, #tpu.memory_space<hbm>> -> memref<100000x8xf32, #tpu.memory_space<hbm>>
    %dma_start3A_86 = tpu.memref_slice %arg17[%dma_start3A_76] : memref<2x!tpu.dma_semaphore, #tpu.memory_space<semaphore_mem>> -> memref<1x!tpu.dma_semaphore, #tpu.memory_space<semaphore_mem>>
    %dma_start3A_87 = tpu.memref_squeeze %dma_start3A_86 : memref<1x!tpu.dma_semaphore, #tpu.memory_space<semaphore_mem>> -> memref<!tpu.dma_semaphore, #tpu.memory_space<semaphore_mem>>
    tpu.enqueue_indirect_dma source(%dma_start3A_85 : memref<100000x8xf32, #tpu.memory_space<hbm>>) target(%dma_start3A_79 : memref<128x8xf32, #tpu.memory_space<vmem>>) offsets(%dma_start3A_82 : memref<128xi32, #tpu.memory_space<vmem>>) semaphore(%dma_start3A_87 : memref<!tpu.dma_semaphore, #tpu.memory_space<semaphore_mem>>)
    %dma_start3A_88 = arith.constant 1 : i32
    %dma_start3A_89 = arith.constant 0 : i32
    %dma_start3A_90 = arith.constant 128 : i32
    %dma_start3A_91 = arith.constant 0 : i32
    %dma_start3A_92 = tpu.memref_slice %arg12[%dma_start3A_90, %dma_start3A_91] : memref<1024x8xf32, #tpu.memory_space<vmem>> -> memref<128x8xf32, #tpu.memory_space<vmem>>
    %dma_start3A_93 = arith.constant 0 : i32
    %dma_start3A_94 = tpu.memref_slice %arg8[%dma_start3A_88, %dma_start3A_93] : memref<8x128xi32, #tpu.memory_space<vmem>> -> memref<1x128xi32, #tpu.memory_space<vmem>>
    %dma_start3A_95 = tpu.memref_squeeze %dma_start3A_94 : memref<1x128xi32, #tpu.memory_space<vmem>> -> memref<128xi32, #tpu.memory_space<vmem>>
    %dma_start3A_96 = arith.constant 0 : i32
    %dma_start3A_97 = arith.constant 0 : i32
    %dma_start3A_98 = tpu.memref_slice %arg2[%dma_start3A_96, %dma_start3A_97] : memref<100000x8xf32, #tpu.memory_space<hbm>> -> memref<100000x8xf32, #tpu.memory_space<hbm>>
    %dma_start3A_99 = tpu.memref_slice %arg17[%dma_start3A_89] : memref<2x!tpu.dma_semaphore, #tpu.memory_space<semaphore_mem>> -> memref<1x!tpu.dma_semaphore, #tpu.memory_space<semaphore_mem>>
    %dma_start3A_100 = tpu.memref_squeeze %dma_start3A_99 : memref<1x!tpu.dma_semaphore, #tpu.memory_space<semaphore_mem>> -> memref<!tpu.dma_semaphore, #tpu.memory_space<semaphore_mem>>
    tpu.enqueue_indirect_dma source(%dma_start3A_98 : memref<100000x8xf32, #tpu.memory_space<hbm>>) target(%dma_start3A_92 : memref<128x8xf32, #tpu.memory_space<vmem>>) offsets(%dma_start3A_95 : memref<128xi32, #tpu.memory_space<vmem>>) semaphore(%dma_start3A_100 : memref<!tpu.dma_semaphore, #tpu.memory_space<semaphore_mem>>)
    %dma_start3A_101 = arith.constant 2 : i32
    %dma_start3A_102 = arith.constant 0 : i32
    %dma_start3A_103 = arith.constant 256 : i32
    %dma_start3A_104 = arith.constant 0 : i32
    %dma_start3A_105 = tpu.memref_slice %arg10[%dma_start3A_103, %dma_start3A_104] : memref<1024x8xf32, #tpu.memory_space<vmem>> -> memref<128x8xf32, #tpu.memory_space<vmem>>
    %dma_start3A_106 = arith.constant 0 : i32
    %dma_start3A_107 = tpu.memref_slice %arg6[%dma_start3A_101, %dma_start3A_106] : memref<8x128xi32, #tpu.memory_space<vmem>> -> memref<1x128xi32, #tpu.memory_space<vmem>>
    %dma_start3A_108 = tpu.memref_squeeze %dma_start3A_107 : memref<1x128xi32, #tpu.memory_space<vmem>> -> memref<128xi32, #tpu.memory_space<vmem>>
    %dma_start3A_109 = arith.constant 0 : i32
    %dma_start3A_110 = arith.constant 0 : i32
    %dma_start3A_111 = tpu.memref_slice %arg2[%dma_start3A_109, %dma_start3A_110] : memref<100000x8xf32, #tpu.memory_space<hbm>> -> memref<100000x8xf32, #tpu.memory_space<hbm>>
    %dma_start3A_112 = tpu.memref_slice %arg17[%dma_start3A_102] : memref<2x!tpu.dma_semaphore, #tpu.memory_space<semaphore_mem>> -> memref<1x!tpu.dma_semaphore, #tpu.memory_space<semaphore_mem>>
    %dma_start3A_113 = tpu.memref_squeeze %dma_start3A_112 : memref<1x!tpu.dma_semaphore, #tpu.memory_space<semaphore_mem>> -> memref<!tpu.dma_semaphore, #tpu.memory_space<semaphore_mem>>
    tpu.enqueue_indirect_dma source(%dma_start3A_111 : memref<100000x8xf32, #tpu.memory_space<hbm>>) target(%dma_start3A_105 : memref<128x8xf32, #tpu.memory_space<vmem>>) offsets(%dma_start3A_108 : memref<128xi32, #tpu.memory_space<vmem>>) semaphore(%dma_start3A_113 : memref<!tpu.dma_semaphore, #tpu.memory_space<semaphore_mem>>)
    %dma_start3A_114 = arith.constant 2 : i32
    %dma_start3A_115 = arith.constant 0 : i32
    %dma_start3A_116 = arith.constant 256 : i32
    %dma_start3A_117 = arith.constant 0 : i32
    %dma_start3A_118 = tpu.memref_slice %arg12[%dma_start3A_116, %dma_start3A_117] : memref<1024x8xf32, #tpu.memory_space<vmem>> -> memref<128x8xf32, #tpu.memory_space<vmem>>
    %dma_start3A_119 = arith.constant 0 : i32
    %dma_start3A_120 = tpu.memref_slice %arg8[%dma_start3A_114, %dma_start3A_119] : memref<8x128xi32, #tpu.memory_space<vmem>> -> memref<1x128xi32, #tpu.memory_space<vmem>>
    %dma_start3A_121 = tpu.memref_squeeze %dma_start3A_120 : memref<1x128xi32, #tpu.memory_space<vmem>> -> memref<128xi32, #tpu.memory_space<vmem>>
    %dma_start3A_122 = arith.constant 0 : i32
    %dma_start3A_123 = arith.constant 0 : i32
    %dma_start3A_124 = tpu.memref_slice %arg2[%dma_start3A_122, %dma_start3A_123] : memref<100000x8xf32, #tpu.memory_space<hbm>> -> memref<100000x8xf32, #tpu.memory_space<hbm>>
    %dma_start3A_125 = tpu.memref_slice %arg17[%dma_start3A_115] : memref<2x!tpu.dma_semaphore, #tpu.memory_space<semaphore_mem>> -> memref<1x!tpu.dma_semaphore, #tpu.memory_space<semaphore_mem>>
    %dma_start3A_126 = tpu.memref_squeeze %dma_start3A_125 : memref<1x!tpu.dma_semaphore, #tpu.memory_space<semaphore_mem>> -> memref<!tpu.dma_semaphore, #tpu.memory_space<semaphore_mem>>
    tpu.enqueue_indirect_dma source(%dma_start3A_124 : memref<100000x8xf32, #tpu.memory_space<hbm>>) target(%dma_start3A_118 : memref<128x8xf32, #tpu.memory_space<vmem>>) offsets(%dma_start3A_121 : memref<128xi32, #tpu.memory_space<vmem>>) semaphore(%dma_start3A_126 : memref<!tpu.dma_semaphore, #tpu.memory_space<semaphore_mem>>)
    %dma_start3A_127 = arith.constant 3 : i32
    %dma_start3A_128 = arith.constant 0 : i32
    %dma_start3A_129 = arith.constant 384 : i32
    %dma_start3A_130 = arith.constant 0 : i32
    %dma_start3A_131 = tpu.memref_slice %arg10[%dma_start3A_129, %dma_start3A_130] : memref<1024x8xf32, #tpu.memory_space<vmem>> -> memref<128x8xf32, #tpu.memory_space<vmem>>
    %dma_start3A_132 = arith.constant 0 : i32
    %dma_start3A_133 = tpu.memref_slice %arg6[%dma_start3A_127, %dma_start3A_132] : memref<8x128xi32, #tpu.memory_space<vmem>> -> memref<1x128xi32, #tpu.memory_space<vmem>>
    %dma_start3A_134 = tpu.memref_squeeze %dma_start3A_133 : memref<1x128xi32, #tpu.memory_space<vmem>> -> memref<128xi32, #tpu.memory_space<vmem>>
    %dma_start3A_135 = arith.constant 0 : i32
    %dma_start3A_136 = arith.constant 0 : i32
    %dma_start3A_137 = tpu.memref_slice %arg2[%dma_start3A_135, %dma_start3A_136] : memref<100000x8xf32, #tpu.memory_space<hbm>> -> memref<100000x8xf32, #tpu.memory_space<hbm>>
    %dma_start3A_138 = tpu.memref_slice %arg17[%dma_start3A_128] : memref<2x!tpu.dma_semaphore, #tpu.memory_space<semaphore_mem>> -> memref<1x!tpu.dma_semaphore, #tpu.memory_space<semaphore_mem>>
    %dma_start3A_139 = tpu.memref_squeeze %dma_start3A_138 : memref<1x!tpu.dma_semaphore, #tpu.memory_space<semaphore_mem>> -> memref<!tpu.dma_semaphore, #tpu.memory_space<semaphore_mem>>
    tpu.enqueue_indirect_dma source(%dma_start3A_137 : memref<100000x8xf32, #tpu.memory_space<hbm>>) target(%dma_start3A_131 : memref<128x8xf32, #tpu.memory_space<vmem>>) offsets(%dma_start3A_134 : memref<128xi32, #tpu.memory_space<vmem>>) semaphore(%dma_start3A_139 : memref<!tpu.dma_semaphore, #tpu.memory_space<semaphore_mem>>)
    %dma_start3A_140 = arith.constant 3 : i32
    %dma_start3A_141 = arith.constant 0 : i32
    %dma_start3A_142 = arith.constant 384 : i32
    %dma_start3A_143 = arith.constant 0 : i32
    %dma_start3A_144 = tpu.memref_slice %arg12[%dma_start3A_142, %dma_start3A_143] : memref<1024x8xf32, #tpu.memory_space<vmem>> -> memref<128x8xf32, #tpu.memory_space<vmem>>
    %dma_start3A_145 = arith.constant 0 : i32
    %dma_start3A_146 = tpu.memref_slice %arg8[%dma_start3A_140, %dma_start3A_145] : memref<8x128xi32, #tpu.memory_space<vmem>> -> memref<1x128xi32, #tpu.memory_space<vmem>>
    %dma_start3A_147 = tpu.memref_squeeze %dma_start3A_146 : memref<1x128xi32, #tpu.memory_space<vmem>> -> memref<128xi32, #tpu.memory_space<vmem>>
    %dma_start3A_148 = arith.constant 0 : i32
    %dma_start3A_149 = arith.constant 0 : i32
    %dma_start3A_150 = tpu.memref_slice %arg2[%dma_start3A_148, %dma_start3A_149] : memref<100000x8xf32, #tpu.memory_space<hbm>> -> memref<100000x8xf32, #tpu.memory_space<hbm>>
    %dma_start3A_151 = tpu.memref_slice %arg17[%dma_start3A_141] : memref<2x!tpu.dma_semaphore, #tpu.memory_space<semaphore_mem>> -> memref<1x!tpu.dma_semaphore, #tpu.memory_space<semaphore_mem>>
    %dma_start3A_152 = tpu.memref_squeeze %dma_start3A_151 : memref<1x!tpu.dma_semaphore, #tpu.memory_space<semaphore_mem>> -> memref<!tpu.dma_semaphore, #tpu.memory_space<semaphore_mem>>
    tpu.enqueue_indirect_dma source(%dma_start3A_150 : memref<100000x8xf32, #tpu.memory_space<hbm>>) target(%dma_start3A_144 : memref<128x8xf32, #tpu.memory_space<vmem>>) offsets(%dma_start3A_147 : memref<128xi32, #tpu.memory_space<vmem>>) semaphore(%dma_start3A_152 : memref<!tpu.dma_semaphore, #tpu.memory_space<semaphore_mem>>)
    %dma_start3A_153 = arith.constant 4 : i32
    %dma_start3A_154 = arith.constant 0 : i32
    %dma_start3A_155 = arith.constant 512 : i32
    %dma_start3A_156 = arith.constant 0 : i32
    %dma_start3A_157 = tpu.memref_slice %arg10[%dma_start3A_155, %dma_start3A_156] : memref<1024x8xf32, #tpu.memory_space<vmem>> -> memref<128x8xf32, #tpu.memory_space<vmem>>
    %dma_start3A_158 = arith.constant 0 : i32
    %dma_start3A_159 = tpu.memref_slice %arg6[%dma_start3A_153, %dma_start3A_158] : memref<8x128xi32, #tpu.memory_space<vmem>> -> memref<1x128xi32, #tpu.memory_space<vmem>>
    %dma_start3A_160 = tpu.memref_squeeze %dma_start3A_159 : memref<1x128xi32, #tpu.memory_space<vmem>> -> memref<128xi32, #tpu.memory_space<vmem>>
    %dma_start3A_161 = arith.constant 0 : i32
    %dma_start3A_162 = arith.constant 0 : i32
    %dma_start3A_163 = tpu.memref_slice %arg2[%dma_start3A_161, %dma_start3A_162] : memref<100000x8xf32, #tpu.memory_space<hbm>> -> memref<100000x8xf32, #tpu.memory_space<hbm>>
    %dma_start3A_164 = tpu.memref_slice %arg17[%dma_start3A_154] : memref<2x!tpu.dma_semaphore, #tpu.memory_space<semaphore_mem>> -> memref<1x!tpu.dma_semaphore, #tpu.memory_space<semaphore_mem>>
    %dma_start3A_165 = tpu.memref_squeeze %dma_start3A_164 : memref<1x!tpu.dma_semaphore, #tpu.memory_space<semaphore_mem>> -> memref<!tpu.dma_semaphore, #tpu.memory_space<semaphore_mem>>
    tpu.enqueue_indirect_dma source(%dma_start3A_163 : memref<100000x8xf32, #tpu.memory_space<hbm>>) target(%dma_start3A_157 : memref<128x8xf32, #tpu.memory_space<vmem>>) offsets(%dma_start3A_160 : memref<128xi32, #tpu.memory_space<vmem>>) semaphore(%dma_start3A_165 : memref<!tpu.dma_semaphore, #tpu.memory_space<semaphore_mem>>)
    %dma_start3A_166 = arith.constant 4 : i32
    %dma_start3A_167 = arith.constant 0 : i32
    %dma_start3A_168 = arith.constant 512 : i32
    %dma_start3A_169 = arith.constant 0 : i32
    %dma_start3A_170 = tpu.memref_slice %arg12[%dma_start3A_168, %dma_start3A_169] : memref<1024x8xf32, #tpu.memory_space<vmem>> -> memref<128x8xf32, #tpu.memory_space<vmem>>
    %dma_start3A_171 = arith.constant 0 : i32
    %dma_start3A_172 = tpu.memref_slice %arg8[%dma_start3A_166, %dma_start3A_171] : memref<8x128xi32, #tpu.memory_space<vmem>> -> memref<1x128xi32, #tpu.memory_space<vmem>>
    %dma_start3A_173 = tpu.memref_squeeze %dma_start3A_172 : memref<1x128xi32, #tpu.memory_space<vmem>> -> memref<128xi32, #tpu.memory_space<vmem>>
    %dma_start3A_174 = arith.constant 0 : i32
    %dma_start3A_175 = arith.constant 0 : i32
    %dma_start3A_176 = tpu.memref_slice %arg2[%dma_start3A_174, %dma_start3A_175] : memref<100000x8xf32, #tpu.memory_space<hbm>> -> memref<100000x8xf32, #tpu.memory_space<hbm>>
    %dma_start3A_177 = tpu.memref_slice %arg17[%dma_start3A_167] : memref<2x!tpu.dma_semaphore, #tpu.memory_space<semaphore_mem>> -> memref<1x!tpu.dma_semaphore, #tpu.memory_space<semaphore_mem>>
    %dma_start3A_178 = tpu.memref_squeeze %dma_start3A_177 : memref<1x!tpu.dma_semaphore, #tpu.memory_space<semaphore_mem>> -> memref<!tpu.dma_semaphore, #tpu.memory_space<semaphore_mem>>
    tpu.enqueue_indirect_dma source(%dma_start3A_176 : memref<100000x8xf32, #tpu.memory_space<hbm>>) target(%dma_start3A_170 : memref<128x8xf32, #tpu.memory_space<vmem>>) offsets(%dma_start3A_173 : memref<128xi32, #tpu.memory_space<vmem>>) semaphore(%dma_start3A_178 : memref<!tpu.dma_semaphore, #tpu.memory_space<semaphore_mem>>)
    %dma_start3A_179 = arith.constant 5 : i32
    %dma_start3A_180 = arith.constant 0 : i32
    %dma_start3A_181 = arith.constant 640 : i32
    %dma_start3A_182 = arith.constant 0 : i32
    %dma_start3A_183 = tpu.memref_slice %arg10[%dma_start3A_181, %dma_start3A_182] : memref<1024x8xf32, #tpu.memory_space<vmem>> -> memref<128x8xf32, #tpu.memory_space<vmem>>
    %dma_start3A_184 = arith.constant 0 : i32
    %dma_start3A_185 = tpu.memref_slice %arg6[%dma_start3A_179, %dma_start3A_184] : memref<8x128xi32, #tpu.memory_space<vmem>> -> memref<1x128xi32, #tpu.memory_space<vmem>>
    %dma_start3A_186 = tpu.memref_squeeze %dma_start3A_185 : memref<1x128xi32, #tpu.memory_space<vmem>> -> memref<128xi32, #tpu.memory_space<vmem>>
    %dma_start3A_187 = arith.constant 0 : i32
    %dma_start3A_188 = arith.constant 0 : i32
    %dma_start3A_189 = tpu.memref_slice %arg2[%dma_start3A_187, %dma_start3A_188] : memref<100000x8xf32, #tpu.memory_space<hbm>> -> memref<100000x8xf32, #tpu.memory_space<hbm>>
    %dma_start3A_190 = tpu.memref_slice %arg17[%dma_start3A_180] : memref<2x!tpu.dma_semaphore, #tpu.memory_space<semaphore_mem>> -> memref<1x!tpu.dma_semaphore, #tpu.memory_space<semaphore_mem>>
    %dma_start3A_191 = tpu.memref_squeeze %dma_start3A_190 : memref<1x!tpu.dma_semaphore, #tpu.memory_space<semaphore_mem>> -> memref<!tpu.dma_semaphore, #tpu.memory_space<semaphore_mem>>
    tpu.enqueue_indirect_dma source(%dma_start3A_189 : memref<100000x8xf32, #tpu.memory_space<hbm>>) target(%dma_start3A_183 : memref<128x8xf32, #tpu.memory_space<vmem>>) offsets(%dma_start3A_186 : memref<128xi32, #tpu.memory_space<vmem>>) semaphore(%dma_start3A_191 : memref<!tpu.dma_semaphore, #tpu.memory_space<semaphore_mem>>)
    %dma_start3A_192 = arith.constant 5 : i32
    %dma_start3A_193 = arith.constant 0 : i32
    %dma_start3A_194 = arith.constant 640 : i32
    %dma_start3A_195 = arith.constant 0 : i32
    %dma_start3A_196 = tpu.memref_slice %arg12[%dma_start3A_194, %dma_start3A_195] : memref<1024x8xf32, #tpu.memory_space<vmem>> -> memref<128x8xf32, #tpu.memory_space<vmem>>
    %dma_start3A_197 = arith.constant 0 : i32
    %dma_start3A_198 = tpu.memref_slice %arg8[%dma_start3A_192, %dma_start3A_197] : memref<8x128xi32, #tpu.memory_space<vmem>> -> memref<1x128xi32, #tpu.memory_space<vmem>>
    %dma_start3A_199 = tpu.memref_squeeze %dma_start3A_198 : memref<1x128xi32, #tpu.memory_space<vmem>> -> memref<128xi32, #tpu.memory_space<vmem>>
    %dma_start3A_200 = arith.constant 0 : i32
    %dma_start3A_201 = arith.constant 0 : i32
    %dma_start3A_202 = tpu.memref_slice %arg2[%dma_start3A_200, %dma_start3A_201] : memref<100000x8xf32, #tpu.memory_space<hbm>> -> memref<100000x8xf32, #tpu.memory_space<hbm>>
    %dma_start3A_203 = tpu.memref_slice %arg17[%dma_start3A_193] : memref<2x!tpu.dma_semaphore, #tpu.memory_space<semaphore_mem>> -> memref<1x!tpu.dma_semaphore, #tpu.memory_space<semaphore_mem>>
    %dma_start3A_204 = tpu.memref_squeeze %dma_start3A_203 : memref<1x!tpu.dma_semaphore, #tpu.memory_space<semaphore_mem>> -> memref<!tpu.dma_semaphore, #tpu.memory_space<semaphore_mem>>
    tpu.enqueue_indirect_dma source(%dma_start3A_202 : memref<100000x8xf32, #tpu.memory_space<hbm>>) target(%dma_start3A_196 : memref<128x8xf32, #tpu.memory_space<vmem>>) offsets(%dma_start3A_199 : memref<128xi32, #tpu.memory_space<vmem>>) semaphore(%dma_start3A_204 : memref<!tpu.dma_semaphore, #tpu.memory_space<semaphore_mem>>)
    %dma_start3A_205 = arith.constant 6 : i32
    %dma_start3A_206 = arith.constant 0 : i32
    %dma_start3A_207 = arith.constant 768 : i32
    %dma_start3A_208 = arith.constant 0 : i32
    %dma_start3A_209 = tpu.memref_slice %arg10[%dma_start3A_207, %dma_start3A_208] : memref<1024x8xf32, #tpu.memory_space<vmem>> -> memref<128x8xf32, #tpu.memory_space<vmem>>
    %dma_start3A_210 = arith.constant 0 : i32
    %dma_start3A_211 = tpu.memref_slice %arg6[%dma_start3A_205, %dma_start3A_210] : memref<8x128xi32, #tpu.memory_space<vmem>> -> memref<1x128xi32, #tpu.memory_space<vmem>>
    %dma_start3A_212 = tpu.memref_squeeze %dma_start3A_211 : memref<1x128xi32, #tpu.memory_space<vmem>> -> memref<128xi32, #tpu.memory_space<vmem>>
    %dma_start3A_213 = arith.constant 0 : i32
    %dma_start3A_214 = arith.constant 0 : i32
    %dma_start3A_215 = tpu.memref_slice %arg2[%dma_start3A_213, %dma_start3A_214] : memref<100000x8xf32, #tpu.memory_space<hbm>> -> memref<100000x8xf32, #tpu.memory_space<hbm>>
    %dma_start3A_216 = tpu.memref_slice %arg17[%dma_start3A_206] : memref<2x!tpu.dma_semaphore, #tpu.memory_space<semaphore_mem>> -> memref<1x!tpu.dma_semaphore, #tpu.memory_space<semaphore_mem>>
    %dma_start3A_217 = tpu.memref_squeeze %dma_start3A_216 : memref<1x!tpu.dma_semaphore, #tpu.memory_space<semaphore_mem>> -> memref<!tpu.dma_semaphore, #tpu.memory_space<semaphore_mem>>
    tpu.enqueue_indirect_dma source(%dma_start3A_215 : memref<100000x8xf32, #tpu.memory_space<hbm>>) target(%dma_start3A_209 : memref<128x8xf32, #tpu.memory_space<vmem>>) offsets(%dma_start3A_212 : memref<128xi32, #tpu.memory_space<vmem>>) semaphore(%dma_start3A_217 : memref<!tpu.dma_semaphore, #tpu.memory_space<semaphore_mem>>)
    %dma_start3A_218 = arith.constant 6 : i32
    %dma_start3A_219 = arith.constant 0 : i32
    %dma_start3A_220 = arith.constant 768 : i32
    %dma_start3A_221 = arith.constant 0 : i32
    %dma_start3A_222 = tpu.memref_slice %arg12[%dma_start3A_220, %dma_start3A_221] : memref<1024x8xf32, #tpu.memory_space<vmem>> -> memref<128x8xf32, #tpu.memory_space<vmem>>
    %dma_start3A_223 = arith.constant 0 : i32
    %dma_start3A_224 = tpu.memref_slice %arg8[%dma_start3A_218, %dma_start3A_223] : memref<8x128xi32, #tpu.memory_space<vmem>> -> memref<1x128xi32, #tpu.memory_space<vmem>>
    %dma_start3A_225 = tpu.memref_squeeze %dma_start3A_224 : memref<1x128xi32, #tpu.memory_space<vmem>> -> memref<128xi32, #tpu.memory_space<vmem>>
    %dma_start3A_226 = arith.constant 0 : i32
    %dma_start3A_227 = arith.constant 0 : i32
    %dma_start3A_228 = tpu.memref_slice %arg2[%dma_start3A_226, %dma_start3A_227] : memref<100000x8xf32, #tpu.memory_space<hbm>> -> memref<100000x8xf32, #tpu.memory_space<hbm>>
    %dma_start3A_229 = tpu.memref_slice %arg17[%dma_start3A_219] : memref<2x!tpu.dma_semaphore, #tpu.memory_space<semaphore_mem>> -> memref<1x!tpu.dma_semaphore, #tpu.memory_space<semaphore_mem>>
    %dma_start3A_230 = tpu.memref_squeeze %dma_start3A_229 : memref<1x!tpu.dma_semaphore, #tpu.memory_space<semaphore_mem>> -> memref<!tpu.dma_semaphore, #tpu.memory_space<semaphore_mem>>
    tpu.enqueue_indirect_dma source(%dma_start3A_228 : memref<100000x8xf32, #tpu.memory_space<hbm>>) target(%dma_start3A_222 : memref<128x8xf32, #tpu.memory_space<vmem>>) offsets(%dma_start3A_225 : memref<128xi32, #tpu.memory_space<vmem>>) semaphore(%dma_start3A_230 : memref<!tpu.dma_semaphore, #tpu.memory_space<semaphore_mem>>)
    %dma_start3A_231 = arith.constant 7 : i32
    %dma_start3A_232 = arith.constant 0 : i32
    %dma_start3A_233 = arith.constant 896 : i32
    %dma_start3A_234 = arith.constant 0 : i32
    %dma_start3A_235 = tpu.memref_slice %arg10[%dma_start3A_233, %dma_start3A_234] : memref<1024x8xf32, #tpu.memory_space<vmem>> -> memref<128x8xf32, #tpu.memory_space<vmem>>
    %dma_start3A_236 = arith.constant 0 : i32
    %dma_start3A_237 = tpu.memref_slice %arg6[%dma_start3A_231, %dma_start3A_236] : memref<8x128xi32, #tpu.memory_space<vmem>> -> memref<1x128xi32, #tpu.memory_space<vmem>>
    %dma_start3A_238 = tpu.memref_squeeze %dma_start3A_237 : memref<1x128xi32, #tpu.memory_space<vmem>> -> memref<128xi32, #tpu.memory_space<vmem>>
    %dma_start3A_239 = arith.constant 0 : i32
    %dma_start3A_240 = arith.constant 0 : i32
    %dma_start3A_241 = tpu.memref_slice %arg2[%dma_start3A_239, %dma_start3A_240] : memref<100000x8xf32, #tpu.memory_space<hbm>> -> memref<100000x8xf32, #tpu.memory_space<hbm>>
    %dma_start3A_242 = tpu.memref_slice %arg17[%dma_start3A_232] : memref<2x!tpu.dma_semaphore, #tpu.memory_space<semaphore_mem>> -> memref<1x!tpu.dma_semaphore, #tpu.memory_space<semaphore_mem>>
    %dma_start3A_243 = tpu.memref_squeeze %dma_start3A_242 : memref<1x!tpu.dma_semaphore, #tpu.memory_space<semaphore_mem>> -> memref<!tpu.dma_semaphore, #tpu.memory_space<semaphore_mem>>
    tpu.enqueue_indirect_dma source(%dma_start3A_241 : memref<100000x8xf32, #tpu.memory_space<hbm>>) target(%dma_start3A_235 : memref<128x8xf32, #tpu.memory_space<vmem>>) offsets(%dma_start3A_238 : memref<128xi32, #tpu.memory_space<vmem>>) semaphore(%dma_start3A_243 : memref<!tpu.dma_semaphore, #tpu.memory_space<semaphore_mem>>)
    %dma_start3A_244 = arith.constant 7 : i32
    %dma_start3A_245 = arith.constant 0 : i32
    %dma_start3A_246 = arith.constant 896 : i32
    %dma_start3A_247 = arith.constant 0 : i32
    %dma_start3A_248 = tpu.memref_slice %arg12[%dma_start3A_246, %dma_start3A_247] : memref<1024x8xf32, #tpu.memory_space<vmem>> -> memref<128x8xf32, #tpu.memory_space<vmem>>
    %dma_start3A_249 = arith.constant 0 : i32
    %dma_start3A_250 = tpu.memref_slice %arg8[%dma_start3A_244, %dma_start3A_249] : memref<8x128xi32, #tpu.memory_space<vmem>> -> memref<1x128xi32, #tpu.memory_space<vmem>>
    %dma_start3A_251 = tpu.memref_squeeze %dma_start3A_250 : memref<1x128xi32, #tpu.memory_space<vmem>> -> memref<128xi32, #tpu.memory_space<vmem>>
    %dma_start3A_252 = arith.constant 0 : i32
    %dma_start3A_253 = arith.constant 0 : i32
    %dma_start3A_254 = tpu.memref_slice %arg2[%dma_start3A_252, %dma_start3A_253] : memref<100000x8xf32, #tpu.memory_space<hbm>> -> memref<100000x8xf32, #tpu.memory_space<hbm>>
    %dma_start3A_255 = tpu.memref_slice %arg17[%dma_start3A_245] : memref<2x!tpu.dma_semaphore, #tpu.memory_space<semaphore_mem>> -> memref<1x!tpu.dma_semaphore, #tpu.memory_space<semaphore_mem>>
    %dma_start3A_256 = tpu.memref_squeeze %dma_start3A_255 : memref<1x!tpu.dma_semaphore, #tpu.memory_space<semaphore_mem>> -> memref<!tpu.dma_semaphore, #tpu.memory_space<semaphore_mem>>
    tpu.enqueue_indirect_dma source(%dma_start3A_254 : memref<100000x8xf32, #tpu.memory_space<hbm>>) target(%dma_start3A_248 : memref<128x8xf32, #tpu.memory_space<vmem>>) offsets(%dma_start3A_251 : memref<128xi32, #tpu.memory_space<vmem>>) semaphore(%dma_start3A_256 : memref<!tpu.dma_semaphore, #tpu.memory_space<semaphore_mem>>)
    %iota3A = tpu.iota {dimensions = array<i32: 0>} : vector<16xi32>
    %jit3A = arith.constant 8 : i32
    %div3A = arith.divsi %add3A, %jit3A : i32
    %sign3A = arith.constant 0 : i32
    %sign3A_257 = arith.cmpi sgt, %add3A, %sign3A : i32
    %sign3A_258 = arith.extui %sign3A_257 : i1 to i32
    %sign3A_259 = arith.constant 0 : i32
    %sign3A_260 = arith.cmpi slt, %add3A, %sign3A_259 : i32
    %sign3A_261 = arith.extui %sign3A_260 : i1 to i32
    %sign3A_262 = arith.subi %sign3A_258, %sign3A_261 : i32
    %sign3A_263 = arith.constant 0 : i32
    %sign3A_264 = arith.cmpi sgt, %jit3A, %sign3A_263 : i32
    %sign3A_265 = arith.extui %sign3A_264 : i1 to i32
    %sign3A_266 = arith.constant 0 : i32
    %sign3A_267 = arith.cmpi slt, %jit3A, %sign3A_266 : i32
    %sign3A_268 = arith.extui %sign3A_267 : i1 to i32
    %sign3A_269 = arith.subi %sign3A_265, %sign3A_268 : i32
    %ne3A = arith.cmpi ne, %sign3A_262, %sign3A_269 : i32
    %rem3A = arith.remsi %add3A, %jit3A : i32
    %ne3A_270 = arith.constant 0 : i32
    %ne3A_271 = arith.cmpi ne, %rem3A, %ne3A_270 : i32
    %and3A = arith.andi %ne3A, %ne3A_271 : i1
    %sub3A = arith.constant 1 : i32
    %sub3A_272 = arith.subi %div3A, %sub3A : i32
    %select_n3A = arith.select %and3A, %sub3A_272, %div3A : i32
    %jit3A_273 = arith.constant 8 : i32
    %eq3A = arith.constant 0 : i32
    %eq3A_274 = arith.cmpi eq, %jit3A_273, %eq3A : i32
    %jit3A_275 = arith.constant 1 : i32
    %select_n3A_276 = arith.select %eq3A_274, %jit3A_275, %jit3A_273 : i32
    %rem3A_277 = arith.remsi %add3A, %select_n3A_276 : i32
    %ne3A_278 = arith.constant 0 : i32
    %ne3A_279 = arith.cmpi ne, %rem3A_277, %ne3A_278 : i32
    %lt3A = arith.constant 0 : i32
    %lt3A_280 = arith.cmpi slt, %rem3A_277, %lt3A : i32
    %lt3A_281 = arith.constant 0 : i32
    %lt3A_282 = arith.cmpi slt, %select_n3A_276, %lt3A_281 : i32
    %ne3A_283 = arith.xori %lt3A_280, %lt3A_282 : i1
    %and3A_284 = arith.andi %ne3A_283, %ne3A_279 : i1
    %add3A_285 = arith.addi %rem3A_277, %select_n3A_276 : i32
    %select_n3A_286 = arith.select %and3A_284, %add3A_285, %rem3A_277 : i32
    %mul3A_287 = arith.constant 12544 : i32
    %mul3A_288 = arith.muli %select_n3A_286, %mul3A_287 : i32
    %scan3A = arith.constant 0 : i32
    %scan3A_289 = arith.constant 49 : i32
    %scan3A_290 = arith.addi %scan3A, %scan3A_289 : i32
    %scan3A_291 = arith.constant 1 : i32
    scf.for %scan3A_311 = %scan3A to %scan3A_290 step %scan3A_291  : i32 {
      %mul3A_312 = arith.constant 2 : i32
      %mul3A_313 = arith.muli %scan3A_311, %mul3A_312 : i32
      %add3A_314 = arith.constant 0 : i32
      %add3A_315 = arith.addi %add3A_314, %mul3A_313 : i32
      %add3A_316 = arith.constant 0 : i32
      %add3A_317 = arith.addi %add3A_315, %add3A_316 : i32
      %dma_wait3A_318 = arith.constant 0 : i32
      %dma_wait3A_319 = arith.constant 0 : i32
      %dma_wait3A_320 = arith.constant 0 : i32
      %dma_wait3A_321 = arith.constant 0 : i32
      %dma_wait3A_322 = tpu.memref_slice %arg10[%dma_wait3A_320, %dma_wait3A_321] : memref<1024x8xf32, #tpu.memory_space<vmem>> -> memref<128x8xf32, #tpu.memory_space<vmem>>
      %dma_wait3A_323 = arith.constant 0 : i32
      %dma_wait3A_324 = tpu.memref_slice %arg6[%dma_wait3A_318, %dma_wait3A_323] : memref<8x128xi32, #tpu.memory_space<vmem>> -> memref<1x128xi32, #tpu.memory_space<vmem>>
      %dma_wait3A_325 = tpu.memref_squeeze %dma_wait3A_324 : memref<1x128xi32, #tpu.memory_space<vmem>> -> memref<128xi32, #tpu.memory_space<vmem>>
      %dma_wait3A_326 = arith.constant 0 : i32
      %dma_wait3A_327 = arith.constant 0 : i32
      %dma_wait3A_328 = tpu.memref_slice %arg2[%dma_wait3A_326, %dma_wait3A_327] : memref<100000x8xf32, #tpu.memory_space<hbm>> -> memref<100000x8xf32, #tpu.memory_space<hbm>>
      %dma_wait3A_329 = tpu.memref_slice %arg17[%dma_wait3A_319] : memref<2x!tpu.dma_semaphore, #tpu.memory_space<semaphore_mem>> -> memref<1x!tpu.dma_semaphore, #tpu.memory_space<semaphore_mem>>
      %dma_wait3A_330 = tpu.memref_squeeze %dma_wait3A_329 : memref<1x!tpu.dma_semaphore, #tpu.memory_space<semaphore_mem>> -> memref<!tpu.dma_semaphore, #tpu.memory_space<semaphore_mem>>
      tpu.wait_indirect_dma semaphore(%dma_wait3A_330 : memref<!tpu.dma_semaphore, #tpu.memory_space<semaphore_mem>>) src(%dma_wait3A_328 : memref<100000x8xf32, #tpu.memory_space<hbm>>) dst(%dma_wait3A_322 : memref<128x8xf32, #tpu.memory_space<vmem>>)
      %dma_wait3A_331 = arith.constant 0 : i32
      %dma_wait3A_332 = arith.constant 0 : i32
      %dma_wait3A_333 = arith.constant 0 : i32
      %dma_wait3A_334 = arith.constant 0 : i32
      %dma_wait3A_335 = tpu.memref_slice %arg12[%dma_wait3A_333, %dma_wait3A_334] : memref<1024x8xf32, #tpu.memory_space<vmem>> -> memref<128x8xf32, #tpu.memory_space<vmem>>
      %dma_wait3A_336 = arith.constant 0 : i32
      %dma_wait3A_337 = tpu.memref_slice %arg8[%dma_wait3A_331, %dma_wait3A_336] : memref<8x128xi32, #tpu.memory_space<vmem>> -> memref<1x128xi32, #tpu.memory_space<vmem>>
      %dma_wait3A_338 = tpu.memref_squeeze %dma_wait3A_337 : memref<1x128xi32, #tpu.memory_space<vmem>> -> memref<128xi32, #tpu.memory_space<vmem>>
      %dma_wait3A_339 = arith.constant 0 : i32
      %dma_wait3A_340 = arith.constant 0 : i32
      %dma_wait3A_341 = tpu.memref_slice %arg2[%dma_wait3A_339, %dma_wait3A_340] : memref<100000x8xf32, #tpu.memory_space<hbm>> -> memref<100000x8xf32, #tpu.memory_space<hbm>>
      %dma_wait3A_342 = tpu.memref_slice %arg17[%dma_wait3A_332] : memref<2x!tpu.dma_semaphore, #tpu.memory_space<semaphore_mem>> -> memref<1x!tpu.dma_semaphore, #tpu.memory_space<semaphore_mem>>
      %dma_wait3A_343 = tpu.memref_squeeze %dma_wait3A_342 : memref<1x!tpu.dma_semaphore, #tpu.memory_space<semaphore_mem>> -> memref<!tpu.dma_semaphore, #tpu.memory_space<semaphore_mem>>
      tpu.wait_indirect_dma semaphore(%dma_wait3A_343 : memref<!tpu.dma_semaphore, #tpu.memory_space<semaphore_mem>>) src(%dma_wait3A_341 : memref<100000x8xf32, #tpu.memory_space<hbm>>) dst(%dma_wait3A_335 : memref<128x8xf32, #tpu.memory_space<vmem>>)
      %dma_wait3A_344 = arith.constant 1 : i32
      %dma_wait3A_345 = arith.constant 0 : i32
      %dma_wait3A_346 = arith.constant 128 : i32
      %dma_wait3A_347 = arith.constant 0 : i32
      %dma_wait3A_348 = tpu.memref_slice %arg10[%dma_wait3A_346, %dma_wait3A_347] : memref<1024x8xf32, #tpu.memory_space<vmem>> -> memref<128x8xf32, #tpu.memory_space<vmem>>
      %dma_wait3A_349 = arith.constant 0 : i32
      %dma_wait3A_350 = tpu.memref_slice %arg6[%dma_wait3A_344, %dma_wait3A_349] : memref<8x128xi32, #tpu.memory_space<vmem>> -> memref<1x128xi32, #tpu.memory_space<vmem>>
      %dma_wait3A_351 = tpu.memref_squeeze %dma_wait3A_350 : memref<1x128xi32, #tpu.memory_space<vmem>> -> memref<128xi32, #tpu.memory_space<vmem>>
      %dma_wait3A_352 = arith.constant 0 : i32
      %dma_wait3A_353 = arith.constant 0 : i32
      %dma_wait3A_354 = tpu.memref_slice %arg2[%dma_wait3A_352, %dma_wait3A_353] : memref<100000x8xf32, #tpu.memory_space<hbm>> -> memref<100000x8xf32, #tpu.memory_space<hbm>>
      %dma_wait3A_355 = tpu.memref_slice %arg17[%dma_wait3A_345] : memref<2x!tpu.dma_semaphore, #tpu.memory_space<semaphore_mem>> -> memref<1x!tpu.dma_semaphore, #tpu.memory_space<semaphore_mem>>
      %dma_wait3A_356 = tpu.memref_squeeze %dma_wait3A_355 : memref<1x!tpu.dma_semaphore, #tpu.memory_space<semaphore_mem>> -> memref<!tpu.dma_semaphore, #tpu.memory_space<semaphore_mem>>
      tpu.wait_indirect_dma semaphore(%dma_wait3A_356 : memref<!tpu.dma_semaphore, #tpu.memory_space<semaphore_mem>>) src(%dma_wait3A_354 : memref<100000x8xf32, #tpu.memory_space<hbm>>) dst(%dma_wait3A_348 : memref<128x8xf32, #tpu.memory_space<vmem>>)
      %dma_wait3A_357 = arith.constant 1 : i32
      %dma_wait3A_358 = arith.constant 0 : i32
      %dma_wait3A_359 = arith.constant 128 : i32
      %dma_wait3A_360 = arith.constant 0 : i32
      %dma_wait3A_361 = tpu.memref_slice %arg12[%dma_wait3A_359, %dma_wait3A_360] : memref<1024x8xf32, #tpu.memory_space<vmem>> -> memref<128x8xf32, #tpu.memory_space<vmem>>
      %dma_wait3A_362 = arith.constant 0 : i32
      %dma_wait3A_363 = tpu.memref_slice %arg8[%dma_wait3A_357, %dma_wait3A_362] : memref<8x128xi32, #tpu.memory_space<vmem>> -> memref<1x128xi32, #tpu.memory_space<vmem>>
      %dma_wait3A_364 = tpu.memref_squeeze %dma_wait3A_363 : memref<1x128xi32, #tpu.memory_space<vmem>> -> memref<128xi32, #tpu.memory_space<vmem>>
      %dma_wait3A_365 = arith.constant 0 : i32
      %dma_wait3A_366 = arith.constant 0 : i32
      %dma_wait3A_367 = tpu.memref_slice %arg2[%dma_wait3A_365, %dma_wait3A_366] : memref<100000x8xf32, #tpu.memory_space<hbm>> -> memref<100000x8xf32, #tpu.memory_space<hbm>>
      %dma_wait3A_368 = tpu.memref_slice %arg17[%dma_wait3A_358] : memref<2x!tpu.dma_semaphore, #tpu.memory_space<semaphore_mem>> -> memref<1x!tpu.dma_semaphore, #tpu.memory_space<semaphore_mem>>
      %dma_wait3A_369 = tpu.memref_squeeze %dma_wait3A_368 : memref<1x!tpu.dma_semaphore, #tpu.memory_space<semaphore_mem>> -> memref<!tpu.dma_semaphore, #tpu.memory_space<semaphore_mem>>
      tpu.wait_indirect_dma semaphore(%dma_wait3A_369 : memref<!tpu.dma_semaphore, #tpu.memory_space<semaphore_mem>>) src(%dma_wait3A_367 : memref<100000x8xf32, #tpu.memory_space<hbm>>) dst(%dma_wait3A_361 : memref<128x8xf32, #tpu.memory_space<vmem>>)
      %dma_wait3A_370 = arith.constant 2 : i32
      %dma_wait3A_371 = arith.constant 0 : i32
      %dma_wait3A_372 = arith.constant 256 : i32
      %dma_wait3A_373 = arith.constant 0 : i32
      %dma_wait3A_374 = tpu.memref_slice %arg10[%dma_wait3A_372, %dma_wait3A_373] : memref<1024x8xf32, #tpu.memory_space<vmem>> -> memref<128x8xf32, #tpu.memory_space<vmem>>
      %dma_wait3A_375 = arith.constant 0 : i32
      %dma_wait3A_376 = tpu.memref_slice %arg6[%dma_wait3A_370, %dma_wait3A_375] : memref<8x128xi32, #tpu.memory_space<vmem>> -> memref<1x128xi32, #tpu.memory_space<vmem>>
      %dma_wait3A_377 = tpu.memref_squeeze %dma_wait3A_376 : memref<1x128xi32, #tpu.memory_space<vmem>> -> memref<128xi32, #tpu.memory_space<vmem>>
      %dma_wait3A_378 = arith.constant 0 : i32
      %dma_wait3A_379 = arith.constant 0 : i32
      %dma_wait3A_380 = tpu.memref_slice %arg2[%dma_wait3A_378, %dma_wait3A_379] : memref<100000x8xf32, #tpu.memory_space<hbm>> -> memref<100000x8xf32, #tpu.memory_space<hbm>>
      %dma_wait3A_381 = tpu.memref_slice %arg17[%dma_wait3A_371] : memref<2x!tpu.dma_semaphore, #tpu.memory_space<semaphore_mem>> -> memref<1x!tpu.dma_semaphore, #tpu.memory_space<semaphore_mem>>
      %dma_wait3A_382 = tpu.memref_squeeze %dma_wait3A_381 : memref<1x!tpu.dma_semaphore, #tpu.memory_space<semaphore_mem>> -> memref<!tpu.dma_semaphore, #tpu.memory_space<semaphore_mem>>
      tpu.wait_indirect_dma semaphore(%dma_wait3A_382 : memref<!tpu.dma_semaphore, #tpu.memory_space<semaphore_mem>>) src(%dma_wait3A_380 : memref<100000x8xf32, #tpu.memory_space<hbm>>) dst(%dma_wait3A_374 : memref<128x8xf32, #tpu.memory_space<vmem>>)
      %dma_wait3A_383 = arith.constant 2 : i32
      %dma_wait3A_384 = arith.constant 0 : i32
      %dma_wait3A_385 = arith.constant 256 : i32
      %dma_wait3A_386 = arith.constant 0 : i32
      %dma_wait3A_387 = tpu.memref_slice %arg12[%dma_wait3A_385, %dma_wait3A_386] : memref<1024x8xf32, #tpu.memory_space<vmem>> -> memref<128x8xf32, #tpu.memory_space<vmem>>
      %dma_wait3A_388 = arith.constant 0 : i32
      %dma_wait3A_389 = tpu.memref_slice %arg8[%dma_wait3A_383, %dma_wait3A_388] : memref<8x128xi32, #tpu.memory_space<vmem>> -> memref<1x128xi32, #tpu.memory_space<vmem>>
      %dma_wait3A_390 = tpu.memref_squeeze %dma_wait3A_389 : memref<1x128xi32, #tpu.memory_space<vmem>> -> memref<128xi32, #tpu.memory_space<vmem>>
      %dma_wait3A_391 = arith.constant 0 : i32
      %dma_wait3A_392 = arith.constant 0 : i32
      %dma_wait3A_393 = tpu.memref_slice %arg2[%dma_wait3A_391, %dma_wait3A_392] : memref<100000x8xf32, #tpu.memory_space<hbm>> -> memref<100000x8xf32, #tpu.memory_space<hbm>>
      %dma_wait3A_394 = tpu.memref_slice %arg17[%dma_wait3A_384] : memref<2x!tpu.dma_semaphore, #tpu.memory_space<semaphore_mem>> -> memref<1x!tpu.dma_semaphore, #tpu.memory_space<semaphore_mem>>
      %dma_wait3A_395 = tpu.memref_squeeze %dma_wait3A_394 : memref<1x!tpu.dma_semaphore, #tpu.memory_space<semaphore_mem>> -> memref<!tpu.dma_semaphore, #tpu.memory_space<semaphore_mem>>
      tpu.wait_indirect_dma semaphore(%dma_wait3A_395 : memref<!tpu.dma_semaphore, #tpu.memory_space<semaphore_mem>>) src(%dma_wait3A_393 : memref<100000x8xf32, #tpu.memory_space<hbm>>) dst(%dma_wait3A_387 : memref<128x8xf32, #tpu.memory_space<vmem>>)
      %dma_wait3A_396 = arith.constant 3 : i32
      %dma_wait3A_397 = arith.constant 0 : i32
      %dma_wait3A_398 = arith.constant 384 : i32
      %dma_wait3A_399 = arith.constant 0 : i32
      %dma_wait3A_400 = tpu.memref_slice %arg10[%dma_wait3A_398, %dma_wait3A_399] : memref<1024x8xf32, #tpu.memory_space<vmem>> -> memref<128x8xf32, #tpu.memory_space<vmem>>
      %dma_wait3A_401 = arith.constant 0 : i32
      %dma_wait3A_402 = tpu.memref_slice %arg6[%dma_wait3A_396, %dma_wait3A_401] : memref<8x128xi32, #tpu.memory_space<vmem>> -> memref<1x128xi32, #tpu.memory_space<vmem>>
      %dma_wait3A_403 = tpu.memref_squeeze %dma_wait3A_402 : memref<1x128xi32, #tpu.memory_space<vmem>> -> memref<128xi32, #tpu.memory_space<vmem>>
      %dma_wait3A_404 = arith.constant 0 : i32
      %dma_wait3A_405 = arith.constant 0 : i32
      %dma_wait3A_406 = tpu.memref_slice %arg2[%dma_wait3A_404, %dma_wait3A_405] : memref<100000x8xf32, #tpu.memory_space<hbm>> -> memref<100000x8xf32, #tpu.memory_space<hbm>>
      %dma_wait3A_407 = tpu.memref_slice %arg17[%dma_wait3A_397] : memref<2x!tpu.dma_semaphore, #tpu.memory_space<semaphore_mem>> -> memref<1x!tpu.dma_semaphore, #tpu.memory_space<semaphore_mem>>
      %dma_wait3A_408 = tpu.memref_squeeze %dma_wait3A_407 : memref<1x!tpu.dma_semaphore, #tpu.memory_space<semaphore_mem>> -> memref<!tpu.dma_semaphore, #tpu.memory_space<semaphore_mem>>
      tpu.wait_indirect_dma semaphore(%dma_wait3A_408 : memref<!tpu.dma_semaphore, #tpu.memory_space<semaphore_mem>>) src(%dma_wait3A_406 : memref<100000x8xf32, #tpu.memory_space<hbm>>) dst(%dma_wait3A_400 : memref<128x8xf32, #tpu.memory_space<vmem>>)
      %dma_wait3A_409 = arith.constant 3 : i32
      %dma_wait3A_410 = arith.constant 0 : i32
      %dma_wait3A_411 = arith.constant 384 : i32
      %dma_wait3A_412 = arith.constant 0 : i32
      %dma_wait3A_413 = tpu.memref_slice %arg12[%dma_wait3A_411, %dma_wait3A_412] : memref<1024x8xf32, #tpu.memory_space<vmem>> -> memref<128x8xf32, #tpu.memory_space<vmem>>
      %dma_wait3A_414 = arith.constant 0 : i32
      %dma_wait3A_415 = tpu.memref_slice %arg8[%dma_wait3A_409, %dma_wait3A_414] : memref<8x128xi32, #tpu.memory_space<vmem>> -> memref<1x128xi32, #tpu.memory_space<vmem>>
      %dma_wait3A_416 = tpu.memref_squeeze %dma_wait3A_415 : memref<1x128xi32, #tpu.memory_space<vmem>> -> memref<128xi32, #tpu.memory_space<vmem>>
      %dma_wait3A_417 = arith.constant 0 : i32
      %dma_wait3A_418 = arith.constant 0 : i32
      %dma_wait3A_419 = tpu.memref_slice %arg2[%dma_wait3A_417, %dma_wait3A_418] : memref<100000x8xf32, #tpu.memory_space<hbm>> -> memref<100000x8xf32, #tpu.memory_space<hbm>>
      %dma_wait3A_420 = tpu.memref_slice %arg17[%dma_wait3A_410] : memref<2x!tpu.dma_semaphore, #tpu.memory_space<semaphore_mem>> -> memref<1x!tpu.dma_semaphore, #tpu.memory_space<semaphore_mem>>
      %dma_wait3A_421 = tpu.memref_squeeze %dma_wait3A_420 : memref<1x!tpu.dma_semaphore, #tpu.memory_space<semaphore_mem>> -> memref<!tpu.dma_semaphore, #tpu.memory_space<semaphore_mem>>
      tpu.wait_indirect_dma semaphore(%dma_wait3A_421 : memref<!tpu.dma_semaphore, #tpu.memory_space<semaphore_mem>>) src(%dma_wait3A_419 : memref<100000x8xf32, #tpu.memory_space<hbm>>) dst(%dma_wait3A_413 : memref<128x8xf32, #tpu.memory_space<vmem>>)
      %dma_wait3A_422 = arith.constant 4 : i32
      %dma_wait3A_423 = arith.constant 0 : i32
      %dma_wait3A_424 = arith.constant 512 : i32
      %dma_wait3A_425 = arith.constant 0 : i32
      %dma_wait3A_426 = tpu.memref_slice %arg10[%dma_wait3A_424, %dma_wait3A_425] : memref<1024x8xf32, #tpu.memory_space<vmem>> -> memref<128x8xf32, #tpu.memory_space<vmem>>
      %dma_wait3A_427 = arith.constant 0 : i32
      %dma_wait3A_428 = tpu.memref_slice %arg6[%dma_wait3A_422, %dma_wait3A_427] : memref<8x128xi32, #tpu.memory_space<vmem>> -> memref<1x128xi32, #tpu.memory_space<vmem>>
      %dma_wait3A_429 = tpu.memref_squeeze %dma_wait3A_428 : memref<1x128xi32, #tpu.memory_space<vmem>> -> memref<128xi32, #tpu.memory_space<vmem>>
      %dma_wait3A_430 = arith.constant 0 : i32
      %dma_wait3A_431 = arith.constant 0 : i32
      %dma_wait3A_432 = tpu.memref_slice %arg2[%dma_wait3A_430, %dma_wait3A_431] : memref<100000x8xf32, #tpu.memory_space<hbm>> -> memref<100000x8xf32, #tpu.memory_space<hbm>>
      %dma_wait3A_433 = tpu.memref_slice %arg17[%dma_wait3A_423] : memref<2x!tpu.dma_semaphore, #tpu.memory_space<semaphore_mem>> -> memref<1x!tpu.dma_semaphore, #tpu.memory_space<semaphore_mem>>
      %dma_wait3A_434 = tpu.memref_squeeze %dma_wait3A_433 : memref<1x!tpu.dma_semaphore, #tpu.memory_space<semaphore_mem>> -> memref<!tpu.dma_semaphore, #tpu.memory_space<semaphore_mem>>
      tpu.wait_indirect_dma semaphore(%dma_wait3A_434 : memref<!tpu.dma_semaphore, #tpu.memory_space<semaphore_mem>>) src(%dma_wait3A_432 : memref<100000x8xf32, #tpu.memory_space<hbm>>) dst(%dma_wait3A_426 : memref<128x8xf32, #tpu.memory_space<vmem>>)
      %dma_wait3A_435 = arith.constant 4 : i32
      %dma_wait3A_436 = arith.constant 0 : i32
      %dma_wait3A_437 = arith.constant 512 : i32
      %dma_wait3A_438 = arith.constant 0 : i32
      %dma_wait3A_439 = tpu.memref_slice %arg12[%dma_wait3A_437, %dma_wait3A_438] : memref<1024x8xf32, #tpu.memory_space<vmem>> -> memref<128x8xf32, #tpu.memory_space<vmem>>
      %dma_wait3A_440 = arith.constant 0 : i32
      %dma_wait3A_441 = tpu.memref_slice %arg8[%dma_wait3A_435, %dma_wait3A_440] : memref<8x128xi32, #tpu.memory_space<vmem>> -> memref<1x128xi32, #tpu.memory_space<vmem>>
      %dma_wait3A_442 = tpu.memref_squeeze %dma_wait3A_441 : memref<1x128xi32, #tpu.memory_space<vmem>> -> memref<128xi32, #tpu.memory_space<vmem>>
      %dma_wait3A_443 = arith.constant 0 : i32
      %dma_wait3A_444 = arith.constant 0 : i32
      %dma_wait3A_445 = tpu.memref_slice %arg2[%dma_wait3A_443, %dma_wait3A_444] : memref<100000x8xf32, #tpu.memory_space<hbm>> -> memref<100000x8xf32, #tpu.memory_space<hbm>>
      %dma_wait3A_446 = tpu.memref_slice %arg17[%dma_wait3A_436] : memref<2x!tpu.dma_semaphore, #tpu.memory_space<semaphore_mem>> -> memref<1x!tpu.dma_semaphore, #tpu.memory_space<semaphore_mem>>
      %dma_wait3A_447 = tpu.memref_squeeze %dma_wait3A_446 : memref<1x!tpu.dma_semaphore, #tpu.memory_space<semaphore_mem>> -> memref<!tpu.dma_semaphore, #tpu.memory_space<semaphore_mem>>
      tpu.wait_indirect_dma semaphore(%dma_wait3A_447 : memref<!tpu.dma_semaphore, #tpu.memory_space<semaphore_mem>>) src(%dma_wait3A_445 : memref<100000x8xf32, #tpu.memory_space<hbm>>) dst(%dma_wait3A_439 : memref<128x8xf32, #tpu.memory_space<vmem>>)
      %dma_wait3A_448 = arith.constant 5 : i32
      %dma_wait3A_449 = arith.constant 0 : i32
      %dma_wait3A_450 = arith.constant 640 : i32
      %dma_wait3A_451 = arith.constant 0 : i32
      %dma_wait3A_452 = tpu.memref_slice %arg10[%dma_wait3A_450, %dma_wait3A_451] : memref<1024x8xf32, #tpu.memory_space<vmem>> -> memref<128x8xf32, #tpu.memory_space<vmem>>
      %dma_wait3A_453 = arith.constant 0 : i32
      %dma_wait3A_454 = tpu.memref_slice %arg6[%dma_wait3A_448, %dma_wait3A_453] : memref<8x128xi32, #tpu.memory_space<vmem>> -> memref<1x128xi32, #tpu.memory_space<vmem>>
      %dma_wait3A_455 = tpu.memref_squeeze %dma_wait3A_454 : memref<1x128xi32, #tpu.memory_space<vmem>> -> memref<128xi32, #tpu.memory_space<vmem>>
      %dma_wait3A_456 = arith.constant 0 : i32
      %dma_wait3A_457 = arith.constant 0 : i32
      %dma_wait3A_458 = tpu.memref_slice %arg2[%dma_wait3A_456, %dma_wait3A_457] : memref<100000x8xf32, #tpu.memory_space<hbm>> -> memref<100000x8xf32, #tpu.memory_space<hbm>>
      %dma_wait3A_459 = tpu.memref_slice %arg17[%dma_wait3A_449] : memref<2x!tpu.dma_semaphore, #tpu.memory_space<semaphore_mem>> -> memref<1x!tpu.dma_semaphore, #tpu.memory_space<semaphore_mem>>
      %dma_wait3A_460 = tpu.memref_squeeze %dma_wait3A_459 : memref<1x!tpu.dma_semaphore, #tpu.memory_space<semaphore_mem>> -> memref<!tpu.dma_semaphore, #tpu.memory_space<semaphore_mem>>
      tpu.wait_indirect_dma semaphore(%dma_wait3A_460 : memref<!tpu.dma_semaphore, #tpu.memory_space<semaphore_mem>>) src(%dma_wait3A_458 : memref<100000x8xf32, #tpu.memory_space<hbm>>) dst(%dma_wait3A_452 : memref<128x8xf32, #tpu.memory_space<vmem>>)
      %dma_wait3A_461 = arith.constant 5 : i32
      %dma_wait3A_462 = arith.constant 0 : i32
      %dma_wait3A_463 = arith.constant 640 : i32
      %dma_wait3A_464 = arith.constant 0 : i32
      %dma_wait3A_465 = tpu.memref_slice %arg12[%dma_wait3A_463, %dma_wait3A_464] : memref<1024x8xf32, #tpu.memory_space<vmem>> -> memref<128x8xf32, #tpu.memory_space<vmem>>
      %dma_wait3A_466 = arith.constant 0 : i32
      %dma_wait3A_467 = tpu.memref_slice %arg8[%dma_wait3A_461, %dma_wait3A_466] : memref<8x128xi32, #tpu.memory_space<vmem>> -> memref<1x128xi32, #tpu.memory_space<vmem>>
      %dma_wait3A_468 = tpu.memref_squeeze %dma_wait3A_467 : memref<1x128xi32, #tpu.memory_space<vmem>> -> memref<128xi32, #tpu.memory_space<vmem>>
      %dma_wait3A_469 = arith.constant 0 : i32
      %dma_wait3A_470 = arith.constant 0 : i32
      %dma_wait3A_471 = tpu.memref_slice %arg2[%dma_wait3A_469, %dma_wait3A_470] : memref<100000x8xf32, #tpu.memory_space<hbm>> -> memref<100000x8xf32, #tpu.memory_space<hbm>>
      %dma_wait3A_472 = tpu.memref_slice %arg17[%dma_wait3A_462] : memref<2x!tpu.dma_semaphore, #tpu.memory_space<semaphore_mem>> -> memref<1x!tpu.dma_semaphore, #tpu.memory_space<semaphore_mem>>
      %dma_wait3A_473 = tpu.memref_squeeze %dma_wait3A_472 : memref<1x!tpu.dma_semaphore, #tpu.memory_space<semaphore_mem>> -> memref<!tpu.dma_semaphore, #tpu.memory_space<semaphore_mem>>
      tpu.wait_indirect_dma semaphore(%dma_wait3A_473 : memref<!tpu.dma_semaphore, #tpu.memory_space<semaphore_mem>>) src(%dma_wait3A_471 : memref<100000x8xf32, #tpu.memory_space<hbm>>) dst(%dma_wait3A_465 : memref<128x8xf32, #tpu.memory_space<vmem>>)
      %dma_wait3A_474 = arith.constant 6 : i32
      %dma_wait3A_475 = arith.constant 0 : i32
      %dma_wait3A_476 = arith.constant 768 : i32
      %dma_wait3A_477 = arith.constant 0 : i32
      %dma_wait3A_478 = tpu.memref_slice %arg10[%dma_wait3A_476, %dma_wait3A_477] : memref<1024x8xf32, #tpu.memory_space<vmem>> -> memref<128x8xf32, #tpu.memory_space<vmem>>
      %dma_wait3A_479 = arith.constant 0 : i32
      %dma_wait3A_480 = tpu.memref_slice %arg6[%dma_wait3A_474, %dma_wait3A_479] : memref<8x128xi32, #tpu.memory_space<vmem>> -> memref<1x128xi32, #tpu.memory_space<vmem>>
      %dma_wait3A_481 = tpu.memref_squeeze %dma_wait3A_480 : memref<1x128xi32, #tpu.memory_space<vmem>> -> memref<128xi32, #tpu.memory_space<vmem>>
      %dma_wait3A_482 = arith.constant 0 : i32
      %dma_wait3A_483 = arith.constant 0 : i32
      %dma_wait3A_484 = tpu.memref_slice %arg2[%dma_wait3A_482, %dma_wait3A_483] : memref<100000x8xf32, #tpu.memory_space<hbm>> -> memref<100000x8xf32, #tpu.memory_space<hbm>>
      %dma_wait3A_485 = tpu.memref_slice %arg17[%dma_wait3A_475] : memref<2x!tpu.dma_semaphore, #tpu.memory_space<semaphore_mem>> -> memref<1x!tpu.dma_semaphore, #tpu.memory_space<semaphore_mem>>
      %dma_wait3A_486 = tpu.memref_squeeze %dma_wait3A_485 : memref<1x!tpu.dma_semaphore, #tpu.memory_space<semaphore_mem>> -> memref<!tpu.dma_semaphore, #tpu.memory_space<semaphore_mem>>
      tpu.wait_indirect_dma semaphore(%dma_wait3A_486 : memref<!tpu.dma_semaphore, #tpu.memory_space<semaphore_mem>>) src(%dma_wait3A_484 : memref<100000x8xf32, #tpu.memory_space<hbm>>) dst(%dma_wait3A_478 : memref<128x8xf32, #tpu.memory_space<vmem>>)
      %dma_wait3A_487 = arith.constant 6 : i32
      %dma_wait3A_488 = arith.constant 0 : i32
      %dma_wait3A_489 = arith.constant 768 : i32
      %dma_wait3A_490 = arith.constant 0 : i32
      %dma_wait3A_491 = tpu.memref_slice %arg12[%dma_wait3A_489, %dma_wait3A_490] : memref<1024x8xf32, #tpu.memory_space<vmem>> -> memref<128x8xf32, #tpu.memory_space<vmem>>
      %dma_wait3A_492 = arith.constant 0 : i32
      %dma_wait3A_493 = tpu.memref_slice %arg8[%dma_wait3A_487, %dma_wait3A_492] : memref<8x128xi32, #tpu.memory_space<vmem>> -> memref<1x128xi32, #tpu.memory_space<vmem>>
      %dma_wait3A_494 = tpu.memref_squeeze %dma_wait3A_493 : memref<1x128xi32, #tpu.memory_space<vmem>> -> memref<128xi32, #tpu.memory_space<vmem>>
      %dma_wait3A_495 = arith.constant 0 : i32
      %dma_wait3A_496 = arith.constant 0 : i32
      %dma_wait3A_497 = tpu.memref_slice %arg2[%dma_wait3A_495, %dma_wait3A_496] : memref<100000x8xf32, #tpu.memory_space<hbm>> -> memref<100000x8xf32, #tpu.memory_space<hbm>>
      %dma_wait3A_498 = tpu.memref_slice %arg17[%dma_wait3A_488] : memref<2x!tpu.dma_semaphore, #tpu.memory_space<semaphore_mem>> -> memref<1x!tpu.dma_semaphore, #tpu.memory_space<semaphore_mem>>
      %dma_wait3A_499 = tpu.memref_squeeze %dma_wait3A_498 : memref<1x!tpu.dma_semaphore, #tpu.memory_space<semaphore_mem>> -> memref<!tpu.dma_semaphore, #tpu.memory_space<semaphore_mem>>
      tpu.wait_indirect_dma semaphore(%dma_wait3A_499 : memref<!tpu.dma_semaphore, #tpu.memory_space<semaphore_mem>>) src(%dma_wait3A_497 : memref<100000x8xf32, #tpu.memory_space<hbm>>) dst(%dma_wait3A_491 : memref<128x8xf32, #tpu.memory_space<vmem>>)
      %dma_wait3A_500 = arith.constant 7 : i32
      %dma_wait3A_501 = arith.constant 0 : i32
      %dma_wait3A_502 = arith.constant 896 : i32
      %dma_wait3A_503 = arith.constant 0 : i32
      %dma_wait3A_504 = tpu.memref_slice %arg10[%dma_wait3A_502, %dma_wait3A_503] : memref<1024x8xf32, #tpu.memory_space<vmem>> -> memref<128x8xf32, #tpu.memory_space<vmem>>
      %dma_wait3A_505 = arith.constant 0 : i32
      %dma_wait3A_506 = tpu.memref_slice %arg6[%dma_wait3A_500, %dma_wait3A_505] : memref<8x128xi32, #tpu.memory_space<vmem>> -> memref<1x128xi32, #tpu.memory_space<vmem>>
      %dma_wait3A_507 = tpu.memref_squeeze %dma_wait3A_506 : memref<1x128xi32, #tpu.memory_space<vmem>> -> memref<128xi32, #tpu.memory_space<vmem>>
      %dma_wait3A_508 = arith.constant 0 : i32
      %dma_wait3A_509 = arith.constant 0 : i32
      %dma_wait3A_510 = tpu.memref_slice %arg2[%dma_wait3A_508, %dma_wait3A_509] : memref<100000x8xf32, #tpu.memory_space<hbm>> -> memref<100000x8xf32, #tpu.memory_space<hbm>>
      %dma_wait3A_511 = tpu.memref_slice %arg17[%dma_wait3A_501] : memref<2x!tpu.dma_semaphore, #tpu.memory_space<semaphore_mem>> -> memref<1x!tpu.dma_semaphore, #tpu.memory_space<semaphore_mem>>
      %dma_wait3A_512 = tpu.memref_squeeze %dma_wait3A_511 : memref<1x!tpu.dma_semaphore, #tpu.memory_space<semaphore_mem>> -> memref<!tpu.dma_semaphore, #tpu.memory_space<semaphore_mem>>
      tpu.wait_indirect_dma semaphore(%dma_wait3A_512 : memref<!tpu.dma_semaphore, #tpu.memory_space<semaphore_mem>>) src(%dma_wait3A_510 : memref<100000x8xf32, #tpu.memory_space<hbm>>) dst(%dma_wait3A_504 : memref<128x8xf32, #tpu.memory_space<vmem>>)
      %dma_wait3A_513 = arith.constant 7 : i32
      %dma_wait3A_514 = arith.constant 0 : i32
      %dma_wait3A_515 = arith.constant 896 : i32
      %dma_wait3A_516 = arith.constant 0 : i32
      %dma_wait3A_517 = tpu.memref_slice %arg12[%dma_wait3A_515, %dma_wait3A_516] : memref<1024x8xf32, #tpu.memory_space<vmem>> -> memref<128x8xf32, #tpu.memory_space<vmem>>
      %dma_wait3A_518 = arith.constant 0 : i32
      %dma_wait3A_519 = tpu.memref_slice %arg8[%dma_wait3A_513, %dma_wait3A_518] : memref<8x128xi32, #tpu.memory_space<vmem>> -> memref<1x128xi32, #tpu.memory_space<vmem>>
      %dma_wait3A_520 = tpu.memref_squeeze %dma_wait3A_519 : memref<1x128xi32, #tpu.memory_space<vmem>> -> memref<128xi32, #tpu.memory_space<vmem>>
      %dma_wait3A_521 = arith.constant 0 : i32
      %dma_wait3A_522 = arith.constant 0 : i32
      %dma_wait3A_523 = tpu.memref_slice %arg2[%dma_wait3A_521, %dma_wait3A_522] : memref<100000x8xf32, #tpu.memory_space<hbm>> -> memref<100000x8xf32, #tpu.memory_space<hbm>>
      %dma_wait3A_524 = tpu.memref_slice %arg17[%dma_wait3A_514] : memref<2x!tpu.dma_semaphore, #tpu.memory_space<semaphore_mem>> -> memref<1x!tpu.dma_semaphore, #tpu.memory_space<semaphore_mem>>
      %dma_wait3A_525 = tpu.memref_squeeze %dma_wait3A_524 : memref<1x!tpu.dma_semaphore, #tpu.memory_space<semaphore_mem>> -> memref<!tpu.dma_semaphore, #tpu.memory_space<semaphore_mem>>
      tpu.wait_indirect_dma semaphore(%dma_wait3A_525 : memref<!tpu.dma_semaphore, #tpu.memory_space<semaphore_mem>>) src(%dma_wait3A_523 : memref<100000x8xf32, #tpu.memory_space<hbm>>) dst(%dma_wait3A_517 : memref<128x8xf32, #tpu.memory_space<vmem>>)
      %add3A_526 = arith.constant 2 : i32
      %add3A_527 = arith.addi %add3A_317, %add3A_526 : i32
      %lt3A_528 = arith.constant 98 : i32
      %lt3A_529 = arith.cmpi slt, %add3A_527, %lt3A_528 : i32
      %convert_element_type3A = arith.extui %lt3A_529 : i1 to i32
      %cond3A = arith.constant 0 : i32
      %cond3A_530 = arith.cmpi ne, %convert_element_type3A, %cond3A : i32
      scf.if %cond3A_530 {
        %add3A_801 = arith.constant 2 : i32
        %add3A_802 = arith.addi %add3A_317, %add3A_801 : i32
        %mul3A_803 = arith.constant 8 : i32
        %mul3A_804 = arith.muli %add3A_802, %mul3A_803 : i32
        %add3A_805 = arith.addi %mul3A_2, %mul3A_804 : i32
        %dma_start3A_806 = arith.constant 0 : i32
        %dma_start3A_807 = arith.constant 0 : i32
        %dma_start3A_808 = tpu.memref_slice %arg3[%add3A_805, %dma_start3A_807] : memref<25088x128xi32, #tpu.memory_space<hbm>> -> memref<8x128xi32, #tpu.memory_space<hbm>>
        %dma_start3A_809 = tpu.memref_slice %arg16[%dma_start3A_806] : memref<2x!tpu.dma_semaphore, #tpu.memory_space<semaphore_mem>> -> memref<1x!tpu.dma_semaphore, #tpu.memory_space<semaphore_mem>>
        %dma_start3A_810 = tpu.memref_squeeze %dma_start3A_809 : memref<1x!tpu.dma_semaphore, #tpu.memory_space<semaphore_mem>> -> memref<!tpu.dma_semaphore, #tpu.memory_space<semaphore_mem>>
        %dma_start3A_811 = arith.constant 0 : i32
        %dma_start3A_812 = tpu.memref_slice %arg3[%add3A_805, %dma_start3A_811] : memref<25088x128xi32, #tpu.memory_space<hbm>> -> memref<8x128xi32, #tpu.memory_space<hbm>>
        tpu.enqueue_dma source(%dma_start3A_812 : memref<8x128xi32, #tpu.memory_space<hbm>>) target(%arg6 : memref<8x128xi32, #tpu.memory_space<vmem>>) target_semaphore(%dma_start3A_810 : memref<!tpu.dma_semaphore, #tpu.memory_space<semaphore_mem>>)
        %dma_start3A_813 = arith.constant 0 : i32
        %dma_start3A_814 = arith.constant 0 : i32
        %dma_start3A_815 = tpu.memref_slice %arg4[%add3A_805, %dma_start3A_814] : memref<25088x128xi32, #tpu.memory_space<hbm>> -> memref<8x128xi32, #tpu.memory_space<hbm>>
        %dma_start3A_816 = tpu.memref_slice %arg16[%dma_start3A_813] : memref<2x!tpu.dma_semaphore, #tpu.memory_space<semaphore_mem>> -> memref<1x!tpu.dma_semaphore, #tpu.memory_space<semaphore_mem>>
        %dma_start3A_817 = tpu.memref_squeeze %dma_start3A_816 : memref<1x!tpu.dma_semaphore, #tpu.memory_space<semaphore_mem>> -> memref<!tpu.dma_semaphore, #tpu.memory_space<semaphore_mem>>
        %dma_start3A_818 = arith.constant 0 : i32
        %dma_start3A_819 = tpu.memref_slice %arg4[%add3A_805, %dma_start3A_818] : memref<25088x128xi32, #tpu.memory_space<hbm>> -> memref<8x128xi32, #tpu.memory_space<hbm>>
        tpu.enqueue_dma source(%dma_start3A_819 : memref<8x128xi32, #tpu.memory_space<hbm>>) target(%arg8 : memref<8x128xi32, #tpu.memory_space<vmem>>) target_semaphore(%dma_start3A_817 : memref<!tpu.dma_semaphore, #tpu.memory_space<semaphore_mem>>)
      } else {
      }
      %add3A_531 = arith.constant 1 : i32
      %add3A_532 = arith.addi %add3A_317, %add3A_531 : i32
      %lt3A_533 = arith.constant 98 : i32
      %lt3A_534 = arith.cmpi slt, %add3A_532, %lt3A_533 : i32
      %convert_element_type3A_535 = arith.extui %lt3A_534 : i1 to i32
      %cond3A_536 = arith.constant 0 : i32
      %cond3A_537 = arith.cmpi ne, %convert_element_type3A_535, %cond3A_536 : i32
      scf.if %cond3A_537 {
        %add3A_801 = arith.constant 1 : i32
        %add3A_802 = arith.addi %add3A_317, %add3A_801 : i32
        %mul3A_803 = arith.constant 8 : i32
        %mul3A_804 = arith.muli %add3A_802, %mul3A_803 : i32
        %add3A_805 = arith.addi %mul3A_2, %mul3A_804 : i32
        %dma_wait3A_806 = arith.constant 1 : i32
        %dma_wait3A_807 = arith.constant 0 : i32
        %dma_wait3A_808 = tpu.memref_slice %arg3[%add3A_805, %dma_wait3A_807] : memref<25088x128xi32, #tpu.memory_space<hbm>> -> memref<8x128xi32, #tpu.memory_space<hbm>>
        %dma_wait3A_809 = tpu.memref_slice %arg16[%dma_wait3A_806] : memref<2x!tpu.dma_semaphore, #tpu.memory_space<semaphore_mem>> -> memref<1x!tpu.dma_semaphore, #tpu.memory_space<semaphore_mem>>
        %dma_wait3A_810 = tpu.memref_squeeze %dma_wait3A_809 : memref<1x!tpu.dma_semaphore, #tpu.memory_space<semaphore_mem>> -> memref<!tpu.dma_semaphore, #tpu.memory_space<semaphore_mem>>
        %dma_wait3A_811 = arith.constant 0 : i32
        %dma_wait3A_812 = tpu.memref_slice %arg3[%add3A_805, %dma_wait3A_811] : memref<25088x128xi32, #tpu.memory_space<hbm>> -> memref<8x128xi32, #tpu.memory_space<hbm>>
        tpu.wait_dma2 semaphore(%dma_wait3A_810 : memref<!tpu.dma_semaphore, #tpu.memory_space<semaphore_mem>>) src(%dma_wait3A_812 : memref<8x128xi32, #tpu.memory_space<hbm>>) dst(%arg7 : memref<8x128xi32, #tpu.memory_space<vmem>>)
        %dma_wait3A_813 = arith.constant 1 : i32
        %dma_wait3A_814 = arith.constant 0 : i32
        %dma_wait3A_815 = tpu.memref_slice %arg4[%add3A_805, %dma_wait3A_814] : memref<25088x128xi32, #tpu.memory_space<hbm>> -> memref<8x128xi32, #tpu.memory_space<hbm>>
        %dma_wait3A_816 = tpu.memref_slice %arg16[%dma_wait3A_813] : memref<2x!tpu.dma_semaphore, #tpu.memory_space<semaphore_mem>> -> memref<1x!tpu.dma_semaphore, #tpu.memory_space<semaphore_mem>>
        %dma_wait3A_817 = tpu.memref_squeeze %dma_wait3A_816 : memref<1x!tpu.dma_semaphore, #tpu.memory_space<semaphore_mem>> -> memref<!tpu.dma_semaphore, #tpu.memory_space<semaphore_mem>>
        %dma_wait3A_818 = arith.constant 0 : i32
        %dma_wait3A_819 = tpu.memref_slice %arg4[%add3A_805, %dma_wait3A_818] : memref<25088x128xi32, #tpu.memory_space<hbm>> -> memref<8x128xi32, #tpu.memory_space<hbm>>
        tpu.wait_dma2 semaphore(%dma_wait3A_817 : memref<!tpu.dma_semaphore, #tpu.memory_space<semaphore_mem>>) src(%dma_wait3A_819 : memref<8x128xi32, #tpu.memory_space<hbm>>) dst(%arg9 : memref<8x128xi32, #tpu.memory_space<vmem>>)
        %add3A_820 = arith.constant 1 : i32
        %add3A_821 = arith.addi %add3A_317, %add3A_820 : i32
        %dma_start3A_822 = arith.constant 0 : i32
        %dma_start3A_823 = arith.constant 1 : i32
        %dma_start3A_824 = arith.constant 0 : i32
        %dma_start3A_825 = arith.constant 0 : i32
        %dma_start3A_826 = tpu.memref_slice %arg11[%dma_start3A_824, %dma_start3A_825] : memref<1024x8xf32, #tpu.memory_space<vmem>> -> memref<128x8xf32, #tpu.memory_space<vmem>>
        %dma_start3A_827 = arith.constant 0 : i32
        %dma_start3A_828 = tpu.memref_slice %arg7[%dma_start3A_822, %dma_start3A_827] : memref<8x128xi32, #tpu.memory_space<vmem>> -> memref<1x128xi32, #tpu.memory_space<vmem>>
        %dma_start3A_829 = tpu.memref_squeeze %dma_start3A_828 : memref<1x128xi32, #tpu.memory_space<vmem>> -> memref<128xi32, #tpu.memory_space<vmem>>
        %dma_start3A_830 = arith.constant 0 : i32
        %dma_start3A_831 = arith.constant 0 : i32
        %dma_start3A_832 = tpu.memref_slice %arg2[%dma_start3A_830, %dma_start3A_831] : memref<100000x8xf32, #tpu.memory_space<hbm>> -> memref<100000x8xf32, #tpu.memory_space<hbm>>
        %dma_start3A_833 = tpu.memref_slice %arg17[%dma_start3A_823] : memref<2x!tpu.dma_semaphore, #tpu.memory_space<semaphore_mem>> -> memref<1x!tpu.dma_semaphore, #tpu.memory_space<semaphore_mem>>
        %dma_start3A_834 = tpu.memref_squeeze %dma_start3A_833 : memref<1x!tpu.dma_semaphore, #tpu.memory_space<semaphore_mem>> -> memref<!tpu.dma_semaphore, #tpu.memory_space<semaphore_mem>>
        tpu.enqueue_indirect_dma source(%dma_start3A_832 : memref<100000x8xf32, #tpu.memory_space<hbm>>) target(%dma_start3A_826 : memref<128x8xf32, #tpu.memory_space<vmem>>) offsets(%dma_start3A_829 : memref<128xi32, #tpu.memory_space<vmem>>) semaphore(%dma_start3A_834 : memref<!tpu.dma_semaphore, #tpu.memory_space<semaphore_mem>>)
        %dma_start3A_835 = arith.constant 0 : i32
        %dma_start3A_836 = arith.constant 1 : i32
        %dma_start3A_837 = arith.constant 0 : i32
        %dma_start3A_838 = arith.constant 0 : i32
        %dma_start3A_839 = tpu.memref_slice %arg13[%dma_start3A_837, %dma_start3A_838] : memref<1024x8xf32, #tpu.memory_space<vmem>> -> memref<128x8xf32, #tpu.memory_space<vmem>>
        %dma_start3A_840 = arith.constant 0 : i32
        %dma_start3A_841 = tpu.memref_slice %arg9[%dma_start3A_835, %dma_start3A_840] : memref<8x128xi32, #tpu.memory_space<vmem>> -> memref<1x128xi32, #tpu.memory_space<vmem>>
        %dma_start3A_842 = tpu.memref_squeeze %dma_start3A_841 : memref<1x128xi32, #tpu.memory_space<vmem>> -> memref<128xi32, #tpu.memory_space<vmem>>
        %dma_start3A_843 = arith.constant 0 : i32
        %dma_start3A_844 = arith.constant 0 : i32
        %dma_start3A_845 = tpu.memref_slice %arg2[%dma_start3A_843, %dma_start3A_844] : memref<100000x8xf32, #tpu.memory_space<hbm>> -> memref<100000x8xf32, #tpu.memory_space<hbm>>
        %dma_start3A_846 = tpu.memref_slice %arg17[%dma_start3A_836] : memref<2x!tpu.dma_semaphore, #tpu.memory_space<semaphore_mem>> -> memref<1x!tpu.dma_semaphore, #tpu.memory_space<semaphore_mem>>
        %dma_start3A_847 = tpu.memref_squeeze %dma_start3A_846 : memref<1x!tpu.dma_semaphore, #tpu.memory_space<semaphore_mem>> -> memref<!tpu.dma_semaphore, #tpu.memory_space<semaphore_mem>>
        tpu.enqueue_indirect_dma source(%dma_start3A_845 : memref<100000x8xf32, #tpu.memory_space<hbm>>) target(%dma_start3A_839 : memref<128x8xf32, #tpu.memory_space<vmem>>) offsets(%dma_start3A_842 : memref<128xi32, #tpu.memory_space<vmem>>) semaphore(%dma_start3A_847 : memref<!tpu.dma_semaphore, #tpu.memory_space<semaphore_mem>>)
        %dma_start3A_848 = arith.constant 1 : i32
        %dma_start3A_849 = arith.constant 1 : i32
        %dma_start3A_850 = arith.constant 128 : i32
        %dma_start3A_851 = arith.constant 0 : i32
        %dma_start3A_852 = tpu.memref_slice %arg11[%dma_start3A_850, %dma_start3A_851] : memref<1024x8xf32, #tpu.memory_space<vmem>> -> memref<128x8xf32, #tpu.memory_space<vmem>>
        %dma_start3A_853 = arith.constant 0 : i32
        %dma_start3A_854 = tpu.memref_slice %arg7[%dma_start3A_848, %dma_start3A_853] : memref<8x128xi32, #tpu.memory_space<vmem>> -> memref<1x128xi32, #tpu.memory_space<vmem>>
        %dma_start3A_855 = tpu.memref_squeeze %dma_start3A_854 : memref<1x128xi32, #tpu.memory_space<vmem>> -> memref<128xi32, #tpu.memory_space<vmem>>
        %dma_start3A_856 = arith.constant 0 : i32
        %dma_start3A_857 = arith.constant 0 : i32
        %dma_start3A_858 = tpu.memref_slice %arg2[%dma_start3A_856, %dma_start3A_857] : memref<100000x8xf32, #tpu.memory_space<hbm>> -> memref<100000x8xf32, #tpu.memory_space<hbm>>
        %dma_start3A_859 = tpu.memref_slice %arg17[%dma_start3A_849] : memref<2x!tpu.dma_semaphore, #tpu.memory_space<semaphore_mem>> -> memref<1x!tpu.dma_semaphore, #tpu.memory_space<semaphore_mem>>
        %dma_start3A_860 = tpu.memref_squeeze %dma_start3A_859 : memref<1x!tpu.dma_semaphore, #tpu.memory_space<semaphore_mem>> -> memref<!tpu.dma_semaphore, #tpu.memory_space<semaphore_mem>>
        tpu.enqueue_indirect_dma source(%dma_start3A_858 : memref<100000x8xf32, #tpu.memory_space<hbm>>) target(%dma_start3A_852 : memref<128x8xf32, #tpu.memory_space<vmem>>) offsets(%dma_start3A_855 : memref<128xi32, #tpu.memory_space<vmem>>) semaphore(%dma_start3A_860 : memref<!tpu.dma_semaphore, #tpu.memory_space<semaphore_mem>>)
        %dma_start3A_861 = arith.constant 1 : i32
        %dma_start3A_862 = arith.constant 1 : i32
        %dma_start3A_863 = arith.constant 128 : i32
        %dma_start3A_864 = arith.constant 0 : i32
        %dma_start3A_865 = tpu.memref_slice %arg13[%dma_start3A_863, %dma_start3A_864] : memref<1024x8xf32, #tpu.memory_space<vmem>> -> memref<128x8xf32, #tpu.memory_space<vmem>>
        %dma_start3A_866 = arith.constant 0 : i32
        %dma_start3A_867 = tpu.memref_slice %arg9[%dma_start3A_861, %dma_start3A_866] : memref<8x128xi32, #tpu.memory_space<vmem>> -> memref<1x128xi32, #tpu.memory_space<vmem>>
        %dma_start3A_868 = tpu.memref_squeeze %dma_start3A_867 : memref<1x128xi32, #tpu.memory_space<vmem>> -> memref<128xi32, #tpu.memory_space<vmem>>
        %dma_start3A_869 = arith.constant 0 : i32
        %dma_start3A_870 = arith.constant 0 : i32
        %dma_start3A_871 = tpu.memref_slice %arg2[%dma_start3A_869, %dma_start3A_870] : memref<100000x8xf32, #tpu.memory_space<hbm>> -> memref<100000x8xf32, #tpu.memory_space<hbm>>
        %dma_start3A_872 = tpu.memref_slice %arg17[%dma_start3A_862] : memref<2x!tpu.dma_semaphore, #tpu.memory_space<semaphore_mem>> -> memref<1x!tpu.dma_semaphore, #tpu.memory_space<semaphore_mem>>
        %dma_start3A_873 = tpu.memref_squeeze %dma_start3A_872 : memref<1x!tpu.dma_semaphore, #tpu.memory_space<semaphore_mem>> -> memref<!tpu.dma_semaphore, #tpu.memory_space<semaphore_mem>>
        tpu.enqueue_indirect_dma source(%dma_start3A_871 : memref<100000x8xf32, #tpu.memory_space<hbm>>) target(%dma_start3A_865 : memref<128x8xf32, #tpu.memory_space<vmem>>) offsets(%dma_start3A_868 : memref<128xi32, #tpu.memory_space<vmem>>) semaphore(%dma_start3A_873 : memref<!tpu.dma_semaphore, #tpu.memory_space<semaphore_mem>>)
        %dma_start3A_874 = arith.constant 2 : i32
        %dma_start3A_875 = arith.constant 1 : i32
        %dma_start3A_876 = arith.constant 256 : i32
        %dma_start3A_877 = arith.constant 0 : i32
        %dma_start3A_878 = tpu.memref_slice %arg11[%dma_start3A_876, %dma_start3A_877] : memref<1024x8xf32, #tpu.memory_space<vmem>> -> memref<128x8xf32, #tpu.memory_space<vmem>>
        %dma_start3A_879 = arith.constant 0 : i32
        %dma_start3A_880 = tpu.memref_slice %arg7[%dma_start3A_874, %dma_start3A_879] : memref<8x128xi32, #tpu.memory_space<vmem>> -> memref<1x128xi32, #tpu.memory_space<vmem>>
        %dma_start3A_881 = tpu.memref_squeeze %dma_start3A_880 : memref<1x128xi32, #tpu.memory_space<vmem>> -> memref<128xi32, #tpu.memory_space<vmem>>
        %dma_start3A_882 = arith.constant 0 : i32
        %dma_start3A_883 = arith.constant 0 : i32
        %dma_start3A_884 = tpu.memref_slice %arg2[%dma_start3A_882, %dma_start3A_883] : memref<100000x8xf32, #tpu.memory_space<hbm>> -> memref<100000x8xf32, #tpu.memory_space<hbm>>
        %dma_start3A_885 = tpu.memref_slice %arg17[%dma_start3A_875] : memref<2x!tpu.dma_semaphore, #tpu.memory_space<semaphore_mem>> -> memref<1x!tpu.dma_semaphore, #tpu.memory_space<semaphore_mem>>
        %dma_start3A_886 = tpu.memref_squeeze %dma_start3A_885 : memref<1x!tpu.dma_semaphore, #tpu.memory_space<semaphore_mem>> -> memref<!tpu.dma_semaphore, #tpu.memory_space<semaphore_mem>>
        tpu.enqueue_indirect_dma source(%dma_start3A_884 : memref<100000x8xf32, #tpu.memory_space<hbm>>) target(%dma_start3A_878 : memref<128x8xf32, #tpu.memory_space<vmem>>) offsets(%dma_start3A_881 : memref<128xi32, #tpu.memory_space<vmem>>) semaphore(%dma_start3A_886 : memref<!tpu.dma_semaphore, #tpu.memory_space<semaphore_mem>>)
        %dma_start3A_887 = arith.constant 2 : i32
        %dma_start3A_888 = arith.constant 1 : i32
        %dma_start3A_889 = arith.constant 256 : i32
        %dma_start3A_890 = arith.constant 0 : i32
        %dma_start3A_891 = tpu.memref_slice %arg13[%dma_start3A_889, %dma_start3A_890] : memref<1024x8xf32, #tpu.memory_space<vmem>> -> memref<128x8xf32, #tpu.memory_space<vmem>>
        %dma_start3A_892 = arith.constant 0 : i32
        %dma_start3A_893 = tpu.memref_slice %arg9[%dma_start3A_887, %dma_start3A_892] : memref<8x128xi32, #tpu.memory_space<vmem>> -> memref<1x128xi32, #tpu.memory_space<vmem>>
        %dma_start3A_894 = tpu.memref_squeeze %dma_start3A_893 : memref<1x128xi32, #tpu.memory_space<vmem>> -> memref<128xi32, #tpu.memory_space<vmem>>
        %dma_start3A_895 = arith.constant 0 : i32
        %dma_start3A_896 = arith.constant 0 : i32
        %dma_start3A_897 = tpu.memref_slice %arg2[%dma_start3A_895, %dma_start3A_896] : memref<100000x8xf32, #tpu.memory_space<hbm>> -> memref<100000x8xf32, #tpu.memory_space<hbm>>
        %dma_start3A_898 = tpu.memref_slice %arg17[%dma_start3A_888] : memref<2x!tpu.dma_semaphore, #tpu.memory_space<semaphore_mem>> -> memref<1x!tpu.dma_semaphore, #tpu.memory_space<semaphore_mem>>
        %dma_start3A_899 = tpu.memref_squeeze %dma_start3A_898 : memref<1x!tpu.dma_semaphore, #tpu.memory_space<semaphore_mem>> -> memref<!tpu.dma_semaphore, #tpu.memory_space<semaphore_mem>>
        tpu.enqueue_indirect_dma source(%dma_start3A_897 : memref<100000x8xf32, #tpu.memory_space<hbm>>) target(%dma_start3A_891 : memref<128x8xf32, #tpu.memory_space<vmem>>) offsets(%dma_start3A_894 : memref<128xi32, #tpu.memory_space<vmem>>) semaphore(%dma_start3A_899 : memref<!tpu.dma_semaphore, #tpu.memory_space<semaphore_mem>>)
        %dma_start3A_900 = arith.constant 3 : i32
        %dma_start3A_901 = arith.constant 1 : i32
        %dma_start3A_902 = arith.constant 384 : i32
        %dma_start3A_903 = arith.constant 0 : i32
        %dma_start3A_904 = tpu.memref_slice %arg11[%dma_start3A_902, %dma_start3A_903] : memref<1024x8xf32, #tpu.memory_space<vmem>> -> memref<128x8xf32, #tpu.memory_space<vmem>>
        %dma_start3A_905 = arith.constant 0 : i32
        %dma_start3A_906 = tpu.memref_slice %arg7[%dma_start3A_900, %dma_start3A_905] : memref<8x128xi32, #tpu.memory_space<vmem>> -> memref<1x128xi32, #tpu.memory_space<vmem>>
        %dma_start3A_907 = tpu.memref_squeeze %dma_start3A_906 : memref<1x128xi32, #tpu.memory_space<vmem>> -> memref<128xi32, #tpu.memory_space<vmem>>
        %dma_start3A_908 = arith.constant 0 : i32
        %dma_start3A_909 = arith.constant 0 : i32
        %dma_start3A_910 = tpu.memref_slice %arg2[%dma_start3A_908, %dma_start3A_909] : memref<100000x8xf32, #tpu.memory_space<hbm>> -> memref<100000x8xf32, #tpu.memory_space<hbm>>
        %dma_start3A_911 = tpu.memref_slice %arg17[%dma_start3A_901] : memref<2x!tpu.dma_semaphore, #tpu.memory_space<semaphore_mem>> -> memref<1x!tpu.dma_semaphore, #tpu.memory_space<semaphore_mem>>
        %dma_start3A_912 = tpu.memref_squeeze %dma_start3A_911 : memref<1x!tpu.dma_semaphore, #tpu.memory_space<semaphore_mem>> -> memref<!tpu.dma_semaphore, #tpu.memory_space<semaphore_mem>>
        tpu.enqueue_indirect_dma source(%dma_start3A_910 : memref<100000x8xf32, #tpu.memory_space<hbm>>) target(%dma_start3A_904 : memref<128x8xf32, #tpu.memory_space<vmem>>) offsets(%dma_start3A_907 : memref<128xi32, #tpu.memory_space<vmem>>) semaphore(%dma_start3A_912 : memref<!tpu.dma_semaphore, #tpu.memory_space<semaphore_mem>>)
        %dma_start3A_913 = arith.constant 3 : i32
        %dma_start3A_914 = arith.constant 1 : i32
        %dma_start3A_915 = arith.constant 384 : i32
        %dma_start3A_916 = arith.constant 0 : i32
        %dma_start3A_917 = tpu.memref_slice %arg13[%dma_start3A_915, %dma_start3A_916] : memref<1024x8xf32, #tpu.memory_space<vmem>> -> memref<128x8xf32, #tpu.memory_space<vmem>>
        %dma_start3A_918 = arith.constant 0 : i32
        %dma_start3A_919 = tpu.memref_slice %arg9[%dma_start3A_913, %dma_start3A_918] : memref<8x128xi32, #tpu.memory_space<vmem>> -> memref<1x128xi32, #tpu.memory_space<vmem>>
        %dma_start3A_920 = tpu.memref_squeeze %dma_start3A_919 : memref<1x128xi32, #tpu.memory_space<vmem>> -> memref<128xi32, #tpu.memory_space<vmem>>
        %dma_start3A_921 = arith.constant 0 : i32
        %dma_start3A_922 = arith.constant 0 : i32
        %dma_start3A_923 = tpu.memref_slice %arg2[%dma_start3A_921, %dma_start3A_922] : memref<100000x8xf32, #tpu.memory_space<hbm>> -> memref<100000x8xf32, #tpu.memory_space<hbm>>
        %dma_start3A_924 = tpu.memref_slice %arg17[%dma_start3A_914] : memref<2x!tpu.dma_semaphore, #tpu.memory_space<semaphore_mem>> -> memref<1x!tpu.dma_semaphore, #tpu.memory_space<semaphore_mem>>
        %dma_start3A_925 = tpu.memref_squeeze %dma_start3A_924 : memref<1x!tpu.dma_semaphore, #tpu.memory_space<semaphore_mem>> -> memref<!tpu.dma_semaphore, #tpu.memory_space<semaphore_mem>>
        tpu.enqueue_indirect_dma source(%dma_start3A_923 : memref<100000x8xf32, #tpu.memory_space<hbm>>) target(%dma_start3A_917 : memref<128x8xf32, #tpu.memory_space<vmem>>) offsets(%dma_start3A_920 : memref<128xi32, #tpu.memory_space<vmem>>) semaphore(%dma_start3A_925 : memref<!tpu.dma_semaphore, #tpu.memory_space<semaphore_mem>>)
        %dma_start3A_926 = arith.constant 4 : i32
        %dma_start3A_927 = arith.constant 1 : i32
        %dma_start3A_928 = arith.constant 512 : i32
        %dma_start3A_929 = arith.constant 0 : i32
        %dma_start3A_930 = tpu.memref_slice %arg11[%dma_start3A_928, %dma_start3A_929] : memref<1024x8xf32, #tpu.memory_space<vmem>> -> memref<128x8xf32, #tpu.memory_space<vmem>>
        %dma_start3A_931 = arith.constant 0 : i32
        %dma_start3A_932 = tpu.memref_slice %arg7[%dma_start3A_926, %dma_start3A_931] : memref<8x128xi32, #tpu.memory_space<vmem>> -> memref<1x128xi32, #tpu.memory_space<vmem>>
        %dma_start3A_933 = tpu.memref_squeeze %dma_start3A_932 : memref<1x128xi32, #tpu.memory_space<vmem>> -> memref<128xi32, #tpu.memory_space<vmem>>
        %dma_start3A_934 = arith.constant 0 : i32
        %dma_start3A_935 = arith.constant 0 : i32
        %dma_start3A_936 = tpu.memref_slice %arg2[%dma_start3A_934, %dma_start3A_935] : memref<100000x8xf32, #tpu.memory_space<hbm>> -> memref<100000x8xf32, #tpu.memory_space<hbm>>
        %dma_start3A_937 = tpu.memref_slice %arg17[%dma_start3A_927] : memref<2x!tpu.dma_semaphore, #tpu.memory_space<semaphore_mem>> -> memref<1x!tpu.dma_semaphore, #tpu.memory_space<semaphore_mem>>
        %dma_start3A_938 = tpu.memref_squeeze %dma_start3A_937 : memref<1x!tpu.dma_semaphore, #tpu.memory_space<semaphore_mem>> -> memref<!tpu.dma_semaphore, #tpu.memory_space<semaphore_mem>>
        tpu.enqueue_indirect_dma source(%dma_start3A_936 : memref<100000x8xf32, #tpu.memory_space<hbm>>) target(%dma_start3A_930 : memref<128x8xf32, #tpu.memory_space<vmem>>) offsets(%dma_start3A_933 : memref<128xi32, #tpu.memory_space<vmem>>) semaphore(%dma_start3A_938 : memref<!tpu.dma_semaphore, #tpu.memory_space<semaphore_mem>>)
        %dma_start3A_939 = arith.constant 4 : i32
        %dma_start3A_940 = arith.constant 1 : i32
        %dma_start3A_941 = arith.constant 512 : i32
        %dma_start3A_942 = arith.constant 0 : i32
        %dma_start3A_943 = tpu.memref_slice %arg13[%dma_start3A_941, %dma_start3A_942] : memref<1024x8xf32, #tpu.memory_space<vmem>> -> memref<128x8xf32, #tpu.memory_space<vmem>>
        %dma_start3A_944 = arith.constant 0 : i32
        %dma_start3A_945 = tpu.memref_slice %arg9[%dma_start3A_939, %dma_start3A_944] : memref<8x128xi32, #tpu.memory_space<vmem>> -> memref<1x128xi32, #tpu.memory_space<vmem>>
        %dma_start3A_946 = tpu.memref_squeeze %dma_start3A_945 : memref<1x128xi32, #tpu.memory_space<vmem>> -> memref<128xi32, #tpu.memory_space<vmem>>
        %dma_start3A_947 = arith.constant 0 : i32
        %dma_start3A_948 = arith.constant 0 : i32
        %dma_start3A_949 = tpu.memref_slice %arg2[%dma_start3A_947, %dma_start3A_948] : memref<100000x8xf32, #tpu.memory_space<hbm>> -> memref<100000x8xf32, #tpu.memory_space<hbm>>
        %dma_start3A_950 = tpu.memref_slice %arg17[%dma_start3A_940] : memref<2x!tpu.dma_semaphore, #tpu.memory_space<semaphore_mem>> -> memref<1x!tpu.dma_semaphore, #tpu.memory_space<semaphore_mem>>
        %dma_start3A_951 = tpu.memref_squeeze %dma_start3A_950 : memref<1x!tpu.dma_semaphore, #tpu.memory_space<semaphore_mem>> -> memref<!tpu.dma_semaphore, #tpu.memory_space<semaphore_mem>>
        tpu.enqueue_indirect_dma source(%dma_start3A_949 : memref<100000x8xf32, #tpu.memory_space<hbm>>) target(%dma_start3A_943 : memref<128x8xf32, #tpu.memory_space<vmem>>) offsets(%dma_start3A_946 : memref<128xi32, #tpu.memory_space<vmem>>) semaphore(%dma_start3A_951 : memref<!tpu.dma_semaphore, #tpu.memory_space<semaphore_mem>>)
        %dma_start3A_952 = arith.constant 5 : i32
        %dma_start3A_953 = arith.constant 1 : i32
        %dma_start3A_954 = arith.constant 640 : i32
        %dma_start3A_955 = arith.constant 0 : i32
        %dma_start3A_956 = tpu.memref_slice %arg11[%dma_start3A_954, %dma_start3A_955] : memref<1024x8xf32, #tpu.memory_space<vmem>> -> memref<128x8xf32, #tpu.memory_space<vmem>>
        %dma_start3A_957 = arith.constant 0 : i32
        %dma_start3A_958 = tpu.memref_slice %arg7[%dma_start3A_952, %dma_start3A_957] : memref<8x128xi32, #tpu.memory_space<vmem>> -> memref<1x128xi32, #tpu.memory_space<vmem>>
        %dma_start3A_959 = tpu.memref_squeeze %dma_start3A_958 : memref<1x128xi32, #tpu.memory_space<vmem>> -> memref<128xi32, #tpu.memory_space<vmem>>
        %dma_start3A_960 = arith.constant 0 : i32
        %dma_start3A_961 = arith.constant 0 : i32
        %dma_start3A_962 = tpu.memref_slice %arg2[%dma_start3A_960, %dma_start3A_961] : memref<100000x8xf32, #tpu.memory_space<hbm>> -> memref<100000x8xf32, #tpu.memory_space<hbm>>
        %dma_start3A_963 = tpu.memref_slice %arg17[%dma_start3A_953] : memref<2x!tpu.dma_semaphore, #tpu.memory_space<semaphore_mem>> -> memref<1x!tpu.dma_semaphore, #tpu.memory_space<semaphore_mem>>
        %dma_start3A_964 = tpu.memref_squeeze %dma_start3A_963 : memref<1x!tpu.dma_semaphore, #tpu.memory_space<semaphore_mem>> -> memref<!tpu.dma_semaphore, #tpu.memory_space<semaphore_mem>>
        tpu.enqueue_indirect_dma source(%dma_start3A_962 : memref<100000x8xf32, #tpu.memory_space<hbm>>) target(%dma_start3A_956 : memref<128x8xf32, #tpu.memory_space<vmem>>) offsets(%dma_start3A_959 : memref<128xi32, #tpu.memory_space<vmem>>) semaphore(%dma_start3A_964 : memref<!tpu.dma_semaphore, #tpu.memory_space<semaphore_mem>>)
        %dma_start3A_965 = arith.constant 5 : i32
        %dma_start3A_966 = arith.constant 1 : i32
        %dma_start3A_967 = arith.constant 640 : i32
        %dma_start3A_968 = arith.constant 0 : i32
        %dma_start3A_969 = tpu.memref_slice %arg13[%dma_start3A_967, %dma_start3A_968] : memref<1024x8xf32, #tpu.memory_space<vmem>> -> memref<128x8xf32, #tpu.memory_space<vmem>>
        %dma_start3A_970 = arith.constant 0 : i32
        %dma_start3A_971 = tpu.memref_slice %arg9[%dma_start3A_965, %dma_start3A_970] : memref<8x128xi32, #tpu.memory_space<vmem>> -> memref<1x128xi32, #tpu.memory_space<vmem>>
        %dma_start3A_972 = tpu.memref_squeeze %dma_start3A_971 : memref<1x128xi32, #tpu.memory_space<vmem>> -> memref<128xi32, #tpu.memory_space<vmem>>
        %dma_start3A_973 = arith.constant 0 : i32
        %dma_start3A_974 = arith.constant 0 : i32
        %dma_start3A_975 = tpu.memref_slice %arg2[%dma_start3A_973, %dma_start3A_974] : memref<100000x8xf32, #tpu.memory_space<hbm>> -> memref<100000x8xf32, #tpu.memory_space<hbm>>
        %dma_start3A_976 = tpu.memref_slice %arg17[%dma_start3A_966] : memref<2x!tpu.dma_semaphore, #tpu.memory_space<semaphore_mem>> -> memref<1x!tpu.dma_semaphore, #tpu.memory_space<semaphore_mem>>
        %dma_start3A_977 = tpu.memref_squeeze %dma_start3A_976 : memref<1x!tpu.dma_semaphore, #tpu.memory_space<semaphore_mem>> -> memref<!tpu.dma_semaphore, #tpu.memory_space<semaphore_mem>>
        tpu.enqueue_indirect_dma source(%dma_start3A_975 : memref<100000x8xf32, #tpu.memory_space<hbm>>) target(%dma_start3A_969 : memref<128x8xf32, #tpu.memory_space<vmem>>) offsets(%dma_start3A_972 : memref<128xi32, #tpu.memory_space<vmem>>) semaphore(%dma_start3A_977 : memref<!tpu.dma_semaphore, #tpu.memory_space<semaphore_mem>>)
        %dma_start3A_978 = arith.constant 6 : i32
        %dma_start3A_979 = arith.constant 1 : i32
        %dma_start3A_980 = arith.constant 768 : i32
        %dma_start3A_981 = arith.constant 0 : i32
        %dma_start3A_982 = tpu.memref_slice %arg11[%dma_start3A_980, %dma_start3A_981] : memref<1024x8xf32, #tpu.memory_space<vmem>> -> memref<128x8xf32, #tpu.memory_space<vmem>>
        %dma_start3A_983 = arith.constant 0 : i32
        %dma_start3A_984 = tpu.memref_slice %arg7[%dma_start3A_978, %dma_start3A_983] : memref<8x128xi32, #tpu.memory_space<vmem>> -> memref<1x128xi32, #tpu.memory_space<vmem>>
        %dma_start3A_985 = tpu.memref_squeeze %dma_start3A_984 : memref<1x128xi32, #tpu.memory_space<vmem>> -> memref<128xi32, #tpu.memory_space<vmem>>
        %dma_start3A_986 = arith.constant 0 : i32
        %dma_start3A_987 = arith.constant 0 : i32
        %dma_start3A_988 = tpu.memref_slice %arg2[%dma_start3A_986, %dma_start3A_987] : memref<100000x8xf32, #tpu.memory_space<hbm>> -> memref<100000x8xf32, #tpu.memory_space<hbm>>
        %dma_start3A_989 = tpu.memref_slice %arg17[%dma_start3A_979] : memref<2x!tpu.dma_semaphore, #tpu.memory_space<semaphore_mem>> -> memref<1x!tpu.dma_semaphore, #tpu.memory_space<semaphore_mem>>
        %dma_start3A_990 = tpu.memref_squeeze %dma_start3A_989 : memref<1x!tpu.dma_semaphore, #tpu.memory_space<semaphore_mem>> -> memref<!tpu.dma_semaphore, #tpu.memory_space<semaphore_mem>>
        tpu.enqueue_indirect_dma source(%dma_start3A_988 : memref<100000x8xf32, #tpu.memory_space<hbm>>) target(%dma_start3A_982 : memref<128x8xf32, #tpu.memory_space<vmem>>) offsets(%dma_start3A_985 : memref<128xi32, #tpu.memory_space<vmem>>) semaphore(%dma_start3A_990 : memref<!tpu.dma_semaphore, #tpu.memory_space<semaphore_mem>>)
        %dma_start3A_991 = arith.constant 6 : i32
        %dma_start3A_992 = arith.constant 1 : i32
        %dma_start3A_993 = arith.constant 768 : i32
        %dma_start3A_994 = arith.constant 0 : i32
        %dma_start3A_995 = tpu.memref_slice %arg13[%dma_start3A_993, %dma_start3A_994] : memref<1024x8xf32, #tpu.memory_space<vmem>> -> memref<128x8xf32, #tpu.memory_space<vmem>>
        %dma_start3A_996 = arith.constant 0 : i32
        %dma_start3A_997 = tpu.memref_slice %arg9[%dma_start3A_991, %dma_start3A_996] : memref<8x128xi32, #tpu.memory_space<vmem>> -> memref<1x128xi32, #tpu.memory_space<vmem>>
        %dma_start3A_998 = tpu.memref_squeeze %dma_start3A_997 : memref<1x128xi32, #tpu.memory_space<vmem>> -> memref<128xi32, #tpu.memory_space<vmem>>
        %dma_start3A_999 = arith.constant 0 : i32
        %dma_start3A_1000 = arith.constant 0 : i32
        %dma_start3A_1001 = tpu.memref_slice %arg2[%dma_start3A_999, %dma_start3A_1000] : memref<100000x8xf32, #tpu.memory_space<hbm>> -> memref<100000x8xf32, #tpu.memory_space<hbm>>
        %dma_start3A_1002 = tpu.memref_slice %arg17[%dma_start3A_992] : memref<2x!tpu.dma_semaphore, #tpu.memory_space<semaphore_mem>> -> memref<1x!tpu.dma_semaphore, #tpu.memory_space<semaphore_mem>>
        %dma_start3A_1003 = tpu.memref_squeeze %dma_start3A_1002 : memref<1x!tpu.dma_semaphore, #tpu.memory_space<semaphore_mem>> -> memref<!tpu.dma_semaphore, #tpu.memory_space<semaphore_mem>>
        tpu.enqueue_indirect_dma source(%dma_start3A_1001 : memref<100000x8xf32, #tpu.memory_space<hbm>>) target(%dma_start3A_995 : memref<128x8xf32, #tpu.memory_space<vmem>>) offsets(%dma_start3A_998 : memref<128xi32, #tpu.memory_space<vmem>>) semaphore(%dma_start3A_1003 : memref<!tpu.dma_semaphore, #tpu.memory_space<semaphore_mem>>)
        %dma_start3A_1004 = arith.constant 7 : i32
        %dma_start3A_1005 = arith.constant 1 : i32
        %dma_start3A_1006 = arith.constant 896 : i32
        %dma_start3A_1007 = arith.constant 0 : i32
        %dma_start3A_1008 = tpu.memref_slice %arg11[%dma_start3A_1006, %dma_start3A_1007] : memref<1024x8xf32, #tpu.memory_space<vmem>> -> memref<128x8xf32, #tpu.memory_space<vmem>>
        %dma_start3A_1009 = arith.constant 0 : i32
        %dma_start3A_1010 = tpu.memref_slice %arg7[%dma_start3A_1004, %dma_start3A_1009] : memref<8x128xi32, #tpu.memory_space<vmem>> -> memref<1x128xi32, #tpu.memory_space<vmem>>
        %dma_start3A_1011 = tpu.memref_squeeze %dma_start3A_1010 : memref<1x128xi32, #tpu.memory_space<vmem>> -> memref<128xi32, #tpu.memory_space<vmem>>
        %dma_start3A_1012 = arith.constant 0 : i32
        %dma_start3A_1013 = arith.constant 0 : i32
        %dma_start3A_1014 = tpu.memref_slice %arg2[%dma_start3A_1012, %dma_start3A_1013] : memref<100000x8xf32, #tpu.memory_space<hbm>> -> memref<100000x8xf32, #tpu.memory_space<hbm>>
        %dma_start3A_1015 = tpu.memref_slice %arg17[%dma_start3A_1005] : memref<2x!tpu.dma_semaphore, #tpu.memory_space<semaphore_mem>> -> memref<1x!tpu.dma_semaphore, #tpu.memory_space<semaphore_mem>>
        %dma_start3A_1016 = tpu.memref_squeeze %dma_start3A_1015 : memref<1x!tpu.dma_semaphore, #tpu.memory_space<semaphore_mem>> -> memref<!tpu.dma_semaphore, #tpu.memory_space<semaphore_mem>>
        tpu.enqueue_indirect_dma source(%dma_start3A_1014 : memref<100000x8xf32, #tpu.memory_space<hbm>>) target(%dma_start3A_1008 : memref<128x8xf32, #tpu.memory_space<vmem>>) offsets(%dma_start3A_1011 : memref<128xi32, #tpu.memory_space<vmem>>) semaphore(%dma_start3A_1016 : memref<!tpu.dma_semaphore, #tpu.memory_space<semaphore_mem>>)
        %dma_start3A_1017 = arith.constant 7 : i32
        %dma_start3A_1018 = arith.constant 1 : i32
        %dma_start3A_1019 = arith.constant 896 : i32
        %dma_start3A_1020 = arith.constant 0 : i32
        %dma_start3A_1021 = tpu.memref_slice %arg13[%dma_start3A_1019, %dma_start3A_1020] : memref<1024x8xf32, #tpu.memory_space<vmem>> -> memref<128x8xf32, #tpu.memory_space<vmem>>
        %dma_start3A_1022 = arith.constant 0 : i32
        %dma_start3A_1023 = tpu.memref_slice %arg9[%dma_start3A_1017, %dma_start3A_1022] : memref<8x128xi32, #tpu.memory_space<vmem>> -> memref<1x128xi32, #tpu.memory_space<vmem>>
        %dma_start3A_1024 = tpu.memref_squeeze %dma_start3A_1023 : memref<1x128xi32, #tpu.memory_space<vmem>> -> memref<128xi32, #tpu.memory_space<vmem>>
        %dma_start3A_1025 = arith.constant 0 : i32
        %dma_start3A_1026 = arith.constant 0 : i32
        %dma_start3A_1027 = tpu.memref_slice %arg2[%dma_start3A_1025, %dma_start3A_1026] : memref<100000x8xf32, #tpu.memory_space<hbm>> -> memref<100000x8xf32, #tpu.memory_space<hbm>>
        %dma_start3A_1028 = tpu.memref_slice %arg17[%dma_start3A_1018] : memref<2x!tpu.dma_semaphore, #tpu.memory_space<semaphore_mem>> -> memref<1x!tpu.dma_semaphore, #tpu.memory_space<semaphore_mem>>
        %dma_start3A_1029 = tpu.memref_squeeze %dma_start3A_1028 : memref<1x!tpu.dma_semaphore, #tpu.memory_space<semaphore_mem>> -> memref<!tpu.dma_semaphore, #tpu.memory_space<semaphore_mem>>
        tpu.enqueue_indirect_dma source(%dma_start3A_1027 : memref<100000x8xf32, #tpu.memory_space<hbm>>) target(%dma_start3A_1021 : memref<128x8xf32, #tpu.memory_space<vmem>>) offsets(%dma_start3A_1024 : memref<128xi32, #tpu.memory_space<vmem>>) semaphore(%dma_start3A_1029 : memref<!tpu.dma_semaphore, #tpu.memory_space<semaphore_mem>>)
      } else {
      }
      %ge3A = arith.constant 2 : i32
      %ge3A_538 = arith.cmpi sge, %add3A_317, %ge3A : i32
      %convert_element_type3A_539 = arith.extui %ge3A_538 : i1 to i32
      %cond3A_540 = arith.constant 0 : i32
      %cond3A_541 = arith.cmpi ne, %convert_element_type3A_539, %cond3A_540 : i32
      scf.if %cond3A_541 {
        %dma_wait3A_801 = arith.constant 0 : i32
        %dma_wait3A_802 = arith.constant 0 : i32
        %dma_wait3A_803 = arith.constant 0 : i32
        %dma_wait3A_804 = tpu.memref_slice %arg5[%dma_wait3A_802, %dma_wait3A_803] : memref<100352x128xf32, #tpu.memory_space<hbm>> -> memref<128x32xf32, #tpu.memory_space<hbm>>
        %dma_wait3A_805 = tpu.memref_slice %arg18[%dma_wait3A_801] : memref<2x!tpu.dma_semaphore, #tpu.memory_space<semaphore_mem>> -> memref<1x!tpu.dma_semaphore, #tpu.memory_space<semaphore_mem>>
        %dma_wait3A_806 = tpu.memref_squeeze %dma_wait3A_805 : memref<1x!tpu.dma_semaphore, #tpu.memory_space<semaphore_mem>> -> memref<!tpu.dma_semaphore, #tpu.memory_space<semaphore_mem>>
        %dma_wait3A_807 = arith.constant 0 : i32
        %dma_wait3A_808 = arith.constant 0 : i32
        %dma_wait3A_809 = tpu.memref_slice %arg5[%dma_wait3A_807, %dma_wait3A_808] : memref<100352x128xf32, #tpu.memory_space<hbm>> -> memref<128x32xf32, #tpu.memory_space<hbm>>
        tpu.wait_dma2 semaphore(%dma_wait3A_806 : memref<!tpu.dma_semaphore, #tpu.memory_space<semaphore_mem>>) src(%arg14 : memref<128x32xf32, #tpu.memory_space<vmem>>) dst(%dma_wait3A_809 : memref<128x32xf32, #tpu.memory_space<hbm>>)
      } else {
      }
      %scan3A_542 = arith.constant 0 : i32
      %scan3A_543 = arith.constant 64 : i32
      %scan3A_544 = arith.addi %scan3A_542, %scan3A_543 : i32
      %scan3A_545 = arith.constant 1 : i32
      scf.for %scan3A_801 = %scan3A_542 to %scan3A_544 step %scan3A_545  : i32 {
        %mul3A_802 = arith.constant 16 : i32
        %mul3A_803 = arith.muli %scan3A_801, %mul3A_802 : i32
        %add3A_804 = arith.constant 0 : i32
        %add3A_805 = arith.addi %add3A_804, %mul3A_803 : i32
        %add3A_806 = vector.broadcast %add3A_805 : i32 to vector<16xi32>
        %add3A_807 = arith.addi %add3A_806, %iota3A : vector<16xi32>
        %broadcast_in_dim3A = arith.constant 0 : i32
        %broadcast_in_dim3A_808 = vector.broadcast %broadcast_in_dim3A : i32 to vector<16xi32>
        %gather3A = tpu.vector_load_idx %arg10[%add3A_807, %broadcast_in_dim3A_808] : memref<1024x8xf32, #tpu.memory_space<vmem>>[vector<16xi32>, vector<16xi32>], vector<16xf32>,
        %broadcast_in_dim3A_809 = arith.constant 1 : i32
        %broadcast_in_dim3A_810 = vector.broadcast %broadcast_in_dim3A_809 : i32 to vector<16xi32>
        %gather3A_811 = tpu.vector_load_idx %arg10[%add3A_807, %broadcast_in_dim3A_810] : memref<1024x8xf32, #tpu.memory_space<vmem>>[vector<16xi32>, vector<16xi32>], vector<16xf32>,
        %broadcast_in_dim3A_812 = arith.constant 2 : i32
        %broadcast_in_dim3A_813 = vector.broadcast %broadcast_in_dim3A_812 : i32 to vector<16xi32>
        %gather3A_814 = tpu.vector_load_idx %arg10[%add3A_807, %broadcast_in_dim3A_813] : memref<1024x8xf32, #tpu.memory_space<vmem>>[vector<16xi32>, vector<16xi32>], vector<16xf32>,
        %broadcast_in_dim3A_815 = arith.constant 3 : i32
        %broadcast_in_dim3A_816 = vector.broadcast %broadcast_in_dim3A_815 : i32 to vector<16xi32>
        %gather3A_817 = tpu.vector_load_idx %arg10[%add3A_807, %broadcast_in_dim3A_816] : memref<1024x8xf32, #tpu.memory_space<vmem>>[vector<16xi32>, vector<16xi32>], vector<16xf32>,
        %broadcast_in_dim3A_818 = arith.constant 4 : i32
        %broadcast_in_dim3A_819 = vector.broadcast %broadcast_in_dim3A_818 : i32 to vector<16xi32>
        %gather3A_820 = tpu.vector_load_idx %arg10[%add3A_807, %broadcast_in_dim3A_819] : memref<1024x8xf32, #tpu.memory_space<vmem>>[vector<16xi32>, vector<16xi32>], vector<16xf32>,
        %broadcast_in_dim3A_821 = arith.constant 0 : i32
        %broadcast_in_dim3A_822 = vector.broadcast %broadcast_in_dim3A_821 : i32 to vector<16xi32>
        %gather3A_823 = tpu.vector_load_idx %arg12[%add3A_807, %broadcast_in_dim3A_822] : memref<1024x8xf32, #tpu.memory_space<vmem>>[vector<16xi32>, vector<16xi32>], vector<16xf32>,
        %broadcast_in_dim3A_824 = arith.constant 1 : i32
        %broadcast_in_dim3A_825 = vector.broadcast %broadcast_in_dim3A_824 : i32 to vector<16xi32>
        %gather3A_826 = tpu.vector_load_idx %arg12[%add3A_807, %broadcast_in_dim3A_825] : memref<1024x8xf32, #tpu.memory_space<vmem>>[vector<16xi32>, vector<16xi32>], vector<16xf32>,
        %broadcast_in_dim3A_827 = arith.constant 2 : i32
        %broadcast_in_dim3A_828 = vector.broadcast %broadcast_in_dim3A_827 : i32 to vector<16xi32>
        %gather3A_829 = tpu.vector_load_idx %arg12[%add3A_807, %broadcast_in_dim3A_828] : memref<1024x8xf32, #tpu.memory_space<vmem>>[vector<16xi32>, vector<16xi32>], vector<16xf32>,
        %broadcast_in_dim3A_830 = arith.constant 3 : i32
        %broadcast_in_dim3A_831 = vector.broadcast %broadcast_in_dim3A_830 : i32 to vector<16xi32>
        %gather3A_832 = tpu.vector_load_idx %arg12[%add3A_807, %broadcast_in_dim3A_831] : memref<1024x8xf32, #tpu.memory_space<vmem>>[vector<16xi32>, vector<16xi32>], vector<16xf32>,
        %broadcast_in_dim3A_833 = arith.constant 4 : i32
        %broadcast_in_dim3A_834 = vector.broadcast %broadcast_in_dim3A_833 : i32 to vector<16xi32>
        %gather3A_835 = tpu.vector_load_idx %arg12[%add3A_807, %broadcast_in_dim3A_834] : memref<1024x8xf32, #tpu.memory_space<vmem>>[vector<16xi32>, vector<16xi32>], vector<16xf32>,
        %mul3A_836 = arith.mulf %gather3A_811, %gather3A_826 : vector<16xf32>
        %mul3A_837 = arith.mulf %gather3A_814, %gather3A_829 : vector<16xf32>
        %add3A_838 = arith.addf %mul3A_836, %mul3A_837 : vector<16xf32>
        %mul3A_839 = arith.mulf %gather3A_817, %gather3A_832 : vector<16xf32>
        %add3A_840 = arith.addf %add3A_838, %mul3A_839 : vector<16xf32>
        %mul3A_841 = arith.mulf %gather3A, %gather3A_823 : vector<16xf32>
        %sub3A_842 = arith.subf %add3A_840, %mul3A_841 : vector<16xf32>
        %mul3A_843 = arith.constant 2.000000e+00 : f32
        %mul3A_844 = vector.broadcast %mul3A_843 : f32 to vector<16xf32>
        %mul3A_845 = arith.mulf %mul3A_844, %sub3A_842 : vector<16xf32>
        %sub3A_846 = arith.subf %gather3A_820, %mul3A_845 : vector<16xf32>
        %add3A_847 = arith.addf %sub3A_846, %gather3A_835 : vector<16xf32>
        %shift_right_arithmetic3A = arith.constant 3 : i32
        %shift_right_arithmetic3A_848 = vector.broadcast %shift_right_arithmetic3A : i32 to vector<16xi32>
        %shift_right_arithmetic3A_849 = arith.shrsi %add3A_807, %shift_right_arithmetic3A_848 : vector<16xi32>
        %and3A_850 = arith.constant 7 : i32
        %and3A_851 = vector.broadcast %and3A_850 : i32 to vector<16xi32>
        %and3A_852 = arith.andi %add3A_807, %and3A_851 : vector<16xi32>
        %mul3A_853 = arith.constant 4 : i32
        %mul3A_854 = vector.broadcast %mul3A_853 : i32 to vector<16xi32>
        %mul3A_855 = arith.muli %and3A_852, %mul3A_854 : vector<16xi32>
        %add3A_856 = arith.constant 0 : i32
        %add3A_857 = vector.broadcast %add3A_856 : i32 to vector<16xi32>
        %add3A_858 = arith.addi %mul3A_855, %add3A_857 : vector<16xi32>
        tpu.vector_store_idx %arg14[%shift_right_arithmetic3A_849, %add3A_858], %gather3A_820 : memref<128x32xf32, #tpu.memory_space<vmem>>[vector<16xi32>, vector<16xi32>], vector<16xf32>,
        %add3A_859 = arith.constant 1 : i32
        %add3A_860 = vector.broadcast %add3A_859 : i32 to vector<16xi32>
        %add3A_861 = arith.addi %mul3A_855, %add3A_860 : vector<16xi32>
        tpu.vector_store_idx %arg14[%shift_right_arithmetic3A_849, %add3A_861], %sub3A_842 : memref<128x32xf32, #tpu.memory_space<vmem>>[vector<16xi32>, vector<16xi32>], vector<16xf32>,
        %add3A_862 = arith.constant 2 : i32
        %add3A_863 = vector.broadcast %add3A_862 : i32 to vector<16xi32>
        %add3A_864 = arith.addi %mul3A_855, %add3A_863 : vector<16xi32>
        tpu.vector_store_idx %arg14[%shift_right_arithmetic3A_849, %add3A_864], %gather3A_835 : memref<128x32xf32, #tpu.memory_space<vmem>>[vector<16xi32>, vector<16xi32>], vector<16xf32>,
        %add3A_865 = arith.constant 3 : i32
        %add3A_866 = vector.broadcast %add3A_865 : i32 to vector<16xi32>
        %add3A_867 = arith.addi %mul3A_855, %add3A_866 : vector<16xi32>
        tpu.vector_store_idx %arg14[%shift_right_arithmetic3A_849, %add3A_867], %add3A_847 : memref<128x32xf32, #tpu.memory_space<vmem>>[vector<16xi32>, vector<16xi32>], vector<16xf32>,
      }
      %scan3A_546 = arith.constant 64 : i32
      %mul3A_547 = arith.constant 128 : i32
      %mul3A_548 = arith.muli %add3A_317, %mul3A_547 : i32
      %add3A_549 = arith.addi %mul3A_288, %mul3A_548 : i32
      %mul3A_550 = arith.constant 32 : i32
      %mul3A_551 = arith.muli %mul3A_550, %select_n3A : i32
      %dma_start3A_552 = arith.constant 0 : i32
      %dma_start3A_553 = tpu.memref_slice %arg5[%add3A_549, %mul3A_551] : memref<100352x128xf32, #tpu.memory_space<hbm>> -> memref<128x32xf32, #tpu.memory_space<hbm>>
      %dma_start3A_554 = tpu.memref_slice %arg18[%dma_start3A_552] : memref<2x!tpu.dma_semaphore, #tpu.memory_space<semaphore_mem>> -> memref<1x!tpu.dma_semaphore, #tpu.memory_space<semaphore_mem>>
      %dma_start3A_555 = tpu.memref_squeeze %dma_start3A_554 : memref<1x!tpu.dma_semaphore, #tpu.memory_space<semaphore_mem>> -> memref<!tpu.dma_semaphore, #tpu.memory_space<semaphore_mem>>
      %dma_start3A_556 = tpu.memref_slice %arg5[%add3A_549, %mul3A_551] : memref<100352x128xf32, #tpu.memory_space<hbm>> -> memref<128x32xf32, #tpu.memory_space<hbm>>
      tpu.enqueue_dma source(%arg14 : memref<128x32xf32, #tpu.memory_space<vmem>>) target(%dma_start3A_556 : memref<128x32xf32, #tpu.memory_space<hbm>>) target_semaphore(%dma_start3A_555 : memref<!tpu.dma_semaphore, #tpu.memory_space<semaphore_mem>>)
      %add3A_557 = arith.constant 1 : i32
      %add3A_558 = arith.addi %add3A_315, %add3A_557 : i32
      %dma_wait3A_559 = arith.constant 0 : i32
      %dma_wait3A_560 = arith.constant 1 : i32
      %dma_wait3A_561 = arith.constant 0 : i32
      %dma_wait3A_562 = arith.constant 0 : i32
      %dma_wait3A_563 = tpu.memref_slice %arg11[%dma_wait3A_561, %dma_wait3A_562] : memref<1024x8xf32, #tpu.memory_space<vmem>> -> memref<128x8xf32, #tpu.memory_space<vmem>>
      %dma_wait3A_564 = arith.constant 0 : i32
      %dma_wait3A_565 = tpu.memref_slice %arg7[%dma_wait3A_559, %dma_wait3A_564] : memref<8x128xi32, #tpu.memory_space<vmem>> -> memref<1x128xi32, #tpu.memory_space<vmem>>
      %dma_wait3A_566 = tpu.memref_squeeze %dma_wait3A_565 : memref<1x128xi32, #tpu.memory_space<vmem>> -> memref<128xi32, #tpu.memory_space<vmem>>
      %dma_wait3A_567 = arith.constant 0 : i32
      %dma_wait3A_568 = arith.constant 0 : i32
      %dma_wait3A_569 = tpu.memref_slice %arg2[%dma_wait3A_567, %dma_wait3A_568] : memref<100000x8xf32, #tpu.memory_space<hbm>> -> memref<100000x8xf32, #tpu.memory_space<hbm>>
      %dma_wait3A_570 = tpu.memref_slice %arg17[%dma_wait3A_560] : memref<2x!tpu.dma_semaphore, #tpu.memory_space<semaphore_mem>> -> memref<1x!tpu.dma_semaphore, #tpu.memory_space<semaphore_mem>>
      %dma_wait3A_571 = tpu.memref_squeeze %dma_wait3A_570 : memref<1x!tpu.dma_semaphore, #tpu.memory_space<semaphore_mem>> -> memref<!tpu.dma_semaphore, #tpu.memory_space<semaphore_mem>>
      tpu.wait_indirect_dma semaphore(%dma_wait3A_571 : memref<!tpu.dma_semaphore, #tpu.memory_space<semaphore_mem>>) src(%dma_wait3A_569 : memref<100000x8xf32, #tpu.memory_space<hbm>>) dst(%dma_wait3A_563 : memref<128x8xf32, #tpu.memory_space<vmem>>)
      %dma_wait3A_572 = arith.constant 0 : i32
      %dma_wait3A_573 = arith.constant 1 : i32
      %dma_wait3A_574 = arith.constant 0 : i32
      %dma_wait3A_575 = arith.constant 0 : i32
      %dma_wait3A_576 = tpu.memref_slice %arg13[%dma_wait3A_574, %dma_wait3A_575] : memref<1024x8xf32, #tpu.memory_space<vmem>> -> memref<128x8xf32, #tpu.memory_space<vmem>>
      %dma_wait3A_577 = arith.constant 0 : i32
      %dma_wait3A_578 = tpu.memref_slice %arg9[%dma_wait3A_572, %dma_wait3A_577] : memref<8x128xi32, #tpu.memory_space<vmem>> -> memref<1x128xi32, #tpu.memory_space<vmem>>
      %dma_wait3A_579 = tpu.memref_squeeze %dma_wait3A_578 : memref<1x128xi32, #tpu.memory_space<vmem>> -> memref<128xi32, #tpu.memory_space<vmem>>
      %dma_wait3A_580 = arith.constant 0 : i32
      %dma_wait3A_581 = arith.constant 0 : i32
      %dma_wait3A_582 = tpu.memref_slice %arg2[%dma_wait3A_580, %dma_wait3A_581] : memref<100000x8xf32, #tpu.memory_space<hbm>> -> memref<100000x8xf32, #tpu.memory_space<hbm>>
      %dma_wait3A_583 = tpu.memref_slice %arg17[%dma_wait3A_573] : memref<2x!tpu.dma_semaphore, #tpu.memory_space<semaphore_mem>> -> memref<1x!tpu.dma_semaphore, #tpu.memory_space<semaphore_mem>>
      %dma_wait3A_584 = tpu.memref_squeeze %dma_wait3A_583 : memref<1x!tpu.dma_semaphore, #tpu.memory_space<semaphore_mem>> -> memref<!tpu.dma_semaphore, #tpu.memory_space<semaphore_mem>>
      tpu.wait_indirect_dma semaphore(%dma_wait3A_584 : memref<!tpu.dma_semaphore, #tpu.memory_space<semaphore_mem>>) src(%dma_wait3A_582 : memref<100000x8xf32, #tpu.memory_space<hbm>>) dst(%dma_wait3A_576 : memref<128x8xf32, #tpu.memory_space<vmem>>)
      %dma_wait3A_585 = arith.constant 1 : i32
      %dma_wait3A_586 = arith.constant 1 : i32
      %dma_wait3A_587 = arith.constant 128 : i32
      %dma_wait3A_588 = arith.constant 0 : i32
      %dma_wait3A_589 = tpu.memref_slice %arg11[%dma_wait3A_587, %dma_wait3A_588] : memref<1024x8xf32, #tpu.memory_space<vmem>> -> memref<128x8xf32, #tpu.memory_space<vmem>>
      %dma_wait3A_590 = arith.constant 0 : i32
      %dma_wait3A_591 = tpu.memref_slice %arg7[%dma_wait3A_585, %dma_wait3A_590] : memref<8x128xi32, #tpu.memory_space<vmem>> -> memref<1x128xi32, #tpu.memory_space<vmem>>
      %dma_wait3A_592 = tpu.memref_squeeze %dma_wait3A_591 : memref<1x128xi32, #tpu.memory_space<vmem>> -> memref<128xi32, #tpu.memory_space<vmem>>
      %dma_wait3A_593 = arith.constant 0 : i32
      %dma_wait3A_594 = arith.constant 0 : i32
      %dma_wait3A_595 = tpu.memref_slice %arg2[%dma_wait3A_593, %dma_wait3A_594] : memref<100000x8xf32, #tpu.memory_space<hbm>> -> memref<100000x8xf32, #tpu.memory_space<hbm>>
      %dma_wait3A_596 = tpu.memref_slice %arg17[%dma_wait3A_586] : memref<2x!tpu.dma_semaphore, #tpu.memory_space<semaphore_mem>> -> memref<1x!tpu.dma_semaphore, #tpu.memory_space<semaphore_mem>>
      %dma_wait3A_597 = tpu.memref_squeeze %dma_wait3A_596 : memref<1x!tpu.dma_semaphore, #tpu.memory_space<semaphore_mem>> -> memref<!tpu.dma_semaphore, #tpu.memory_space<semaphore_mem>>
      tpu.wait_indirect_dma semaphore(%dma_wait3A_597 : memref<!tpu.dma_semaphore, #tpu.memory_space<semaphore_mem>>) src(%dma_wait3A_595 : memref<100000x8xf32, #tpu.memory_space<hbm>>) dst(%dma_wait3A_589 : memref<128x8xf32, #tpu.memory_space<vmem>>)
      %dma_wait3A_598 = arith.constant 1 : i32
      %dma_wait3A_599 = arith.constant 1 : i32
      %dma_wait3A_600 = arith.constant 128 : i32
      %dma_wait3A_601 = arith.constant 0 : i32
      %dma_wait3A_602 = tpu.memref_slice %arg13[%dma_wait3A_600, %dma_wait3A_601] : memref<1024x8xf32, #tpu.memory_space<vmem>> -> memref<128x8xf32, #tpu.memory_space<vmem>>
      %dma_wait3A_603 = arith.constant 0 : i32
      %dma_wait3A_604 = tpu.memref_slice %arg9[%dma_wait3A_598, %dma_wait3A_603] : memref<8x128xi32, #tpu.memory_space<vmem>> -> memref<1x128xi32, #tpu.memory_space<vmem>>
      %dma_wait3A_605 = tpu.memref_squeeze %dma_wait3A_604 : memref<1x128xi32, #tpu.memory_space<vmem>> -> memref<128xi32, #tpu.memory_space<vmem>>
      %dma_wait3A_606 = arith.constant 0 : i32
      %dma_wait3A_607 = arith.constant 0 : i32
      %dma_wait3A_608 = tpu.memref_slice %arg2[%dma_wait3A_606, %dma_wait3A_607] : memref<100000x8xf32, #tpu.memory_space<hbm>> -> memref<100000x8xf32, #tpu.memory_space<hbm>>
      %dma_wait3A_609 = tpu.memref_slice %arg17[%dma_wait3A_599] : memref<2x!tpu.dma_semaphore, #tpu.memory_space<semaphore_mem>> -> memref<1x!tpu.dma_semaphore, #tpu.memory_space<semaphore_mem>>
      %dma_wait3A_610 = tpu.memref_squeeze %dma_wait3A_609 : memref<1x!tpu.dma_semaphore, #tpu.memory_space<semaphore_mem>> -> memref<!tpu.dma_semaphore, #tpu.memory_space<semaphore_mem>>
      tpu.wait_indirect_dma semaphore(%dma_wait3A_610 : memref<!tpu.dma_semaphore, #tpu.memory_space<semaphore_mem>>) src(%dma_wait3A_608 : memref<100000x8xf32, #tpu.memory_space<hbm>>) dst(%dma_wait3A_602 : memref<128x8xf32, #tpu.memory_space<vmem>>)
      %dma_wait3A_611 = arith.constant 2 : i32
      %dma_wait3A_612 = arith.constant 1 : i32
      %dma_wait3A_613 = arith.constant 256 : i32
      %dma_wait3A_614 = arith.constant 0 : i32
      %dma_wait3A_615 = tpu.memref_slice %arg11[%dma_wait3A_613, %dma_wait3A_614] : memref<1024x8xf32, #tpu.memory_space<vmem>> -> memref<128x8xf32, #tpu.memory_space<vmem>>
      %dma_wait3A_616 = arith.constant 0 : i32
      %dma_wait3A_617 = tpu.memref_slice %arg7[%dma_wait3A_611, %dma_wait3A_616] : memref<8x128xi32, #tpu.memory_space<vmem>> -> memref<1x128xi32, #tpu.memory_space<vmem>>
      %dma_wait3A_618 = tpu.memref_squeeze %dma_wait3A_617 : memref<1x128xi32, #tpu.memory_space<vmem>> -> memref<128xi32, #tpu.memory_space<vmem>>
      %dma_wait3A_619 = arith.constant 0 : i32
      %dma_wait3A_620 = arith.constant 0 : i32
      %dma_wait3A_621 = tpu.memref_slice %arg2[%dma_wait3A_619, %dma_wait3A_620] : memref<100000x8xf32, #tpu.memory_space<hbm>> -> memref<100000x8xf32, #tpu.memory_space<hbm>>
      %dma_wait3A_622 = tpu.memref_slice %arg17[%dma_wait3A_612] : memref<2x!tpu.dma_semaphore, #tpu.memory_space<semaphore_mem>> -> memref<1x!tpu.dma_semaphore, #tpu.memory_space<semaphore_mem>>
      %dma_wait3A_623 = tpu.memref_squeeze %dma_wait3A_622 : memref<1x!tpu.dma_semaphore, #tpu.memory_space<semaphore_mem>> -> memref<!tpu.dma_semaphore, #tpu.memory_space<semaphore_mem>>
      tpu.wait_indirect_dma semaphore(%dma_wait3A_623 : memref<!tpu.dma_semaphore, #tpu.memory_space<semaphore_mem>>) src(%dma_wait3A_621 : memref<100000x8xf32, #tpu.memory_space<hbm>>) dst(%dma_wait3A_615 : memref<128x8xf32, #tpu.memory_space<vmem>>)
      %dma_wait3A_624 = arith.constant 2 : i32
      %dma_wait3A_625 = arith.constant 1 : i32
      %dma_wait3A_626 = arith.constant 256 : i32
      %dma_wait3A_627 = arith.constant 0 : i32
      %dma_wait3A_628 = tpu.memref_slice %arg13[%dma_wait3A_626, %dma_wait3A_627] : memref<1024x8xf32, #tpu.memory_space<vmem>> -> memref<128x8xf32, #tpu.memory_space<vmem>>
      %dma_wait3A_629 = arith.constant 0 : i32
      %dma_wait3A_630 = tpu.memref_slice %arg9[%dma_wait3A_624, %dma_wait3A_629] : memref<8x128xi32, #tpu.memory_space<vmem>> -> memref<1x128xi32, #tpu.memory_space<vmem>>
      %dma_wait3A_631 = tpu.memref_squeeze %dma_wait3A_630 : memref<1x128xi32, #tpu.memory_space<vmem>> -> memref<128xi32, #tpu.memory_space<vmem>>
      %dma_wait3A_632 = arith.constant 0 : i32
      %dma_wait3A_633 = arith.constant 0 : i32
      %dma_wait3A_634 = tpu.memref_slice %arg2[%dma_wait3A_632, %dma_wait3A_633] : memref<100000x8xf32, #tpu.memory_space<hbm>> -> memref<100000x8xf32, #tpu.memory_space<hbm>>
      %dma_wait3A_635 = tpu.memref_slice %arg17[%dma_wait3A_625] : memref<2x!tpu.dma_semaphore, #tpu.memory_space<semaphore_mem>> -> memref<1x!tpu.dma_semaphore, #tpu.memory_space<semaphore_mem>>
      %dma_wait3A_636 = tpu.memref_squeeze %dma_wait3A_635 : memref<1x!tpu.dma_semaphore, #tpu.memory_space<semaphore_mem>> -> memref<!tpu.dma_semaphore, #tpu.memory_space<semaphore_mem>>
      tpu.wait_indirect_dma semaphore(%dma_wait3A_636 : memref<!tpu.dma_semaphore, #tpu.memory_space<semaphore_mem>>) src(%dma_wait3A_634 : memref<100000x8xf32, #tpu.memory_space<hbm>>) dst(%dma_wait3A_628 : memref<128x8xf32, #tpu.memory_space<vmem>>)
      %dma_wait3A_637 = arith.constant 3 : i32
      %dma_wait3A_638 = arith.constant 1 : i32
      %dma_wait3A_639 = arith.constant 384 : i32
      %dma_wait3A_640 = arith.constant 0 : i32
      %dma_wait3A_641 = tpu.memref_slice %arg11[%dma_wait3A_639, %dma_wait3A_640] : memref<1024x8xf32, #tpu.memory_space<vmem>> -> memref<128x8xf32, #tpu.memory_space<vmem>>
      %dma_wait3A_642 = arith.constant 0 : i32
      %dma_wait3A_643 = tpu.memref_slice %arg7[%dma_wait3A_637, %dma_wait3A_642] : memref<8x128xi32, #tpu.memory_space<vmem>> -> memref<1x128xi32, #tpu.memory_space<vmem>>
      %dma_wait3A_644 = tpu.memref_squeeze %dma_wait3A_643 : memref<1x128xi32, #tpu.memory_space<vmem>> -> memref<128xi32, #tpu.memory_space<vmem>>
      %dma_wait3A_645 = arith.constant 0 : i32
      %dma_wait3A_646 = arith.constant 0 : i32
      %dma_wait3A_647 = tpu.memref_slice %arg2[%dma_wait3A_645, %dma_wait3A_646] : memref<100000x8xf32, #tpu.memory_space<hbm>> -> memref<100000x8xf32, #tpu.memory_space<hbm>>
      %dma_wait3A_648 = tpu.memref_slice %arg17[%dma_wait3A_638] : memref<2x!tpu.dma_semaphore, #tpu.memory_space<semaphore_mem>> -> memref<1x!tpu.dma_semaphore, #tpu.memory_space<semaphore_mem>>
      %dma_wait3A_649 = tpu.memref_squeeze %dma_wait3A_648 : memref<1x!tpu.dma_semaphore, #tpu.memory_space<semaphore_mem>> -> memref<!tpu.dma_semaphore, #tpu.memory_space<semaphore_mem>>
      tpu.wait_indirect_dma semaphore(%dma_wait3A_649 : memref<!tpu.dma_semaphore, #tpu.memory_space<semaphore_mem>>) src(%dma_wait3A_647 : memref<100000x8xf32, #tpu.memory_space<hbm>>) dst(%dma_wait3A_641 : memref<128x8xf32, #tpu.memory_space<vmem>>)
      %dma_wait3A_650 = arith.constant 3 : i32
      %dma_wait3A_651 = arith.constant 1 : i32
      %dma_wait3A_652 = arith.constant 384 : i32
      %dma_wait3A_653 = arith.constant 0 : i32
      %dma_wait3A_654 = tpu.memref_slice %arg13[%dma_wait3A_652, %dma_wait3A_653] : memref<1024x8xf32, #tpu.memory_space<vmem>> -> memref<128x8xf32, #tpu.memory_space<vmem>>
      %dma_wait3A_655 = arith.constant 0 : i32
      %dma_wait3A_656 = tpu.memref_slice %arg9[%dma_wait3A_650, %dma_wait3A_655] : memref<8x128xi32, #tpu.memory_space<vmem>> -> memref<1x128xi32, #tpu.memory_space<vmem>>
      %dma_wait3A_657 = tpu.memref_squeeze %dma_wait3A_656 : memref<1x128xi32, #tpu.memory_space<vmem>> -> memref<128xi32, #tpu.memory_space<vmem>>
      %dma_wait3A_658 = arith.constant 0 : i32
      %dma_wait3A_659 = arith.constant 0 : i32
      %dma_wait3A_660 = tpu.memref_slice %arg2[%dma_wait3A_658, %dma_wait3A_659] : memref<100000x8xf32, #tpu.memory_space<hbm>> -> memref<100000x8xf32, #tpu.memory_space<hbm>>
      %dma_wait3A_661 = tpu.memref_slice %arg17[%dma_wait3A_651] : memref<2x!tpu.dma_semaphore, #tpu.memory_space<semaphore_mem>> -> memref<1x!tpu.dma_semaphore, #tpu.memory_space<semaphore_mem>>
      %dma_wait3A_662 = tpu.memref_squeeze %dma_wait3A_661 : memref<1x!tpu.dma_semaphore, #tpu.memory_space<semaphore_mem>> -> memref<!tpu.dma_semaphore, #tpu.memory_space<semaphore_mem>>
      tpu.wait_indirect_dma semaphore(%dma_wait3A_662 : memref<!tpu.dma_semaphore, #tpu.memory_space<semaphore_mem>>) src(%dma_wait3A_660 : memref<100000x8xf32, #tpu.memory_space<hbm>>) dst(%dma_wait3A_654 : memref<128x8xf32, #tpu.memory_space<vmem>>)
      %dma_wait3A_663 = arith.constant 4 : i32
      %dma_wait3A_664 = arith.constant 1 : i32
      %dma_wait3A_665 = arith.constant 512 : i32
      %dma_wait3A_666 = arith.constant 0 : i32
      %dma_wait3A_667 = tpu.memref_slice %arg11[%dma_wait3A_665, %dma_wait3A_666] : memref<1024x8xf32, #tpu.memory_space<vmem>> -> memref<128x8xf32, #tpu.memory_space<vmem>>
      %dma_wait3A_668 = arith.constant 0 : i32
      %dma_wait3A_669 = tpu.memref_slice %arg7[%dma_wait3A_663, %dma_wait3A_668] : memref<8x128xi32, #tpu.memory_space<vmem>> -> memref<1x128xi32, #tpu.memory_space<vmem>>
      %dma_wait3A_670 = tpu.memref_squeeze %dma_wait3A_669 : memref<1x128xi32, #tpu.memory_space<vmem>> -> memref<128xi32, #tpu.memory_space<vmem>>
      %dma_wait3A_671 = arith.constant 0 : i32
      %dma_wait3A_672 = arith.constant 0 : i32
      %dma_wait3A_673 = tpu.memref_slice %arg2[%dma_wait3A_671, %dma_wait3A_672] : memref<100000x8xf32, #tpu.memory_space<hbm>> -> memref<100000x8xf32, #tpu.memory_space<hbm>>
      %dma_wait3A_674 = tpu.memref_slice %arg17[%dma_wait3A_664] : memref<2x!tpu.dma_semaphore, #tpu.memory_space<semaphore_mem>> -> memref<1x!tpu.dma_semaphore, #tpu.memory_space<semaphore_mem>>
      %dma_wait3A_675 = tpu.memref_squeeze %dma_wait3A_674 : memref<1x!tpu.dma_semaphore, #tpu.memory_space<semaphore_mem>> -> memref<!tpu.dma_semaphore, #tpu.memory_space<semaphore_mem>>
      tpu.wait_indirect_dma semaphore(%dma_wait3A_675 : memref<!tpu.dma_semaphore, #tpu.memory_space<semaphore_mem>>) src(%dma_wait3A_673 : memref<100000x8xf32, #tpu.memory_space<hbm>>) dst(%dma_wait3A_667 : memref<128x8xf32, #tpu.memory_space<vmem>>)
      %dma_wait3A_676 = arith.constant 4 : i32
      %dma_wait3A_677 = arith.constant 1 : i32
      %dma_wait3A_678 = arith.constant 512 : i32
      %dma_wait3A_679 = arith.constant 0 : i32
      %dma_wait3A_680 = tpu.memref_slice %arg13[%dma_wait3A_678, %dma_wait3A_679] : memref<1024x8xf32, #tpu.memory_space<vmem>> -> memref<128x8xf32, #tpu.memory_space<vmem>>
      %dma_wait3A_681 = arith.constant 0 : i32
      %dma_wait3A_682 = tpu.memref_slice %arg9[%dma_wait3A_676, %dma_wait3A_681] : memref<8x128xi32, #tpu.memory_space<vmem>> -> memref<1x128xi32, #tpu.memory_space<vmem>>
      %dma_wait3A_683 = tpu.memref_squeeze %dma_wait3A_682 : memref<1x128xi32, #tpu.memory_space<vmem>> -> memref<128xi32, #tpu.memory_space<vmem>>
      %dma_wait3A_684 = arith.constant 0 : i32
      %dma_wait3A_685 = arith.constant 0 : i32
      %dma_wait3A_686 = tpu.memref_slice %arg2[%dma_wait3A_684, %dma_wait3A_685] : memref<100000x8xf32, #tpu.memory_space<hbm>> -> memref<100000x8xf32, #tpu.memory_space<hbm>>
      %dma_wait3A_687 = tpu.memref_slice %arg17[%dma_wait3A_677] : memref<2x!tpu.dma_semaphore, #tpu.memory_space<semaphore_mem>> -> memref<1x!tpu.dma_semaphore, #tpu.memory_space<semaphore_mem>>
      %dma_wait3A_688 = tpu.memref_squeeze %dma_wait3A_687 : memref<1x!tpu.dma_semaphore, #tpu.memory_space<semaphore_mem>> -> memref<!tpu.dma_semaphore, #tpu.memory_space<semaphore_mem>>
      tpu.wait_indirect_dma semaphore(%dma_wait3A_688 : memref<!tpu.dma_semaphore, #tpu.memory_space<semaphore_mem>>) src(%dma_wait3A_686 : memref<100000x8xf32, #tpu.memory_space<hbm>>) dst(%dma_wait3A_680 : memref<128x8xf32, #tpu.memory_space<vmem>>)
      %dma_wait3A_689 = arith.constant 5 : i32
      %dma_wait3A_690 = arith.constant 1 : i32
      %dma_wait3A_691 = arith.constant 640 : i32
      %dma_wait3A_692 = arith.constant 0 : i32
      %dma_wait3A_693 = tpu.memref_slice %arg11[%dma_wait3A_691, %dma_wait3A_692] : memref<1024x8xf32, #tpu.memory_space<vmem>> -> memref<128x8xf32, #tpu.memory_space<vmem>>
      %dma_wait3A_694 = arith.constant 0 : i32
      %dma_wait3A_695 = tpu.memref_slice %arg7[%dma_wait3A_689, %dma_wait3A_694] : memref<8x128xi32, #tpu.memory_space<vmem>> -> memref<1x128xi32, #tpu.memory_space<vmem>>
      %dma_wait3A_696 = tpu.memref_squeeze %dma_wait3A_695 : memref<1x128xi32, #tpu.memory_space<vmem>> -> memref<128xi32, #tpu.memory_space<vmem>>
      %dma_wait3A_697 = arith.constant 0 : i32
      %dma_wait3A_698 = arith.constant 0 : i32
      %dma_wait3A_699 = tpu.memref_slice %arg2[%dma_wait3A_697, %dma_wait3A_698] : memref<100000x8xf32, #tpu.memory_space<hbm>> -> memref<100000x8xf32, #tpu.memory_space<hbm>>
      %dma_wait3A_700 = tpu.memref_slice %arg17[%dma_wait3A_690] : memref<2x!tpu.dma_semaphore, #tpu.memory_space<semaphore_mem>> -> memref<1x!tpu.dma_semaphore, #tpu.memory_space<semaphore_mem>>
      %dma_wait3A_701 = tpu.memref_squeeze %dma_wait3A_700 : memref<1x!tpu.dma_semaphore, #tpu.memory_space<semaphore_mem>> -> memref<!tpu.dma_semaphore, #tpu.memory_space<semaphore_mem>>
      tpu.wait_indirect_dma semaphore(%dma_wait3A_701 : memref<!tpu.dma_semaphore, #tpu.memory_space<semaphore_mem>>) src(%dma_wait3A_699 : memref<100000x8xf32, #tpu.memory_space<hbm>>) dst(%dma_wait3A_693 : memref<128x8xf32, #tpu.memory_space<vmem>>)
      %dma_wait3A_702 = arith.constant 5 : i32
      %dma_wait3A_703 = arith.constant 1 : i32
      %dma_wait3A_704 = arith.constant 640 : i32
      %dma_wait3A_705 = arith.constant 0 : i32
      %dma_wait3A_706 = tpu.memref_slice %arg13[%dma_wait3A_704, %dma_wait3A_705] : memref<1024x8xf32, #tpu.memory_space<vmem>> -> memref<128x8xf32, #tpu.memory_space<vmem>>
      %dma_wait3A_707 = arith.constant 0 : i32
      %dma_wait3A_708 = tpu.memref_slice %arg9[%dma_wait3A_702, %dma_wait3A_707] : memref<8x128xi32, #tpu.memory_space<vmem>> -> memref<1x128xi32, #tpu.memory_space<vmem>>
      %dma_wait3A_709 = tpu.memref_squeeze %dma_wait3A_708 : memref<1x128xi32, #tpu.memory_space<vmem>> -> memref<128xi32, #tpu.memory_space<vmem>>
      %dma_wait3A_710 = arith.constant 0 : i32
      %dma_wait3A_711 = arith.constant 0 : i32
      %dma_wait3A_712 = tpu.memref_slice %arg2[%dma_wait3A_710, %dma_wait3A_711] : memref<100000x8xf32, #tpu.memory_space<hbm>> -> memref<100000x8xf32, #tpu.memory_space<hbm>>
      %dma_wait3A_713 = tpu.memref_slice %arg17[%dma_wait3A_703] : memref<2x!tpu.dma_semaphore, #tpu.memory_space<semaphore_mem>> -> memref<1x!tpu.dma_semaphore, #tpu.memory_space<semaphore_mem>>
      %dma_wait3A_714 = tpu.memref_squeeze %dma_wait3A_713 : memref<1x!tpu.dma_semaphore, #tpu.memory_space<semaphore_mem>> -> memref<!tpu.dma_semaphore, #tpu.memory_space<semaphore_mem>>
      tpu.wait_indirect_dma semaphore(%dma_wait3A_714 : memref<!tpu.dma_semaphore, #tpu.memory_space<semaphore_mem>>) src(%dma_wait3A_712 : memref<100000x8xf32, #tpu.memory_space<hbm>>) dst(%dma_wait3A_706 : memref<128x8xf32, #tpu.memory_space<vmem>>)
      %dma_wait3A_715 = arith.constant 6 : i32
      %dma_wait3A_716 = arith.constant 1 : i32
      %dma_wait3A_717 = arith.constant 768 : i32
      %dma_wait3A_718 = arith.constant 0 : i32
      %dma_wait3A_719 = tpu.memref_slice %arg11[%dma_wait3A_717, %dma_wait3A_718] : memref<1024x8xf32, #tpu.memory_space<vmem>> -> memref<128x8xf32, #tpu.memory_space<vmem>>
      %dma_wait3A_720 = arith.constant 0 : i32
      %dma_wait3A_721 = tpu.memref_slice %arg7[%dma_wait3A_715, %dma_wait3A_720] : memref<8x128xi32, #tpu.memory_space<vmem>> -> memref<1x128xi32, #tpu.memory_space<vmem>>
      %dma_wait3A_722 = tpu.memref_squeeze %dma_wait3A_721 : memref<1x128xi32, #tpu.memory_space<vmem>> -> memref<128xi32, #tpu.memory_space<vmem>>
      %dma_wait3A_723 = arith.constant 0 : i32
      %dma_wait3A_724 = arith.constant 0 : i32
      %dma_wait3A_725 = tpu.memref_slice %arg2[%dma_wait3A_723, %dma_wait3A_724] : memref<100000x8xf32, #tpu.memory_space<hbm>> -> memref<100000x8xf32, #tpu.memory_space<hbm>>
      %dma_wait3A_726 = tpu.memref_slice %arg17[%dma_wait3A_716] : memref<2x!tpu.dma_semaphore, #tpu.memory_space<semaphore_mem>> -> memref<1x!tpu.dma_semaphore, #tpu.memory_space<semaphore_mem>>
      %dma_wait3A_727 = tpu.memref_squeeze %dma_wait3A_726 : memref<1x!tpu.dma_semaphore, #tpu.memory_space<semaphore_mem>> -> memref<!tpu.dma_semaphore, #tpu.memory_space<semaphore_mem>>
      tpu.wait_indirect_dma semaphore(%dma_wait3A_727 : memref<!tpu.dma_semaphore, #tpu.memory_space<semaphore_mem>>) src(%dma_wait3A_725 : memref<100000x8xf32, #tpu.memory_space<hbm>>) dst(%dma_wait3A_719 : memref<128x8xf32, #tpu.memory_space<vmem>>)
      %dma_wait3A_728 = arith.constant 6 : i32
      %dma_wait3A_729 = arith.constant 1 : i32
      %dma_wait3A_730 = arith.constant 768 : i32
      %dma_wait3A_731 = arith.constant 0 : i32
      %dma_wait3A_732 = tpu.memref_slice %arg13[%dma_wait3A_730, %dma_wait3A_731] : memref<1024x8xf32, #tpu.memory_space<vmem>> -> memref<128x8xf32, #tpu.memory_space<vmem>>
      %dma_wait3A_733 = arith.constant 0 : i32
      %dma_wait3A_734 = tpu.memref_slice %arg9[%dma_wait3A_728, %dma_wait3A_733] : memref<8x128xi32, #tpu.memory_space<vmem>> -> memref<1x128xi32, #tpu.memory_space<vmem>>
      %dma_wait3A_735 = tpu.memref_squeeze %dma_wait3A_734 : memref<1x128xi32, #tpu.memory_space<vmem>> -> memref<128xi32, #tpu.memory_space<vmem>>
      %dma_wait3A_736 = arith.constant 0 : i32
      %dma_wait3A_737 = arith.constant 0 : i32
      %dma_wait3A_738 = tpu.memref_slice %arg2[%dma_wait3A_736, %dma_wait3A_737] : memref<100000x8xf32, #tpu.memory_space<hbm>> -> memref<100000x8xf32, #tpu.memory_space<hbm>>
      %dma_wait3A_739 = tpu.memref_slice %arg17[%dma_wait3A_729] : memref<2x!tpu.dma_semaphore, #tpu.memory_space<semaphore_mem>> -> memref<1x!tpu.dma_semaphore, #tpu.memory_space<semaphore_mem>>
      %dma_wait3A_740 = tpu.memref_squeeze %dma_wait3A_739 : memref<1x!tpu.dma_semaphore, #tpu.memory_space<semaphore_mem>> -> memref<!tpu.dma_semaphore, #tpu.memory_space<semaphore_mem>>
      tpu.wait_indirect_dma semaphore(%dma_wait3A_740 : memref<!tpu.dma_semaphore, #tpu.memory_space<semaphore_mem>>) src(%dma_wait3A_738 : memref<100000x8xf32, #tpu.memory_space<hbm>>) dst(%dma_wait3A_732 : memref<128x8xf32, #tpu.memory_space<vmem>>)
      %dma_wait3A_741 = arith.constant 7 : i32
      %dma_wait3A_742 = arith.constant 1 : i32
      %dma_wait3A_743 = arith.constant 896 : i32
      %dma_wait3A_744 = arith.constant 0 : i32
      %dma_wait3A_745 = tpu.memref_slice %arg11[%dma_wait3A_743, %dma_wait3A_744] : memref<1024x8xf32, #tpu.memory_space<vmem>> -> memref<128x8xf32, #tpu.memory_space<vmem>>
      %dma_wait3A_746 = arith.constant 0 : i32
      %dma_wait3A_747 = tpu.memref_slice %arg7[%dma_wait3A_741, %dma_wait3A_746] : memref<8x128xi32, #tpu.memory_space<vmem>> -> memref<1x128xi32, #tpu.memory_space<vmem>>
      %dma_wait3A_748 = tpu.memref_squeeze %dma_wait3A_747 : memref<1x128xi32, #tpu.memory_space<vmem>> -> memref<128xi32, #tpu.memory_space<vmem>>
      %dma_wait3A_749 = arith.constant 0 : i32
      %dma_wait3A_750 = arith.constant 0 : i32
      %dma_wait3A_751 = tpu.memref_slice %arg2[%dma_wait3A_749, %dma_wait3A_750] : memref<100000x8xf32, #tpu.memory_space<hbm>> -> memref<100000x8xf32, #tpu.memory_space<hbm>>
      %dma_wait3A_752 = tpu.memref_slice %arg17[%dma_wait3A_742] : memref<2x!tpu.dma_semaphore, #tpu.memory_space<semaphore_mem>> -> memref<1x!tpu.dma_semaphore, #tpu.memory_space<semaphore_mem>>
      %dma_wait3A_753 = tpu.memref_squeeze %dma_wait3A_752 : memref<1x!tpu.dma_semaphore, #tpu.memory_space<semaphore_mem>> -> memref<!tpu.dma_semaphore, #tpu.memory_space<semaphore_mem>>
      tpu.wait_indirect_dma semaphore(%dma_wait3A_753 : memref<!tpu.dma_semaphore, #tpu.memory_space<semaphore_mem>>) src(%dma_wait3A_751 : memref<100000x8xf32, #tpu.memory_space<hbm>>) dst(%dma_wait3A_745 : memref<128x8xf32, #tpu.memory_space<vmem>>)
      %dma_wait3A_754 = arith.constant 7 : i32
      %dma_wait3A_755 = arith.constant 1 : i32
      %dma_wait3A_756 = arith.constant 896 : i32
      %dma_wait3A_757 = arith.constant 0 : i32
      %dma_wait3A_758 = tpu.memref_slice %arg13[%dma_wait3A_756, %dma_wait3A_757] : memref<1024x8xf32, #tpu.memory_space<vmem>> -> memref<128x8xf32, #tpu.memory_space<vmem>>
      %dma_wait3A_759 = arith.constant 0 : i32
      %dma_wait3A_760 = tpu.memref_slice %arg9[%dma_wait3A_754, %dma_wait3A_759] : memref<8x128xi32, #tpu.memory_space<vmem>> -> memref<1x128xi32, #tpu.memory_space<vmem>>
      %dma_wait3A_761 = tpu.memref_squeeze %dma_wait3A_760 : memref<1x128xi32, #tpu.memory_space<vmem>> -> memref<128xi32, #tpu.memory_space<vmem>>
      %dma_wait3A_762 = arith.constant 0 : i32
      %dma_wait3A_763 = arith.constant 0 : i32
      %dma_wait3A_764 = tpu.memref_slice %arg2[%dma_wait3A_762, %dma_wait3A_763] : memref<100000x8xf32, #tpu.memory_space<hbm>> -> memref<100000x8xf32, #tpu.memory_space<hbm>>
      %dma_wait3A_765 = tpu.memref_slice %arg17[%dma_wait3A_755] : memref<2x!tpu.dma_semaphore, #tpu.memory_space<semaphore_mem>> -> memref<1x!tpu.dma_semaphore, #tpu.memory_space<semaphore_mem>>
      %dma_wait3A_766 = tpu.memref_squeeze %dma_wait3A_765 : memref<1x!tpu.dma_semaphore, #tpu.memory_space<semaphore_mem>> -> memref<!tpu.dma_semaphore, #tpu.memory_space<semaphore_mem>>
      tpu.wait_indirect_dma semaphore(%dma_wait3A_766 : memref<!tpu.dma_semaphore, #tpu.memory_space<semaphore_mem>>) src(%dma_wait3A_764 : memref<100000x8xf32, #tpu.memory_space<hbm>>) dst(%dma_wait3A_758 : memref<128x8xf32, #tpu.memory_space<vmem>>)
      %add3A_767 = arith.constant 2 : i32
      %add3A_768 = arith.addi %add3A_558, %add3A_767 : i32
      %lt3A_769 = arith.constant 98 : i32
      %lt3A_770 = arith.cmpi slt, %add3A_768, %lt3A_769 : i32
      %convert_element_type3A_771 = arith.extui %lt3A_770 : i1 to i32
      %cond3A_772 = arith.constant 0 : i32
      %cond3A_773 = arith.cmpi ne, %convert_element_type3A_771, %cond3A_772 : i32
      scf.if %cond3A_773 {
        %add3A_801 = arith.constant 2 : i32
        %add3A_802 = arith.addi %add3A_558, %add3A_801 : i32
        %mul3A_803 = arith.constant 8 : i32
        %mul3A_804 = arith.muli %add3A_802, %mul3A_803 : i32
        %add3A_805 = arith.addi %mul3A_2, %mul3A_804 : i32
        %dma_start3A_806 = arith.constant 1 : i32
        %dma_start3A_807 = arith.constant 0 : i32
        %dma_start3A_808 = tpu.memref_slice %arg3[%add3A_805, %dma_start3A_807] : memref<25088x128xi32, #tpu.memory_space<hbm>> -> memref<8x128xi32, #tpu.memory_space<hbm>>
        %dma_start3A_809 = tpu.memref_slice %arg16[%dma_start3A_806] : memref<2x!tpu.dma_semaphore, #tpu.memory_space<semaphore_mem>> -> memref<1x!tpu.dma_semaphore, #tpu.memory_space<semaphore_mem>>
        %dma_start3A_810 = tpu.memref_squeeze %dma_start3A_809 : memref<1x!tpu.dma_semaphore, #tpu.memory_space<semaphore_mem>> -> memref<!tpu.dma_semaphore, #tpu.memory_space<semaphore_mem>>
        %dma_start3A_811 = arith.constant 0 : i32
        %dma_start3A_812 = tpu.memref_slice %arg3[%add3A_805, %dma_start3A_811] : memref<25088x128xi32, #tpu.memory_space<hbm>> -> memref<8x128xi32, #tpu.memory_space<hbm>>
        tpu.enqueue_dma source(%dma_start3A_812 : memref<8x128xi32, #tpu.memory_space<hbm>>) target(%arg7 : memref<8x128xi32, #tpu.memory_space<vmem>>) target_semaphore(%dma_start3A_810 : memref<!tpu.dma_semaphore, #tpu.memory_space<semaphore_mem>>)
        %dma_start3A_813 = arith.constant 1 : i32
        %dma_start3A_814 = arith.constant 0 : i32
        %dma_start3A_815 = tpu.memref_slice %arg4[%add3A_805, %dma_start3A_814] : memref<25088x128xi32, #tpu.memory_space<hbm>> -> memref<8x128xi32, #tpu.memory_space<hbm>>
        %dma_start3A_816 = tpu.memref_slice %arg16[%dma_start3A_813] : memref<2x!tpu.dma_semaphore, #tpu.memory_space<semaphore_mem>> -> memref<1x!tpu.dma_semaphore, #tpu.memory_space<semaphore_mem>>
        %dma_start3A_817 = tpu.memref_squeeze %dma_start3A_816 : memref<1x!tpu.dma_semaphore, #tpu.memory_space<semaphore_mem>> -> memref<!tpu.dma_semaphore, #tpu.memory_space<semaphore_mem>>
        %dma_start3A_818 = arith.constant 0 : i32
        %dma_start3A_819 = tpu.memref_slice %arg4[%add3A_805, %dma_start3A_818] : memref<25088x128xi32, #tpu.memory_space<hbm>> -> memref<8x128xi32, #tpu.memory_space<hbm>>
        tpu.enqueue_dma source(%dma_start3A_819 : memref<8x128xi32, #tpu.memory_space<hbm>>) target(%arg9 : memref<8x128xi32, #tpu.memory_space<vmem>>) target_semaphore(%dma_start3A_817 : memref<!tpu.dma_semaphore, #tpu.memory_space<semaphore_mem>>)
      } else {
      }
      %add3A_774 = arith.constant 1 : i32
      %add3A_775 = arith.addi %add3A_558, %add3A_774 : i32
      %lt3A_776 = arith.constant 98 : i32
      %lt3A_777 = arith.cmpi slt, %add3A_775, %lt3A_776 : i32
      %convert_element_type3A_778 = arith.extui %lt3A_777 : i1 to i32
      %cond3A_779 = arith.constant 0 : i32
      %cond3A_780 = arith.cmpi ne, %convert_element_type3A_778, %cond3A_779 : i32
      scf.if %cond3A_780 {
        %add3A_801 = arith.constant 1 : i32
        %add3A_802 = arith.addi %add3A_558, %add3A_801 : i32
        %mul3A_803 = arith.constant 8 : i32
        %mul3A_804 = arith.muli %add3A_802, %mul3A_803 : i32
        %add3A_805 = arith.addi %mul3A_2, %mul3A_804 : i32
        %dma_wait3A_806 = arith.constant 0 : i32
        %dma_wait3A_807 = arith.constant 0 : i32
        %dma_wait3A_808 = tpu.memref_slice %arg3[%add3A_805, %dma_wait3A_807] : memref<25088x128xi32, #tpu.memory_space<hbm>> -> memref<8x128xi32, #tpu.memory_space<hbm>>
        %dma_wait3A_809 = tpu.memref_slice %arg16[%dma_wait3A_806] : memref<2x!tpu.dma_semaphore, #tpu.memory_space<semaphore_mem>> -> memref<1x!tpu.dma_semaphore, #tpu.memory_space<semaphore_mem>>
        %dma_wait3A_810 = tpu.memref_squeeze %dma_wait3A_809 : memref<1x!tpu.dma_semaphore, #tpu.memory_space<semaphore_mem>> -> memref<!tpu.dma_semaphore, #tpu.memory_space<semaphore_mem>>
        %dma_wait3A_811 = arith.constant 0 : i32
        %dma_wait3A_812 = tpu.memref_slice %arg3[%add3A_805, %dma_wait3A_811] : memref<25088x128xi32, #tpu.memory_space<hbm>> -> memref<8x128xi32, #tpu.memory_space<hbm>>
        tpu.wait_dma2 semaphore(%dma_wait3A_810 : memref<!tpu.dma_semaphore, #tpu.memory_space<semaphore_mem>>) src(%dma_wait3A_812 : memref<8x128xi32, #tpu.memory_space<hbm>>) dst(%arg6 : memref<8x128xi32, #tpu.memory_space<vmem>>)
        %dma_wait3A_813 = arith.constant 0 : i32
        %dma_wait3A_814 = arith.constant 0 : i32
        %dma_wait3A_815 = tpu.memref_slice %arg4[%add3A_805, %dma_wait3A_814] : memref<25088x128xi32, #tpu.memory_space<hbm>> -> memref<8x128xi32, #tpu.memory_space<hbm>>
        %dma_wait3A_816 = tpu.memref_slice %arg16[%dma_wait3A_813] : memref<2x!tpu.dma_semaphore, #tpu.memory_space<semaphore_mem>> -> memref<1x!tpu.dma_semaphore, #tpu.memory_space<semaphore_mem>>
        %dma_wait3A_817 = tpu.memref_squeeze %dma_wait3A_816 : memref<1x!tpu.dma_semaphore, #tpu.memory_space<semaphore_mem>> -> memref<!tpu.dma_semaphore, #tpu.memory_space<semaphore_mem>>
        %dma_wait3A_818 = arith.constant 0 : i32
        %dma_wait3A_819 = tpu.memref_slice %arg4[%add3A_805, %dma_wait3A_818] : memref<25088x128xi32, #tpu.memory_space<hbm>> -> memref<8x128xi32, #tpu.memory_space<hbm>>
        tpu.wait_dma2 semaphore(%dma_wait3A_817 : memref<!tpu.dma_semaphore, #tpu.memory_space<semaphore_mem>>) src(%dma_wait3A_819 : memref<8x128xi32, #tpu.memory_space<hbm>>) dst(%arg8 : memref<8x128xi32, #tpu.memory_space<vmem>>)
        %add3A_820 = arith.constant 1 : i32
        %add3A_821 = arith.addi %add3A_558, %add3A_820 : i32
        %dma_start3A_822 = arith.constant 0 : i32
        %dma_start3A_823 = arith.constant 0 : i32
        %dma_start3A_824 = arith.constant 0 : i32
        %dma_start3A_825 = arith.constant 0 : i32
        %dma_start3A_826 = tpu.memref_slice %arg10[%dma_start3A_824, %dma_start3A_825] : memref<1024x8xf32, #tpu.memory_space<vmem>> -> memref<128x8xf32, #tpu.memory_space<vmem>>
        %dma_start3A_827 = arith.constant 0 : i32
        %dma_start3A_828 = tpu.memref_slice %arg6[%dma_start3A_822, %dma_start3A_827] : memref<8x128xi32, #tpu.memory_space<vmem>> -> memref<1x128xi32, #tpu.memory_space<vmem>>
        %dma_start3A_829 = tpu.memref_squeeze %dma_start3A_828 : memref<1x128xi32, #tpu.memory_space<vmem>> -> memref<128xi32, #tpu.memory_space<vmem>>
        %dma_start3A_830 = arith.constant 0 : i32
        %dma_start3A_831 = arith.constant 0 : i32
        %dma_start3A_832 = tpu.memref_slice %arg2[%dma_start3A_830, %dma_start3A_831] : memref<100000x8xf32, #tpu.memory_space<hbm>> -> memref<100000x8xf32, #tpu.memory_space<hbm>>
        %dma_start3A_833 = tpu.memref_slice %arg17[%dma_start3A_823] : memref<2x!tpu.dma_semaphore, #tpu.memory_space<semaphore_mem>> -> memref<1x!tpu.dma_semaphore, #tpu.memory_space<semaphore_mem>>
        %dma_start3A_834 = tpu.memref_squeeze %dma_start3A_833 : memref<1x!tpu.dma_semaphore, #tpu.memory_space<semaphore_mem>> -> memref<!tpu.dma_semaphore, #tpu.memory_space<semaphore_mem>>
        tpu.enqueue_indirect_dma source(%dma_start3A_832 : memref<100000x8xf32, #tpu.memory_space<hbm>>) target(%dma_start3A_826 : memref<128x8xf32, #tpu.memory_space<vmem>>) offsets(%dma_start3A_829 : memref<128xi32, #tpu.memory_space<vmem>>) semaphore(%dma_start3A_834 : memref<!tpu.dma_semaphore, #tpu.memory_space<semaphore_mem>>)
        %dma_start3A_835 = arith.constant 0 : i32
        %dma_start3A_836 = arith.constant 0 : i32
        %dma_start3A_837 = arith.constant 0 : i32
        %dma_start3A_838 = arith.constant 0 : i32
        %dma_start3A_839 = tpu.memref_slice %arg12[%dma_start3A_837, %dma_start3A_838] : memref<1024x8xf32, #tpu.memory_space<vmem>> -> memref<128x8xf32, #tpu.memory_space<vmem>>
        %dma_start3A_840 = arith.constant 0 : i32
        %dma_start3A_841 = tpu.memref_slice %arg8[%dma_start3A_835, %dma_start3A_840] : memref<8x128xi32, #tpu.memory_space<vmem>> -> memref<1x128xi32, #tpu.memory_space<vmem>>
        %dma_start3A_842 = tpu.memref_squeeze %dma_start3A_841 : memref<1x128xi32, #tpu.memory_space<vmem>> -> memref<128xi32, #tpu.memory_space<vmem>>
        %dma_start3A_843 = arith.constant 0 : i32
        %dma_start3A_844 = arith.constant 0 : i32
        %dma_start3A_845 = tpu.memref_slice %arg2[%dma_start3A_843, %dma_start3A_844] : memref<100000x8xf32, #tpu.memory_space<hbm>> -> memref<100000x8xf32, #tpu.memory_space<hbm>>
        %dma_start3A_846 = tpu.memref_slice %arg17[%dma_start3A_836] : memref<2x!tpu.dma_semaphore, #tpu.memory_space<semaphore_mem>> -> memref<1x!tpu.dma_semaphore, #tpu.memory_space<semaphore_mem>>
        %dma_start3A_847 = tpu.memref_squeeze %dma_start3A_846 : memref<1x!tpu.dma_semaphore, #tpu.memory_space<semaphore_mem>> -> memref<!tpu.dma_semaphore, #tpu.memory_space<semaphore_mem>>
        tpu.enqueue_indirect_dma source(%dma_start3A_845 : memref<100000x8xf32, #tpu.memory_space<hbm>>) target(%dma_start3A_839 : memref<128x8xf32, #tpu.memory_space<vmem>>) offsets(%dma_start3A_842 : memref<128xi32, #tpu.memory_space<vmem>>) semaphore(%dma_start3A_847 : memref<!tpu.dma_semaphore, #tpu.memory_space<semaphore_mem>>)
        %dma_start3A_848 = arith.constant 1 : i32
        %dma_start3A_849 = arith.constant 0 : i32
        %dma_start3A_850 = arith.constant 128 : i32
        %dma_start3A_851 = arith.constant 0 : i32
        %dma_start3A_852 = tpu.memref_slice %arg10[%dma_start3A_850, %dma_start3A_851] : memref<1024x8xf32, #tpu.memory_space<vmem>> -> memref<128x8xf32, #tpu.memory_space<vmem>>
        %dma_start3A_853 = arith.constant 0 : i32
        %dma_start3A_854 = tpu.memref_slice %arg6[%dma_start3A_848, %dma_start3A_853] : memref<8x128xi32, #tpu.memory_space<vmem>> -> memref<1x128xi32, #tpu.memory_space<vmem>>
        %dma_start3A_855 = tpu.memref_squeeze %dma_start3A_854 : memref<1x128xi32, #tpu.memory_space<vmem>> -> memref<128xi32, #tpu.memory_space<vmem>>
        %dma_start3A_856 = arith.constant 0 : i32
        %dma_start3A_857 = arith.constant 0 : i32
        %dma_start3A_858 = tpu.memref_slice %arg2[%dma_start3A_856, %dma_start3A_857] : memref<100000x8xf32, #tpu.memory_space<hbm>> -> memref<100000x8xf32, #tpu.memory_space<hbm>>
        %dma_start3A_859 = tpu.memref_slice %arg17[%dma_start3A_849] : memref<2x!tpu.dma_semaphore, #tpu.memory_space<semaphore_mem>> -> memref<1x!tpu.dma_semaphore, #tpu.memory_space<semaphore_mem>>
        %dma_start3A_860 = tpu.memref_squeeze %dma_start3A_859 : memref<1x!tpu.dma_semaphore, #tpu.memory_space<semaphore_mem>> -> memref<!tpu.dma_semaphore, #tpu.memory_space<semaphore_mem>>
        tpu.enqueue_indirect_dma source(%dma_start3A_858 : memref<100000x8xf32, #tpu.memory_space<hbm>>) target(%dma_start3A_852 : memref<128x8xf32, #tpu.memory_space<vmem>>) offsets(%dma_start3A_855 : memref<128xi32, #tpu.memory_space<vmem>>) semaphore(%dma_start3A_860 : memref<!tpu.dma_semaphore, #tpu.memory_space<semaphore_mem>>)
        %dma_start3A_861 = arith.constant 1 : i32
        %dma_start3A_862 = arith.constant 0 : i32
        %dma_start3A_863 = arith.constant 128 : i32
        %dma_start3A_864 = arith.constant 0 : i32
        %dma_start3A_865 = tpu.memref_slice %arg12[%dma_start3A_863, %dma_start3A_864] : memref<1024x8xf32, #tpu.memory_space<vmem>> -> memref<128x8xf32, #tpu.memory_space<vmem>>
        %dma_start3A_866 = arith.constant 0 : i32
        %dma_start3A_867 = tpu.memref_slice %arg8[%dma_start3A_861, %dma_start3A_866] : memref<8x128xi32, #tpu.memory_space<vmem>> -> memref<1x128xi32, #tpu.memory_space<vmem>>
        %dma_start3A_868 = tpu.memref_squeeze %dma_start3A_867 : memref<1x128xi32, #tpu.memory_space<vmem>> -> memref<128xi32, #tpu.memory_space<vmem>>
        %dma_start3A_869 = arith.constant 0 : i32
        %dma_start3A_870 = arith.constant 0 : i32
        %dma_start3A_871 = tpu.memref_slice %arg2[%dma_start3A_869, %dma_start3A_870] : memref<100000x8xf32, #tpu.memory_space<hbm>> -> memref<100000x8xf32, #tpu.memory_space<hbm>>
        %dma_start3A_872 = tpu.memref_slice %arg17[%dma_start3A_862] : memref<2x!tpu.dma_semaphore, #tpu.memory_space<semaphore_mem>> -> memref<1x!tpu.dma_semaphore, #tpu.memory_space<semaphore_mem>>
        %dma_start3A_873 = tpu.memref_squeeze %dma_start3A_872 : memref<1x!tpu.dma_semaphore, #tpu.memory_space<semaphore_mem>> -> memref<!tpu.dma_semaphore, #tpu.memory_space<semaphore_mem>>
        tpu.enqueue_indirect_dma source(%dma_start3A_871 : memref<100000x8xf32, #tpu.memory_space<hbm>>) target(%dma_start3A_865 : memref<128x8xf32, #tpu.memory_space<vmem>>) offsets(%dma_start3A_868 : memref<128xi32, #tpu.memory_space<vmem>>) semaphore(%dma_start3A_873 : memref<!tpu.dma_semaphore, #tpu.memory_space<semaphore_mem>>)
        %dma_start3A_874 = arith.constant 2 : i32
        %dma_start3A_875 = arith.constant 0 : i32
        %dma_start3A_876 = arith.constant 256 : i32
        %dma_start3A_877 = arith.constant 0 : i32
        %dma_start3A_878 = tpu.memref_slice %arg10[%dma_start3A_876, %dma_start3A_877] : memref<1024x8xf32, #tpu.memory_space<vmem>> -> memref<128x8xf32, #tpu.memory_space<vmem>>
        %dma_start3A_879 = arith.constant 0 : i32
        %dma_start3A_880 = tpu.memref_slice %arg6[%dma_start3A_874, %dma_start3A_879] : memref<8x128xi32, #tpu.memory_space<vmem>> -> memref<1x128xi32, #tpu.memory_space<vmem>>
        %dma_start3A_881 = tpu.memref_squeeze %dma_start3A_880 : memref<1x128xi32, #tpu.memory_space<vmem>> -> memref<128xi32, #tpu.memory_space<vmem>>
        %dma_start3A_882 = arith.constant 0 : i32
        %dma_start3A_883 = arith.constant 0 : i32
        %dma_start3A_884 = tpu.memref_slice %arg2[%dma_start3A_882, %dma_start3A_883] : memref<100000x8xf32, #tpu.memory_space<hbm>> -> memref<100000x8xf32, #tpu.memory_space<hbm>>
        %dma_start3A_885 = tpu.memref_slice %arg17[%dma_start3A_875] : memref<2x!tpu.dma_semaphore, #tpu.memory_space<semaphore_mem>> -> memref<1x!tpu.dma_semaphore, #tpu.memory_space<semaphore_mem>>
        %dma_start3A_886 = tpu.memref_squeeze %dma_start3A_885 : memref<1x!tpu.dma_semaphore, #tpu.memory_space<semaphore_mem>> -> memref<!tpu.dma_semaphore, #tpu.memory_space<semaphore_mem>>
        tpu.enqueue_indirect_dma source(%dma_start3A_884 : memref<100000x8xf32, #tpu.memory_space<hbm>>) target(%dma_start3A_878 : memref<128x8xf32, #tpu.memory_space<vmem>>) offsets(%dma_start3A_881 : memref<128xi32, #tpu.memory_space<vmem>>) semaphore(%dma_start3A_886 : memref<!tpu.dma_semaphore, #tpu.memory_space<semaphore_mem>>)
        %dma_start3A_887 = arith.constant 2 : i32
        %dma_start3A_888 = arith.constant 0 : i32
        %dma_start3A_889 = arith.constant 256 : i32
        %dma_start3A_890 = arith.constant 0 : i32
        %dma_start3A_891 = tpu.memref_slice %arg12[%dma_start3A_889, %dma_start3A_890] : memref<1024x8xf32, #tpu.memory_space<vmem>> -> memref<128x8xf32, #tpu.memory_space<vmem>>
        %dma_start3A_892 = arith.constant 0 : i32
        %dma_start3A_893 = tpu.memref_slice %arg8[%dma_start3A_887, %dma_start3A_892] : memref<8x128xi32, #tpu.memory_space<vmem>> -> memref<1x128xi32, #tpu.memory_space<vmem>>
        %dma_start3A_894 = tpu.memref_squeeze %dma_start3A_893 : memref<1x128xi32, #tpu.memory_space<vmem>> -> memref<128xi32, #tpu.memory_space<vmem>>
        %dma_start3A_895 = arith.constant 0 : i32
        %dma_start3A_896 = arith.constant 0 : i32
        %dma_start3A_897 = tpu.memref_slice %arg2[%dma_start3A_895, %dma_start3A_896] : memref<100000x8xf32, #tpu.memory_space<hbm>> -> memref<100000x8xf32, #tpu.memory_space<hbm>>
        %dma_start3A_898 = tpu.memref_slice %arg17[%dma_start3A_888] : memref<2x!tpu.dma_semaphore, #tpu.memory_space<semaphore_mem>> -> memref<1x!tpu.dma_semaphore, #tpu.memory_space<semaphore_mem>>
        %dma_start3A_899 = tpu.memref_squeeze %dma_start3A_898 : memref<1x!tpu.dma_semaphore, #tpu.memory_space<semaphore_mem>> -> memref<!tpu.dma_semaphore, #tpu.memory_space<semaphore_mem>>
        tpu.enqueue_indirect_dma source(%dma_start3A_897 : memref<100000x8xf32, #tpu.memory_space<hbm>>) target(%dma_start3A_891 : memref<128x8xf32, #tpu.memory_space<vmem>>) offsets(%dma_start3A_894 : memref<128xi32, #tpu.memory_space<vmem>>) semaphore(%dma_start3A_899 : memref<!tpu.dma_semaphore, #tpu.memory_space<semaphore_mem>>)
        %dma_start3A_900 = arith.constant 3 : i32
        %dma_start3A_901 = arith.constant 0 : i32
        %dma_start3A_902 = arith.constant 384 : i32
        %dma_start3A_903 = arith.constant 0 : i32
        %dma_start3A_904 = tpu.memref_slice %arg10[%dma_start3A_902, %dma_start3A_903] : memref<1024x8xf32, #tpu.memory_space<vmem>> -> memref<128x8xf32, #tpu.memory_space<vmem>>
        %dma_start3A_905 = arith.constant 0 : i32
        %dma_start3A_906 = tpu.memref_slice %arg6[%dma_start3A_900, %dma_start3A_905] : memref<8x128xi32, #tpu.memory_space<vmem>> -> memref<1x128xi32, #tpu.memory_space<vmem>>
        %dma_start3A_907 = tpu.memref_squeeze %dma_start3A_906 : memref<1x128xi32, #tpu.memory_space<vmem>> -> memref<128xi32, #tpu.memory_space<vmem>>
        %dma_start3A_908 = arith.constant 0 : i32
        %dma_start3A_909 = arith.constant 0 : i32
        %dma_start3A_910 = tpu.memref_slice %arg2[%dma_start3A_908, %dma_start3A_909] : memref<100000x8xf32, #tpu.memory_space<hbm>> -> memref<100000x8xf32, #tpu.memory_space<hbm>>
        %dma_start3A_911 = tpu.memref_slice %arg17[%dma_start3A_901] : memref<2x!tpu.dma_semaphore, #tpu.memory_space<semaphore_mem>> -> memref<1x!tpu.dma_semaphore, #tpu.memory_space<semaphore_mem>>
        %dma_start3A_912 = tpu.memref_squeeze %dma_start3A_911 : memref<1x!tpu.dma_semaphore, #tpu.memory_space<semaphore_mem>> -> memref<!tpu.dma_semaphore, #tpu.memory_space<semaphore_mem>>
        tpu.enqueue_indirect_dma source(%dma_start3A_910 : memref<100000x8xf32, #tpu.memory_space<hbm>>) target(%dma_start3A_904 : memref<128x8xf32, #tpu.memory_space<vmem>>) offsets(%dma_start3A_907 : memref<128xi32, #tpu.memory_space<vmem>>) semaphore(%dma_start3A_912 : memref<!tpu.dma_semaphore, #tpu.memory_space<semaphore_mem>>)
        %dma_start3A_913 = arith.constant 3 : i32
        %dma_start3A_914 = arith.constant 0 : i32
        %dma_start3A_915 = arith.constant 384 : i32
        %dma_start3A_916 = arith.constant 0 : i32
        %dma_start3A_917 = tpu.memref_slice %arg12[%dma_start3A_915, %dma_start3A_916] : memref<1024x8xf32, #tpu.memory_space<vmem>> -> memref<128x8xf32, #tpu.memory_space<vmem>>
        %dma_start3A_918 = arith.constant 0 : i32
        %dma_start3A_919 = tpu.memref_slice %arg8[%dma_start3A_913, %dma_start3A_918] : memref<8x128xi32, #tpu.memory_space<vmem>> -> memref<1x128xi32, #tpu.memory_space<vmem>>
        %dma_start3A_920 = tpu.memref_squeeze %dma_start3A_919 : memref<1x128xi32, #tpu.memory_space<vmem>> -> memref<128xi32, #tpu.memory_space<vmem>>
        %dma_start3A_921 = arith.constant 0 : i32
        %dma_start3A_922 = arith.constant 0 : i32
        %dma_start3A_923 = tpu.memref_slice %arg2[%dma_start3A_921, %dma_start3A_922] : memref<100000x8xf32, #tpu.memory_space<hbm>> -> memref<100000x8xf32, #tpu.memory_space<hbm>>
        %dma_start3A_924 = tpu.memref_slice %arg17[%dma_start3A_914] : memref<2x!tpu.dma_semaphore, #tpu.memory_space<semaphore_mem>> -> memref<1x!tpu.dma_semaphore, #tpu.memory_space<semaphore_mem>>
        %dma_start3A_925 = tpu.memref_squeeze %dma_start3A_924 : memref<1x!tpu.dma_semaphore, #tpu.memory_space<semaphore_mem>> -> memref<!tpu.dma_semaphore, #tpu.memory_space<semaphore_mem>>
        tpu.enqueue_indirect_dma source(%dma_start3A_923 : memref<100000x8xf32, #tpu.memory_space<hbm>>) target(%dma_start3A_917 : memref<128x8xf32, #tpu.memory_space<vmem>>) offsets(%dma_start3A_920 : memref<128xi32, #tpu.memory_space<vmem>>) semaphore(%dma_start3A_925 : memref<!tpu.dma_semaphore, #tpu.memory_space<semaphore_mem>>)
        %dma_start3A_926 = arith.constant 4 : i32
        %dma_start3A_927 = arith.constant 0 : i32
        %dma_start3A_928 = arith.constant 512 : i32
        %dma_start3A_929 = arith.constant 0 : i32
        %dma_start3A_930 = tpu.memref_slice %arg10[%dma_start3A_928, %dma_start3A_929] : memref<1024x8xf32, #tpu.memory_space<vmem>> -> memref<128x8xf32, #tpu.memory_space<vmem>>
        %dma_start3A_931 = arith.constant 0 : i32
        %dma_start3A_932 = tpu.memref_slice %arg6[%dma_start3A_926, %dma_start3A_931] : memref<8x128xi32, #tpu.memory_space<vmem>> -> memref<1x128xi32, #tpu.memory_space<vmem>>
        %dma_start3A_933 = tpu.memref_squeeze %dma_start3A_932 : memref<1x128xi32, #tpu.memory_space<vmem>> -> memref<128xi32, #tpu.memory_space<vmem>>
        %dma_start3A_934 = arith.constant 0 : i32
        %dma_start3A_935 = arith.constant 0 : i32
        %dma_start3A_936 = tpu.memref_slice %arg2[%dma_start3A_934, %dma_start3A_935] : memref<100000x8xf32, #tpu.memory_space<hbm>> -> memref<100000x8xf32, #tpu.memory_space<hbm>>
        %dma_start3A_937 = tpu.memref_slice %arg17[%dma_start3A_927] : memref<2x!tpu.dma_semaphore, #tpu.memory_space<semaphore_mem>> -> memref<1x!tpu.dma_semaphore, #tpu.memory_space<semaphore_mem>>
        %dma_start3A_938 = tpu.memref_squeeze %dma_start3A_937 : memref<1x!tpu.dma_semaphore, #tpu.memory_space<semaphore_mem>> -> memref<!tpu.dma_semaphore, #tpu.memory_space<semaphore_mem>>
        tpu.enqueue_indirect_dma source(%dma_start3A_936 : memref<100000x8xf32, #tpu.memory_space<hbm>>) target(%dma_start3A_930 : memref<128x8xf32, #tpu.memory_space<vmem>>) offsets(%dma_start3A_933 : memref<128xi32, #tpu.memory_space<vmem>>) semaphore(%dma_start3A_938 : memref<!tpu.dma_semaphore, #tpu.memory_space<semaphore_mem>>)
        %dma_start3A_939 = arith.constant 4 : i32
        %dma_start3A_940 = arith.constant 0 : i32
        %dma_start3A_941 = arith.constant 512 : i32
        %dma_start3A_942 = arith.constant 0 : i32
        %dma_start3A_943 = tpu.memref_slice %arg12[%dma_start3A_941, %dma_start3A_942] : memref<1024x8xf32, #tpu.memory_space<vmem>> -> memref<128x8xf32, #tpu.memory_space<vmem>>
        %dma_start3A_944 = arith.constant 0 : i32
        %dma_start3A_945 = tpu.memref_slice %arg8[%dma_start3A_939, %dma_start3A_944] : memref<8x128xi32, #tpu.memory_space<vmem>> -> memref<1x128xi32, #tpu.memory_space<vmem>>
        %dma_start3A_946 = tpu.memref_squeeze %dma_start3A_945 : memref<1x128xi32, #tpu.memory_space<vmem>> -> memref<128xi32, #tpu.memory_space<vmem>>
        %dma_start3A_947 = arith.constant 0 : i32
        %dma_start3A_948 = arith.constant 0 : i32
        %dma_start3A_949 = tpu.memref_slice %arg2[%dma_start3A_947, %dma_start3A_948] : memref<100000x8xf32, #tpu.memory_space<hbm>> -> memref<100000x8xf32, #tpu.memory_space<hbm>>
        %dma_start3A_950 = tpu.memref_slice %arg17[%dma_start3A_940] : memref<2x!tpu.dma_semaphore, #tpu.memory_space<semaphore_mem>> -> memref<1x!tpu.dma_semaphore, #tpu.memory_space<semaphore_mem>>
        %dma_start3A_951 = tpu.memref_squeeze %dma_start3A_950 : memref<1x!tpu.dma_semaphore, #tpu.memory_space<semaphore_mem>> -> memref<!tpu.dma_semaphore, #tpu.memory_space<semaphore_mem>>
        tpu.enqueue_indirect_dma source(%dma_start3A_949 : memref<100000x8xf32, #tpu.memory_space<hbm>>) target(%dma_start3A_943 : memref<128x8xf32, #tpu.memory_space<vmem>>) offsets(%dma_start3A_946 : memref<128xi32, #tpu.memory_space<vmem>>) semaphore(%dma_start3A_951 : memref<!tpu.dma_semaphore, #tpu.memory_space<semaphore_mem>>)
        %dma_start3A_952 = arith.constant 5 : i32
        %dma_start3A_953 = arith.constant 0 : i32
        %dma_start3A_954 = arith.constant 640 : i32
        %dma_start3A_955 = arith.constant 0 : i32
        %dma_start3A_956 = tpu.memref_slice %arg10[%dma_start3A_954, %dma_start3A_955] : memref<1024x8xf32, #tpu.memory_space<vmem>> -> memref<128x8xf32, #tpu.memory_space<vmem>>
        %dma_start3A_957 = arith.constant 0 : i32
        %dma_start3A_958 = tpu.memref_slice %arg6[%dma_start3A_952, %dma_start3A_957] : memref<8x128xi32, #tpu.memory_space<vmem>> -> memref<1x128xi32, #tpu.memory_space<vmem>>
        %dma_start3A_959 = tpu.memref_squeeze %dma_start3A_958 : memref<1x128xi32, #tpu.memory_space<vmem>> -> memref<128xi32, #tpu.memory_space<vmem>>
        %dma_start3A_960 = arith.constant 0 : i32
        %dma_start3A_961 = arith.constant 0 : i32
        %dma_start3A_962 = tpu.memref_slice %arg2[%dma_start3A_960, %dma_start3A_961] : memref<100000x8xf32, #tpu.memory_space<hbm>> -> memref<100000x8xf32, #tpu.memory_space<hbm>>
        %dma_start3A_963 = tpu.memref_slice %arg17[%dma_start3A_953] : memref<2x!tpu.dma_semaphore, #tpu.memory_space<semaphore_mem>> -> memref<1x!tpu.dma_semaphore, #tpu.memory_space<semaphore_mem>>
        %dma_start3A_964 = tpu.memref_squeeze %dma_start3A_963 : memref<1x!tpu.dma_semaphore, #tpu.memory_space<semaphore_mem>> -> memref<!tpu.dma_semaphore, #tpu.memory_space<semaphore_mem>>
        tpu.enqueue_indirect_dma source(%dma_start3A_962 : memref<100000x8xf32, #tpu.memory_space<hbm>>) target(%dma_start3A_956 : memref<128x8xf32, #tpu.memory_space<vmem>>) offsets(%dma_start3A_959 : memref<128xi32, #tpu.memory_space<vmem>>) semaphore(%dma_start3A_964 : memref<!tpu.dma_semaphore, #tpu.memory_space<semaphore_mem>>)
        %dma_start3A_965 = arith.constant 5 : i32
        %dma_start3A_966 = arith.constant 0 : i32
        %dma_start3A_967 = arith.constant 640 : i32
        %dma_start3A_968 = arith.constant 0 : i32
        %dma_start3A_969 = tpu.memref_slice %arg12[%dma_start3A_967, %dma_start3A_968] : memref<1024x8xf32, #tpu.memory_space<vmem>> -> memref<128x8xf32, #tpu.memory_space<vmem>>
        %dma_start3A_970 = arith.constant 0 : i32
        %dma_start3A_971 = tpu.memref_slice %arg8[%dma_start3A_965, %dma_start3A_970] : memref<8x128xi32, #tpu.memory_space<vmem>> -> memref<1x128xi32, #tpu.memory_space<vmem>>
        %dma_start3A_972 = tpu.memref_squeeze %dma_start3A_971 : memref<1x128xi32, #tpu.memory_space<vmem>> -> memref<128xi32, #tpu.memory_space<vmem>>
        %dma_start3A_973 = arith.constant 0 : i32
        %dma_start3A_974 = arith.constant 0 : i32
        %dma_start3A_975 = tpu.memref_slice %arg2[%dma_start3A_973, %dma_start3A_974] : memref<100000x8xf32, #tpu.memory_space<hbm>> -> memref<100000x8xf32, #tpu.memory_space<hbm>>
        %dma_start3A_976 = tpu.memref_slice %arg17[%dma_start3A_966] : memref<2x!tpu.dma_semaphore, #tpu.memory_space<semaphore_mem>> -> memref<1x!tpu.dma_semaphore, #tpu.memory_space<semaphore_mem>>
        %dma_start3A_977 = tpu.memref_squeeze %dma_start3A_976 : memref<1x!tpu.dma_semaphore, #tpu.memory_space<semaphore_mem>> -> memref<!tpu.dma_semaphore, #tpu.memory_space<semaphore_mem>>
        tpu.enqueue_indirect_dma source(%dma_start3A_975 : memref<100000x8xf32, #tpu.memory_space<hbm>>) target(%dma_start3A_969 : memref<128x8xf32, #tpu.memory_space<vmem>>) offsets(%dma_start3A_972 : memref<128xi32, #tpu.memory_space<vmem>>) semaphore(%dma_start3A_977 : memref<!tpu.dma_semaphore, #tpu.memory_space<semaphore_mem>>)
        %dma_start3A_978 = arith.constant 6 : i32
        %dma_start3A_979 = arith.constant 0 : i32
        %dma_start3A_980 = arith.constant 768 : i32
        %dma_start3A_981 = arith.constant 0 : i32
        %dma_start3A_982 = tpu.memref_slice %arg10[%dma_start3A_980, %dma_start3A_981] : memref<1024x8xf32, #tpu.memory_space<vmem>> -> memref<128x8xf32, #tpu.memory_space<vmem>>
        %dma_start3A_983 = arith.constant 0 : i32
        %dma_start3A_984 = tpu.memref_slice %arg6[%dma_start3A_978, %dma_start3A_983] : memref<8x128xi32, #tpu.memory_space<vmem>> -> memref<1x128xi32, #tpu.memory_space<vmem>>
        %dma_start3A_985 = tpu.memref_squeeze %dma_start3A_984 : memref<1x128xi32, #tpu.memory_space<vmem>> -> memref<128xi32, #tpu.memory_space<vmem>>
        %dma_start3A_986 = arith.constant 0 : i32
        %dma_start3A_987 = arith.constant 0 : i32
        %dma_start3A_988 = tpu.memref_slice %arg2[%dma_start3A_986, %dma_start3A_987] : memref<100000x8xf32, #tpu.memory_space<hbm>> -> memref<100000x8xf32, #tpu.memory_space<hbm>>
        %dma_start3A_989 = tpu.memref_slice %arg17[%dma_start3A_979] : memref<2x!tpu.dma_semaphore, #tpu.memory_space<semaphore_mem>> -> memref<1x!tpu.dma_semaphore, #tpu.memory_space<semaphore_mem>>
        %dma_start3A_990 = tpu.memref_squeeze %dma_start3A_989 : memref<1x!tpu.dma_semaphore, #tpu.memory_space<semaphore_mem>> -> memref<!tpu.dma_semaphore, #tpu.memory_space<semaphore_mem>>
        tpu.enqueue_indirect_dma source(%dma_start3A_988 : memref<100000x8xf32, #tpu.memory_space<hbm>>) target(%dma_start3A_982 : memref<128x8xf32, #tpu.memory_space<vmem>>) offsets(%dma_start3A_985 : memref<128xi32, #tpu.memory_space<vmem>>) semaphore(%dma_start3A_990 : memref<!tpu.dma_semaphore, #tpu.memory_space<semaphore_mem>>)
        %dma_start3A_991 = arith.constant 6 : i32
        %dma_start3A_992 = arith.constant 0 : i32
        %dma_start3A_993 = arith.constant 768 : i32
        %dma_start3A_994 = arith.constant 0 : i32
        %dma_start3A_995 = tpu.memref_slice %arg12[%dma_start3A_993, %dma_start3A_994] : memref<1024x8xf32, #tpu.memory_space<vmem>> -> memref<128x8xf32, #tpu.memory_space<vmem>>
        %dma_start3A_996 = arith.constant 0 : i32
        %dma_start3A_997 = tpu.memref_slice %arg8[%dma_start3A_991, %dma_start3A_996] : memref<8x128xi32, #tpu.memory_space<vmem>> -> memref<1x128xi32, #tpu.memory_space<vmem>>
        %dma_start3A_998 = tpu.memref_squeeze %dma_start3A_997 : memref<1x128xi32, #tpu.memory_space<vmem>> -> memref<128xi32, #tpu.memory_space<vmem>>
        %dma_start3A_999 = arith.constant 0 : i32
        %dma_start3A_1000 = arith.constant 0 : i32
        %dma_start3A_1001 = tpu.memref_slice %arg2[%dma_start3A_999, %dma_start3A_1000] : memref<100000x8xf32, #tpu.memory_space<hbm>> -> memref<100000x8xf32, #tpu.memory_space<hbm>>
        %dma_start3A_1002 = tpu.memref_slice %arg17[%dma_start3A_992] : memref<2x!tpu.dma_semaphore, #tpu.memory_space<semaphore_mem>> -> memref<1x!tpu.dma_semaphore, #tpu.memory_space<semaphore_mem>>
        %dma_start3A_1003 = tpu.memref_squeeze %dma_start3A_1002 : memref<1x!tpu.dma_semaphore, #tpu.memory_space<semaphore_mem>> -> memref<!tpu.dma_semaphore, #tpu.memory_space<semaphore_mem>>
        tpu.enqueue_indirect_dma source(%dma_start3A_1001 : memref<100000x8xf32, #tpu.memory_space<hbm>>) target(%dma_start3A_995 : memref<128x8xf32, #tpu.memory_space<vmem>>) offsets(%dma_start3A_998 : memref<128xi32, #tpu.memory_space<vmem>>) semaphore(%dma_start3A_1003 : memref<!tpu.dma_semaphore, #tpu.memory_space<semaphore_mem>>)
        %dma_start3A_1004 = arith.constant 7 : i32
        %dma_start3A_1005 = arith.constant 0 : i32
        %dma_start3A_1006 = arith.constant 896 : i32
        %dma_start3A_1007 = arith.constant 0 : i32
        %dma_start3A_1008 = tpu.memref_slice %arg10[%dma_start3A_1006, %dma_start3A_1007] : memref<1024x8xf32, #tpu.memory_space<vmem>> -> memref<128x8xf32, #tpu.memory_space<vmem>>
        %dma_start3A_1009 = arith.constant 0 : i32
        %dma_start3A_1010 = tpu.memref_slice %arg6[%dma_start3A_1004, %dma_start3A_1009] : memref<8x128xi32, #tpu.memory_space<vmem>> -> memref<1x128xi32, #tpu.memory_space<vmem>>
        %dma_start3A_1011 = tpu.memref_squeeze %dma_start3A_1010 : memref<1x128xi32, #tpu.memory_space<vmem>> -> memref<128xi32, #tpu.memory_space<vmem>>
        %dma_start3A_1012 = arith.constant 0 : i32
        %dma_start3A_1013 = arith.constant 0 : i32
        %dma_start3A_1014 = tpu.memref_slice %arg2[%dma_start3A_1012, %dma_start3A_1013] : memref<100000x8xf32, #tpu.memory_space<hbm>> -> memref<100000x8xf32, #tpu.memory_space<hbm>>
        %dma_start3A_1015 = tpu.memref_slice %arg17[%dma_start3A_1005] : memref<2x!tpu.dma_semaphore, #tpu.memory_space<semaphore_mem>> -> memref<1x!tpu.dma_semaphore, #tpu.memory_space<semaphore_mem>>
        %dma_start3A_1016 = tpu.memref_squeeze %dma_start3A_1015 : memref<1x!tpu.dma_semaphore, #tpu.memory_space<semaphore_mem>> -> memref<!tpu.dma_semaphore, #tpu.memory_space<semaphore_mem>>
        tpu.enqueue_indirect_dma source(%dma_start3A_1014 : memref<100000x8xf32, #tpu.memory_space<hbm>>) target(%dma_start3A_1008 : memref<128x8xf32, #tpu.memory_space<vmem>>) offsets(%dma_start3A_1011 : memref<128xi32, #tpu.memory_space<vmem>>) semaphore(%dma_start3A_1016 : memref<!tpu.dma_semaphore, #tpu.memory_space<semaphore_mem>>)
        %dma_start3A_1017 = arith.constant 7 : i32
        %dma_start3A_1018 = arith.constant 0 : i32
        %dma_start3A_1019 = arith.constant 896 : i32
        %dma_start3A_1020 = arith.constant 0 : i32
        %dma_start3A_1021 = tpu.memref_slice %arg12[%dma_start3A_1019, %dma_start3A_1020] : memref<1024x8xf32, #tpu.memory_space<vmem>> -> memref<128x8xf32, #tpu.memory_space<vmem>>
        %dma_start3A_1022 = arith.constant 0 : i32
        %dma_start3A_1023 = tpu.memref_slice %arg8[%dma_start3A_1017, %dma_start3A_1022] : memref<8x128xi32, #tpu.memory_space<vmem>> -> memref<1x128xi32, #tpu.memory_space<vmem>>
        %dma_start3A_1024 = tpu.memref_squeeze %dma_start3A_1023 : memref<1x128xi32, #tpu.memory_space<vmem>> -> memref<128xi32, #tpu.memory_space<vmem>>
        %dma_start3A_1025 = arith.constant 0 : i32
        %dma_start3A_1026 = arith.constant 0 : i32
        %dma_start3A_1027 = tpu.memref_slice %arg2[%dma_start3A_1025, %dma_start3A_1026] : memref<100000x8xf32, #tpu.memory_space<hbm>> -> memref<100000x8xf32, #tpu.memory_space<hbm>>
        %dma_start3A_1028 = tpu.memref_slice %arg17[%dma_start3A_1018] : memref<2x!tpu.dma_semaphore, #tpu.memory_space<semaphore_mem>> -> memref<1x!tpu.dma_semaphore, #tpu.memory_space<semaphore_mem>>
        %dma_start3A_1029 = tpu.memref_squeeze %dma_start3A_1028 : memref<1x!tpu.dma_semaphore, #tpu.memory_space<semaphore_mem>> -> memref<!tpu.dma_semaphore, #tpu.memory_space<semaphore_mem>>
        tpu.enqueue_indirect_dma source(%dma_start3A_1027 : memref<100000x8xf32, #tpu.memory_space<hbm>>) target(%dma_start3A_1021 : memref<128x8xf32, #tpu.memory_space<vmem>>) offsets(%dma_start3A_1024 : memref<128xi32, #tpu.memory_space<vmem>>) semaphore(%dma_start3A_1029 : memref<!tpu.dma_semaphore, #tpu.memory_space<semaphore_mem>>)
      } else {
      }
      %ge3A_781 = arith.constant 2 : i32
      %ge3A_782 = arith.cmpi sge, %add3A_558, %ge3A_781 : i32
      %convert_element_type3A_783 = arith.extui %ge3A_782 : i1 to i32
      %cond3A_784 = arith.constant 0 : i32
      %cond3A_785 = arith.cmpi ne, %convert_element_type3A_783, %cond3A_784 : i32
      scf.if %cond3A_785 {
        %dma_wait3A_801 = arith.constant 1 : i32
        %dma_wait3A_802 = arith.constant 0 : i32
        %dma_wait3A_803 = arith.constant 0 : i32
        %dma_wait3A_804 = tpu.memref_slice %arg5[%dma_wait3A_802, %dma_wait3A_803] : memref<100352x128xf32, #tpu.memory_space<hbm>> -> memref<128x32xf32, #tpu.memory_space<hbm>>
        %dma_wait3A_805 = tpu.memref_slice %arg18[%dma_wait3A_801] : memref<2x!tpu.dma_semaphore, #tpu.memory_space<semaphore_mem>> -> memref<1x!tpu.dma_semaphore, #tpu.memory_space<semaphore_mem>>
        %dma_wait3A_806 = tpu.memref_squeeze %dma_wait3A_805 : memref<1x!tpu.dma_semaphore, #tpu.memory_space<semaphore_mem>> -> memref<!tpu.dma_semaphore, #tpu.memory_space<semaphore_mem>>
        %dma_wait3A_807 = arith.constant 0 : i32
        %dma_wait3A_808 = arith.constant 0 : i32
        %dma_wait3A_809 = tpu.memref_slice %arg5[%dma_wait3A_807, %dma_wait3A_808] : memref<100352x128xf32, #tpu.memory_space<hbm>> -> memref<128x32xf32, #tpu.memory_space<hbm>>
        tpu.wait_dma2 semaphore(%dma_wait3A_806 : memref<!tpu.dma_semaphore, #tpu.memory_space<semaphore_mem>>) src(%arg15 : memref<128x32xf32, #tpu.memory_space<vmem>>) dst(%dma_wait3A_809 : memref<128x32xf32, #tpu.memory_space<hbm>>)
      } else {
      }
      %scan3A_786 = arith.constant 0 : i32
      %scan3A_787 = arith.constant 64 : i32
      %scan3A_788 = arith.addi %scan3A_786, %scan3A_787 : i32
      %scan3A_789 = arith.constant 1 : i32
      scf.for %scan3A_801 = %scan3A_786 to %scan3A_788 step %scan3A_789  : i32 {
        %mul3A_802 = arith.constant 16 : i32
        %mul3A_803 = arith.muli %scan3A_801, %mul3A_802 : i32
        %add3A_804 = arith.constant 0 : i32
        %add3A_805 = arith.addi %add3A_804, %mul3A_803 : i32
        %add3A_806 = vector.broadcast %add3A_805 : i32 to vector<16xi32>
        %add3A_807 = arith.addi %add3A_806, %iota3A : vector<16xi32>
        %broadcast_in_dim3A = arith.constant 0 : i32
        %broadcast_in_dim3A_808 = vector.broadcast %broadcast_in_dim3A : i32 to vector<16xi32>
        %gather3A = tpu.vector_load_idx %arg11[%add3A_807, %broadcast_in_dim3A_808] : memref<1024x8xf32, #tpu.memory_space<vmem>>[vector<16xi32>, vector<16xi32>], vector<16xf32>,
        %broadcast_in_dim3A_809 = arith.constant 1 : i32
        %broadcast_in_dim3A_810 = vector.broadcast %broadcast_in_dim3A_809 : i32 to vector<16xi32>
        %gather3A_811 = tpu.vector_load_idx %arg11[%add3A_807, %broadcast_in_dim3A_810] : memref<1024x8xf32, #tpu.memory_space<vmem>>[vector<16xi32>, vector<16xi32>], vector<16xf32>,
        %broadcast_in_dim3A_812 = arith.constant 2 : i32
        %broadcast_in_dim3A_813 = vector.broadcast %broadcast_in_dim3A_812 : i32 to vector<16xi32>
        %gather3A_814 = tpu.vector_load_idx %arg11[%add3A_807, %broadcast_in_dim3A_813] : memref<1024x8xf32, #tpu.memory_space<vmem>>[vector<16xi32>, vector<16xi32>], vector<16xf32>,
        %broadcast_in_dim3A_815 = arith.constant 3 : i32
        %broadcast_in_dim3A_816 = vector.broadcast %broadcast_in_dim3A_815 : i32 to vector<16xi32>
        %gather3A_817 = tpu.vector_load_idx %arg11[%add3A_807, %broadcast_in_dim3A_816] : memref<1024x8xf32, #tpu.memory_space<vmem>>[vector<16xi32>, vector<16xi32>], vector<16xf32>,
        %broadcast_in_dim3A_818 = arith.constant 4 : i32
        %broadcast_in_dim3A_819 = vector.broadcast %broadcast_in_dim3A_818 : i32 to vector<16xi32>
        %gather3A_820 = tpu.vector_load_idx %arg11[%add3A_807, %broadcast_in_dim3A_819] : memref<1024x8xf32, #tpu.memory_space<vmem>>[vector<16xi32>, vector<16xi32>], vector<16xf32>,
        %broadcast_in_dim3A_821 = arith.constant 0 : i32
        %broadcast_in_dim3A_822 = vector.broadcast %broadcast_in_dim3A_821 : i32 to vector<16xi32>
        %gather3A_823 = tpu.vector_load_idx %arg13[%add3A_807, %broadcast_in_dim3A_822] : memref<1024x8xf32, #tpu.memory_space<vmem>>[vector<16xi32>, vector<16xi32>], vector<16xf32>,
        %broadcast_in_dim3A_824 = arith.constant 1 : i32
        %broadcast_in_dim3A_825 = vector.broadcast %broadcast_in_dim3A_824 : i32 to vector<16xi32>
        %gather3A_826 = tpu.vector_load_idx %arg13[%add3A_807, %broadcast_in_dim3A_825] : memref<1024x8xf32, #tpu.memory_space<vmem>>[vector<16xi32>, vector<16xi32>], vector<16xf32>,
        %broadcast_in_dim3A_827 = arith.constant 2 : i32
        %broadcast_in_dim3A_828 = vector.broadcast %broadcast_in_dim3A_827 : i32 to vector<16xi32>
        %gather3A_829 = tpu.vector_load_idx %arg13[%add3A_807, %broadcast_in_dim3A_828] : memref<1024x8xf32, #tpu.memory_space<vmem>>[vector<16xi32>, vector<16xi32>], vector<16xf32>,
        %broadcast_in_dim3A_830 = arith.constant 3 : i32
        %broadcast_in_dim3A_831 = vector.broadcast %broadcast_in_dim3A_830 : i32 to vector<16xi32>
        %gather3A_832 = tpu.vector_load_idx %arg13[%add3A_807, %broadcast_in_dim3A_831] : memref<1024x8xf32, #tpu.memory_space<vmem>>[vector<16xi32>, vector<16xi32>], vector<16xf32>,
        %broadcast_in_dim3A_833 = arith.constant 4 : i32
        %broadcast_in_dim3A_834 = vector.broadcast %broadcast_in_dim3A_833 : i32 to vector<16xi32>
        %gather3A_835 = tpu.vector_load_idx %arg13[%add3A_807, %broadcast_in_dim3A_834] : memref<1024x8xf32, #tpu.memory_space<vmem>>[vector<16xi32>, vector<16xi32>], vector<16xf32>,
        %mul3A_836 = arith.mulf %gather3A_811, %gather3A_826 : vector<16xf32>
        %mul3A_837 = arith.mulf %gather3A_814, %gather3A_829 : vector<16xf32>
        %add3A_838 = arith.addf %mul3A_836, %mul3A_837 : vector<16xf32>
        %mul3A_839 = arith.mulf %gather3A_817, %gather3A_832 : vector<16xf32>
        %add3A_840 = arith.addf %add3A_838, %mul3A_839 : vector<16xf32>
        %mul3A_841 = arith.mulf %gather3A, %gather3A_823 : vector<16xf32>
        %sub3A_842 = arith.subf %add3A_840, %mul3A_841 : vector<16xf32>
        %mul3A_843 = arith.constant 2.000000e+00 : f32
        %mul3A_844 = vector.broadcast %mul3A_843 : f32 to vector<16xf32>
        %mul3A_845 = arith.mulf %mul3A_844, %sub3A_842 : vector<16xf32>
        %sub3A_846 = arith.subf %gather3A_820, %mul3A_845 : vector<16xf32>
        %add3A_847 = arith.addf %sub3A_846, %gather3A_835 : vector<16xf32>
        %shift_right_arithmetic3A = arith.constant 3 : i32
        %shift_right_arithmetic3A_848 = vector.broadcast %shift_right_arithmetic3A : i32 to vector<16xi32>
        %shift_right_arithmetic3A_849 = arith.shrsi %add3A_807, %shift_right_arithmetic3A_848 : vector<16xi32>
        %and3A_850 = arith.constant 7 : i32
        %and3A_851 = vector.broadcast %and3A_850 : i32 to vector<16xi32>
        %and3A_852 = arith.andi %add3A_807, %and3A_851 : vector<16xi32>
        %mul3A_853 = arith.constant 4 : i32
        %mul3A_854 = vector.broadcast %mul3A_853 : i32 to vector<16xi32>
        %mul3A_855 = arith.muli %and3A_852, %mul3A_854 : vector<16xi32>
        %add3A_856 = arith.constant 0 : i32
        %add3A_857 = vector.broadcast %add3A_856 : i32 to vector<16xi32>
        %add3A_858 = arith.addi %mul3A_855, %add3A_857 : vector<16xi32>
        tpu.vector_store_idx %arg15[%shift_right_arithmetic3A_849, %add3A_858], %gather3A_820 : memref<128x32xf32, #tpu.memory_space<vmem>>[vector<16xi32>, vector<16xi32>], vector<16xf32>,
        %add3A_859 = arith.constant 1 : i32
        %add3A_860 = vector.broadcast %add3A_859 : i32 to vector<16xi32>
        %add3A_861 = arith.addi %mul3A_855, %add3A_860 : vector<16xi32>
        tpu.vector_store_idx %arg15[%shift_right_arithmetic3A_849, %add3A_861], %sub3A_842 : memref<128x32xf32, #tpu.memory_space<vmem>>[vector<16xi32>, vector<16xi32>], vector<16xf32>,
        %add3A_862 = arith.constant 2 : i32
        %add3A_863 = vector.broadcast %add3A_862 : i32 to vector<16xi32>
        %add3A_864 = arith.addi %mul3A_855, %add3A_863 : vector<16xi32>
        tpu.vector_store_idx %arg15[%shift_right_arithmetic3A_849, %add3A_864], %gather3A_835 : memref<128x32xf32, #tpu.memory_space<vmem>>[vector<16xi32>, vector<16xi32>], vector<16xf32>,
        %add3A_865 = arith.constant 3 : i32
        %add3A_866 = vector.broadcast %add3A_865 : i32 to vector<16xi32>
        %add3A_867 = arith.addi %mul3A_855, %add3A_866 : vector<16xi32>
        tpu.vector_store_idx %arg15[%shift_right_arithmetic3A_849, %add3A_867], %add3A_847 : memref<128x32xf32, #tpu.memory_space<vmem>>[vector<16xi32>, vector<16xi32>], vector<16xf32>,
      }
      %scan3A_790 = arith.constant 64 : i32
      %mul3A_791 = arith.constant 128 : i32
      %mul3A_792 = arith.muli %add3A_558, %mul3A_791 : i32
      %add3A_793 = arith.addi %mul3A_288, %mul3A_792 : i32
      %mul3A_794 = arith.constant 32 : i32
      %mul3A_795 = arith.muli %mul3A_794, %select_n3A : i32
      %dma_start3A_796 = arith.constant 1 : i32
      %dma_start3A_797 = tpu.memref_slice %arg5[%add3A_793, %mul3A_795] : memref<100352x128xf32, #tpu.memory_space<hbm>> -> memref<128x32xf32, #tpu.memory_space<hbm>>
      %dma_start3A_798 = tpu.memref_slice %arg18[%dma_start3A_796] : memref<2x!tpu.dma_semaphore, #tpu.memory_space<semaphore_mem>> -> memref<1x!tpu.dma_semaphore, #tpu.memory_space<semaphore_mem>>
      %dma_start3A_799 = tpu.memref_squeeze %dma_start3A_798 : memref<1x!tpu.dma_semaphore, #tpu.memory_space<semaphore_mem>> -> memref<!tpu.dma_semaphore, #tpu.memory_space<semaphore_mem>>
      %dma_start3A_800 = tpu.memref_slice %arg5[%add3A_793, %mul3A_795] : memref<100352x128xf32, #tpu.memory_space<hbm>> -> memref<128x32xf32, #tpu.memory_space<hbm>>
      tpu.enqueue_dma source(%arg15 : memref<128x32xf32, #tpu.memory_space<vmem>>) target(%dma_start3A_800 : memref<128x32xf32, #tpu.memory_space<hbm>>) target_semaphore(%dma_start3A_799 : memref<!tpu.dma_semaphore, #tpu.memory_space<semaphore_mem>>)
    }
    %scan3A_292 = arith.constant 49 : i32
    %dma_wait3A_293 = arith.constant 0 : i32
    %dma_wait3A_294 = arith.constant 0 : i32
    %dma_wait3A_295 = arith.constant 0 : i32
    %dma_wait3A_296 = tpu.memref_slice %arg5[%dma_wait3A_294, %dma_wait3A_295] : memref<100352x128xf32, #tpu.memory_space<hbm>> -> memref<128x32xf32, #tpu.memory_space<hbm>>
    %dma_wait3A_297 = tpu.memref_slice %arg18[%dma_wait3A_293] : memref<2x!tpu.dma_semaphore, #tpu.memory_space<semaphore_mem>> -> memref<1x!tpu.dma_semaphore, #tpu.memory_space<semaphore_mem>>
    %dma_wait3A_298 = tpu.memref_squeeze %dma_wait3A_297 : memref<1x!tpu.dma_semaphore, #tpu.memory_space<semaphore_mem>> -> memref<!tpu.dma_semaphore, #tpu.memory_space<semaphore_mem>>
    %dma_wait3A_299 = arith.constant 0 : i32
    %dma_wait3A_300 = arith.constant 0 : i32
    %dma_wait3A_301 = tpu.memref_slice %arg5[%dma_wait3A_299, %dma_wait3A_300] : memref<100352x128xf32, #tpu.memory_space<hbm>> -> memref<128x32xf32, #tpu.memory_space<hbm>>
    tpu.wait_dma2 semaphore(%dma_wait3A_298 : memref<!tpu.dma_semaphore, #tpu.memory_space<semaphore_mem>>) src(%arg14 : memref<128x32xf32, #tpu.memory_space<vmem>>) dst(%dma_wait3A_301 : memref<128x32xf32, #tpu.memory_space<hbm>>)
    %dma_wait3A_302 = arith.constant 1 : i32
    %dma_wait3A_303 = arith.constant 0 : i32
    %dma_wait3A_304 = arith.constant 0 : i32
    %dma_wait3A_305 = tpu.memref_slice %arg5[%dma_wait3A_303, %dma_wait3A_304] : memref<100352x128xf32, #tpu.memory_space<hbm>> -> memref<128x32xf32, #tpu.memory_space<hbm>>
    %dma_wait3A_306 = tpu.memref_slice %arg18[%dma_wait3A_302] : memref<2x!tpu.dma_semaphore, #tpu.memory_space<semaphore_mem>> -> memref<1x!tpu.dma_semaphore, #tpu.memory_space<semaphore_mem>>
    %dma_wait3A_307 = tpu.memref_squeeze %dma_wait3A_306 : memref<1x!tpu.dma_semaphore, #tpu.memory_space<semaphore_mem>> -> memref<!tpu.dma_semaphore, #tpu.memory_space<semaphore_mem>>
    %dma_wait3A_308 = arith.constant 0 : i32
    %dma_wait3A_309 = arith.constant 0 : i32
    %dma_wait3A_310 = tpu.memref_slice %arg5[%dma_wait3A_308, %dma_wait3A_309] : memref<100352x128xf32, #tpu.memory_space<hbm>> -> memref<128x32xf32, #tpu.memory_space<hbm>>
    tpu.wait_dma2 semaphore(%dma_wait3A_307 : memref<!tpu.dma_semaphore, #tpu.memory_space<semaphore_mem>>) src(%arg15 : memref<128x32xf32, #tpu.memory_space<vmem>>) dst(%dma_wait3A_310 : memref<128x32xf32, #tpu.memory_space<hbm>>)
    return
  }
}

#map = affine_map<(d0, d1) -> (0, 0)>
#map1 = affine_map<(d0, d1) -> (0, 0, 0)>
module attributes {stable_mosaic.version = 14 : i64} {
  func.func @_sc5_body(%arg0: i32, %arg1: i32, %arg2: memref<100352x16xf32, #tpu.memory_space<hbm>>, %arg3: memref<784x128xi32, #tpu.memory_space<hbm>>, %arg4: memref<2x1040x16xf32, #tpu.memory_space<hbm>>, %arg5: memref<1x128xi32, #tpu.memory_space<vmem>>, %arg6: memref<128x16xf32, #tpu.memory_space<vmem>>, %arg7: memref<65x16xf32, #tpu.memory_space<vmem>>, %arg8: memref<1040x16xf32, #tpu.memory_space<vmem_shared>>) attributes {dimension_semantics = [#tpu.dimension_semantics<core_parallel>, #tpu.dimension_semantics<subcore_parallel>], iteration_bounds = array<i64: 2, 16>, scalar_prefetch = 0 : i64, scratch_operands = 4 : i64, tpu.core_type = #tpu.core_type<sc_vector_subcore>, window_params = [{transform_indices = #map}, {transform_indices = #map}, {transform_indices = #map1}]} {
    %mul3A = arith.constant 16 : i32
    %mul3A_0 = arith.muli %arg0, %mul3A : i32
    %add3A = arith.addi %mul3A_0, %arg1 : i32
    %broadcast_in_dim3A = arith.constant 0.000000e+00 : f32
    %broadcast_in_dim3A_1 = vector.broadcast %broadcast_in_dim3A : f32 to vector<16xf32>
    %scan3A = arith.constant 0 : i32
    %scan3A_2 = arith.constant 65 : i32
    %scan3A_3 = arith.addi %scan3A, %scan3A_2 : i32
    %scan3A_4 = arith.constant 1 : i32
    scf.for %scan3A_28 = %scan3A to %scan3A_3 step %scan3A_4  : i32 {
      %mul3A_29 = arith.constant 1 : i32
      %mul3A_30 = arith.muli %scan3A_28, %mul3A_29 : i32
      %add3A_31 = arith.constant 0 : i32
      %add3A_32 = arith.addi %add3A_31, %mul3A_30 : i32
      %swap3A = arith.index_cast %add3A_32 : i32 to index
      %swap3A_33 = arith.constant 0 : index
      %swap3A_34 = tpu.vector_load %arg7[%swap3A, %swap3A_33] {strides = array<i32>} : memref<65x16xf32, #tpu.memory_space<vmem>>, vector<16xf32>,
      tpu.vector_store %arg7[%swap3A, %swap3A_33], %broadcast_in_dim3A_1 {strides = array<i32>} : memref<65x16xf32, #tpu.memory_space<vmem>>, vector<16xf32>,
    }
    %scan3A_5 = arith.constant 65 : i32
    %mul3A_6 = arith.constant 65 : i32
    %mul3A_7 = arith.muli %arg1, %mul3A_6 : i32
    "tpu.region"() ({
      %run_scoped3A = tpu.sem_alloc : memref<!tpu.dma_semaphore, #tpu.memory_space<semaphore_mem>>
      %dma_start3A = arith.constant 0 : i32
      %dma_start3A_28 = tpu.memref_slice %arg8[%mul3A_7, %dma_start3A] : memref<1040x16xf32, #tpu.memory_space<vmem_shared>> -> memref<65x16xf32, #tpu.memory_space<vmem_shared>>
      %dma_start3A_29 = arith.constant 0 : i32
      %dma_start3A_30 = tpu.memref_slice %arg8[%mul3A_7, %dma_start3A_29] : memref<1040x16xf32, #tpu.memory_space<vmem_shared>> -> memref<65x16xf32, #tpu.memory_space<vmem_shared>>
      tpu.enqueue_dma source(%arg7 : memref<65x16xf32, #tpu.memory_space<vmem>>) target(%dma_start3A_30 : memref<65x16xf32, #tpu.memory_space<vmem_shared>>) target_semaphore(%run_scoped3A : memref<!tpu.dma_semaphore, #tpu.memory_space<semaphore_mem>>)
      %dma_wait3A = arith.constant 0 : i32
      %dma_wait3A_31 = tpu.memref_slice %arg8[%mul3A_7, %dma_wait3A] : memref<1040x16xf32, #tpu.memory_space<vmem_shared>> -> memref<65x16xf32, #tpu.memory_space<vmem_shared>>
      %dma_wait3A_32 = arith.constant 0 : i32
      %dma_wait3A_33 = tpu.memref_slice %arg8[%mul3A_7, %dma_wait3A_32] : memref<1040x16xf32, #tpu.memory_space<vmem_shared>> -> memref<65x16xf32, #tpu.memory_space<vmem_shared>>
      tpu.wait_dma2 semaphore(%run_scoped3A : memref<!tpu.dma_semaphore, #tpu.memory_space<semaphore_mem>>) src(%arg7 : memref<65x16xf32, #tpu.memory_space<vmem>>) dst(%dma_wait3A_33 : memref<65x16xf32, #tpu.memory_space<vmem_shared>>)
      tpu.yield
    }) : () -> ()
    %barrier3A = arith.constant 0 : index
    tpu.barrier barrier_id(%barrier3A)
    %sub3A = arith.constant 784 : i32
    %sub3A_8 = arith.subi %sub3A, %add3A : i32
    %sub3A_9 = arith.constant 32 : i32
    %sub3A_10 = arith.constant 1 : i32
    %sub3A_11 = arith.subi %sub3A_9, %sub3A_10 : i32
    %add3A_12 = arith.addi %sub3A_8, %sub3A_11 : i32
    %div3A = arith.constant 32 : i32
    %div3A_13 = arith.divsi %add3A_12, %div3A : i32
    %while3A = arith.constant 32 : i32
    %while3A_14 = arith.constant 0 : i32
    %while3A_15 = arith.subi %div3A_13, %while3A_14 : i32
    %while3A_16 = arith.addi %while3A_14, %while3A_15 : i32
    %while3A_17 = arith.constant 1 : i32
    %while3A_18 = arith.divsi %while3A_15, %while3A_17 : i32
    %while3A_19 = arith.muli %while3A_18, %while3A_17 : i32
    %while3A_20 = arith.addi %while3A_14, %while3A_19 : i32
    %while3A_21 = arith.constant 1 : i32
    scf.for %while3A_28 = %while3A_14 to %while3A_20 step %while3A_21  : i32 {
      %mul3A_29 = arith.muli %while3A_28, %while3A : i32
      %add3A_30 = arith.addi %add3A, %mul3A_29 : i32
      "tpu.region"() ({
        %run_scoped3A_33 = tpu.sem_alloc : memref<!tpu.dma_semaphore, #tpu.memory_space<semaphore_mem>>
        %dma_start3A = arith.constant 0 : i32
        %dma_start3A_34 = tpu.memref_slice %arg3[%add3A_30, %dma_start3A] : memref<784x128xi32, #tpu.memory_space<hbm>> -> memref<1x128xi32, #tpu.memory_space<hbm>>
        %dma_start3A_35 = arith.constant 0 : i32
        %dma_start3A_36 = tpu.memref_slice %arg3[%add3A_30, %dma_start3A_35] : memref<784x128xi32, #tpu.memory_space<hbm>> -> memref<1x128xi32, #tpu.memory_space<hbm>>
        tpu.enqueue_dma source(%dma_start3A_36 : memref<1x128xi32, #tpu.memory_space<hbm>>) target(%arg5 : memref<1x128xi32, #tpu.memory_space<vmem>>) target_semaphore(%run_scoped3A_33 : memref<!tpu.dma_semaphore, #tpu.memory_space<semaphore_mem>>)
        %dma_wait3A = arith.constant 0 : i32
        %dma_wait3A_37 = tpu.memref_slice %arg3[%add3A_30, %dma_wait3A] : memref<784x128xi32, #tpu.memory_space<hbm>> -> memref<1x128xi32, #tpu.memory_space<hbm>>
        %dma_wait3A_38 = arith.constant 0 : i32
        %dma_wait3A_39 = tpu.memref_slice %arg3[%add3A_30, %dma_wait3A_38] : memref<784x128xi32, #tpu.memory_space<hbm>> -> memref<1x128xi32, #tpu.memory_space<hbm>>
        tpu.wait_dma2 semaphore(%run_scoped3A_33 : memref<!tpu.dma_semaphore, #tpu.memory_space<semaphore_mem>>) src(%dma_wait3A_39 : memref<1x128xi32, #tpu.memory_space<hbm>>) dst(%arg5 : memref<1x128xi32, #tpu.memory_space<vmem>>)
        tpu.yield
      }) : () -> ()
      %mul3A_31 = arith.constant 128 : i32
      %mul3A_32 = arith.muli %add3A_30, %mul3A_31 : i32
      "tpu.region"() ({
        %run_scoped3A_33 = tpu.sem_alloc : memref<!tpu.dma_semaphore, #tpu.memory_space<semaphore_mem>>
        %dma_start3A = arith.constant 0 : i32
        %dma_start3A_34 = tpu.memref_slice %arg2[%mul3A_32, %dma_start3A] : memref<100352x16xf32, #tpu.memory_space<hbm>> -> memref<128x16xf32, #tpu.memory_space<hbm>>
        %dma_start3A_35 = arith.constant 0 : i32
        %dma_start3A_36 = tpu.memref_slice %arg2[%mul3A_32, %dma_start3A_35] : memref<100352x16xf32, #tpu.memory_space<hbm>> -> memref<128x16xf32, #tpu.memory_space<hbm>>
        tpu.enqueue_dma source(%dma_start3A_36 : memref<128x16xf32, #tpu.memory_space<hbm>>) target(%arg6 : memref<128x16xf32, #tpu.memory_space<vmem>>) target_semaphore(%run_scoped3A_33 : memref<!tpu.dma_semaphore, #tpu.memory_space<semaphore_mem>>)
        %dma_wait3A = arith.constant 0 : i32
        %dma_wait3A_37 = tpu.memref_slice %arg2[%mul3A_32, %dma_wait3A] : memref<100352x16xf32, #tpu.memory_space<hbm>> -> memref<128x16xf32, #tpu.memory_space<hbm>>
        %dma_wait3A_38 = arith.constant 0 : i32
        %dma_wait3A_39 = tpu.memref_slice %arg2[%mul3A_32, %dma_wait3A_38] : memref<100352x16xf32, #tpu.memory_space<hbm>> -> memref<128x16xf32, #tpu.memory_space<hbm>>
        tpu.wait_dma2 semaphore(%run_scoped3A_33 : memref<!tpu.dma_semaphore, #tpu.memory_space<semaphore_mem>>) src(%dma_wait3A_39 : memref<128x16xf32, #tpu.memory_space<hbm>>) dst(%arg6 : memref<128x16xf32, #tpu.memory_space<vmem>>)
        tpu.yield
      }) : () -> ()
      %run_scoped3A = arith.constant 0 : i32
      "tpu.region"() ({
        %run_scoped3A_33 = tpu.sem_alloc : memref<!tpu.dma_semaphore, #tpu.memory_space<semaphore_mem>>
        %dma_start3A = arith.constant 0 : i32
        %dma_start3A_34 = tpu.memref_slice %arg5[%run_scoped3A, %dma_start3A] : memref<1x128xi32, #tpu.memory_space<vmem>> -> memref<1x128xi32, #tpu.memory_space<vmem>>
        %dma_start3A_35 = tpu.memref_squeeze %dma_start3A_34 : memref<1x128xi32, #tpu.memory_space<vmem>> -> memref<128xi32, #tpu.memory_space<vmem>>
        %dma_start3A_36 = arith.constant 0 : i32
        %dma_start3A_37 = arith.constant 0 : i32
        %dma_start3A_38 = tpu.memref_slice %arg8[%dma_start3A_36, %dma_start3A_37] : memref<1040x16xf32, #tpu.memory_space<vmem_shared>> -> memref<1040x16xf32, #tpu.memory_space<vmem_shared>>
        tpu.enqueue_indirect_dma source(%arg6 : memref<128x16xf32, #tpu.memory_space<vmem>>) target(%dma_start3A_38 : memref<1040x16xf32, #tpu.memory_space<vmem_shared>>) offsets(%dma_start3A_35 : memref<128xi32, #tpu.memory_space<vmem>>) semaphore(%run_scoped3A_33 : memref<!tpu.dma_semaphore, #tpu.memory_space<semaphore_mem>>) {add = true}
        %dma_wait3A = arith.constant 0 : i32
        %dma_wait3A_39 = tpu.memref_slice %arg5[%run_scoped3A, %dma_wait3A] : memref<1x128xi32, #tpu.memory_space<vmem>> -> memref<1x128xi32, #tpu.memory_space<vmem>>
        %dma_wait3A_40 = tpu.memref_squeeze %dma_wait3A_39 : memref<1x128xi32, #tpu.memory_space<vmem>> -> memref<128xi32, #tpu.memory_space<vmem>>
        %dma_wait3A_41 = arith.constant 0 : i32
        %dma_wait3A_42 = arith.constant 0 : i32
        %dma_wait3A_43 = tpu.memref_slice %arg8[%dma_wait3A_41, %dma_wait3A_42] : memref<1040x16xf32, #tpu.memory_space<vmem_shared>> -> memref<1040x16xf32, #tpu.memory_space<vmem_shared>>
        tpu.wait_indirect_dma semaphore(%run_scoped3A_33 : memref<!tpu.dma_semaphore, #tpu.memory_space<semaphore_mem>>) src(%arg6 : memref<128x16xf32, #tpu.memory_space<vmem>>) dst(%dma_wait3A_43 : memref<1040x16xf32, #tpu.memory_space<vmem_shared>>)
        tpu.yield
      }) : () -> ()
    }
    %while3A_22 = arith.constant 1 : i32
    scf.for %while3A_28 = %while3A_20 to %while3A_16 step %while3A_22  : i32 {
      %mul3A_29 = arith.muli %while3A_28, %while3A : i32
      %add3A_30 = arith.addi %add3A, %mul3A_29 : i32
      "tpu.region"() ({
        %run_scoped3A_33 = tpu.sem_alloc : memref<!tpu.dma_semaphore, #tpu.memory_space<semaphore_mem>>
        %dma_start3A = arith.constant 0 : i32
        %dma_start3A_34 = tpu.memref_slice %arg3[%add3A_30, %dma_start3A] : memref<784x128xi32, #tpu.memory_space<hbm>> -> memref<1x128xi32, #tpu.memory_space<hbm>>
        %dma_start3A_35 = arith.constant 0 : i32
        %dma_start3A_36 = tpu.memref_slice %arg3[%add3A_30, %dma_start3A_35] : memref<784x128xi32, #tpu.memory_space<hbm>> -> memref<1x128xi32, #tpu.memory_space<hbm>>
        tpu.enqueue_dma source(%dma_start3A_36 : memref<1x128xi32, #tpu.memory_space<hbm>>) target(%arg5 : memref<1x128xi32, #tpu.memory_space<vmem>>) target_semaphore(%run_scoped3A_33 : memref<!tpu.dma_semaphore, #tpu.memory_space<semaphore_mem>>)
        %dma_wait3A = arith.constant 0 : i32
        %dma_wait3A_37 = tpu.memref_slice %arg3[%add3A_30, %dma_wait3A] : memref<784x128xi32, #tpu.memory_space<hbm>> -> memref<1x128xi32, #tpu.memory_space<hbm>>
        %dma_wait3A_38 = arith.constant 0 : i32
        %dma_wait3A_39 = tpu.memref_slice %arg3[%add3A_30, %dma_wait3A_38] : memref<784x128xi32, #tpu.memory_space<hbm>> -> memref<1x128xi32, #tpu.memory_space<hbm>>
        tpu.wait_dma2 semaphore(%run_scoped3A_33 : memref<!tpu.dma_semaphore, #tpu.memory_space<semaphore_mem>>) src(%dma_wait3A_39 : memref<1x128xi32, #tpu.memory_space<hbm>>) dst(%arg5 : memref<1x128xi32, #tpu.memory_space<vmem>>)
        tpu.yield
      }) : () -> ()
      %mul3A_31 = arith.constant 128 : i32
      %mul3A_32 = arith.muli %add3A_30, %mul3A_31 : i32
      "tpu.region"() ({
        %run_scoped3A_33 = tpu.sem_alloc : memref<!tpu.dma_semaphore, #tpu.memory_space<semaphore_mem>>
        %dma_start3A = arith.constant 0 : i32
        %dma_start3A_34 = tpu.memref_slice %arg2[%mul3A_32, %dma_start3A] : memref<100352x16xf32, #tpu.memory_space<hbm>> -> memref<128x16xf32, #tpu.memory_space<hbm>>
        %dma_start3A_35 = arith.constant 0 : i32
        %dma_start3A_36 = tpu.memref_slice %arg2[%mul3A_32, %dma_start3A_35] : memref<100352x16xf32, #tpu.memory_space<hbm>> -> memref<128x16xf32, #tpu.memory_space<hbm>>
        tpu.enqueue_dma source(%dma_start3A_36 : memref<128x16xf32, #tpu.memory_space<hbm>>) target(%arg6 : memref<128x16xf32, #tpu.memory_space<vmem>>) target_semaphore(%run_scoped3A_33 : memref<!tpu.dma_semaphore, #tpu.memory_space<semaphore_mem>>)
        %dma_wait3A = arith.constant 0 : i32
        %dma_wait3A_37 = tpu.memref_slice %arg2[%mul3A_32, %dma_wait3A] : memref<100352x16xf32, #tpu.memory_space<hbm>> -> memref<128x16xf32, #tpu.memory_space<hbm>>
        %dma_wait3A_38 = arith.constant 0 : i32
        %dma_wait3A_39 = tpu.memref_slice %arg2[%mul3A_32, %dma_wait3A_38] : memref<100352x16xf32, #tpu.memory_space<hbm>> -> memref<128x16xf32, #tpu.memory_space<hbm>>
        tpu.wait_dma2 semaphore(%run_scoped3A_33 : memref<!tpu.dma_semaphore, #tpu.memory_space<semaphore_mem>>) src(%dma_wait3A_39 : memref<128x16xf32, #tpu.memory_space<hbm>>) dst(%arg6 : memref<128x16xf32, #tpu.memory_space<vmem>>)
        tpu.yield
      }) : () -> ()
      %run_scoped3A = arith.constant 0 : i32
      "tpu.region"() ({
        %run_scoped3A_33 = tpu.sem_alloc : memref<!tpu.dma_semaphore, #tpu.memory_space<semaphore_mem>>
        %dma_start3A = arith.constant 0 : i32
        %dma_start3A_34 = tpu.memref_slice %arg5[%run_scoped3A, %dma_start3A] : memref<1x128xi32, #tpu.memory_space<vmem>> -> memref<1x128xi32, #tpu.memory_space<vmem>>
        %dma_start3A_35 = tpu.memref_squeeze %dma_start3A_34 : memref<1x128xi32, #tpu.memory_space<vmem>> -> memref<128xi32, #tpu.memory_space<vmem>>
        %dma_start3A_36 = arith.constant 0 : i32
        %dma_start3A_37 = arith.constant 0 : i32
        %dma_start3A_38 = tpu.memref_slice %arg8[%dma_start3A_36, %dma_start3A_37] : memref<1040x16xf32, #tpu.memory_space<vmem_shared>> -> memref<1040x16xf32, #tpu.memory_space<vmem_shared>>
        tpu.enqueue_indirect_dma source(%arg6 : memref<128x16xf32, #tpu.memory_space<vmem>>) target(%dma_start3A_38 : memref<1040x16xf32, #tpu.memory_space<vmem_shared>>) offsets(%dma_start3A_35 : memref<128xi32, #tpu.memory_space<vmem>>) semaphore(%run_scoped3A_33 : memref<!tpu.dma_semaphore, #tpu.memory_space<semaphore_mem>>) {add = true}
        %dma_wait3A = arith.constant 0 : i32
        %dma_wait3A_39 = tpu.memref_slice %arg5[%run_scoped3A, %dma_wait3A] : memref<1x128xi32, #tpu.memory_space<vmem>> -> memref<1x128xi32, #tpu.memory_space<vmem>>
        %dma_wait3A_40 = tpu.memref_squeeze %dma_wait3A_39 : memref<1x128xi32, #tpu.memory_space<vmem>> -> memref<128xi32, #tpu.memory_space<vmem>>
        %dma_wait3A_41 = arith.constant 0 : i32
        %dma_wait3A_42 = arith.constant 0 : i32
        %dma_wait3A_43 = tpu.memref_slice %arg8[%dma_wait3A_41, %dma_wait3A_42] : memref<1040x16xf32, #tpu.memory_space<vmem_shared>> -> memref<1040x16xf32, #tpu.memory_space<vmem_shared>>
        tpu.wait_indirect_dma semaphore(%run_scoped3A_33 : memref<!tpu.dma_semaphore, #tpu.memory_space<semaphore_mem>>) src(%arg6 : memref<128x16xf32, #tpu.memory_space<vmem>>) dst(%dma_wait3A_43 : memref<1040x16xf32, #tpu.memory_space<vmem_shared>>)
        tpu.yield
      }) : () -> ()
    }
    %barrier3A_23 = arith.constant 0 : index
    tpu.barrier barrier_id(%barrier3A_23)
    %mul3A_24 = arith.constant 65 : i32
    %mul3A_25 = arith.muli %arg1, %mul3A_24 : i32
    %mul3A_26 = arith.constant 65 : i32
    %mul3A_27 = arith.muli %arg1, %mul3A_26 : i32
    "tpu.region"() ({
      %run_scoped3A = tpu.sem_alloc : memref<!tpu.dma_semaphore, #tpu.memory_space<semaphore_mem>>
      %dma_start3A = arith.constant 0 : i32
      %dma_start3A_28 = tpu.memref_slice %arg4[%arg0, %mul3A_27, %dma_start3A] : memref<2x1040x16xf32, #tpu.memory_space<hbm>> -> memref<1x65x16xf32, #tpu.memory_space<hbm>>
      %dma_start3A_29 = tpu.memref_squeeze %dma_start3A_28 : memref<1x65x16xf32, #tpu.memory_space<hbm>> -> memref<65x16xf32, #tpu.memory_space<hbm>>
      %dma_start3A_30 = arith.constant 0 : i32
      %dma_start3A_31 = tpu.memref_slice %arg8[%mul3A_25, %dma_start3A_30] : memref<1040x16xf32, #tpu.memory_space<vmem_shared>> -> memref<65x16xf32, #tpu.memory_space<vmem_shared>>
      tpu.enqueue_dma source(%dma_start3A_31 : memref<65x16xf32, #tpu.memory_space<vmem_shared>>) target(%dma_start3A_29 : memref<65x16xf32, #tpu.memory_space<hbm>>) target_semaphore(%run_scoped3A : memref<!tpu.dma_semaphore, #tpu.memory_space<semaphore_mem>>)
      %dma_wait3A = arith.constant 0 : i32
      %dma_wait3A_32 = tpu.memref_slice %arg4[%arg0, %mul3A_27, %dma_wait3A] : memref<2x1040x16xf32, #tpu.memory_space<hbm>> -> memref<1x65x16xf32, #tpu.memory_space<hbm>>
      %dma_wait3A_33 = tpu.memref_squeeze %dma_wait3A_32 : memref<1x65x16xf32, #tpu.memory_space<hbm>> -> memref<65x16xf32, #tpu.memory_space<hbm>>
      %dma_wait3A_34 = arith.constant 0 : i32
      %dma_wait3A_35 = tpu.memref_slice %arg8[%mul3A_25, %dma_wait3A_34] : memref<1040x16xf32, #tpu.memory_space<vmem_shared>> -> memref<65x16xf32, #tpu.memory_space<vmem_shared>>
      tpu.wait_dma2 semaphore(%run_scoped3A : memref<!tpu.dma_semaphore, #tpu.memory_space<semaphore_mem>>) src(%dma_wait3A_35 : memref<65x16xf32, #tpu.memory_space<vmem_shared>>) dst(%dma_wait3A_33 : memref<65x16xf32, #tpu.memory_space<hbm>>)
      tpu.yield
    }) : () -> ()
    return
  }
}

module attributes {stable_mosaic.version = 14 : i64} {
  func.func @_tc0_body(%arg0: i32, %arg1: memref<5000x4xf32, #tpu.memory_space<vmem>>, %arg2: memref<5000x8xf32, #tpu.memory_space<vmem>>) attributes {dimension_semantics = [#tpu.dimension_semantics<arbitrary>], iteration_bounds = array<i64: 20>, scalar_prefetch = 0 : i64, scratch_operands = 0 : i64, tpu.core_type = #tpu.core_type<tc>, window_params = [{transform_indices = @transform_0, window_bounds = array<i64: 5000, 4>}, {transform_indices = @transform_1, window_bounds = array<i64: 5000, 8>}]} {
    %get3A = arith.constant 0 : index
    %get3A_0 = arith.constant 0 : index
    %get3A_1 = vector.load %arg1[%get3A, %get3A_0] : memref<5000x4xf32, #tpu.memory_space<vmem>>, vector<5000x4xf32>
    %slice3A = vector.extract_strided_slice %get3A_1 {offsets = [0, 1], sizes = [5000, 1], strides = [1, 1]} : vector<5000x4xf32> to vector<5000x1xf32>
    %slice3A_2 = vector.extract_strided_slice %get3A_1 {offsets = [0, 1], sizes = [5000, 1], strides = [1, 1]} : vector<5000x4xf32> to vector<5000x1xf32>
    %mul3A = arith.mulf %slice3A, %slice3A_2 : vector<5000x1xf32>
    %slice3A_3 = vector.extract_strided_slice %get3A_1 {offsets = [0, 2], sizes = [5000, 1], strides = [1, 1]} : vector<5000x4xf32> to vector<5000x1xf32>
    %slice3A_4 = vector.extract_strided_slice %get3A_1 {offsets = [0, 2], sizes = [5000, 1], strides = [1, 1]} : vector<5000x4xf32> to vector<5000x1xf32>
    %mul3A_5 = arith.mulf %slice3A_3, %slice3A_4 : vector<5000x1xf32>
    %add3A = arith.addf %mul3A, %mul3A_5 : vector<5000x1xf32>
    %slice3A_6 = vector.extract_strided_slice %get3A_1 {offsets = [0, 3], sizes = [5000, 1], strides = [1, 1]} : vector<5000x4xf32> to vector<5000x1xf32>
    %slice3A_7 = vector.extract_strided_slice %get3A_1 {offsets = [0, 3], sizes = [5000, 1], strides = [1, 1]} : vector<5000x4xf32> to vector<5000x1xf32>
    %mul3A_8 = arith.mulf %slice3A_6, %slice3A_7 : vector<5000x1xf32>
    %add3A_9 = arith.addf %add3A, %mul3A_8 : vector<5000x1xf32>
    %slice3A_10 = vector.extract_strided_slice %get3A_1 {offsets = [0, 0], sizes = [5000, 1], strides = [1, 1]} : vector<5000x4xf32> to vector<5000x1xf32>
    %slice3A_11 = vector.extract_strided_slice %get3A_1 {offsets = [0, 0], sizes = [5000, 1], strides = [1, 1]} : vector<5000x4xf32> to vector<5000x1xf32>
    %mul3A_12 = arith.mulf %slice3A_10, %slice3A_11 : vector<5000x1xf32>
    %sub3A = arith.subf %add3A_9, %mul3A_12 : vector<5000x1xf32>
    %broadcast_in_dim3A = arith.constant 0.000000e+00 : f32
    %broadcast_in_dim3A_13 = vector.broadcast %broadcast_in_dim3A : f32 to vector<5000x3xf32>
    %concatenate3A = tpu.concatenate %get3A_1, %sub3A, %broadcast_in_dim3A_13 in 1 : vector<5000x4xf32>, vector<5000x1xf32>, vector<5000x3xf32> -> vector<5000x8xf32>
    %swap3A = arith.constant 0 : index
    %swap3A_14 = arith.constant 0 : index
    %swap3A_15 = vector.load %arg2[%swap3A, %swap3A_14] : memref<5000x8xf32, #tpu.memory_space<vmem>>, vector<5000x8xf32>
    tpu.vector_store %arg2[%swap3A, %swap3A_14], %concatenate3A {strides = array<i32>} : memref<5000x8xf32, #tpu.memory_space<vmem>>, vector<5000x8xf32>,
    return
  }
  func.func @transform_0(%arg0: i32) -> (i32, i32) {
    %c0_i32 = arith.constant 0 : i32
    %c0_i32_0 = arith.constant 0 : i32
    return %arg0, %c0_i32 : i32, i32
  }
  func.func @transform_1(%arg0: i32) -> (i32, i32) {
    %c0_i32 = arith.constant 0 : i32
    %c0_i32_0 = arith.constant 0 : i32
    return %arg0, %c0_i32 : i32, i32
  }
}

module attributes {stable_mosaic.version = 14 : i64} {
  func.func @_tc2_body(%arg0: i32, %arg1: memref<1024x128xf32, #tpu.memory_space<vmem>>, %arg2: memref<128x448xbf16, #tpu.memory_space<vmem>>, %arg3: memref<1x448xf32, #tpu.memory_space<vmem>>, %arg4: memref<448x448xbf16, #tpu.memory_space<vmem>>, %arg5: memref<1x448xf32, #tpu.memory_space<vmem>>, %arg6: memref<448x448xbf16, #tpu.memory_space<vmem>>, %arg7: memref<128x448xbf16, #tpu.memory_space<vmem>>, %arg8: memref<1x448xf32, #tpu.memory_space<vmem>>, %arg9: memref<448x512xbf16, #tpu.memory_space<vmem>>, %arg10: memref<1x512xf32, #tpu.memory_space<vmem>>, %arg11: memref<1024x128xf32, #tpu.memory_space<vmem>>, %arg12: memref<1024x128xf32, #tpu.memory_space<vmem>>, %arg13: memref<1024x128xf32, #tpu.memory_space<vmem>>, %arg14: memref<1024x128xf32, #tpu.memory_space<vmem>>) attributes {dimension_semantics = [#tpu.dimension_semantics<arbitrary>], iteration_bounds = array<i64: 98>, scalar_prefetch = 0 : i64, scratch_operands = 0 : i64, tpu.core_type = #tpu.core_type<tc>, window_params = [{transform_indices = @transform_0, window_bounds = array<i64: 1024, 128>}, {pipeline_mode = #tpu.pipeline_mode<synchronous>, transform_indices = @transform_1, window_bounds = array<i64: 128, 448>}, {pipeline_mode = #tpu.pipeline_mode<synchronous>, transform_indices = @transform_2, window_bounds = array<i64: 1, 448>}, {pipeline_mode = #tpu.pipeline_mode<synchronous>, transform_indices = @transform_3, window_bounds = array<i64: 448, 448>}, {pipeline_mode = #tpu.pipeline_mode<synchronous>, transform_indices = @transform_4, window_bounds = array<i64: 1, 448>}, {pipeline_mode = #tpu.pipeline_mode<synchronous>, transform_indices = @transform_5, window_bounds = array<i64: 448, 448>}, {pipeline_mode = #tpu.pipeline_mode<synchronous>, transform_indices = @transform_6, window_bounds = array<i64: 128, 448>}, {pipeline_mode = #tpu.pipeline_mode<synchronous>, transform_indices = @transform_7, window_bounds = array<i64: 1, 448>}, {pipeline_mode = #tpu.pipeline_mode<synchronous>, transform_indices = @transform_8, window_bounds = array<i64: 448, 512>}, {pipeline_mode = #tpu.pipeline_mode<synchronous>, transform_indices = @transform_9, window_bounds = array<i64: 1, 512>}, {transform_indices = @transform_10, window_bounds = array<i64: 1024, 128>}, {transform_indices = @transform_11, window_bounds = array<i64: 1024, 128>}, {transform_indices = @transform_12, window_bounds = array<i64: 1024, 128>}, {transform_indices = @transform_13, window_bounds = array<i64: 1024, 128>}]} {
    %get3A = arith.constant 0 : index
    %get3A_0 = arith.constant 0 : index
    %get3A_1 = vector.load %arg1[%get3A, %get3A_0] : memref<1024x128xf32, #tpu.memory_space<vmem>>, vector<1024x128xf32>
    %iota3A = tpu.iota {dimensions = array<i32: 1>} : vector<1024x128xi32>
    %sign3A = tpu.bitcast %get3A_1 : vector<1024x128xf32> -> vector<1024x128xi32>
    %sign3A_2 = arith.constant -2147483648 : i32
    %sign3A_3 = vector.broadcast %sign3A_2 : i32 to vector<1024x128xi32>
    %sign3A_4 = arith.andi %sign3A, %sign3A_3 : vector<1024x128xi32>
    %sign3A_5 = arith.constant 1065353216 : i32
    %sign3A_6 = vector.broadcast %sign3A_5 : i32 to vector<1024x128xi32>
    %sign3A_7 = arith.ori %sign3A_6, %sign3A_4 : vector<1024x128xi32>
    %sign3A_8 = tpu.bitcast %sign3A_7 : vector<1024x128xi32> -> vector<1024x128xf32>
    %sign3A_9 = math.absf %get3A_1 : vector<1024x128xf32>
    %sign3A_10 = arith.constant 0.000000e+00 : f32
    %sign3A_11 = vector.broadcast %sign3A_10 : f32 to vector<1024x128xf32>
    %sign3A_12 = arith.cmpf ogt, %sign3A_9, %sign3A_11 : vector<1024x128xf32>
    %sign3A_13 = arith.select %sign3A_12, %sign3A_8, %get3A_1 : vector<1024x128xi1>, vector<1024x128xf32>
    %abs3A = math.absf %get3A_1 : vector<1024x128xf32>
    %add3A = arith.constant 1.000000e+00 : f32
    %add3A_14 = vector.broadcast %add3A : f32 to vector<1024x128xf32>
    %add3A_15 = arith.addf %abs3A, %add3A_14 : vector<1024x128xf32>
    %log3A = math.log %add3A_15 : vector<1024x128xf32>
    %mul3A = arith.mulf %sign3A_13, %log3A : vector<1024x128xf32>
    %jit3A = arith.constant 4 : i32
    %eq3A = arith.constant 0 : i32
    %eq3A_16 = arith.cmpi eq, %jit3A, %eq3A : i32
    %jit3A_17 = arith.constant 1 : i32
    %select_n3A = arith.select %eq3A_16, %jit3A_17, %jit3A : i32
    %rem3A = vector.broadcast %select_n3A : i32 to vector<1024x128xi32>
    %rem3A_18 = arith.remsi %iota3A, %rem3A : vector<1024x128xi32>
    %ne3A = arith.constant 0 : i32
    %ne3A_19 = vector.broadcast %ne3A : i32 to vector<1024x128xi32>
    %ne3A_20 = arith.cmpi ne, %rem3A_18, %ne3A_19 : vector<1024x128xi32>
    %lt3A = arith.constant 0 : i32
    %lt3A_21 = vector.broadcast %lt3A : i32 to vector<1024x128xi32>
    %lt3A_22 = arith.cmpi slt, %rem3A_18, %lt3A_21 : vector<1024x128xi32>
    %lt3A_23 = arith.constant 0 : i32
    %lt3A_24 = arith.cmpi slt, %select_n3A, %lt3A_23 : i32
    %ne3A_25 = vector.broadcast %lt3A_24 : i1 to vector<1024x128xi1>
    %ne3A_26 = vector.broadcast %ne3A_25 : vector<1024x128xi1> to vector<1024x128xi1>
    %ne3A_27 = arith.xori %lt3A_22, %ne3A_26 : vector<1024x128xi1>
    %and3A = arith.andi %ne3A_27, %ne3A_20 : vector<1024x128xi1>
    %add3A_28 = vector.broadcast %select_n3A : i32 to vector<1024x128xi32>
    %add3A_29 = arith.addi %rem3A_18, %add3A_28 : vector<1024x128xi32>
    %select_n3A_30 = arith.select %and3A, %add3A_29, %rem3A_18 : vector<1024x128xi1>, vector<1024x128xi32>
    %ge3A = arith.constant 2 : i32
    %ge3A_31 = vector.broadcast %ge3A : i32 to vector<1024x128xi32>
    %ge3A_32 = arith.cmpi sge, %select_n3A_30, %ge3A_31 : vector<1024x128xi32>
    %select_n3A_33 = arith.select %ge3A_32, %mul3A, %get3A_1 : vector<1024x128xi1>, vector<1024x128xf32>
    %convert_element_type3A = arith.truncf %select_n3A_33 : vector<1024x128xf32> to vector<1024x128xbf16>
    %get3A_34 = arith.constant 0 : index
    %get3A_35 = arith.constant 0 : index
    %get3A_36 = vector.load %arg2[%get3A_34, %get3A_35] : memref<128x448xbf16, #tpu.memory_space<vmem>>, vector<128x448xbf16>
    %dot_general3A = arith.constant dense<0.000000e+00> : vector<1024x448xf32>
    %dot_general3A_37 = tpu.matmul %convert_element_type3A, %get3A_36, %dot_general3A {dimension_numbers = #tpu.dot_dimension_numbers<[1], [0], [0], [1], [0, 0, 1, 1], [], []>, transpose_lhs_hint = false} : vector<1024x128xbf16>, vector<128x448xbf16>, vector<1024x448xf32> -> vector<1024x448xf32>
    %get3A_38 = arith.constant 0 : index
    %get3A_39 = arith.constant 0 : index
    %get3A_40 = vector.load %arg3[%get3A_38, %get3A_39] : memref<1x448xf32, #tpu.memory_space<vmem>>, vector<1x448xf32>
    %add3A_41 = vector.broadcast %get3A_40 : vector<1x448xf32> to vector<1024x448xf32>
    %add3A_42 = arith.addf %dot_general3A_37, %add3A_41 : vector<1024x448xf32>
    %max3A = arith.constant 0.000000e+00 : f32
    %max3A_43 = vector.broadcast %max3A : f32 to vector<1024x448xf32>
    %max3A_44 = arith.maximumf %add3A_42, %max3A_43 : vector<1024x448xf32>
    %convert_element_type3A_45 = arith.truncf %max3A_44 : vector<1024x448xf32> to vector<1024x448xbf16>
    %get3A_46 = arith.constant 0 : index
    %get3A_47 = arith.constant 0 : index
    %get3A_48 = vector.load %arg4[%get3A_46, %get3A_47] : memref<448x448xbf16, #tpu.memory_space<vmem>>, vector<448x448xbf16>
    %dot_general3A_49 = arith.constant dense<0.000000e+00> : vector<1024x448xf32>
    %dot_general3A_50 = tpu.matmul %convert_element_type3A_45, %get3A_48, %dot_general3A_49 {dimension_numbers = #tpu.dot_dimension_numbers<[1], [0], [0], [1], [0, 0, 1, 1], [], []>, transpose_lhs_hint = false} : vector<1024x448xbf16>, vector<448x448xbf16>, vector<1024x448xf32> -> vector<1024x448xf32>
    %get3A_51 = arith.constant 0 : index
    %get3A_52 = arith.constant 0 : index
    %get3A_53 = vector.load %arg5[%get3A_51, %get3A_52] : memref<1x448xf32, #tpu.memory_space<vmem>>, vector<1x448xf32>
    %add3A_54 = vector.broadcast %get3A_53 : vector<1x448xf32> to vector<1024x448xf32>
    %add3A_55 = arith.addf %dot_general3A_50, %add3A_54 : vector<1024x448xf32>
    %convert_element_type3A_56 = arith.truncf %add3A_55 : vector<1024x448xf32> to vector<1024x448xbf16>
    %get3A_57 = arith.constant 0 : index
    %get3A_58 = arith.constant 0 : index
    %get3A_59 = vector.load %arg6[%get3A_57, %get3A_58] : memref<448x448xbf16, #tpu.memory_space<vmem>>, vector<448x448xbf16>
    %dot_general3A_60 = arith.constant dense<0.000000e+00> : vector<1024x448xf32>
    %dot_general3A_61 = tpu.matmul %convert_element_type3A_56, %get3A_59, %dot_general3A_60 {dimension_numbers = #tpu.dot_dimension_numbers<[1], [0], [0], [1], [0, 0, 1, 1], [], []>, transpose_lhs_hint = false} : vector<1024x448xbf16>, vector<448x448xbf16>, vector<1024x448xf32> -> vector<1024x448xf32>
    %get3A_62 = arith.constant 0 : index
    %get3A_63 = arith.constant 0 : index
    %get3A_64 = vector.load %arg7[%get3A_62, %get3A_63] : memref<128x448xbf16, #tpu.memory_space<vmem>>, vector<128x448xbf16>
    %dot_general3A_65 = arith.constant dense<0.000000e+00> : vector<1024x448xf32>
    %dot_general3A_66 = tpu.matmul %convert_element_type3A, %get3A_64, %dot_general3A_65 {dimension_numbers = #tpu.dot_dimension_numbers<[1], [0], [0], [1], [0, 0, 1, 1], [], []>, transpose_lhs_hint = false} : vector<1024x128xbf16>, vector<128x448xbf16>, vector<1024x448xf32> -> vector<1024x448xf32>
    %add3A_67 = arith.addf %dot_general3A_61, %dot_general3A_66 : vector<1024x448xf32>
    %get3A_68 = arith.constant 0 : index
    %get3A_69 = arith.constant 0 : index
    %get3A_70 = vector.load %arg8[%get3A_68, %get3A_69] : memref<1x448xf32, #tpu.memory_space<vmem>>, vector<1x448xf32>
    %add3A_71 = vector.broadcast %get3A_70 : vector<1x448xf32> to vector<1024x448xf32>
    %add3A_72 = arith.addf %add3A_67, %add3A_71 : vector<1024x448xf32>
    %max3A_73 = arith.constant 0.000000e+00 : f32
    %max3A_74 = vector.broadcast %max3A_73 : f32 to vector<1024x448xf32>
    %max3A_75 = arith.maximumf %add3A_72, %max3A_74 : vector<1024x448xf32>
    %convert_element_type3A_76 = arith.truncf %max3A_75 : vector<1024x448xf32> to vector<1024x448xbf16>
    %get3A_77 = arith.constant 0 : index
    %get3A_78 = arith.constant 0 : index
    %get3A_79 = vector.load %arg9[%get3A_77, %get3A_78] : memref<448x512xbf16, #tpu.memory_space<vmem>>, vector<448x512xbf16>
    %slice3A = vector.extract_strided_slice %get3A_79 {offsets = [0, 0], sizes = [448, 128], strides = [1, 1]} : vector<448x512xbf16> to vector<448x128xbf16>
    %dot_general3A_80 = arith.constant dense<0.000000e+00> : vector<1024x128xf32>
    %dot_general3A_81 = tpu.matmul %convert_element_type3A_76, %slice3A, %dot_general3A_80 {dimension_numbers = #tpu.dot_dimension_numbers<[1], [0], [0], [1], [0, 0, 1, 1], [], []>, transpose_lhs_hint = false} : vector<1024x448xbf16>, vector<448x128xbf16>, vector<1024x128xf32> -> vector<1024x128xf32>
    %get3A_82 = arith.constant 0 : index
    %get3A_83 = arith.constant 0 : index
    %get3A_84 = vector.load %arg10[%get3A_82, %get3A_83] : memref<1x512xf32, #tpu.memory_space<vmem>>, vector<1x512xf32>
    %slice3A_85 = vector.extract_strided_slice %get3A_84 {offsets = [0, 0], sizes = [1, 128], strides = [1, 1]} : vector<1x512xf32> to vector<1x128xf32>
    %add3A_86 = vector.broadcast %slice3A_85 : vector<1x128xf32> to vector<1024x128xf32>
    %add3A_87 = arith.addf %dot_general3A_81, %add3A_86 : vector<1024x128xf32>
    %swap3A = arith.constant 0 : index
    %swap3A_88 = arith.constant 0 : index
    %swap3A_89 = vector.load %arg11[%swap3A, %swap3A_88] : memref<1024x128xf32, #tpu.memory_space<vmem>>, vector<1024x128xf32>
    tpu.vector_store %arg11[%swap3A, %swap3A_88], %add3A_87 {strides = array<i32>} : memref<1024x128xf32, #tpu.memory_space<vmem>>, vector<1024x128xf32>,
    %get3A_90 = arith.constant 0 : index
    %get3A_91 = arith.constant 0 : index
    %get3A_92 = vector.load %arg9[%get3A_90, %get3A_91] : memref<448x512xbf16, #tpu.memory_space<vmem>>, vector<448x512xbf16>
    %slice3A_93 = vector.extract_strided_slice %get3A_92 {offsets = [0, 128], sizes = [448, 128], strides = [1, 1]} : vector<448x512xbf16> to vector<448x128xbf16>
    %dot_general3A_94 = arith.constant dense<0.000000e+00> : vector<1024x128xf32>
    %dot_general3A_95 = tpu.matmul %convert_element_type3A_76, %slice3A_93, %dot_general3A_94 {dimension_numbers = #tpu.dot_dimension_numbers<[1], [0], [0], [1], [0, 0, 1, 1], [], []>, transpose_lhs_hint = false} : vector<1024x448xbf16>, vector<448x128xbf16>, vector<1024x128xf32> -> vector<1024x128xf32>
    %get3A_96 = arith.constant 0 : index
    %get3A_97 = arith.constant 0 : index
    %get3A_98 = vector.load %arg10[%get3A_96, %get3A_97] : memref<1x512xf32, #tpu.memory_space<vmem>>, vector<1x512xf32>
    %slice3A_99 = vector.extract_strided_slice %get3A_98 {offsets = [0, 128], sizes = [1, 128], strides = [1, 1]} : vector<1x512xf32> to vector<1x128xf32>
    %add3A_100 = vector.broadcast %slice3A_99 : vector<1x128xf32> to vector<1024x128xf32>
    %add3A_101 = arith.addf %dot_general3A_95, %add3A_100 : vector<1024x128xf32>
    %swap3A_102 = arith.constant 0 : index
    %swap3A_103 = arith.constant 0 : index
    %swap3A_104 = vector.load %arg12[%swap3A_102, %swap3A_103] : memref<1024x128xf32, #tpu.memory_space<vmem>>, vector<1024x128xf32>
    tpu.vector_store %arg12[%swap3A_102, %swap3A_103], %add3A_101 {strides = array<i32>} : memref<1024x128xf32, #tpu.memory_space<vmem>>, vector<1024x128xf32>,
    %get3A_105 = arith.constant 0 : index
    %get3A_106 = arith.constant 0 : index
    %get3A_107 = vector.load %arg9[%get3A_105, %get3A_106] : memref<448x512xbf16, #tpu.memory_space<vmem>>, vector<448x512xbf16>
    %slice3A_108 = vector.extract_strided_slice %get3A_107 {offsets = [0, 256], sizes = [448, 128], strides = [1, 1]} : vector<448x512xbf16> to vector<448x128xbf16>
    %dot_general3A_109 = arith.constant dense<0.000000e+00> : vector<1024x128xf32>
    %dot_general3A_110 = tpu.matmul %convert_element_type3A_76, %slice3A_108, %dot_general3A_109 {dimension_numbers = #tpu.dot_dimension_numbers<[1], [0], [0], [1], [0, 0, 1, 1], [], []>, transpose_lhs_hint = false} : vector<1024x448xbf16>, vector<448x128xbf16>, vector<1024x128xf32> -> vector<1024x128xf32>
    %get3A_111 = arith.constant 0 : index
    %get3A_112 = arith.constant 0 : index
    %get3A_113 = vector.load %arg10[%get3A_111, %get3A_112] : memref<1x512xf32, #tpu.memory_space<vmem>>, vector<1x512xf32>
    %slice3A_114 = vector.extract_strided_slice %get3A_113 {offsets = [0, 256], sizes = [1, 128], strides = [1, 1]} : vector<1x512xf32> to vector<1x128xf32>
    %add3A_115 = vector.broadcast %slice3A_114 : vector<1x128xf32> to vector<1024x128xf32>
    %add3A_116 = arith.addf %dot_general3A_110, %add3A_115 : vector<1024x128xf32>
    %swap3A_117 = arith.constant 0 : index
    %swap3A_118 = arith.constant 0 : index
    %swap3A_119 = vector.load %arg13[%swap3A_117, %swap3A_118] : memref<1024x128xf32, #tpu.memory_space<vmem>>, vector<1024x128xf32>
    tpu.vector_store %arg13[%swap3A_117, %swap3A_118], %add3A_116 {strides = array<i32>} : memref<1024x128xf32, #tpu.memory_space<vmem>>, vector<1024x128xf32>,
    %get3A_120 = arith.constant 0 : index
    %get3A_121 = arith.constant 0 : index
    %get3A_122 = vector.load %arg9[%get3A_120, %get3A_121] : memref<448x512xbf16, #tpu.memory_space<vmem>>, vector<448x512xbf16>
    %slice3A_123 = vector.extract_strided_slice %get3A_122 {offsets = [0, 384], sizes = [448, 128], strides = [1, 1]} : vector<448x512xbf16> to vector<448x128xbf16>
    %dot_general3A_124 = arith.constant dense<0.000000e+00> : vector<1024x128xf32>
    %dot_general3A_125 = tpu.matmul %convert_element_type3A_76, %slice3A_123, %dot_general3A_124 {dimension_numbers = #tpu.dot_dimension_numbers<[1], [0], [0], [1], [0, 0, 1, 1], [], []>, transpose_lhs_hint = false} : vector<1024x448xbf16>, vector<448x128xbf16>, vector<1024x128xf32> -> vector<1024x128xf32>
    %get3A_126 = arith.constant 0 : index
    %get3A_127 = arith.constant 0 : index
    %get3A_128 = vector.load %arg10[%get3A_126, %get3A_127] : memref<1x512xf32, #tpu.memory_space<vmem>>, vector<1x512xf32>
    %slice3A_129 = vector.extract_strided_slice %get3A_128 {offsets = [0, 384], sizes = [1, 128], strides = [1, 1]} : vector<1x512xf32> to vector<1x128xf32>
    %add3A_130 = vector.broadcast %slice3A_129 : vector<1x128xf32> to vector<1024x128xf32>
    %add3A_131 = arith.addf %dot_general3A_125, %add3A_130 : vector<1024x128xf32>
    %swap3A_132 = arith.constant 0 : index
    %swap3A_133 = arith.constant 0 : index
    %swap3A_134 = vector.load %arg14[%swap3A_132, %swap3A_133] : memref<1024x128xf32, #tpu.memory_space<vmem>>, vector<1024x128xf32>
    tpu.vector_store %arg14[%swap3A_132, %swap3A_133], %add3A_131 {strides = array<i32>} : memref<1024x128xf32, #tpu.memory_space<vmem>>, vector<1024x128xf32>,
    return
  }
  func.func @transform_0(%arg0: i32) -> (i32, i32) {
    %c0_i32 = arith.constant 0 : i32
    %c0_i32_0 = arith.constant 0 : i32
    return %arg0, %c0_i32 : i32, i32
  }
  func.func @transform_1(%arg0: i32) -> (i32, i32) {
    %c0_i32 = arith.constant 0 : i32
    %c0_i32_0 = arith.constant 0 : i32
    %c0_i32_1 = arith.constant 0 : i32
    return %c0_i32, %c0_i32_0 : i32, i32
  }
  func.func @transform_2(%arg0: i32) -> (i32, i32) {
    %c0_i32 = arith.constant 0 : i32
    %c0_i32_0 = arith.constant 0 : i32
    %c0_i32_1 = arith.constant 0 : i32
    return %c0_i32, %c0_i32_0 : i32, i32
  }
  func.func @transform_3(%arg0: i32) -> (i32, i32) {
    %c0_i32 = arith.constant 0 : i32
    %c0_i32_0 = arith.constant 0 : i32
    %c0_i32_1 = arith.constant 0 : i32
    return %c0_i32, %c0_i32_0 : i32, i32
  }
  func.func @transform_4(%arg0: i32) -> (i32, i32) {
    %c0_i32 = arith.constant 0 : i32
    %c0_i32_0 = arith.constant 0 : i32
    %c0_i32_1 = arith.constant 0 : i32
    return %c0_i32, %c0_i32_0 : i32, i32
  }
  func.func @transform_5(%arg0: i32) -> (i32, i32) {
    %c0_i32 = arith.constant 0 : i32
    %c0_i32_0 = arith.constant 0 : i32
    %c0_i32_1 = arith.constant 0 : i32
    return %c0_i32, %c0_i32_0 : i32, i32
  }
  func.func @transform_6(%arg0: i32) -> (i32, i32) {
    %c0_i32 = arith.constant 0 : i32
    %c0_i32_0 = arith.constant 0 : i32
    %c0_i32_1 = arith.constant 0 : i32
    return %c0_i32, %c0_i32_0 : i32, i32
  }
  func.func @transform_7(%arg0: i32) -> (i32, i32) {
    %c0_i32 = arith.constant 0 : i32
    %c0_i32_0 = arith.constant 0 : i32
    %c0_i32_1 = arith.constant 0 : i32
    return %c0_i32, %c0_i32_0 : i32, i32
  }
  func.func @transform_8(%arg0: i32) -> (i32, i32) {
    %c0_i32 = arith.constant 0 : i32
    %c0_i32_0 = arith.constant 0 : i32
    %c0_i32_1 = arith.constant 0 : i32
    return %c0_i32, %c0_i32_0 : i32, i32
  }
  func.func @transform_9(%arg0: i32) -> (i32, i32) {
    %c0_i32 = arith.constant 0 : i32
    %c0_i32_0 = arith.constant 0 : i32
    %c0_i32_1 = arith.constant 0 : i32
    return %c0_i32, %c0_i32_0 : i32, i32
  }
  func.func @transform_10(%arg0: i32) -> (i32, i32) {
    %c0_i32 = arith.constant 0 : i32
    %c0_i32_0 = arith.constant 0 : i32
    return %arg0, %c0_i32 : i32, i32
  }
  func.func @transform_11(%arg0: i32) -> (i32, i32) {
    %c0_i32 = arith.constant 0 : i32
    %c0_i32_0 = arith.constant 0 : i32
    return %arg0, %c0_i32 : i32, i32
  }
  func.func @transform_12(%arg0: i32) -> (i32, i32) {
    %c0_i32 = arith.constant 0 : i32
    %c0_i32_0 = arith.constant 0 : i32
    return %arg0, %c0_i32 : i32, i32
  }
  func.func @transform_13(%arg0: i32) -> (i32, i32) {
    %c0_i32 = arith.constant 0 : i32
    %c0_i32_0 = arith.constant 0 : i32
    return %arg0, %c0_i32 : i32, i32
  }
}

module attributes {stable_mosaic.version = 14 : i64} {
  func.func @_tc4_body(%arg0: i32, %arg1: memref<3136x4xf32, #tpu.memory_space<vmem>>, %arg2: memref<2x3136x16xf32, #tpu.memory_space<vmem>>, %arg3: memref<15x14xf32, #tpu.memory_space<vmem>>, %arg4: memref<1x14xf32, #tpu.memory_space<vmem>>, %arg5: memref<14x14xf32, #tpu.memory_space<vmem>>, %arg6: memref<1x14xf32, #tpu.memory_space<vmem>>, %arg7: memref<3136x16xf32, #tpu.memory_space<vmem>>) attributes {dimension_semantics = [#tpu.dimension_semantics<arbitrary>], iteration_bounds = array<i64: 32>, scalar_prefetch = 0 : i64, scratch_operands = 0 : i64, tpu.core_type = #tpu.core_type<tc>, window_params = [{transform_indices = @transform_0, window_bounds = array<i64: 3136, 4>}, {transform_indices = @transform_1, window_bounds = array<i64: 2, 3136, 16>}, {pipeline_mode = #tpu.pipeline_mode<synchronous>, transform_indices = @transform_2, window_bounds = array<i64: 15, 14>}, {pipeline_mode = #tpu.pipeline_mode<synchronous>, transform_indices = @transform_3, window_bounds = array<i64: 1, 14>}, {pipeline_mode = #tpu.pipeline_mode<synchronous>, transform_indices = @transform_4, window_bounds = array<i64: 14, 14>}, {pipeline_mode = #tpu.pipeline_mode<synchronous>, transform_indices = @transform_5, window_bounds = array<i64: 1, 14>}, {transform_indices = @transform_6, window_bounds = array<i64: 3136, 16>}]} {
    %get3A = arith.constant 0 : index
    %get3A_0 = arith.constant 0 : index
    %get3A_1 = arith.constant 0 : index
    %get3A_2 = vector.load %arg2[%get3A, %get3A_0, %get3A_1] : memref<2x3136x16xf32, #tpu.memory_space<vmem>>, vector<2x3136x16xf32>
    %slice3A = vector.extract_strided_slice %get3A_2 {offsets = [0, 0, 0], sizes = [1, 3136, 16], strides = [1, 1, 1]} : vector<2x3136x16xf32> to vector<1x3136x16xf32>
    %squeeze3A = vector.shape_cast %slice3A : vector<1x3136x16xf32> to vector<3136x16xf32>
    %slice3A_3 = vector.extract_strided_slice %get3A_2 {offsets = [1, 0, 0], sizes = [1, 3136, 16], strides = [1, 1, 1]} : vector<2x3136x16xf32> to vector<1x3136x16xf32>
    %squeeze3A_4 = vector.shape_cast %slice3A_3 : vector<1x3136x16xf32> to vector<3136x16xf32>
    %add3A = arith.addf %squeeze3A, %squeeze3A_4 : vector<3136x16xf32>
    %slice3A_5 = vector.extract_strided_slice %add3A {offsets = [0, 0], sizes = [3136, 14], strides = [1, 1]} : vector<3136x16xf32> to vector<3136x14xf32>
    %slice3A_6 = vector.extract_strided_slice %add3A {offsets = [0, 14], sizes = [3136, 1], strides = [1, 1]} : vector<3136x16xf32> to vector<3136x1xf32>
    %max3A = arith.constant 1.000000e+00 : f32
    %max3A_7 = vector.broadcast %max3A : f32 to vector<3136x1xf32>
    %max3A_8 = arith.maximumf %slice3A_6, %max3A_7 : vector<3136x1xf32>
    %div3A = vector.broadcast %max3A_8 : vector<3136x1xf32> to vector<3136x14xf32>
    %div3A_9 = arith.divf %slice3A_5, %div3A : vector<3136x14xf32>
    %get3A_10 = arith.constant 0 : index
    %get3A_11 = arith.constant 0 : index
    %get3A_12 = vector.load %arg1[%get3A_10, %get3A_11] : memref<3136x4xf32, #tpu.memory_space<vmem>>, vector<3136x4xf32>
    %slice3A_13 = vector.extract_strided_slice %get3A_12 {offsets = [0, 1], sizes = [3136, 1], strides = [1, 1]} : vector<3136x4xf32> to vector<3136x1xf32>
    %slice3A_14 = vector.extract_strided_slice %get3A_12 {offsets = [0, 1], sizes = [3136, 1], strides = [1, 1]} : vector<3136x4xf32> to vector<3136x1xf32>
    %mul3A = arith.mulf %slice3A_13, %slice3A_14 : vector<3136x1xf32>
    %slice3A_15 = vector.extract_strided_slice %get3A_12 {offsets = [0, 2], sizes = [3136, 1], strides = [1, 1]} : vector<3136x4xf32> to vector<3136x1xf32>
    %slice3A_16 = vector.extract_strided_slice %get3A_12 {offsets = [0, 2], sizes = [3136, 1], strides = [1, 1]} : vector<3136x4xf32> to vector<3136x1xf32>
    %mul3A_17 = arith.mulf %slice3A_15, %slice3A_16 : vector<3136x1xf32>
    %add3A_18 = arith.addf %mul3A, %mul3A_17 : vector<3136x1xf32>
    %slice3A_19 = vector.extract_strided_slice %get3A_12 {offsets = [0, 3], sizes = [3136, 1], strides = [1, 1]} : vector<3136x4xf32> to vector<3136x1xf32>
    %slice3A_20 = vector.extract_strided_slice %get3A_12 {offsets = [0, 3], sizes = [3136, 1], strides = [1, 1]} : vector<3136x4xf32> to vector<3136x1xf32>
    %mul3A_21 = arith.mulf %slice3A_19, %slice3A_20 : vector<3136x1xf32>
    %add3A_22 = arith.addf %add3A_18, %mul3A_21 : vector<3136x1xf32>
    %slice3A_23 = vector.extract_strided_slice %get3A_12 {offsets = [0, 0], sizes = [3136, 1], strides = [1, 1]} : vector<3136x4xf32> to vector<3136x1xf32>
    %slice3A_24 = vector.extract_strided_slice %get3A_12 {offsets = [0, 0], sizes = [3136, 1], strides = [1, 1]} : vector<3136x4xf32> to vector<3136x1xf32>
    %mul3A_25 = arith.mulf %slice3A_23, %slice3A_24 : vector<3136x1xf32>
    %sub3A = arith.subf %add3A_22, %mul3A_25 : vector<3136x1xf32>
    %concatenate3A = tpu.concatenate %sub3A, %div3A_9 in 1 : vector<3136x1xf32>, vector<3136x14xf32> -> vector<3136x15xf32>
    %get3A_26 = arith.constant 0 : index
    %get3A_27 = arith.constant 0 : index
    %get3A_28 = vector.load %arg3[%get3A_26, %get3A_27] : memref<15x14xf32, #tpu.memory_space<vmem>>, vector<15x14xf32>
    %dot_general3A = arith.constant dense<0.000000e+00> : vector<3136x14xf32>
    %dot_general3A_29 = tpu.matmul %concatenate3A, %get3A_28, %dot_general3A {dimension_numbers = #tpu.dot_dimension_numbers<[1], [0], [0], [1], [0, 0, 1, 1], [], []>, transpose_lhs_hint = false} : vector<3136x15xf32>, vector<15x14xf32>, vector<3136x14xf32> -> vector<3136x14xf32>
    %get3A_30 = arith.constant 0 : index
    %get3A_31 = arith.constant 0 : index
    %get3A_32 = vector.load %arg4[%get3A_30, %get3A_31] : memref<1x14xf32, #tpu.memory_space<vmem>>, vector<1x14xf32>
    %add3A_33 = vector.broadcast %get3A_32 : vector<1x14xf32> to vector<3136x14xf32>
    %add3A_34 = arith.addf %dot_general3A_29, %add3A_33 : vector<3136x14xf32>
    %max3A_35 = arith.constant 0.000000e+00 : f32
    %max3A_36 = vector.broadcast %max3A_35 : f32 to vector<3136x14xf32>
    %max3A_37 = arith.maximumf %add3A_34, %max3A_36 : vector<3136x14xf32>
    %get3A_38 = arith.constant 0 : index
    %get3A_39 = arith.constant 0 : index
    %get3A_40 = vector.load %arg5[%get3A_38, %get3A_39] : memref<14x14xf32, #tpu.memory_space<vmem>>, vector<14x14xf32>
    %dot_general3A_41 = arith.constant dense<0.000000e+00> : vector<3136x14xf32>
    %dot_general3A_42 = tpu.matmul %max3A_37, %get3A_40, %dot_general3A_41 {dimension_numbers = #tpu.dot_dimension_numbers<[1], [0], [0], [1], [0, 0, 1, 1], [], []>, transpose_lhs_hint = false} : vector<3136x14xf32>, vector<14x14xf32>, vector<3136x14xf32> -> vector<3136x14xf32>
    %get3A_43 = arith.constant 0 : index
    %get3A_44 = arith.constant 0 : index
    %get3A_45 = vector.load %arg6[%get3A_43, %get3A_44] : memref<1x14xf32, #tpu.memory_space<vmem>>, vector<1x14xf32>
    %add3A_46 = vector.broadcast %get3A_45 : vector<1x14xf32> to vector<3136x14xf32>
    %add3A_47 = arith.addf %dot_general3A_42, %add3A_46 : vector<3136x14xf32>
    %broadcast_in_dim3A = arith.constant 1.000000e+00 : f32
    %broadcast_in_dim3A_48 = vector.broadcast %broadcast_in_dim3A : f32 to vector<3136x1xf32>
    %broadcast_in_dim3A_49 = arith.constant 0.000000e+00 : f32
    %broadcast_in_dim3A_50 = vector.broadcast %broadcast_in_dim3A_49 : f32 to vector<3136x1xf32>
    %concatenate3A_51 = tpu.concatenate %add3A_47, %broadcast_in_dim3A_48, %broadcast_in_dim3A_50 in 1 : vector<3136x14xf32>, vector<3136x1xf32>, vector<3136x1xf32> -> vector<3136x16xf32>
    %swap3A = arith.constant 0 : index
    %swap3A_52 = arith.constant 0 : index
    %swap3A_53 = vector.load %arg7[%swap3A, %swap3A_52] : memref<3136x16xf32, #tpu.memory_space<vmem>>, vector<3136x16xf32>
    tpu.vector_store %arg7[%swap3A, %swap3A_52], %concatenate3A_51 {strides = array<i32>} : memref<3136x16xf32, #tpu.memory_space<vmem>>, vector<3136x16xf32>,
    return
  }
  func.func @transform_0(%arg0: i32) -> (i32, i32) {
    %c0_i32 = arith.constant 0 : i32
    %c0_i32_0 = arith.constant 0 : i32
    return %arg0, %c0_i32 : i32, i32
  }
  func.func @transform_1(%arg0: i32) -> (i32, i32, i32) {
    %c0_i32 = arith.constant 0 : i32
    %c0_i32_0 = arith.constant 0 : i32
    %c0_i32_1 = arith.constant 0 : i32
    return %c0_i32, %arg0, %c0_i32_0 : i32, i32, i32
  }
  func.func @transform_2(%arg0: i32) -> (i32, i32) {
    %c0_i32 = arith.constant 0 : i32
    %c0_i32_0 = arith.constant 0 : i32
    %c0_i32_1 = arith.constant 0 : i32
    return %c0_i32, %c0_i32_0 : i32, i32
  }
  func.func @transform_3(%arg0: i32) -> (i32, i32) {
    %c0_i32 = arith.constant 0 : i32
    %c0_i32_0 = arith.constant 0 : i32
    %c0_i32_1 = arith.constant 0 : i32
    return %c0_i32, %c0_i32_0 : i32, i32
  }
  func.func @transform_4(%arg0: i32) -> (i32, i32) {
    %c0_i32 = arith.constant 0 : i32
    %c0_i32_0 = arith.constant 0 : i32
    %c0_i32_1 = arith.constant 0 : i32
    return %c0_i32, %c0_i32_0 : i32, i32
  }
  func.func @transform_5(%arg0: i32) -> (i32, i32) {
    %c0_i32 = arith.constant 0 : i32
    %c0_i32_0 = arith.constant 0 : i32
    %c0_i32_1 = arith.constant 0 : i32
    return %c0_i32, %c0_i32_0 : i32, i32
  }
  func.func @transform_6(%arg0: i32) -> (i32, i32) {
    %c0_i32 = arith.constant 0 : i32
    %c0_i32_0 = arith.constant 0 : i32
    return %arg0, %c0_i32 : i32, i32
  }
}

module attributes {stable_mosaic.version = 14 : i64} {
  func.func @_tc6_body(%arg0: memref<2x1040x16xf32, #tpu.memory_space<vmem>>, %arg1: memref<14x14xf32, #tpu.memory_space<vmem>>, %arg2: memref<1x14xf32, #tpu.memory_space<vmem>>, %arg3: memref<14x2xf32, #tpu.memory_space<vmem>>, %arg4: memref<1x2xf32, #tpu.memory_space<vmem>>, %arg5: memref<1024x2xf32, #tpu.memory_space<vmem>>) attributes {dimension_semantics = [], scalar_prefetch = 0 : i64, scratch_operands = 0 : i64, tpu.core_type = #tpu.core_type<tc>} {
    %get3A = arith.constant 0 : index
    %get3A_0 = arith.constant 0 : index
    %get3A_1 = arith.constant 0 : index
    %get3A_2 = vector.load %arg0[%get3A, %get3A_0, %get3A_1] : memref<2x1040x16xf32, #tpu.memory_space<vmem>>, vector<2x1040x16xf32>
    %slice3A = vector.extract_strided_slice %get3A_2 {offsets = [0, 0, 0], sizes = [1, 1024, 16], strides = [1, 1, 1]} : vector<2x1040x16xf32> to vector<1x1024x16xf32>
    %squeeze3A = vector.shape_cast %slice3A : vector<1x1024x16xf32> to vector<1024x16xf32>
    %slice3A_3 = vector.extract_strided_slice %get3A_2 {offsets = [1, 0, 0], sizes = [1, 1024, 16], strides = [1, 1, 1]} : vector<2x1040x16xf32> to vector<1x1024x16xf32>
    %squeeze3A_4 = vector.shape_cast %slice3A_3 : vector<1x1024x16xf32> to vector<1024x16xf32>
    %add3A = arith.addf %squeeze3A, %squeeze3A_4 : vector<1024x16xf32>
    %slice3A_5 = vector.extract_strided_slice %add3A {offsets = [0, 0], sizes = [1024, 14], strides = [1, 1]} : vector<1024x16xf32> to vector<1024x14xf32>
    %slice3A_6 = vector.extract_strided_slice %add3A {offsets = [0, 14], sizes = [1024, 1], strides = [1, 1]} : vector<1024x16xf32> to vector<1024x1xf32>
    %max3A = arith.constant 1.000000e+00 : f32
    %max3A_7 = vector.broadcast %max3A : f32 to vector<1024x1xf32>
    %max3A_8 = arith.maximumf %slice3A_6, %max3A_7 : vector<1024x1xf32>
    %div3A = vector.broadcast %max3A_8 : vector<1024x1xf32> to vector<1024x14xf32>
    %div3A_9 = arith.divf %slice3A_5, %div3A : vector<1024x14xf32>
    %get3A_10 = arith.constant 0 : index
    %get3A_11 = arith.constant 0 : index
    %get3A_12 = vector.load %arg1[%get3A_10, %get3A_11] : memref<14x14xf32, #tpu.memory_space<vmem>>, vector<14x14xf32>
    %dot_general3A = arith.constant dense<0.000000e+00> : vector<1024x14xf32>
    %dot_general3A_13 = tpu.matmul %div3A_9, %get3A_12, %dot_general3A {dimension_numbers = #tpu.dot_dimension_numbers<[1], [0], [0], [1], [0, 0, 1, 1], [], []>, transpose_lhs_hint = false} : vector<1024x14xf32>, vector<14x14xf32>, vector<1024x14xf32> -> vector<1024x14xf32>
    %get3A_14 = arith.constant 0 : index
    %get3A_15 = arith.constant 0 : index
    %get3A_16 = vector.load %arg2[%get3A_14, %get3A_15] : memref<1x14xf32, #tpu.memory_space<vmem>>, vector<1x14xf32>
    %add3A_17 = vector.broadcast %get3A_16 : vector<1x14xf32> to vector<1024x14xf32>
    %add3A_18 = arith.addf %dot_general3A_13, %add3A_17 : vector<1024x14xf32>
    %max3A_19 = arith.constant 0.000000e+00 : f32
    %max3A_20 = vector.broadcast %max3A_19 : f32 to vector<1024x14xf32>
    %max3A_21 = arith.maximumf %add3A_18, %max3A_20 : vector<1024x14xf32>
    %get3A_22 = arith.constant 0 : index
    %get3A_23 = arith.constant 0 : index
    %get3A_24 = vector.load %arg3[%get3A_22, %get3A_23] : memref<14x2xf32, #tpu.memory_space<vmem>>, vector<14x2xf32>
    %dot_general3A_25 = arith.constant dense<0.000000e+00> : vector<1024x2xf32>
    %dot_general3A_26 = tpu.matmul %max3A_21, %get3A_24, %dot_general3A_25 {dimension_numbers = #tpu.dot_dimension_numbers<[1], [0], [0], [1], [0, 0, 1, 1], [], []>, transpose_lhs_hint = false} : vector<1024x14xf32>, vector<14x2xf32>, vector<1024x2xf32> -> vector<1024x2xf32>
    %get3A_27 = arith.constant 0 : index
    %get3A_28 = arith.constant 0 : index
    %get3A_29 = vector.load %arg4[%get3A_27, %get3A_28] : memref<1x2xf32, #tpu.memory_space<vmem>>, vector<1x2xf32>
    %add3A_30 = vector.broadcast %get3A_29 : vector<1x2xf32> to vector<1024x2xf32>
    %add3A_31 = arith.addf %dot_general3A_26, %add3A_30 : vector<1024x2xf32>
    %swap3A = arith.constant 0 : index
    %swap3A_32 = arith.constant 0 : index
    %swap3A_33 = vector.load %arg5[%swap3A, %swap3A_32] : memref<1024x2xf32, #tpu.memory_space<vmem>>, vector<1024x2xf32>
    tpu.vector_store %arg5[%swap3A, %swap3A_32], %add3A_31 {strides = array<i32>} : memref<1024x2xf32, #tpu.memory_space<vmem>>, vector<1024x2xf32>,
    return
  }
}

</mosaic_0001>

<sc_bundles>
// kernel: kernel.12.cloned.1.call-start
scs
__scs_entry_jumppad:
0x0: {  	(pc) =	sbr.rel $0x88, $3  }
0x1: {  	(tag) =	ssettag $0x0;
	lr =	simm.s32 $0x1  }
0x2: {  	[smem:$0x3F8E] =	sst lr;
	_ =	strace $0xD0000000  }
0x3: {  	_ = 	snop  }
0x4: {  	_ = 	snop  }
0x5: {  	_ = 	snop  }
0x6: {  	_ = 	snop  }
0x7: {  	_ = 	snop  }
__scs_overlays_trampoline_lowered:
0x8: {  	[smem:$0x3F9D] =	sst s0  }
0x9: {  	[smem:$0x3F9E] =	sst s1  }
0xa: {  	[smem:$0x3F9F] =	sst s2  }
0xb: {  	[smem:$0x3FA0] =	sst s3  }
0xc: {  	[smem:$0x3FA1] =	sst s4  }
0xd: {  	[smem:$0x3FA2] =	sst s5  }
0xe: {  	[smem:$0x3FA3] =	sst s6  }
0xf: {  	[smem:$0x3FA4] =	sst s7  }
0x10: {  	[smem:$0x3FA5] =	sst s8  }
0x11: {  	[smem:$0x3FA6] =	sst s9;
	s0 =	simm.s32 @!p0 $0x0  }
0x12: {  	s1 =	sld [smem:$0x3F8C];
	s0 =	simm.s32 @p0 $0x1  }
0x13: {  	[smem:$0x3FA7] =	sst s0;
	s0 =	simm.s32 @!p1 $0x0  }
0x14: {  	s2 =	sld [smem:$0x3F8B];
	s0 =	simm.s32 @p1 $0x1  }
0x15: {  	[smem:$0x3FA8] =	sst s0;
	s0 =	simm.s32 @!p2 $0x0  }
0x16: {  	s3 =	sld [smem:$0x3FDB];
	s0 =	simm.s32 @p2 $0x1  }
0x17: {  	s4 =	simm.s32 $0x1BF5;
	[smem:$0x3FAA] =	sst s0  }
0x18: {  	s0 =	sld [smem:$0x3F8D];
	_ =	swait.ge [sflag:s4], $0x0  }
0x19: {  	s7 =	sld [smem:$0x3F8E]  }
0x1a: {  	s8 =	sadd.s32 $0xFFFFE003, lr  }
0x1b: {  	s9 =	sadd.s32 $0xFFFFFEF7, lr;
	s5 =	simm.s32 $0xFFFFFFFF;
	p2 =	slt.u32 s8, $0xFFFFF086  }
0x1c: {  	p1 =	slt.u32 s9, $0xF7A;
	s5 =	simm.s32 @!p2 $0x0  }
0x1d: {  	s5 =	simm.s32 @p1 $0x1;
	p0 =	seq.s32 s7, s2  }
0x1e: {  	s7 =	smul.u32 @!p0 $0xF7A, s2;
	p2 =	seq.s32 @!p0 s5, $0x0  }
0x1f: {  	s9 =	smul.u32 $0xF7A, s1;
	s8 =	simm.s32 @!p0 $0x1BF5;
	p2 =	por !p2, p0  }
0x20: {  	[sflag:s8] =	ssyncset.s32 @!p0 $0xFFFFF086;
	s6 =	sadd.s32 @!p0 s3, s7;
	s7 =	simm.s32 @!p0 $0x108  }
0x21: {  	s3 =	sadd.s32 s3, s9;
	s6 =	sadd.s32 @!p0 $0x88, s6;
	s7 =	simm.s32 @p2 $0x1082  }
0x22: {  	[simem:s7], [sflag:s8] =	dma.local @!p0 [hbm:s6], $0xF7A  }
0x23: {  	s9 =	sor.u32 $0xD0000000, s2;
	s6 =	simm.s32 $0x108;
	_ =	swait.ge @!p0 [sflag:s8], $0x0  }
0x24: {  	s3 =	sadd.s32 $0x88, s3;
	s6 =	simm.s32 @!p1 $0x1082;
	[sflag:s4] =	ssyncset.s32 $0xFFFFF086  }
0x25: {  	[simem:s6], [sflag:s4] =	dma.local [hbm:s3], $0xF7A  }
0x26: {  	[smem:$0x3F8E] =	sst s1;
	(tag) =	ssettag s2;
	_ =	strace s9  }
0x27: {  	s1 =	sld [smem:$0x3F9E]  }
0x28: {  	s2 =	sld [smem:$0x3F9F]  }
0x29: {  	s4 =	sld [smem:$0x3FA1]  }
0x2a: {  	p0 =	seq.s32 s5, $0x0;
	s5 =	sld [smem:$0x3FA2]  }
0x2b: {  	s6 =	sld [smem:$0x3FA3]  }
0x2c: {  	s7 =	sld [smem:$0x3FA4]  }
0x2d: {  	s3 =	simm.s32 $0x108;
	s8 =	sld [smem:$0x3FA5]  }
0x2e: {  	s3 =	simm.s32 @!p0 $0x1082;
	s9 =	sld [smem:$0x3FA6]  }
0x2f: {  	lr =	sadd.s32 s0, s3;
	s0 =	sld [smem:$0x3F9D]  }
0x30: {  	s3 =	sld [smem:$0x3FA0]  }
0x31: {  	[smem:$0x3FA9] =	sst s10  }
0x32: {  	s10 =	sld [smem:$0x3FA7];
	_ =	sdelay $0x3  }
0x33: {  	p0 =	seq.s32 s10, $0x1;
	s10 =	sld [smem:$0x3FA9];
	_ =	sdelay $0x3  }
0x34: {  	[smem:$0x3FA9] =	sst s10  }
0x35: {  	s10 =	sld [smem:$0x3FA8];
	_ =	sdelay $0x3  }
0x36: {  	p1 =	seq.s32 s10, $0x1;
	s10 =	sld [smem:$0x3FA9];
	_ =	sdelay $0x3  }
0x37: {  	[smem:$0x3FA9] =	sst s10  }
0x38: {  	s10 =	sld [smem:$0x3FAA]  }
0x39: {  	_ = 	snop;
	(pc) =	sbr.ind lr, $3  }
0x3a: {  	_ = 	snop  }
0x3b: {  	_ = 	snop  }
0x3c: {  	p2 =	seq.s32 s10, $0x1;
	s10 =	sld [smem:$0x3FA9]  }
0x3d: {  	_ =	shalt  }
0x3e: {  	_ =	shalt  }
0x3f: {  	_ =	shalt  }
0x40: {  	_ =	shalt  }
0x41: {  	_ =	shalt  }
0x42: {  	_ =	shalt  }
0x43: {  	_ =	shalt  }
0x44: {  	_ =	shalt  }
0x45: {  	_ =	shalt  }
0x46: {  	_ =	shalt  }
0x47: {  	_ =	shalt  }
0x48: {  	_ =	shalt  }
0x49: {  	_ =	shalt  }
0x4a: {  	_ =	shalt  }
0x4b: {  	_ =	shalt  }
0x4c: {  	_ =	shalt  }
0x4d: {  	_ =	shalt  }
0x4e: {  	_ =	shalt  }
0x4f: {  	_ =	shalt  }
0x50: {  	_ =	shalt  }
0x51: {  	_ =	shalt  }
0x52: {  	_ =	shalt  }
0x53: {  	_ =	shalt  }
0x54: {  	_ =	shalt  }
0x55: {  	_ =	shalt  }
0x56: {  	_ =	shalt  }
0x57: {  	_ =	shalt  }
0x58: {  	_ =	shalt  }
0x59: {  	_ =	shalt  }
0x5a: {  	_ =	shalt  }
0x5b: {  	_ =	shalt  }
0x5c: {  	_ =	shalt  }
0x5d: {  	_ =	shalt  }
0x5e: {  	_ =	shalt  }
0x5f: {  	_ =	shalt  }
0x60: {  	_ =	shalt  }
0x61: {  	_ =	shalt  }
0x62: {  	_ =	shalt  }
0x63: {  	_ =	shalt  }
0x64: {  	_ =	shalt  }
0x65: {  	_ =	shalt  }
0x66: {  	_ =	shalt  }
0x67: {  	_ =	shalt  }
0x68: {  	_ =	shalt  }
0x69: {  	_ =	shalt  }
0x6a: {  	_ =	shalt  }
0x6b: {  	_ =	shalt  }
0x6c: {  	_ =	shalt  }
0x6d: {  	_ =	shalt  }
0x6e: {  	_ =	shalt  }
0x6f: {  	_ =	shalt  }
0x70: {  	_ =	shalt  }
0x71: {  	_ =	shalt  }
0x72: {  	_ =	shalt  }
0x73: {  	_ =	shalt  }
0x74: {  	_ =	shalt  }
0x75: {  	_ =	shalt  }
0x76: {  	_ =	shalt  }
0x77: {  	_ =	shalt  }
0x78: {  	_ =	shalt  }
0x79: {  	_ =	shalt  }
0x7a: {  	_ =	shalt  }
0x7b: {  	_ =	shalt  }
0x7c: {  	_ =	shalt  }
0x7d: {  	_ =	shalt  }
0x7e: {  	_ =	shalt  }
0x7f: {  	_ =	shalt  }
0x80: {  	_ =	shalt  }
0x81: {  	_ =	shalt  }
0x82: {  	_ =	shalt  }
0x83: {  	_ =	shalt  }
0x84: {  	_ =	shalt  }
0x85: {  	_ =	shalt  }
0x86: {  	_ =	shalt  }
0x87: {  	_ =	shalt  }
.Lfunc_end0:
.L_simem_size_0:
called_computation.1_lowered:
.L_overlay_start_0:
0x88: {  	s2 =	sld [smem:$0x3FD9]  }
0x89: {  	s3 =	sld [smem:$0x3FFE];
	_ =	sdelay $0x1  }
0x8a: {  	s1 =	srdreg.scid  }
0x8b: {  	s0 =	sand.u32 $0x1, s1  }
0x8c: {  	s16 =	sshll.u32 s0, $0xA;
	s2 =	sadd.s32 s3, s2  }
0x8d: {  	s2 =	sadd.s32 s2, s16  }
0x8e: {  	[smem:$0x3FB5] =	sst s2  }
0x8f: {  	_ = 	snop  }
0x90: {  	(tm) =	ssettm $0x1  }
0x91: {  	s17 =	sld [smem:$0x3FFB];
	_ =	sdelay $0x3  }
0x92: {  	_ =	strace s17  }
0x93: {  	s2 =	sld [smem:$0x3FFC];
	_ =	sdelay $0x3  }
0x94: {  	_ =	strace s2  }
0x95: {  	s2 =	sld [smem:$0x3FFD];
	_ =	sdelay $0x3  }
0x96: {  	_ =	strace s2  }
0x97: {  	_ =	strace $0x8FFFFFFF  }
0x98: {  	s18 =	sld [smem:$0x3FDB];
	_ =	sdelay $0x1  }
0x99: {  	s19 =	simm.s32 $_scs_section_size  }
0x9a: {  	s4 =	simm.s32 $_size__tile_overlayer_lowered;
	s5 =	simm.s32 $_tile_overlayer_lowered  }
0x9b: {  	s22 =	simm.s32 $0x1BFF;
	s21 =	sshll.u32 s5, $0x1;
	s2 =	sadd.s32 s19, s18  }
0x9c: {  	s6 =	simm.s32 $0x0;
	s20 =	sshll.u32 s4, $0x1;
	s4 =	sadd.s32 s21, s2  }
0x9d: {  	[timem:s6], [sflag:s22] =	dma.local [hbm:s4], s20  }
0x9e: {  	_ =	swait.ge [sflag:s22], s20  }
0x9f: {  	s3 =	ssub.s32 $0x0, s20;
	[sflag:s22] =	ssyncset.done $0x0  }
0xa0: {  	[sflag:s22] =	ssyncadd.s32 s3;
	_ =	sdelay $0x1  }
0xa1: {  	s23 =	simm.s32 $0x1B8B  }
0xa2: {  	_ =	swait.ge [sflag:s23], $0x1  }
0xa3: {  	[sflag:s23] =	ssyncset.done $0x0  }
0xa4: {  	s25 =	simm.s32 $0x1B8E;
	s24 =	sld [smem:$0x3FFE];
	[sflag:s23] =	ssyncadd.s32 $0xFFFFFFFF  }
0xa5: {  	s26 =	simm.s32 $execute0_lowered;
	[smem:$0x3FD2] =	sst s25  }
0xa6: {  	s4 =	sshll.u32 s26, $0x1;
	_ =	strace $0x80000049;
	[dreg:$0x1] =	wrdreg $0xFFFFFFFF  }
0xa7: {  	s28 =	simm.s32 $_size_execute0_lowered;
	s2 =	sadd.s32 s2, s4;
	[dreg:$0x0] =	wrdreg $0x0  }
0xa8: {  	s4 =	sshll.u32 s28, $0x1;
	[dreg:$0x2] =	wrdreg s2  }
0xa9: {  	[dreg:$0x3] =	wrdreg s4  }
0xaa: {  	[dreg:$0x4] =	wrdreg $0xC0  }
0xab: {  	_ =	task [dreg:s6], $0x5FFFF  }
0xac: {  	[dreg:$0x1] =	wrdreg $0xFFFFFFFF  }
0xad: {  	[dreg:$0x0] =	wrdreg $0x60  }
0xae: {  	[dreg:$0x2] =	wrdreg s24  }
0xaf: {  	[dreg:$0x3] =	wrdreg $0x50400  }
0xb0: {  	[dreg:$0x4] =	wrdreg $0x9  }
0xb1: {  	_ =	task.clear_ibuf [dreg:s6], $0x5FFFF;
	_ =	strace $0x90000049  }
0xb2: {  	s29 =	simm.s32 $0x9;
	_ =	strace $0x8000004B  }
0xb3: {  	_ =	swait.ge [sflag:s29], $0x1  }
0xb4: {  	[sflag:s29] =	ssyncadd.s32 $0xFFFFFFFF  }
0xb5: {  	_ =	strace $0x9000004B  }
0xb6: {  	_ =	sfence  }
0xb7: {  	s30 =	sld [smem:$0x0];
	_ =	sdelay $0x2  }
0xb8: {  	s31 =	sshll.u32 s1, $0xD;
	s1 =	sshrl.u32 s1, $0x2  }
0xb9: {  	s3 =	sand.u32 $0x4000, s31;
	s1 =	sadd.s32 s1, s30  }
0xba: {  	s0 =	sor.u32 s3, s0;
	s1 =	sshll.u32 s1, $0x11  }
0xbb: {  	s0 =	sor.u32 s1, s0  }
0xbc: {  	s0 =	sadd.s32 $0x8F2B, s0  }
0xbd: {  	[sflag:s0] =	ssyncadd.remote.s32 $0x1  }
0xbe: {  	_ =	sfence.sel $0xFFFF  }
0xbf: {  	[dreg:$0x0] =	wrdreg $0xFFFFFFFF;
	(pc) =	sbr.abs _section_cstart, $3  }
0xc0: {  	[dreg:$0x1] =	wrdreg $0xFFFFFFFF  }
0xc1: {  	_ =	task.clear_ibuf [dreg:s6], $0x2FFFF;
	_ =	strace $0x9FFFFFFF  }
0xc2: {  	(tm) =	ssettm $0x7FFFFFFF  }
0xc3: {  	_ =	shalt  }
tec
execute0_lowered:
.L_overlay_start_1:
0x0: {  	(tag) =	ssettag $0x1  }
0x1: {  	s0 =	rddreg [dreg:$0x0];
	s12 =	stileid.u32  }
0x2: {  	s1 =	rddreg [dreg:$0x1];
	s6 =	smul.u32 $0x18800, s12  }
0x3: {  	s2 =	srdreg.scid;
	s3 =	simm.s32 $0x0;
	s11 =	smul.u32 $0x6200, s12  }
0x4: {  	s31 =	simm.s32 $0x100;
	s13 =	simm.s32 $0x1C00;
	s19 =	smul.u32 $0x62000, s12  }
0x5: {  	s29 =	simm.s32 $0x2C00;
	s2 =	sand.u32 $0x1, s2;
	s26 =	smul.u32 $0xC400, s12  }
0x6: {  	[smem:$0x7FF] =	sst s3;
	s8 =	sadd.s32 $0x4B1200, s0;
	s4 =	smul.u32 $0xC4000, s2  }
0x7: {  	s9 =	sadd.s32 $0x639200, s0;
	s3 =	sadd.s32 $0x18A000, s0;
	s5 =	smul.u32 $0x188000, s2  }
0x8: {  	_ =	strace $0x8000004A;
	s7 =	sshll.u32 s2, $0x4;
	s17 =	ssub.s32 $0x2, s2  }
0x9: {  	s2 =	smul.u32 $0x62000, s2;
	s7 =	sor.u32 s12, s7;
	s10 =	sshrl.u32 s17, $0x1  }
0xa: {  	s21 =	sshrl.u32 s19, $0x2;
	s4 =	sadd.s32 s4, s0;
	s16 =	smul.u32 $0x6200, s7  }
0xb: {  	s5 =	sadd.s32 s6, s5;
	s7 =	smul.u32 $0xC400, s7;
	s2 =	sadd.s32 s11, s2  }
0xc: {  	s11 =	sadd.s32 s21, s1;
	s21 =	simm.s32 $0x3;
	s5 =	sshrl.u32 s5, $0x3  }
0xd: {  	s20 =	sadd.s32 $0x200, s2;
	s23 =	sadd.s32 $0xC4200, s2;
	s25 =	sadd.s32 $0x24C000, s2  }
0xe: {  	s2 =	sadd.s32 $0x188000, s2;
	s4 =	sadd.s32 s26, s4;
	s26 =	simm.s32 $0x80  }
0xf: {  	s0 =	sadd.s32 s5, s0;
	s6 =	sshrl.u32 s16, $0x3;
	s5 =	ssub.s32 s17, s10  }
0x10: {  	s18 =	sadd.s32 s8, s7;
	s7 =	sadd.s32 s9, s7;
	[dreg:$0x8] =	wrdreg s20  }
0x11: {  	s22 =	sshll.u32 s20, $0x1;
	s24 =	sshrl.u32 s23, $0x3;
	s28 =	sadd.s32 $0x949200, s4  }
0x12: {  	s2 =	sshrl.u32 s2, $0x3;
	s30 =	sadd.s32 $0x7C1200, s4;
	s20 =	simm.s32 $0x4400  }
0x13: {  	s23 =	simm.s32 $0x2400;
	s6 =	sadd.s32 s3, s6;
	[dreg:$0x4] =	wrdreg s18  }
0x14: {  	[dreg:$0x6] =	wrdreg s7;
	s5 =	smax.u32 s5, $0x1;
	s14 =	sadd.s32 s22, s9  }
0x15: {  	s17 =	sadd.s32 s22, s8;
	s2 =	sadd.s32 s2, s3;
	s19 =	sadd.s32 $0x1EC000, s0  }
0x16: {  	s7 =	simm.s32 $0x2400;
	s0 =	simm.s32 $0xC00;
	[dreg:$0x3] =	wrdreg s6  }
0x17: {  	s8 =	simm.s32 $0x0;
	s9 =	simm.s32 $0x1400;
	[dreg:$0x7] =	wrdreg s5  }
0x18: {  	s22 =	simm.s32 $0x280;
	s6 =	sadd.s32 $0x18800, s6;
	[dreg:$0xc] =	wrdreg s2  }
0x19: {  	s5 =	sadd.s32 s24, s3;
	s2 =	simm.s32 $0x2;
	[dreg:$0x9] =	wrdreg s14  }
0x1a: {  	s24 =	simm.s32 $0x0;
	[dreg:$0xa] =	wrdreg s5;
	s5 =	sshrl.u32 s25, $0x3  }
0x1b: {  	[dreg:$0x5] =	wrdreg s6;
	s6 =	simm.s32 $0x200;
	s5 =	sadd.s32 s5, s3  }
0x1c: {  	v0 =	vimm.f32 $0.0e+00;
	s25 =	simm.s32 $0x1;
	[dreg:$0xb] =	wrdreg s5;
	s5 =	simm.s32 $0x400  }
.LBB2_1:
0x1d: {  	s4 =	simm.s32 $0x0  }
.LBB2_2:
0x1e: {  	p0 =	sne.s32 s4, $0x30C0  }
.Ltmp0:
0x1f: {  	_ = 	snop;
	(pc) =	sbr.rel @p0 .LBB2_2-.Ltmp0, $3  }
0x20: {  	_ =	sdelay $0x1  }
0x21: {  	s10 =	sshra.s32 s4, $0x2  }
0x22: {  	s4 =	sadd.s32 $0x40, s4;
	[tilespmem:s10+$0x4400] =	vst v0  }
0x23: {  	[dreg:$0xd] =	wrdreg s8;
	s4 =	sadd.s32 $0x0, s11  }
0x24: {  	[spmem:s4] =	stream.linear.scatter [tilespmem:s20], [sflag:$0x3], $0xC40, $0x38;
	[tilespmem:$0x1D840] =	vst v63  }
0x25: {  	s4 =	simm.s32 $0x3100;
	_ =	swait.ge [sflag:s21], $0xC40  }
.LBB2_4:
0x26: {  	s10 =	sshra.s32 s4, $0x2;
	[sflag:s21] =	ssyncset.done $0x0;
	p0 =	sne.s32 s4, $0x5EF00  }
.Ltmp1:
0x27: {  	s10 =	sadd.s32 s10, s11;
	[sflag:s21] =	ssyncadd.s32 $0xFFFFF3C0;
	(pc) =	sbr.rel @p0 .LBB2_4-.Ltmp1, $3  }
0x28: {  	[spmem:s10] =	stream.linear.scatter [tilespmem:s20], [sflag:$0x3], $0xC40, $0x38;
	[tilespmem:$0x1D840] =	vst v63  }
0x29: {  	s4 =	sadd.s32 $0x3100, s4;
	_ =	sdelay $0x1  }
0x2a: {  	_ =	swait.ge [sflag:s21], $0xC40  }
0x2b: {  	[sflag:s21] =	ssyncset.done $0x0  }
0x2c: {  	[sflag:s21] =	ssyncadd.s32 $0xFFFFF3C0  }
0x2d: {  	[bflag:$0x0] =	sbarrier.arrive $0xFFFF  }
0x2e: {  	s4 =	rddreg [dreg:$0x3]  }
0x2f: {  	s14 =	rddreg [dreg:$0x4]  }
0x30: {  	s16 =	rddreg [dreg:$0x5]  }
0x31: {  	s15 =	simm.s32 $0x0;
	s18 =	rddreg [dreg:$0x6]  }
0x32: {  	[tilespmem:s15], [sflag:$0x1] =	stream.linear.gather [hbm4b:s4+s15], $0x200, $0x38;
	[tilespmem:$0x1D840] =	vst v63  }
0x33: {  	s10 =	rddreg [dreg:$0xb]  }
0x34: {  	[tilespmem:s5], [sflag:$0x1] =	stream.linear.gather [hbm4b:s14+s15], $0x2000, $0x38;
	[tilespmem:$0x1D840] =	vst v63  }
0x35: {  	s12 =	rddreg [dreg:$0xa]  }
0x36: {  	[tilespmem:s6], [sflag:$0x2] =	stream.linear.gather [hbm4b:s16+s15], $0x200, $0x38;
	[tilespmem:$0x1D840] =	vst v63  }
0x37: {  	s4 =	rddreg [dreg:$0x8]  }
0x38: {  	[tilespmem:s7], [sflag:$0x2] =	stream.linear.gather [hbm4b:s18+s15], $0x2000, $0x38;
	[tilespmem:$0x1D840] =	vst v63  }
0x39: {  	s18 =	rddreg [dreg:$0xc]  }
.LBB2_6:
0x3a: {  	_ =	swait.ge [sflag:s25], $0x200  }
0x3b: {  	[sflag:s25] =	ssyncset.done $0x0  }
0x3c: {  	[sflag:s25] =	ssyncadd.s32 $0xFFFFFE00  }
0x3d: {  	_ =	swait.ge [sflag:s25], $0x2000  }
0x3e: {  	[sflag:s25] =	ssyncset.done $0x0  }
0x3f: {  	s16 =	simm.s32 $0x400;
	[sflag:s25] =	ssyncadd.s32 $0xFFFFE000  }
0x40: {  	[spmem:s1] =	stream.indirect.scatter.add.f32 [tilespmem:s16], [sflag:$0x3], $0x10, s24, s26, $0xb8;
	[tilespmem:$0x1D840] =	vst v63  }
0x41: {  	_ =	swait.ge [sflag:s21], $0x800  }
0x42: {  	[sflag:s21] =	ssyncset.done $0x0  }
0x43: {  	[sflag:s21] =	ssyncadd.s32 $0xFFFFF800  }
0x44: {  	[spmem:s1] =	stream.indirect.scatter.add.f32 [tilespmem:s0], [sflag:$0x3], $0x10, s26, s26, $0xb8;
	[tilespmem:$0x1D840] =	vst v63  }
0x45: {  	_ =	swait.ge [sflag:s21], $0x800  }
0x46: {  	[sflag:s21] =	ssyncset.done $0x0  }
0x47: {  	[sflag:s21] =	ssyncadd.s32 $0xFFFFF800  }
0x48: {  	[spmem:s1] =	stream.indirect.scatter.add.f32 [tilespmem:s9], [sflag:$0x3], $0x10, s31, s26, $0xb8;
	[tilespmem:$0x1D840] =	vst v63  }
0x49: {  	_ =	swait.ge [sflag:s21], $0x800  }
0x4a: {  	[sflag:s21] =	ssyncset.done $0x0  }
0x4b: {  	s5 =	simm.s32 $0x180;
	[sflag:s21] =	ssyncadd.s32 $0xFFFFF800  }
0x4c: {  	[spmem:s1] =	stream.indirect.scatter.add.f32 [tilespmem:s13], [sflag:$0x3], $0x10, s5, s26, $0xb8;
	[tilespmem:$0x1D840] =	vst v63  }
0x4d: {  	_ =	swait.ge [sflag:s21], $0x800  }
0x4e: {  	[sflag:s21] =	ssyncset.done $0x0  }
0x4f: {  	[sflag:s21] =	ssyncadd.s32 $0xFFFFF800  }
0x50: {  	[tilespmem:s24], [sflag:$0x1] =	stream.linear.gather [hbm4b:s18+s24], $0x200, $0x38;
	[tilespmem:$0x1D840] =	vst v63  }
0x51: {  	s14 =	sadd.s32 s15, s30  }
0x52: {  	[tilespmem:s16], [sflag:$0x1] =	stream.linear.gather [hbm4b:s14+s24], $0x2000, $0x38;
	[tilespmem:$0x1D840] =	vst v63  }
0x53: {  	_ =	swait.ge [sflag:s2], $0x200  }
0x54: {  	[sflag:s2] =	ssyncset.done $0x0  }
0x55: {  	[sflag:s2] =	ssyncadd.s32 $0xFFFFFE00  }
0x56: {  	_ =	swait.ge [sflag:s2], $0x2000  }
0x57: {  	[sflag:s2] =	ssyncset.done $0x0  }
0x58: {  	s6 =	simm.s32 $0x200;
	[sflag:s2] =	ssyncadd.s32 $0xFFFFE000  }
0x59: {  	[spmem:s1] =	stream.indirect.scatter.add.f32 [tilespmem:s23], [sflag:$0x3], $0x10, s6, s26, $0xb8;
	[tilespmem:$0x1D840] =	vst v63  }
0x5a: {  	_ =	swait.ge [sflag:s21], $0x800  }
0x5b: {  	[sflag:s21] =	ssyncset.done $0x0  }
0x5c: {  	[sflag:s21] =	ssyncadd.s32 $0xFFFFF800  }
0x5d: {  	[spmem:s1] =	stream.indirect.scatter.add.f32 [tilespmem:s29], [sflag:$0x3], $0x10, s22, s26, $0xb8;
	[tilespmem:$0x1D840] =	vst v63  }
0x5e: {  	_ =	swait.ge [sflag:s21], $0x800  }
0x5f: {  	[sflag:s21] =	ssyncset.done $0x0  }
0x60: {  	s7 =	simm.s32 $0x300;
	s8 =	simm.s32 $0x3400;
	[sflag:s21] =	ssyncadd.s32 $0xFFFFF800  }
0x61: {  	[spmem:s1] =	stream.indirect.scatter.add.f32 [tilespmem:s8], [sflag:$0x3], $0x10, s7, s26, $0xb8;
	[tilespmem:$0x1D840] =	vst v63  }
0x62: {  	_ =	swait.ge [sflag:s21], $0x800  }
0x63: {  	[sflag:s21] =	ssyncset.done $0x0  }
0x64: {  	s14 =	simm.s32 $0x380;
	s7 =	simm.s32 $0x3C00;
	[sflag:s21] =	ssyncadd.s32 $0xFFFFF800  }
0x65: {  	[spmem:s1] =	stream.indirect.scatter.add.f32 [tilespmem:s7], [sflag:$0x3], $0x10, s14, s26, $0xb8;
	[tilespmem:$0x1D840] =	vst v63  }
0x66: {  	_ =	swait.ge [sflag:s21], $0x800  }
0x67: {  	[sflag:s21] =	ssyncset.done $0x0  }
0x68: {  	[sflag:s21] =	ssyncadd.s32 $0xFFFFF800  }
0x69: {  	[tilespmem:s6], [sflag:$0x2] =	stream.linear.gather [hbm4b:s10+s24], $0x200, $0x38;
	[tilespmem:$0x1D840] =	vst v63  }
0x6a: {  	s14 =	sadd.s32 s15, s28  }
0x6b: {  	[tilespmem:s23], [sflag:$0x2] =	stream.linear.gather [hbm4b:s14+s24], $0x2000, $0x38;
	[tilespmem:$0x1D840] =	vst v63  }
0x6c: {  	_ =	swait.ge [sflag:s25], $0x200  }
0x6d: {  	[sflag:s25] =	ssyncset.done $0x0  }
0x6e: {  	[sflag:s25] =	ssyncadd.s32 $0xFFFFFE00  }
0x6f: {  	_ =	swait.ge [sflag:s25], $0x2000  }
0x70: {  	[sflag:s25] =	ssyncset.done $0x0  }
0x71: {  	[sflag:s25] =	ssyncadd.s32 $0xFFFFE000  }
0x72: {  	[spmem:s1] =	stream.indirect.scatter.add.f32 [tilespmem:s16], [sflag:$0x3], $0x10, s24, s26, $0xb8;
	[tilespmem:$0x1D840] =	vst v63  }
0x73: {  	_ =	swait.ge [sflag:s21], $0x800  }
0x74: {  	[sflag:s21] =	ssyncset.done $0x0  }
0x75: {  	[sflag:s21] =	ssyncadd.s32 $0xFFFFF800  }
0x76: {  	[spmem:s1] =	stream.indirect.scatter.add.f32 [tilespmem:s0], [sflag:$0x3], $0x10, s26, s26, $0xb8;
	[tilespmem:$0x1D840] =	vst v63  }
0x77: {  	_ =	swait.ge [sflag:s21], $0x800  }
0x78: {  	[sflag:s21] =	ssyncset.done $0x0  }
0x79: {  	[sflag:s21] =	ssyncadd.s32 $0xFFFFF800  }
0x7a: {  	[spmem:s1] =	stream.indirect.scatter.add.f32 [tilespmem:s9], [sflag:$0x3], $0x10, s31, s26, $0xb8;
	[tilespmem:$0x1D840] =	vst v63  }
0x7b: {  	_ =	swait.ge [sflag:s21], $0x800  }
0x7c: {  	[sflag:s21] =	ssyncset.done $0x0  }
0x7d: {  	p0 =	seq.s32 s15, $0xC000;
	[sflag:s21] =	ssyncadd.s32 $0xFFFFF800  }
0x7e: {  	[spmem:s1] =	stream.indirect.scatter.add.f32 [tilespmem:s13], [sflag:$0x3], $0x10, s5, s26, $0xb8;
	[tilespmem:$0x1D840] =	vst v63  }
0x7f: {  	s14 =	sshrl.u32 @!p0 s4, $0x3;
	_ =	swait.ge [sflag:s21], $0x800  }
0x80: {  	s14 =	sadd.s32 @!p0 s3, s14;
	[sflag:s21] =	ssyncset.done $0x0  }
0x81: {  	s16 =	simm.s32 @!p0 $0x0;
	s0 =	smov.u32 s30;
	[sflag:s21] =	ssyncadd.s32 $0xFFFFF800  }
0x82: {  	[tilespmem:s16], [sflag:$0x1] =	stream.linear.gather @!p0 [hbm4b:s14+s16], $0x200, $0x38;
	[tilespmem:$0x1D840] =	vst v63  }
0x83: {  	s30 =	smov.u32 s17;
	s14 =	sadd.s32 @!p0 s15, s17;
	s17 =	simm.s32 @!p0 $0x400  }
0x84: {  	[tilespmem:s17], [sflag:$0x1] =	stream.linear.gather @!p0 [hbm4b:s14+s16], $0x2000, $0x38;
	[tilespmem:$0x1D840] =	vst v63  }
0x85: {  	_ =	swait.ge [sflag:s2], $0x200  }
0x86: {  	[sflag:s2] =	ssyncset.done $0x0  }
0x87: {  	[sflag:s2] =	ssyncadd.s32 $0xFFFFFE00  }
0x88: {  	_ =	swait.ge [sflag:s2], $0x2000  }
0x89: {  	[sflag:s2] =	ssyncset.done $0x0  }
0x8a: {  	[sflag:s2] =	ssyncadd.s32 $0xFFFFE000  }
0x8b: {  	[spmem:s1] =	stream.indirect.scatter.add.f32 [tilespmem:s23], [sflag:$0x3], $0x10, s6, s26, $0xb8;
	[tilespmem:$0x1D840] =	vst v63  }
0x8c: {  	_ =	swait.ge [sflag:s21], $0x800  }
0x8d: {  	[sflag:s21] =	ssyncset.done $0x0  }
0x8e: {  	[sflag:s21] =	ssyncadd.s32 $0xFFFFF800  }
0x8f: {  	[spmem:s1] =	stream.indirect.scatter.add.f32 [tilespmem:s29], [sflag:$0x3], $0x10, s22, s26, $0xb8;
	[tilespmem:$0x1D840] =	vst v63  }
0x90: {  	_ =	swait.ge [sflag:s21], $0x800  }
0x91: {  	[sflag:s21] =	ssyncset.done $0x0  }
0x92: {  	s14 =	simm.s32 $0x300;
	[sflag:s21] =	ssyncadd.s32 $0xFFFFF800  }
0x93: {  	[spmem:s1] =	stream.indirect.scatter.add.f32 [tilespmem:s8], [sflag:$0x3], $0x10, s14, s26, $0xb8;
	[tilespmem:$0x1D840] =	vst v63  }
0x94: {  	_ =	swait.ge [sflag:s21], $0x800  }
0x95: {  	[sflag:s21] =	ssyncset.done $0x0  }
0x96: {  	s17 =	simm.s32 $0x380;
	[sflag:s21] =	ssyncadd.s32 $0xFFFFF800  }
0x97: {  	[spmem:s1] =	stream.indirect.scatter.add.f32 [tilespmem:s7], [sflag:$0x3], $0x10, s17, s26, $0xb8;
	[tilespmem:$0x1D840] =	vst v63  }
0x98: {  	_ =	swait.ge [sflag:s21], $0x800  }
0x99: {  	[sflag:s21] =	ssyncset.done $0x0  }
0x9a: {  	s14 =	simm.s32 @!p0 $0x200;
	s5 =	rddreg [dreg:$0x9];
	[sflag:s21] =	ssyncadd.s32 $0xFFFFF800  }
0x9b: {  	[tilespmem:s14], [sflag:$0x2] =	stream.linear.gather @!p0 [hbm4b:s12+s16], $0x200, $0x38;
	[tilespmem:$0x1D840] =	vst v63  }
0x9c: {  	s14 =	sadd.s32 @!p0 s15, s5;
	s15 =	sadd.s32 @!p0 $0x400, s15  }
0x9d: {  	p1 =	sne.s32 @!p0 s15, $0xC400  }
0x9e: {  	s18 =	sadd.s32 @!p0 $0x40, s18;
	s10 =	sadd.s32 @!p0 $0x40, s10;
	p1 =	por p0, !p1  }
.Ltmp2:
0x9f: {  	s31 =	smov.u32 s28;
	s28 =	smov.u32 s3;
	(pc) =	sbr.rel @!p1 .LBB2_6-.Ltmp2, $4  }
0xa0: {  	s4 =	sadd.s32 @!p0 $0x200, s4;
	s3 =	smov.u32 s28;
	s28 =	smov.u32 s31  }
0xa1: {  	s31 =	simm.s32 $0x100;
	s17 =	simm.s32 @!p0 $0x2400;
	s12 =	sadd.s32 @!p0 $0x40, s12  }
0xa2: {  	[tilespmem:s17], [sflag:$0x2] =	stream.linear.gather @!p0 [hbm4b:s14+s16], $0x2000, $0x38;
	[tilespmem:$0x1D840] =	vst v63  }
0xa3: {  	s17 =	smov.u32 s30;
	s30 =	smov.u32 s0;
	s0 =	simm.s32 $0xC00  }
0xa4: {  	s4 =	stileid.u32  }
0xa5: {  	[bflag:$0x0] =	sbarrier.arrive $0xFFFF;
	s4 =	sshll.u32 s4, $0x6  }
0xa6: {  	s10 =	sadd.s32 $0x0, s19;
	s12 =	sshrl.u32 s11, $0x3;
	s4 =	sor.u32 $0x1C03, s4  }
0xa7: {  	[hbm:s10], [sflag:s4] =	dma.local [spmem:s12], $0x188  }
0xa8: {  	s10 =	simm.s32 $0x188;
	s12 =	sadd.s32 $0xC40, s11;
	_ =	swait.ge [sflag:s21], $0x188  }
.LBB2_8:
0xa9: {  	s14 =	sadd.s32 s10, s19;
	[sflag:s21] =	ssyncset.done $0x0;
	p0 =	sne.s32 s10, $0x2F78  }
.Ltmp3:
0xaa: {  	s15 =	sshrl.u32 s12, $0x3;
	[sflag:s21] =	ssyncadd.s32 $0xFFFFFE78;
	(pc) =	sbr.rel @p0 .LBB2_8-.Ltmp3, $3  }
0xab: {  	[hbm:s14], [sflag:s4] =	dma.local [spmem:s15], $0x188  }
0xac: {  	s10 =	sadd.s32 $0x188, s10;
	_ =	sdelay $0x1  }
0xad: {  	s12 =	sadd.s32 $0xC40, s12;
	_ =	swait.ge [sflag:s21], $0x188  }
0xae: {  	s8 =	rddreg [dreg:$0xd]  }
0xaf: {  	s4 =	rddreg [dreg:$0x7];
	s8 =	sadd.s32 $0x1, s8  }
0xb0: {  	p0 =	sne.s32 s8, s4  }
.Ltmp4:
0xb1: {  	_ = 	snop;
	(pc) =	sbr.rel @p0 .LBB2_1-.Ltmp4, $3  }
0xb2: {  	_ =	sdelay $0x1  }
0xb3: {  	[sflag:s21] =	ssyncset.done $0x0;
	s5 =	simm.s32 $0x400  }
0xb4: {  	s6 =	simm.s32 $0x200;
	s7 =	simm.s32 $0x2400;
	[sflag:s21] =	ssyncadd.s32 $0xFFFFFE78  }
0xb5: {  	_ =	sfence.sel $0x180000  }
0xb6: {  	[bflag:$0x0] =	sbarrier.arrive $0xFFFF  }
0xb7: {  	_ =	strace $0x9000004A  }
0xb8: {  	s0 =	stileid.u32;
	[bflag:$0x2] =	sbarrier.arrive $0xFFFF  }
0xb9: {  	p0 =	sne.s32 s0, $0x0;
	s0 =	rddreg [dreg:$0x2]  }
0xba: {  	s0 =	sadd.s32 @!p0 $0x100000, s0  }
0xbb: {  	[sflag:s0] =	ssyncadd.tile.s32 @!p0 $0x1;
	_ =	shalt  }
.Lfunc_end2:
_tile_overlayer_lowered:
.L_overlay_start_2:
0xbc: {  	(tag) =	ssettag $0x2  }
0xbd: {  	s0 =	rddreg [dreg:$0x0];
	s2 =	stileid.u32  }
0xbe: {  	s1 =	rddreg [dreg:$0x1];
	p0 =	sne.s32 s2, $0x0  }
0xbf: {  	s3 =	rddreg [dreg:$0x2];
	[bflag:$0x3] =	sbarrier.arrive $0xFFFF;
	s2 =	simm.s32 @!p0 $0x1C03  }
0xc0: {  	[timem:s3], [sflag:s2] =	dma.local @!p0 [hbm:s0], s1  }
0xc1: {  	s0 =	simm.s32 @!p0 $0x3  }
0xc2: {  	_ =	swait.ge @!p0 [sflag:s0], s1  }
0xc3: {  	s1 =	ssub.s32 @!p0 $0x0, s1;
	[sflag:s0] =	ssyncset.done @!p0 $0x0  }
0xc4: {  	[sflag:s0] =	ssyncadd.s32 @!p0 s1  }
0xc5: {  	[bflag:$0x3] =	sbarrier.arrive $0xFFFF  }
0xc6: {  	_ =	shalt  }

// kernel: kernel.15.cloned.1.call-start
scs
__scs_entry_jumppad:
0x0: {  	(pc) =	sbr.rel $0x88, $3  }
0x1: {  	(tag) =	ssettag $0x0;
	lr =	simm.s32 $0x1  }
0x2: {  	[smem:$0x3F8E] =	sst lr;
	_ =	strace $0xD0000000  }
0x3: {  	_ = 	snop  }
0x4: {  	_ = 	snop  }
0x5: {  	_ = 	snop  }
0x6: {  	_ = 	snop  }
0x7: {  	_ = 	snop  }
__scs_overlays_trampoline_lowered:
0x8: {  	[smem:$0x3F9D] =	sst s0  }
0x9: {  	[smem:$0x3F9E] =	sst s1  }
0xa: {  	[smem:$0x3F9F] =	sst s2  }
0xb: {  	[smem:$0x3FA0] =	sst s3  }
0xc: {  	[smem:$0x3FA1] =	sst s4  }
0xd: {  	[smem:$0x3FA2] =	sst s5  }
0xe: {  	[smem:$0x3FA3] =	sst s6  }
0xf: {  	[smem:$0x3FA4] =	sst s7  }
0x10: {  	[smem:$0x3FA5] =	sst s8  }
0x11: {  	[smem:$0x3FA6] =	sst s9;
	s0 =	simm.s32 @!p0 $0x0  }
0x12: {  	s1 =	sld [smem:$0x3F8C];
	s0 =	simm.s32 @p0 $0x1  }
0x13: {  	[smem:$0x3FA7] =	sst s0;
	s0 =	simm.s32 @!p1 $0x0  }
0x14: {  	s2 =	sld [smem:$0x3F8B];
	s0 =	simm.s32 @p1 $0x1  }
0x15: {  	[smem:$0x3FA8] =	sst s0;
	s0 =	simm.s32 @!p2 $0x0  }
0x16: {  	s3 =	sld [smem:$0x3FDB];
	s0 =	simm.s32 @p2 $0x1  }
0x17: {  	s4 =	simm.s32 $0x1BF5;
	[smem:$0x3FAA] =	sst s0  }
0x18: {  	s0 =	sld [smem:$0x3F8D];
	_ =	swait.ge [sflag:s4], $0x0  }
0x19: {  	s7 =	sld [smem:$0x3F8E]  }
0x1a: {  	s8 =	sadd.s32 $0xFFFFE003, lr  }
0x1b: {  	s9 =	sadd.s32 $0xFFFFFEF7, lr;
	s5 =	simm.s32 $0xFFFFFFFF;
	p2 =	slt.u32 s8, $0xFFFFF086  }
0x1c: {  	p1 =	slt.u32 s9, $0xF7A;
	s5 =	simm.s32 @!p2 $0x0  }
0x1d: {  	s5 =	simm.s32 @p1 $0x1;
	p0 =	seq.s32 s7, s2  }
0x1e: {  	s7 =	smul.u32 @!p0 $0xF7A, s2;
	p2 =	seq.s32 @!p0 s5, $0x0  }
0x1f: {  	s9 =	smul.u32 $0xF7A, s1;
	s8 =	simm.s32 @!p0 $0x1BF5;
	p2 =	por !p2, p0  }
0x20: {  	[sflag:s8] =	ssyncset.s32 @!p0 $0xFFFFF086;
	s6 =	sadd.s32 @!p0 s3, s7;
	s7 =	simm.s32 @!p0 $0x108  }
0x21: {  	s3 =	sadd.s32 s3, s9;
	s6 =	sadd.s32 @!p0 $0x88, s6;
	s7 =	simm.s32 @p2 $0x1082  }
0x22: {  	[simem:s7], [sflag:s8] =	dma.local @!p0 [hbm:s6], $0xF7A  }
0x23: {  	s9 =	sor.u32 $0xD0000000, s2;
	s6 =	simm.s32 $0x108;
	_ =	swait.ge @!p0 [sflag:s8], $0x0  }
0x24: {  	s3 =	sadd.s32 $0x88, s3;
	s6 =	simm.s32 @!p1 $0x1082;
	[sflag:s4] =	ssyncset.s32 $0xFFFFF086  }
0x25: {  	[simem:s6], [sflag:s4] =	dma.local [hbm:s3], $0xF7A  }
0x26: {  	[smem:$0x3F8E] =	sst s1;
	(tag) =	ssettag s2;
	_ =	strace s9  }
0x27: {  	s1 =	sld [smem:$0x3F9E]  }
0x28: {  	s2 =	sld [smem:$0x3F9F]  }
0x29: {  	s4 =	sld [smem:$0x3FA1]  }
0x2a: {  	p0 =	seq.s32 s5, $0x0;
	s5 =	sld [smem:$0x3FA2]  }
0x2b: {  	s6 =	sld [smem:$0x3FA3]  }
0x2c: {  	s7 =	sld [smem:$0x3FA4]  }
0x2d: {  	s3 =	simm.s32 $0x108;
	s8 =	sld [smem:$0x3FA5]  }
0x2e: {  	s3 =	simm.s32 @!p0 $0x1082;
	s9 =	sld [smem:$0x3FA6]  }
0x2f: {  	lr =	sadd.s32 s0, s3;
	s0 =	sld [smem:$0x3F9D]  }
0x30: {  	s3 =	sld [smem:$0x3FA0]  }
0x31: {  	[smem:$0x3FA9] =	sst s10  }
0x32: {  	s10 =	sld [smem:$0x3FA7];
	_ =	sdelay $0x3  }
0x33: {  	p0 =	seq.s32 s10, $0x1;
	s10 =	sld [smem:$0x3FA9];
	_ =	sdelay $0x3  }
0x34: {  	[smem:$0x3FA9] =	sst s10  }
0x35: {  	s10 =	sld [smem:$0x3FA8];
	_ =	sdelay $0x3  }
0x36: {  	p1 =	seq.s32 s10, $0x1;
	s10 =	sld [smem:$0x3FA9];
	_ =	sdelay $0x3  }
0x37: {  	[smem:$0x3FA9] =	sst s10  }
0x38: {  	s10 =	sld [smem:$0x3FAA]  }
0x39: {  	_ = 	snop;
	(pc) =	sbr.ind lr, $3  }
0x3a: {  	_ = 	snop  }
0x3b: {  	_ = 	snop  }
0x3c: {  	p2 =	seq.s32 s10, $0x1;
	s10 =	sld [smem:$0x3FA9]  }
0x3d: {  	_ =	shalt  }
0x3e: {  	_ =	shalt  }
0x3f: {  	_ =	shalt  }
0x40: {  	_ =	shalt  }
0x41: {  	_ =	shalt  }
0x42: {  	_ =	shalt  }
0x43: {  	_ =	shalt  }
0x44: {  	_ =	shalt  }
0x45: {  	_ =	shalt  }
0x46: {  	_ =	shalt  }
0x47: {  	_ =	shalt  }
0x48: {  	_ =	shalt  }
0x49: {  	_ =	shalt  }
0x4a: {  	_ =	shalt  }
0x4b: {  	_ =	shalt  }
0x4c: {  	_ =	shalt  }
0x4d: {  	_ =	shalt  }
0x4e: {  	_ =	shalt  }
0x4f: {  	_ =	shalt  }
0x50: {  	_ =	shalt  }
0x51: {  	_ =	shalt  }
0x52: {  	_ =	shalt  }
0x53: {  	_ =	shalt  }
0x54: {  	_ =	shalt  }
0x55: {  	_ =	shalt  }
0x56: {  	_ =	shalt  }
0x57: {  	_ =	shalt  }
0x58: {  	_ =	shalt  }
0x59: {  	_ =	shalt  }
0x5a: {  	_ =	shalt  }
0x5b: {  	_ =	shalt  }
0x5c: {  	_ =	shalt  }
0x5d: {  	_ =	shalt  }
0x5e: {  	_ =	shalt  }
0x5f: {  	_ =	shalt  }
0x60: {  	_ =	shalt  }
0x61: {  	_ =	shalt  }
0x62: {  	_ =	shalt  }
0x63: {  	_ =	shalt  }
0x64: {  	_ =	shalt  }
0x65: {  	_ =	shalt  }
0x66: {  	_ =	shalt  }
0x67: {  	_ =	shalt  }
0x68: {  	_ =	shalt  }
0x69: {  	_ =	shalt  }
0x6a: {  	_ =	shalt  }
0x6b: {  	_ =	shalt  }
0x6c: {  	_ =	shalt  }
0x6d: {  	_ =	shalt  }
0x6e: {  	_ =	shalt  }
0x6f: {  	_ =	shalt  }
0x70: {  	_ =	shalt  }
0x71: {  	_ =	shalt  }
0x72: {  	_ =	shalt  }
0x73: {  	_ =	shalt  }
0x74: {  	_ =	shalt  }
0x75: {  	_ =	shalt  }
0x76: {  	_ =	shalt  }
0x77: {  	_ =	shalt  }
0x78: {  	_ =	shalt  }
0x79: {  	_ =	shalt  }
0x7a: {  	_ =	shalt  }
0x7b: {  	_ =	shalt  }
0x7c: {  	_ =	shalt  }
0x7d: {  	_ =	shalt  }
0x7e: {  	_ =	shalt  }
0x7f: {  	_ =	shalt  }
0x80: {  	_ =	shalt  }
0x81: {  	_ =	shalt  }
0x82: {  	_ =	shalt  }
0x83: {  	_ =	shalt  }
0x84: {  	_ =	shalt  }
0x85: {  	_ =	shalt  }
0x86: {  	_ =	shalt  }
0x87: {  	_ =	shalt  }
.Lfunc_end0:
.L_simem_size_0:
called_computation.2_lowered:
.L_overlay_start_0:
0x88: {  	s2 =	sld [smem:$0x3FD9]  }
0x89: {  	s3 =	sld [smem:$0x3FFE];
	_ =	sdelay $0x1  }
0x8a: {  	s1 =	srdreg.scid  }
0x8b: {  	s0 =	sand.u32 $0x1, s1  }
0x8c: {  	s16 =	sshll.u32 s0, $0xA;
	s2 =	sadd.s32 s3, s2  }
0x8d: {  	s2 =	sadd.s32 s2, s16  }
0x8e: {  	[smem:$0x3FB5] =	sst s2  }
0x8f: {  	_ = 	snop  }
0x90: {  	(tm) =	ssettm $0x1  }
0x91: {  	s17 =	sld [smem:$0x3FFB];
	_ =	sdelay $0x3  }
0x92: {  	_ =	strace s17  }
0x93: {  	s2 =	sld [smem:$0x3FFC];
	_ =	sdelay $0x3  }
0x94: {  	_ =	strace s2  }
0x95: {  	s2 =	sld [smem:$0x3FFD];
	_ =	sdelay $0x3  }
0x96: {  	_ =	strace s2  }
0x97: {  	_ =	strace $0x8FFFFFFF  }
0x98: {  	s18 =	sld [smem:$0x3FDB];
	_ =	sdelay $0x1  }
0x99: {  	s19 =	simm.s32 $_scs_section_size  }
0x9a: {  	s4 =	simm.s32 $_size__tile_overlayer_lowered;
	s5 =	simm.s32 $_tile_overlayer_lowered  }
0x9b: {  	s22 =	simm.s32 $0x1BFF;
	s21 =	sshll.u32 s5, $0x1;
	s2 =	sadd.s32 s19, s18  }
0x9c: {  	s6 =	simm.s32 $0x0;
	s20 =	sshll.u32 s4, $0x1;
	s4 =	sadd.s32 s21, s2  }
0x9d: {  	[timem:s6], [sflag:s22] =	dma.local [hbm:s4], s20  }
0x9e: {  	_ =	swait.ge [sflag:s22], s20  }
0x9f: {  	s3 =	ssub.s32 $0x0, s20;
	[sflag:s22] =	ssyncset.done $0x0  }
0xa0: {  	[sflag:s22] =	ssyncadd.s32 s3;
	_ =	sdelay $0x1  }
0xa1: {  	s23 =	simm.s32 $0x1B8B  }
0xa2: {  	_ =	swait.ge [sflag:s23], $0x1  }
0xa3: {  	[sflag:s23] =	ssyncset.done $0x0  }
0xa4: {  	s25 =	simm.s32 $0x1B8E;
	s24 =	sld [smem:$0x3FFE];
	[sflag:s23] =	ssyncadd.s32 $0xFFFFFFFF  }
0xa5: {  	s26 =	simm.s32 $execute0_lowered;
	[smem:$0x3FD2] =	sst s25  }
0xa6: {  	s4 =	sshll.u32 s26, $0x1;
	_ =	strace $0x8000004C;
	[dreg:$0x1] =	wrdreg $0xFFFFFFFF  }
0xa7: {  	s28 =	simm.s32 $_size_execute0_lowered;
	s2 =	sadd.s32 s2, s4;
	[dreg:$0x0] =	wrdreg $0x0  }
0xa8: {  	s4 =	sshll.u32 s28, $0x1;
	[dreg:$0x2] =	wrdreg s2  }
0xa9: {  	[dreg:$0x3] =	wrdreg s4  }
0xaa: {  	[dreg:$0x4] =	wrdreg $0xC0  }
0xab: {  	_ =	task [dreg:s6], $0x5FFFF  }
0xac: {  	[dreg:$0x1] =	wrdreg $0xFFFFFFFF  }
0xad: {  	[dreg:$0x0] =	wrdreg $0x60  }
0xae: {  	[dreg:$0x2] =	wrdreg s24  }
0xaf: {  	[dreg:$0x3] =	wrdreg $0xC900  }
0xb0: {  	[dreg:$0x4] =	wrdreg $0x9  }
0xb1: {  	_ =	task.clear_ibuf [dreg:s6], $0x5FFFF;
	_ =	strace $0x9000004C  }
0xb2: {  	s29 =	simm.s32 $0x9;
	_ =	strace $0x8000004E  }
0xb3: {  	_ =	swait.ge [sflag:s29], $0x1  }
0xb4: {  	[sflag:s29] =	ssyncadd.s32 $0xFFFFFFFF  }
0xb5: {  	_ =	strace $0x9000004E  }
0xb6: {  	_ =	sfence  }
0xb7: {  	s30 =	sld [smem:$0x0];
	_ =	sdelay $0x2  }
0xb8: {  	s31 =	sshll.u32 s1, $0xD;
	s1 =	sshrl.u32 s1, $0x2  }
0xb9: {  	s3 =	sand.u32 $0x4000, s31;
	s1 =	sadd.s32 s1, s30  }
0xba: {  	s0 =	sor.u32 s3, s0;
	s1 =	sshll.u32 s1, $0x11  }
0xbb: {  	s0 =	sor.u32 s1, s0  }
0xbc: {  	s0 =	sadd.s32 $0x8F2B, s0  }
0xbd: {  	[sflag:s0] =	ssyncadd.remote.s32 $0x1  }
0xbe: {  	_ =	sfence.sel $0xFFFF  }
0xbf: {  	[dreg:$0x0] =	wrdreg $0xFFFFFFFF;
	(pc) =	sbr.abs _section_cstart, $3  }
0xc0: {  	[dreg:$0x1] =	wrdreg $0xFFFFFFFF  }
0xc1: {  	_ =	task.clear_ibuf [dreg:s6], $0x2FFFF;
	_ =	strace $0x9FFFFFFF  }
0xc2: {  	(tm) =	ssettm $0x7FFFFFFF  }
0xc3: {  	_ =	shalt  }
tec
execute0_lowered:
.L_overlay_start_1:
0x0: {  	(tag) =	ssettag $0x1  }
0x1: {  	s6 =	rddreg [dreg:$0x0]  }
0x2: {  	s2 =	rddreg [dreg:$0x1]  }
0x3: {  	s0 =	rddreg [dreg:$0x2]  }
0x4: {  	s4 =	srdreg.scid;
	s1 =	stileid.u32;
	s3 =	simm.s32 $0x0  }
0x5: {  	s17 =	simm.s32 $0x0;
	s10 =	sand.u32 $0x1, s4;
	s7 =	smul.u32 $0x410, s1  }
0x6: {  	[smem:$0x7FF] =	sst s3;
	s4 =	sadd.s32 $0x18B600, s6;
	s5 =	sadd.s32 $0x3D6000, s6  }
0x7: {  	s31 =	sshll.u32 s1, $0x7;
	s14 =	sshll.u32 s1, $0x8;
	s15 =	sshll.u32 s1, $0x6  }
0x8: {  	s8 =	smul.u32 $0x4100, s10;
	_ =	strace $0x8000004D;
	s9 =	ssub.s32 $0x2, s10  }
0x9: {  	s12 =	sshll.u32 s10, $0x4;
	s30 =	sshll.u32 s10, $0xB;
	s13 =	sshll.u32 s10, $0xC  }
0xa: {  	s15 =	sor.u32 $0x1C01, s15;
	s11 =	sshrl.u32 s9, $0x1;
	s8 =	sadd.s32 s7, s8  }
0xb: {  	s29 =	sor.u32 s12, s1;
	s10 =	sor.u32 s31, s30;
	s8 =	sshrl.u32 s8, $0x3  }
0xc: {  	s12 =	simm.s32 $0x880;
	s9 =	ssub.s32 s9, s11;
	s8 =	sadd.s32 s8, s6  }
0xd: {  	s11 =	ssub.s32 $0x32F, s29;
	s6 =	sadd.s32 s7, s2;
	s7 =	sadd.s32 $0x3600, s8  }
0xe: {  	s8 =	smax.u32 s9, $0x1;
	s9 =	sshrl.u32 s11, $0x5;
	s11 =	sor.u32 s14, s13  }
0xf: {  	v0 =	vimm.f32 $0.0e+00;
	s13 =	simm.s32 $0x1;
	s14 =	simm.s32 $0x80;
	s16 =	sshrl.u32 s6, $0x3  }
.LBB2_1:
0x10: {  	s18 =	simm.s32 $0x40;
	s19 =	simm.s32 $0x0  }
.LBB2_2:
0x11: {  	p0 =	sne.s32 s18, $0x1000;
	[tilespmem:s19+$0x880] =	vst v0;
	s19 =	smov.u32 s18;
	s18 =	sadd.s32 $0x40, s18  }
.Ltmp0:
0x12: {  	(pc) =	sbr.rel @p0 .LBB2_2-.Ltmp0, $2  }
0x13: {  	_ =	sdelay $0x2  }
0x14: {  	s19 =	sshra.s32 s19, $0x2  }
0x15: {  	[tilespmem:s19+$0x880] =	vst v0;
	p1 =	sne.s32 s9, $0x1  }
0x16: {  	[spmem:s6] =	stream.linear.scatter [tilespmem:s12], [sflag:$0x1], $0x410, $0x38;
	[tilespmem:$0x10A0] =	vst v63  }
.Ltmp1:
0x17: {  	_ =	swait.ge [sflag:s13], $0x410;
	(pc) =	sbr.rel @!p1 .LBB2_4-.Ltmp1, $4  }
0x18: {  	[sflag:s13] =	ssyncset.done $0x0  }
0x19: {  	[sflag:s13] =	ssyncadd.s32 $0xFFFFFBF0  }
0x1a: {  	[bflag:$0x0] =	sbarrier.arrive $0xFFFF  }
0x1b: {  	s18 =	sadd.s32 $0xFFFFFFFF, s9;
	s21 =	sshrl.u32 s10, $0x3;
	p0 =	por $0x0, $0x0  }
0x1c: {  	s19 =	sadd.s32 s5, s21  }
0x1d: {  	[tilespmem:s3], [sflag:$0x1] =	stream.linear.gather [hbm4b:s19+s3], $0x80, $0x38;
	[tilespmem:$0x10A0] =	vst v63  }
0x1e: {  	_ =	swait.ge [sflag:s13], $0x80  }
0x1f: {  	s31 =	sand.u32 $0x1FFFFF00, s11;
	[sflag:s13] =	ssyncset.done $0x0  }
0x20: {  	s19 =	sadd.s32 s4, s31;
	[sflag:s13] =	ssyncadd.s32 $0xFFFFFF80  }
0x21: {  	[tilespmem:s14], [sflag:$0x1] =	stream.linear.gather [hbm4b:s19+s3], $0x800, $0x38;
	[tilespmem:$0x10A0] =	vst v63  }
0x22: {  	p1 =	sne.s32 s18, $0x1;
	_ =	swait.ge [sflag:s13], $0x800  }
.Ltmp2:
0x23: {  	[sflag:s13] =	ssyncset.done $0x0;
	(pc) =	sbr.rel @!p1 .LBB2_6-.Ltmp2, $4  }
0x24: {  	s20 =	sadd.s32 $0x1000, s10;
	[sflag:s13] =	ssyncadd.s32 $0xFFFFF800  }
0x25: {  	[spmem:s2] =	stream.indirect.scatter.add.f32 [tilespmem:s14], [sflag:$0x1], $0x10, s3, s14, $0xb8;
	[tilespmem:$0x10A0] =	vst v63  }
0x26: {  	p0 =	por $0x1, $0x1;
	s21 =	sshrl.u32 s20, $0x3;
	_ =	swait.ge [sflag:s13], $0x800  }
0x27: {  	s19 =	sadd.s32 $0xFFFFFFFF, s18;
	s18 =	smov.u32 s11;
	[sflag:s13] =	ssyncset.done $0x0  }
.LBB2_7:
0x28: {  	s21 =	sadd.s32 s5, s21;
	[sflag:s13] =	ssyncadd.s32 $0xFFFFF800;
	s18 =	sadd.s32 $0x2000, s18  }
0x29: {  	[tilespmem:s3], [sflag:$0x1] =	stream.linear.gather [hbm4b:s21+s3], $0x80, $0x38;
	[tilespmem:$0x10A0] =	vst v63  }
0x2a: {  	p1 =	sne.s32 s19, $0x1;
	s19 =	sadd.s32 $0xFFFFFFFF, s19;
	_ =	swait.ge [sflag:s13], $0x80  }
0x2b: {  	s21 =	sand.u32 $0x1FFFFF00, s18;
	[sflag:s13] =	ssyncset.done $0x0  }
0x2c: {  	s21 =	sadd.s32 s4, s21;
	[sflag:s13] =	ssyncadd.s32 $0xFFFFFF80  }
0x2d: {  	[tilespmem:s14], [sflag:$0x1] =	stream.linear.gather [hbm4b:s21+s3], $0x800, $0x38;
	[tilespmem:$0x10A0] =	vst v63  }
0x2e: {  	_ =	swait.ge [sflag:s13], $0x800  }
.Ltmp3:
0x2f: {  	[sflag:s13] =	ssyncset.done $0x0;
	(pc) =	sbr.rel @p1 .LBB2_7-.Ltmp3, $4  }
0x30: {  	[sflag:s13] =	ssyncadd.s32 $0xFFFFF800  }
0x31: {  	[spmem:s2] =	stream.indirect.scatter.add.f32 [tilespmem:s14], [sflag:$0x1], $0x10, s3, s14, $0xb8;
	[tilespmem:$0x10A0] =	vst v63  }
0x32: {  	s20 =	sadd.s32 $0x1000, s20;
	_ =	swait.ge [sflag:s13], $0x800  }
0x33: {  	s21 =	sshrl.u32 s20, $0x3;
	[sflag:s13] =	ssyncset.done $0x0  }
.LBB2_8:
0x34: {  	s19 =	sadd.s32 s5, s21;
	[sflag:s13] =	ssyncadd.s32 @p0 $0xFFFFF800  }
0x35: {  	[tilespmem:s3], [sflag:$0x1] =	stream.linear.gather [hbm4b:s19+s3], $0x80, $0x38;
	[tilespmem:$0x10A0] =	vst v63  }
0x36: {  	s18 =	sadd.s32 @p0 $0x2000, s18;
	s19 =	smov.u32 s11  }
0x37: {  	_ =	swait.ge [sflag:s13], $0x80;
	s19 =	smov.u32 @p0 s18  }
0x38: {  	[sflag:s13] =	ssyncset.done $0x0;
	s18 =	sand.u32 $0x1FFFFF00, s19  }
0x39: {  	[sflag:s13] =	ssyncadd.s32 $0xFFFFFF80;
	s18 =	sadd.s32 s4, s18  }
0x3a: {  	[tilespmem:s14], [sflag:$0x1] =	stream.linear.gather [hbm4b:s18+s3], $0x800, $0x38;
	[tilespmem:$0x10A0] =	vst v63  }
0x3b: {  	_ =	swait.ge [sflag:s13], $0x800  }
0x3c: {  	[sflag:s13] =	ssyncset.done $0x0  }
0x3d: {  	[sflag:s13] =	ssyncadd.s32 $0xFFFFF800  }
0x3e: {  	[spmem:s2] =	stream.indirect.scatter.add.f32 [tilespmem:s14], [sflag:$0x1], $0x10, s3, s14, $0xb8;
	[tilespmem:$0x10A0] =	vst v63  }
0x3f: {  	_ =	swait.ge [sflag:s13], $0x800  }
0x40: {  	[sflag:s13] =	ssyncset.done $0x0  }
0x41: {  	s17 =	sadd.s32 $0x1, s17;
	[sflag:s13] =	ssyncadd.s32 $0xFFFFF800  }
0x42: {  	p0 =	sne.s32 s17, s8;
	[bflag:$0x0] =	sbarrier.arrive $0xFFFF  }
0x43: {  	[hbm:s7], [sflag:s15] =	dma.local [spmem:s16], $0x82  }
.Ltmp4:
0x44: {  	_ = 	snop;
	(pc) =	sbr.rel @p0 .LBB2_1-.Ltmp4, $4  }
.Ltmp5:
0x45: {  	_ = 	snop;
	(pc) =	sbr.rel @!p0 .LBB2_9-.Ltmp5, $4  }
0x46: {  	_ =	swait.ge [sflag:s13], $0x82  }
0x47: {  	[sflag:s13] =	ssyncset.done $0x0  }
0x48: {  	[sflag:s13] =	ssyncadd.s32 $0xFFFFFF7E  }
0x49: {  	_ = 	snop  }
.LBB2_4:
.Ltmp6:
0x4a: {  	(pc) =	sbr.rel .LBB2_8-.Ltmp6, $2  }
0x4b: {  	_ =	sdelay $0x2  }
0x4c: {  	s18 =	smov.u32 s11  }
.LBB2_6:
.Ltmp7:
0x4d: {  	(pc) =	sbr.rel .LBB2_8-.Ltmp7, $2  }
0x4e: {  	_ =	sdelay $0x2  }
0x4f: {  	s18 =	smov.u32 s11  }
.LBB2_9:
0x50: {  	_ =	sfence.sel $0x180000  }
0x51: {  	[bflag:$0x0] =	sbarrier.arrive $0xFFFF  }
0x52: {  	p0 =	sne.s32 s1, $0x0;
	_ =	strace $0x9000004D  }
0x53: {  	s0 =	sadd.s32 @!p0 $0x100000, s0;
	[bflag:$0x2] =	sbarrier.arrive $0xFFFF  }
0x54: {  	[sflag:s0] =	ssyncadd.tile.s32 @!p0 $0x1;
	_ =	shalt  }
.Lfunc_end2:
_tile_overlayer_lowered:
.L_overlay_start_2:
0x55: {  	(tag) =	ssettag $0x2  }
0x56: {  	s0 =	rddreg [dreg:$0x0];
	s2 =	stileid.u32  }
0x57: {  	s1 =	rddreg [dreg:$0x1];
	p0 =	sne.s32 s2, $0x0  }
0x58: {  	s3 =	rddreg [dreg:$0x2];
	[bflag:$0x3] =	sbarrier.arrive $0xFFFF;
	s2 =	simm.s32 @!p0 $0x1C01  }
0x59: {  	[timem:s3], [sflag:s2] =	dma.local @!p0 [hbm:s0], s1  }
0x5a: {  	s0 =	simm.s32 @!p0 $0x1  }
0x5b: {  	_ =	swait.ge @!p0 [sflag:s0], s1  }
0x5c: {  	s1 =	ssub.s32 @!p0 $0x0, s1;
	[sflag:s0] =	ssyncset.done @!p0 $0x0  }
0x5d: {  	[sflag:s0] =	ssyncadd.s32 @!p0 s1  }
0x5e: {  	[bflag:$0x3] =	sbarrier.arrive $0xFFFF  }
0x5f: {  	_ =	shalt  }

// kernel: kernel.9.cloned.1.call-start
scs
__scs_entry_jumppad:
0x0: {  	(pc) =	sbr.rel $0x88, $3  }
0x1: {  	(tag) =	ssettag $0x0;
	lr =	simm.s32 $0x1  }
0x2: {  	[smem:$0x3F8E] =	sst lr;
	_ =	strace $0xD0000000  }
0x3: {  	_ = 	snop  }
0x4: {  	_ = 	snop  }
0x5: {  	_ = 	snop  }
0x6: {  	_ = 	snop  }
0x7: {  	_ = 	snop  }
__scs_overlays_trampoline_lowered:
0x8: {  	[smem:$0x3F9D] =	sst s0  }
0x9: {  	[smem:$0x3F9E] =	sst s1  }
0xa: {  	[smem:$0x3F9F] =	sst s2  }
0xb: {  	[smem:$0x3FA0] =	sst s3  }
0xc: {  	[smem:$0x3FA1] =	sst s4  }
0xd: {  	[smem:$0x3FA2] =	sst s5  }
0xe: {  	[smem:$0x3FA3] =	sst s6  }
0xf: {  	[smem:$0x3FA4] =	sst s7  }
0x10: {  	[smem:$0x3FA5] =	sst s8  }
0x11: {  	[smem:$0x3FA6] =	sst s9;
	s0 =	simm.s32 @!p0 $0x0  }
0x12: {  	s1 =	sld [smem:$0x3F8C];
	s0 =	simm.s32 @p0 $0x1  }
0x13: {  	[smem:$0x3FA7] =	sst s0;
	s0 =	simm.s32 @!p1 $0x0  }
0x14: {  	s2 =	sld [smem:$0x3F8B];
	s0 =	simm.s32 @p1 $0x1  }
0x15: {  	[smem:$0x3FA8] =	sst s0;
	s0 =	simm.s32 @!p2 $0x0  }
0x16: {  	s3 =	sld [smem:$0x3FDB];
	s0 =	simm.s32 @p2 $0x1  }
0x17: {  	s4 =	simm.s32 $0x1BF5;
	[smem:$0x3FAA] =	sst s0  }
0x18: {  	s0 =	sld [smem:$0x3F8D];
	_ =	swait.ge [sflag:s4], $0x0  }
0x19: {  	s7 =	sld [smem:$0x3F8E]  }
0x1a: {  	s8 =	sadd.s32 $0xFFFFE003, lr  }
0x1b: {  	s9 =	sadd.s32 $0xFFFFFEF7, lr;
	s5 =	simm.s32 $0xFFFFFFFF;
	p2 =	slt.u32 s8, $0xFFFFF086  }
0x1c: {  	p1 =	slt.u32 s9, $0xF7A;
	s5 =	simm.s32 @!p2 $0x0  }
0x1d: {  	s5 =	simm.s32 @p1 $0x1;
	p0 =	seq.s32 s7, s2  }
0x1e: {  	s7 =	smul.u32 @!p0 $0xF7A, s2;
	p2 =	seq.s32 @!p0 s5, $0x0  }
0x1f: {  	s9 =	smul.u32 $0xF7A, s1;
	s8 =	simm.s32 @!p0 $0x1BF5;
	p2 =	por !p2, p0  }
0x20: {  	[sflag:s8] =	ssyncset.s32 @!p0 $0xFFFFF086;
	s6 =	sadd.s32 @!p0 s3, s7;
	s7 =	simm.s32 @!p0 $0x108  }
0x21: {  	s3 =	sadd.s32 s3, s9;
	s6 =	sadd.s32 @!p0 $0x88, s6;
	s7 =	simm.s32 @p2 $0x1082  }
0x22: {  	[simem:s7], [sflag:s8] =	dma.local @!p0 [hbm:s6], $0xF7A  }
0x23: {  	s9 =	sor.u32 $0xD0000000, s2;
	s6 =	simm.s32 $0x108;
	_ =	swait.ge @!p0 [sflag:s8], $0x0  }
0x24: {  	s3 =	sadd.s32 $0x88, s3;
	s6 =	simm.s32 @!p1 $0x1082;
	[sflag:s4] =	ssyncset.s32 $0xFFFFF086  }
0x25: {  	[simem:s6], [sflag:s4] =	dma.local [hbm:s3], $0xF7A  }
0x26: {  	[smem:$0x3F8E] =	sst s1;
	(tag) =	ssettag s2;
	_ =	strace s9  }
0x27: {  	s1 =	sld [smem:$0x3F9E]  }
0x28: {  	s2 =	sld [smem:$0x3F9F]  }
0x29: {  	s4 =	sld [smem:$0x3FA1]  }
0x2a: {  	p0 =	seq.s32 s5, $0x0;
	s5 =	sld [smem:$0x3FA2]  }
0x2b: {  	s6 =	sld [smem:$0x3FA3]  }
0x2c: {  	s7 =	sld [smem:$0x3FA4]  }
0x2d: {  	s3 =	simm.s32 $0x108;
	s8 =	sld [smem:$0x3FA5]  }
0x2e: {  	s3 =	simm.s32 @!p0 $0x1082;
	s9 =	sld [smem:$0x3FA6]  }
0x2f: {  	lr =	sadd.s32 s0, s3;
	s0 =	sld [smem:$0x3F9D]  }
0x30: {  	s3 =	sld [smem:$0x3FA0]  }
0x31: {  	[smem:$0x3FA9] =	sst s10  }
0x32: {  	s10 =	sld [smem:$0x3FA7];
	_ =	sdelay $0x3  }
0x33: {  	p0 =	seq.s32 s10, $0x1;
	s10 =	sld [smem:$0x3FA9];
	_ =	sdelay $0x3  }
0x34: {  	[smem:$0x3FA9] =	sst s10  }
0x35: {  	s10 =	sld [smem:$0x3FA8];
	_ =	sdelay $0x3  }
0x36: {  	p1 =	seq.s32 s10, $0x1;
	s10 =	sld [smem:$0x3FA9];
	_ =	sdelay $0x3  }
0x37: {  	[smem:$0x3FA9] =	sst s10  }
0x38: {  	s10 =	sld [smem:$0x3FAA]  }
0x39: {  	_ = 	snop;
	(pc) =	sbr.ind lr, $3  }
0x3a: {  	_ = 	snop  }
0x3b: {  	_ = 	snop  }
0x3c: {  	p2 =	seq.s32 s10, $0x1;
	s10 =	sld [smem:$0x3FA9]  }
0x3d: {  	_ =	shalt  }
0x3e: {  	_ =	shalt  }
0x3f: {  	_ =	shalt  }
0x40: {  	_ =	shalt  }
0x41: {  	_ =	shalt  }
0x42: {  	_ =	shalt  }
0x43: {  	_ =	shalt  }
0x44: {  	_ =	shalt  }
0x45: {  	_ =	shalt  }
0x46: {  	_ =	shalt  }
0x47: {  	_ =	shalt  }
0x48: {  	_ =	shalt  }
0x49: {  	_ =	shalt  }
0x4a: {  	_ =	shalt  }
0x4b: {  	_ =	shalt  }
0x4c: {  	_ =	shalt  }
0x4d: {  	_ =	shalt  }
0x4e: {  	_ =	shalt  }
0x4f: {  	_ =	shalt  }
0x50: {  	_ =	shalt  }
0x51: {  	_ =	shalt  }
0x52: {  	_ =	shalt  }
0x53: {  	_ =	shalt  }
0x54: {  	_ =	shalt  }
0x55: {  	_ =	shalt  }
0x56: {  	_ =	shalt  }
0x57: {  	_ =	shalt  }
0x58: {  	_ =	shalt  }
0x59: {  	_ =	shalt  }
0x5a: {  	_ =	shalt  }
0x5b: {  	_ =	shalt  }
0x5c: {  	_ =	shalt  }
0x5d: {  	_ =	shalt  }
0x5e: {  	_ =	shalt  }
0x5f: {  	_ =	shalt  }
0x60: {  	_ =	shalt  }
0x61: {  	_ =	shalt  }
0x62: {  	_ =	shalt  }
0x63: {  	_ =	shalt  }
0x64: {  	_ =	shalt  }
0x65: {  	_ =	shalt  }
0x66: {  	_ =	shalt  }
0x67: {  	_ =	shalt  }
0x68: {  	_ =	shalt  }
0x69: {  	_ =	shalt  }
0x6a: {  	_ =	shalt  }
0x6b: {  	_ =	shalt  }
0x6c: {  	_ =	shalt  }
0x6d: {  	_ =	shalt  }
0x6e: {  	_ =	shalt  }
0x6f: {  	_ =	shalt  }
0x70: {  	_ =	shalt  }
0x71: {  	_ =	shalt  }
0x72: {  	_ =	shalt  }
0x73: {  	_ =	shalt  }
0x74: {  	_ =	shalt  }
0x75: {  	_ =	shalt  }
0x76: {  	_ =	shalt  }
0x77: {  	_ =	shalt  }
0x78: {  	_ =	shalt  }
0x79: {  	_ =	shalt  }
0x7a: {  	_ =	shalt  }
0x7b: {  	_ =	shalt  }
0x7c: {  	_ =	shalt  }
0x7d: {  	_ =	shalt  }
0x7e: {  	_ =	shalt  }
0x7f: {  	_ =	shalt  }
0x80: {  	_ =	shalt  }
0x81: {  	_ =	shalt  }
0x82: {  	_ =	shalt  }
0x83: {  	_ =	shalt  }
0x84: {  	_ =	shalt  }
0x85: {  	_ =	shalt  }
0x86: {  	_ =	shalt  }
0x87: {  	_ =	shalt  }
.Lfunc_end0:
.L_simem_size_0:
called_computation_lowered:
.L_overlay_start_0:
0x88: {  	s2 =	sld [smem:$0x3FD9]  }
0x89: {  	s3 =	sld [smem:$0x3FFE];
	_ =	sdelay $0x1  }
0x8a: {  	s1 =	srdreg.scid  }
0x8b: {  	s0 =	sand.u32 $0x1, s1  }
0x8c: {  	s16 =	sshll.u32 s0, $0xA;
	s2 =	sadd.s32 s3, s2  }
0x8d: {  	s2 =	sadd.s32 s2, s16  }
0x8e: {  	[smem:$0x3FB5] =	sst s2  }
0x8f: {  	_ = 	snop  }
0x90: {  	(tm) =	ssettm $0x1  }
0x91: {  	s17 =	sld [smem:$0x3FFB];
	_ =	sdelay $0x3  }
0x92: {  	_ =	strace s17  }
0x93: {  	s2 =	sld [smem:$0x3FFC];
	_ =	sdelay $0x3  }
0x94: {  	_ =	strace s2  }
0x95: {  	s2 =	sld [smem:$0x3FFD];
	_ =	sdelay $0x3  }
0x96: {  	_ =	strace s2  }
0x97: {  	_ =	strace $0x8FFFFFFF  }
0x98: {  	s18 =	sld [smem:$0x3FDB];
	_ =	sdelay $0x1  }
0x99: {  	s19 =	simm.s32 $_scs_section_size  }
0x9a: {  	s4 =	simm.s32 $_size__tile_overlayer_lowered;
	s5 =	simm.s32 $_tile_overlayer_lowered  }
0x9b: {  	s22 =	simm.s32 $0x1BFF;
	s21 =	sshll.u32 s5, $0x1;
	s2 =	sadd.s32 s19, s18  }
0x9c: {  	s6 =	simm.s32 $0x0;
	s20 =	sshll.u32 s4, $0x1;
	s4 =	sadd.s32 s21, s2  }
0x9d: {  	[timem:s6], [sflag:s22] =	dma.local [hbm:s4], s20  }
0x9e: {  	_ =	swait.ge [sflag:s22], s20  }
0x9f: {  	s3 =	ssub.s32 $0x0, s20;
	[sflag:s22] =	ssyncset.done $0x0  }
0xa0: {  	[sflag:s22] =	ssyncadd.s32 s3;
	_ =	sdelay $0x1  }
0xa1: {  	s23 =	simm.s32 $0x1B8B  }
0xa2: {  	_ =	swait.ge [sflag:s23], $0x1  }
0xa3: {  	[sflag:s23] =	ssyncset.done $0x0  }
0xa4: {  	s25 =	simm.s32 $0x1B8E;
	s24 =	sld [smem:$0x3FFE];
	[sflag:s23] =	ssyncadd.s32 $0xFFFFFFFF  }
0xa5: {  	s26 =	simm.s32 $execute0_lowered;
	[smem:$0x3FD2] =	sst s25  }
0xa6: {  	s4 =	sshll.u32 s26, $0x1;
	_ =	strace $0x80000046;
	[dreg:$0x1] =	wrdreg $0xFFFFFFFF  }
0xa7: {  	s28 =	simm.s32 $_size_execute0_lowered;
	s2 =	sadd.s32 s2, s4;
	[dreg:$0x0] =	wrdreg $0x0  }
0xa8: {  	s4 =	sshll.u32 s28, $0x1;
	[dreg:$0x2] =	wrdreg s2  }
0xa9: {  	[dreg:$0x3] =	wrdreg s4  }
0xaa: {  	[dreg:$0x4] =	wrdreg $0xC0  }
0xab: {  	_ =	task [dreg:s6], $0x5FFFF  }
0xac: {  	[dreg:$0x1] =	wrdreg $0xFFFFFFFF  }
0xad: {  	[dreg:$0x0] =	wrdreg $0x60  }
0xae: {  	[dreg:$0x2] =	wrdreg s24  }
0xaf: {  	[dreg:$0x3] =	wrdreg $0x9  }
0xb0: {  	_ =	task.clear_ibuf [dreg:s6], $0x4FFFF;
	_ =	strace $0x90000046  }
0xb1: {  	s29 =	simm.s32 $0x9;
	_ =	strace $0x80000048  }
0xb2: {  	_ =	swait.ge [sflag:s29], $0x1  }
0xb3: {  	[sflag:s29] =	ssyncadd.s32 $0xFFFFFFFF  }
0xb4: {  	_ =	strace $0x90000048  }
0xb5: {  	_ =	sfence  }
0xb6: {  	s30 =	sld [smem:$0x0];
	_ =	sdelay $0x2  }
0xb7: {  	s31 =	sshll.u32 s1, $0xD;
	s1 =	sshrl.u32 s1, $0x2  }
0xb8: {  	s3 =	sand.u32 $0x4000, s31;
	s1 =	sadd.s32 s1, s30  }
0xb9: {  	s0 =	sor.u32 s3, s0;
	s1 =	sshll.u32 s1, $0x11  }
0xba: {  	s0 =	sor.u32 s1, s0  }
0xbb: {  	s0 =	sadd.s32 $0x8F2B, s0  }
0xbc: {  	[sflag:s0] =	ssyncadd.remote.s32 $0x1  }
0xbd: {  	_ =	sfence.sel $0xFFFF  }
0xbe: {  	[dreg:$0x0] =	wrdreg $0xFFFFFFFF;
	(pc) =	sbr.abs _section_cstart, $3  }
0xbf: {  	[dreg:$0x1] =	wrdreg $0xFFFFFFFF  }
0xc0: {  	_ =	task.clear_ibuf [dreg:s6], $0x2FFFF;
	_ =	strace $0x9FFFFFFF  }
0xc1: {  	(tm) =	ssettm $0x7FFFFFFF  }
tec
execute0_lowered:
.L_overlay_start_1:
0x0: {  	(tag) =	ssettag $0x1  }
0x1: {  	s0 =	rddreg [dreg:$0x0];
	s1 =	simm.s32 $0x0  }
0x2: {  	s23 =	srdreg.scid;
	s7 =	stileid.u32;
	s20 =	simm.s32 $0x80  }
0x3: {  	s21 =	simm.s32 $0x1000;
	s22 =	simm.s32 $0x5000;
	s31 =	simm.s32 $0x3  }
0x4: {  	s17 =	simm.s32 $0x780;
	s10 =	simm.s32 $0xF80;
	s16 =	simm.s32 $0x8C00  }
0x5: {  	s11 =	simm.s32 $0x20;
	s18 =	simm.s32 $0x4;
	s19 =	simm.s32 $0xA000  }
0x6: {  	[smem:$0x7FF] =	sst s1;
	s3 =	sadd.s32 $0x310A00, s0;
	s1 =	sand.u32 $0x1, s23  }
0x7: {  	s4 =	sadd.s32 $0x1EC000, s0;
	s5 =	sadd.s32 $0x18A000, s0;
	s6 =	sadd.s32 $0x329200, s0  }
0x8: {  	s23 =	simm.s32 $0x7000;
	_ =	strace $0x80000047;
	s2 =	sshll.u32 s1, $0x4  }
0x9: {  	s1 =	ssub.s32 $0x2, s1;
	s24 =	sor.u32 s7, s2;
	s7 =	sand.u32 $0x7, s7  }
0xa: {  	s8 =	sshrl.u32 s1, $0x1;
	s2 =	smul.u32 $0x3100, s24;
	p0 =	seq.s32 s24, $0x0  }
0xb: {  	p1 =	sne.s32 s7, $0x0;
	s1 =	ssub.s32 s1, s8;
	s0 =	smul.u32 $0x18800, s24  }
0xc: {  	s8 =	simm.s32 $0x1;
	s9 =	sshrl.u32 s24, $0x3;
	s7 =	smul.u32 $0x188000, s7  }
0xd: {  	s24 =	simm.s32 $0x6;
	p0 =	por !p1, !p0;
	s30 =	smax.u32 s1, $0x1  }
0xe: {  	s1 =	simm.s32 $0x9000;
	s25 =	sadd.s32 s4, s2;
	s26 =	sadd.s32 s5, s2  }
0xf: {  	p0 =	por !p0, !p0;
	s2 =	sor.u32 $0x80, s2;
	[dreg:$0x6] =	wrdreg s30  }
0x10: {  	s12 =	sadd.s32 $0x800, s0;
	s14 =	sadd.s32 $0xC00, s0;
	[dreg:$0x2] =	wrdreg s25  }
0x11: {  	v0 =	vlaneseq.u32;
	s0 =	simm.s32 $0x2;
	[dreg:$0x3] =	wrdreg s26;
	s8 =	simm.s32 @!p0 $0x0  }
0x12: {  	v1 =	vand.u32 $0x7, v0;
	s28 =	sadd.s32 s4, s2;
	s2 =	sadd.s32 s5, s2;
	s8 =	ssub.s32 s9, s8  }
0x13: {  	v1 =	vmul.u32 $0x4, v1;
	s25 =	simm.s32 $0x0;
	[dreg:$0x4] =	wrdreg s28;
	s29 =	sshll.u32 s8, $0x5  }
0x14: {  	[dreg:$0x5] =	wrdreg s2;
	s2 =	simm.s32 $0x3000;
	s13 =	sadd.s32 s7, s29  }
0x15: {  	v2 =	vor.u32 $0x1, v1;
	v3 =	vor.u32 $0x2, v1;
	v4 =	vor.u32 $0x3, v1;
	s9 =	simm.s32 $0x4C00;
	s8 =	simm.s32 $0x8800;
	s15 =	sadd.s32 $0x4000, s13  }
.LBB2_1:
0x16: {  	s7 =	simm.s32 $0x0;
	s26 =	rddreg [dreg:$0x2]  }
0x17: {  	[tilespmem:s7], [sflag:$0x1] =	stream.linear.gather [hbm4b:s26+s7], $0x400, $0x38;
	[tilespmem:$0xB000] =	vst v63  }
0x18: {  	s28 =	rddreg [dreg:$0x3];
	s26 =	simm.s32 $0x800  }
0x19: {  	[tilespmem:s26], [sflag:$0x1] =	stream.linear.gather [hbm4b:s28+s7], $0x400, $0x38;
	[tilespmem:$0xB000] =	vst v63  }
0x1a: {  	s29 =	rddreg [dreg:$0x4];
	s28 =	simm.s32 $0x400  }
0x1b: {  	[tilespmem:s28], [sflag:$0x2] =	stream.linear.gather [hbm4b:s29+s7], $0x400, $0x38;
	[tilespmem:$0xB000] =	vst v63  }
0x1c: {  	s30 =	rddreg [dreg:$0x5];
	s29 =	simm.s32 $0xC00  }
0x1d: {  	[tilespmem:s29], [sflag:$0x2] =	stream.linear.gather [hbm4b:s30+s7], $0x400, $0x38;
	[tilespmem:$0xB000] =	vst v63  }
0x1e: {  	[dreg:$0x7] =	wrdreg s25;
	s30 =	simm.s32 $0x1  }
0x1f: {  	_ =	swait.ge [sflag:s30], $0x400  }
0x20: {  	[sflag:s30] =	ssyncset.done $0x0  }
0x21: {  	[sflag:s30] =	ssyncadd.s32 $0xFFFFFC00  }
0x22: {  	_ =	swait.ge [sflag:s30], $0x400  }
0x23: {  	[sflag:s30] =	ssyncset.done $0x0  }
0x24: {  	[sflag:s30] =	ssyncadd.s32 $0xFFFFFC00  }
0x25: {  	[tilespmem:s21], [sflag:$0x3] =	stream.indirect.gather [hbm4b:s3+s20], $0x8, s7, s20, $0xb8;
	[tilespmem:$0xB000] =	vst v63  }
0x26: {  	_ = 	snop  }
0x27: {  	[tilespmem:s22], [sflag:$0x3] =	stream.indirect.gather [hbm4b:s3+s20], $0x8, s26, s20, $0xb8;
	[tilespmem:$0xB000] =	vst v63  }
0x28: {  	s28 =	simm.s32 $0x1400  }
0x29: {  	[tilespmem:s28], [sflag:$0x3] =	stream.indirect.gather [hbm4b:s3+s20], $0x8, s20, s20, $0xb8;
	[tilespmem:$0xB000] =	vst v63  }
0x2a: {  	s29 =	simm.s32 $0x880;
	s30 =	simm.s32 $0x5400  }
0x2b: {  	[tilespmem:s30], [sflag:$0x3] =	stream.indirect.gather [hbm4b:s3+s20], $0x8, s29, s20, $0xb8;
	[tilespmem:$0xB000] =	vst v63  }
0x2c: {  	s26 =	simm.s32 $0x100;
	s28 =	simm.s32 $0x1800  }
0x2d: {  	[tilespmem:s28], [sflag:$0x3] =	stream.indirect.gather [hbm4b:s3+s20], $0x8, s26, s20, $0xb8;
	[tilespmem:$0xB000] =	vst v63  }
0x2e: {  	s29 =	simm.s32 $0x900;
	s30 =	simm.s32 $0x5800  }
0x2f: {  	[tilespmem:s30], [sflag:$0x3] =	stream.indirect.gather [hbm4b:s3+s20], $0x8, s29, s20, $0xb8;
	[tilespmem:$0xB000] =	vst v63  }
0x30: {  	s26 =	simm.s32 $0x180;
	s28 =	simm.s32 $0x1C00  }
0x31: {  	[tilespmem:s28], [sflag:$0x3] =	stream.indirect.gather [hbm4b:s3+s20], $0x8, s26, s20, $0xb8;
	[tilespmem:$0xB000] =	vst v63  }
0x32: {  	s29 =	simm.s32 $0x980;
	s30 =	simm.s32 $0x5C00  }
0x33: {  	[tilespmem:s30], [sflag:$0x3] =	stream.indirect.gather [hbm4b:s3+s20], $0x8, s29, s20, $0xb8;
	[tilespmem:$0xB000] =	vst v63  }
0x34: {  	s26 =	simm.s32 $0x200;
	s28 =	simm.s32 $0x2000  }
0x35: {  	[tilespmem:s28], [sflag:$0x3] =	stream.indirect.gather [hbm4b:s3+s20], $0x8, s26, s20, $0xb8;
	[tilespmem:$0xB000] =	vst v63  }
0x36: {  	s29 =	simm.s32 $0xA00;
	s30 =	simm.s32 $0x6000  }
0x37: {  	[tilespmem:s30], [sflag:$0x3] =	stream.indirect.gather [hbm4b:s3+s20], $0x8, s29, s20, $0xb8;
	[tilespmem:$0xB000] =	vst v63  }
0x38: {  	s26 =	simm.s32 $0x280;
	s28 =	simm.s32 $0x2400  }
0x39: {  	[tilespmem:s28], [sflag:$0x3] =	stream.indirect.gather [hbm4b:s3+s20], $0x8, s26, s20, $0xb8;
	[tilespmem:$0xB000] =	vst v63  }
0x3a: {  	s29 =	simm.s32 $0xA80;
	s30 =	simm.s32 $0x6400  }
0x3b: {  	[tilespmem:s30], [sflag:$0x3] =	stream.indirect.gather [hbm4b:s3+s20], $0x8, s29, s20, $0xb8;
	[tilespmem:$0xB000] =	vst v63  }
0x3c: {  	s26 =	simm.s32 $0x300;
	s28 =	simm.s32 $0x2800  }
0x3d: {  	[tilespmem:s28], [sflag:$0x3] =	stream.indirect.gather [hbm4b:s3+s20], $0x8, s26, s20, $0xb8;
	[tilespmem:$0xB000] =	vst v63  }
0x3e: {  	s29 =	simm.s32 $0xB00;
	s30 =	simm.s32 $0x6800  }
0x3f: {  	[tilespmem:s30], [sflag:$0x3] =	stream.indirect.gather [hbm4b:s3+s20], $0x8, s29, s20, $0xb8;
	[tilespmem:$0xB000] =	vst v63  }
0x40: {  	s26 =	simm.s32 $0x380;
	s28 =	simm.s32 $0x2C00  }
0x41: {  	[tilespmem:s28], [sflag:$0x3] =	stream.indirect.gather [hbm4b:s3+s20], $0x8, s26, s20, $0xb8;
	[tilespmem:$0xB000] =	vst v63  }
0x42: {  	s25 =	simm.s32 $0x0;
	s29 =	simm.s32 $0xB80;
	s30 =	simm.s32 $0x6C00  }
0x43: {  	[tilespmem:s30], [sflag:$0x3] =	stream.indirect.gather [hbm4b:s3+s20], $0x8, s29, s20, $0xb8;
	[tilespmem:$0xB000] =	vst v63  }
.LBB2_2:
0x44: {  	_ =	swait.ge [sflag:s31], $0x400  }
0x45: {  	[sflag:s31] =	ssyncset.done $0x0  }
0x46: {  	[sflag:s31] =	ssyncadd.s32 $0xFFFFFC00  }
0x47: {  	_ =	swait.ge [sflag:s31], $0x400  }
0x48: {  	[sflag:s31] =	ssyncset.done $0x0  }
0x49: {  	[sflag:s31] =	ssyncadd.s32 $0xFFFFFC00  }
0x4a: {  	_ =	swait.ge [sflag:s31], $0x400  }
0x4b: {  	[sflag:s31] =	ssyncset.done $0x0  }
0x4c: {  	[sflag:s31] =	ssyncadd.s32 $0xFFFFFC00  }
0x4d: {  	_ =	swait.ge [sflag:s31], $0x400  }
0x4e: {  	[sflag:s31] =	ssyncset.done $0x0  }
0x4f: {  	[sflag:s31] =	ssyncadd.s32 $0xFFFFFC00  }
0x50: {  	_ =	swait.ge [sflag:s31], $0x400  }
0x51: {  	[sflag:s31] =	ssyncset.done $0x0  }
0x52: {  	[sflag:s31] =	ssyncadd.s32 $0xFFFFFC00  }
0x53: {  	_ =	swait.ge [sflag:s31], $0x400  }
0x54: {  	[sflag:s31] =	ssyncset.done $0x0  }
0x55: {  	[sflag:s31] =	ssyncadd.s32 $0xFFFFFC00  }
0x56: {  	_ =	swait.ge [sflag:s31], $0x400  }
0x57: {  	[sflag:s31] =	ssyncset.done $0x0  }
0x58: {  	[sflag:s31] =	ssyncadd.s32 $0xFFFFFC00  }
0x59: {  	_ =	swait.ge [sflag:s31], $0x400  }
0x5a: {  	[sflag:s31] =	ssyncset.done $0x0  }
0x5b: {  	[sflag:s31] =	ssyncadd.s32 $0xFFFFFC00  }
0x5c: {  	_ =	swait.ge [sflag:s31], $0x400  }
0x5d: {  	[sflag:s31] =	ssyncset.done $0x0  }
0x5e: {  	[sflag:s31] =	ssyncadd.s32 $0xFFFFFC00  }
0x5f: {  	_ =	swait.ge [sflag:s31], $0x400  }
0x60: {  	[sflag:s31] =	ssyncset.done $0x0  }
0x61: {  	[sflag:s31] =	ssyncadd.s32 $0xFFFFFC00  }
0x62: {  	_ =	swait.ge [sflag:s31], $0x400  }
0x63: {  	[sflag:s31] =	ssyncset.done $0x0  }
0x64: {  	[sflag:s31] =	ssyncadd.s32 $0xFFFFFC00  }
0x65: {  	_ =	swait.ge [sflag:s31], $0x400  }
0x66: {  	[sflag:s31] =	ssyncset.done $0x0  }
0x67: {  	[sflag:s31] =	ssyncadd.s32 $0xFFFFFC00  }
0x68: {  	_ =	swait.ge [sflag:s31], $0x400  }
0x69: {  	[sflag:s31] =	ssyncset.done $0x0  }
0x6a: {  	[sflag:s31] =	ssyncadd.s32 $0xFFFFFC00  }
0x6b: {  	_ =	swait.ge [sflag:s31], $0x400  }
0x6c: {  	[sflag:s31] =	ssyncset.done $0x0  }
0x6d: {  	[sflag:s31] =	ssyncadd.s32 $0xFFFFFC00  }
0x6e: {  	_ =	swait.ge [sflag:s31], $0x400  }
0x6f: {  	p0 =	seq.s32 s25, $0x30;
	[sflag:s31] =	ssyncset.done $0x0  }
0x70: {  	s28 =	sshll.u32 @!p0 s25, $0xB;
	[sflag:s31] =	ssyncadd.s32 $0xFFFFFC00  }
0x71: {  	s26 =	sadd.s32 @!p0 s28, s12;
	_ =	swait.ge [sflag:s31], $0x400  }
0x72: {  	s26 =	sshrl.u32 @!p0 s26, $0x3;
	[sflag:s31] =	ssyncset.done $0x0  }
0x73: {  	s30 =	simm.s32 @!p0 $0x0;
	s29 =	sadd.s32 @!p0 s4, s26;
	[sflag:s31] =	ssyncadd.s32 $0xFFFFFC00  }
0x74: {  	[tilespmem:s30], [sflag:$0x1] =	stream.linear.gather @!p0 [hbm4b:s29+s30], $0x400, $0x38;
	[tilespmem:$0xB000] =	vst v63  }
0x75: {  	s26 =	sadd.s32 @!p0 s5, s26;
	s29 =	simm.s32 @!p0 $0x800  }
0x76: {  	[tilespmem:s29], [sflag:$0x1] =	stream.linear.gather @!p0 [hbm4b:s26+s30], $0x400, $0x38;
	[tilespmem:$0xB000] =	vst v63  }
0x77: {  	_ =	swait.ge [sflag:s0], $0x400  }
0x78: {  	[sflag:s0] =	ssyncset.done $0x0  }
0x79: {  	[sflag:s0] =	ssyncadd.s32 $0xFFFFFC00  }
0x7a: {  	_ =	swait.ge [sflag:s0], $0x400  }
0x7b: {  	[sflag:s0] =	ssyncset.done $0x0  }
0x7c: {  	s7 =	simm.s32 $0x400;
	[sflag:s0] =	ssyncadd.s32 $0xFFFFFC00  }
0x7d: {  	[tilespmem:s2], [sflag:$0x4] =	stream.indirect.gather [hbm4b:s3+s20], $0x8, s7, s20, $0xb8;
	[tilespmem:$0xB000] =	vst v63  }
0x7e: {  	s30 =	simm.s32 $0xC00  }
0x7f: {  	[tilespmem:s23], [sflag:$0x4] =	stream.indirect.gather [hbm4b:s3+s20], $0x8, s30, s20, $0xb8;
	[tilespmem:$0xB000] =	vst v63  }
0x80: {  	s26 =	simm.s32 $0x480;
	s30 =	simm.s32 $0x3400  }
0x81: {  	[tilespmem:s30], [sflag:$0x4] =	stream.indirect.gather [hbm4b:s3+s20], $0x8, s26, s20, $0xb8;
	[tilespmem:$0xB000] =	vst v63  }
0x82: {  	s26 =	simm.s32 $0xC80;
	s30 =	simm.s32 $0x7400  }
0x83: {  	[tilespmem:s30], [sflag:$0x4] =	stream.indirect.gather [hbm4b:s3+s20], $0x8, s26, s20, $0xb8;
	[tilespmem:$0xB000] =	vst v63  }
0x84: {  	s26 =	simm.s32 $0x500;
	s30 =	simm.s32 $0x3800  }
0x85: {  	[tilespmem:s30], [sflag:$0x4] =	stream.indirect.gather [hbm4b:s3+s20], $0x8, s26, s20, $0xb8;
	[tilespmem:$0xB000] =	vst v63  }
0x86: {  	s26 =	simm.s32 $0xD00;
	s30 =	simm.s32 $0x7800  }
0x87: {  	[tilespmem:s30], [sflag:$0x4] =	stream.indirect.gather [hbm4b:s3+s20], $0x8, s26, s20, $0xb8;
	[tilespmem:$0xB000] =	vst v63  }
0x88: {  	s26 =	simm.s32 $0x580;
	s30 =	simm.s32 $0x3C00  }
0x89: {  	[tilespmem:s30], [sflag:$0x4] =	stream.indirect.gather [hbm4b:s3+s20], $0x8, s26, s20, $0xb8;
	[tilespmem:$0xB000] =	vst v63  }
0x8a: {  	s26 =	simm.s32 $0xD80;
	s30 =	simm.s32 $0x7C00  }
0x8b: {  	[tilespmem:s30], [sflag:$0x4] =	stream.indirect.gather [hbm4b:s3+s20], $0x8, s26, s20, $0xb8;
	[tilespmem:$0xB000] =	vst v63  }
0x8c: {  	s26 =	simm.s32 $0x600;
	s30 =	simm.s32 $0x4000  }
0x8d: {  	[tilespmem:s30], [sflag:$0x4] =	stream.indirect.gather [hbm4b:s3+s20], $0x8, s26, s20, $0xb8;
	[tilespmem:$0xB000] =	vst v63  }
0x8e: {  	s26 =	simm.s32 $0xE00;
	s30 =	simm.s32 $0x8000  }
0x8f: {  	[tilespmem:s30], [sflag:$0x4] =	stream.indirect.gather [hbm4b:s3+s20], $0x8, s26, s20, $0xb8;
	[tilespmem:$0xB000] =	vst v63  }
0x90: {  	s26 =	simm.s32 $0x680;
	s30 =	simm.s32 $0x4400  }
0x91: {  	[tilespmem:s30], [sflag:$0x4] =	stream.indirect.gather [hbm4b:s3+s20], $0x8, s26, s20, $0xb8;
	[tilespmem:$0xB000] =	vst v63  }
0x92: {  	s26 =	simm.s32 $0xE80;
	s30 =	simm.s32 $0x8400  }
0x93: {  	[tilespmem:s30], [sflag:$0x4] =	stream.indirect.gather [hbm4b:s3+s20], $0x8, s26, s20, $0xb8;
	[tilespmem:$0xB000] =	vst v63  }
0x94: {  	s26 =	simm.s32 $0x700;
	s30 =	simm.s32 $0x4800  }
0x95: {  	[tilespmem:s30], [sflag:$0x4] =	stream.indirect.gather [hbm4b:s3+s20], $0x8, s26, s20, $0xb8;
	[tilespmem:$0xB000] =	vst v63  }
0x96: {  	s7 =	simm.s32 $0x0;
	s30 =	simm.s32 $0xF00  }
0x97: {  	[tilespmem:s8], [sflag:$0x4] =	stream.indirect.gather [hbm4b:s3+s20], $0x8, s30, s20, $0xb8;
	[tilespmem:$0xB000] =	vst v63  }
0x98: {  	p1 =	seq.s32 s25, $0x0;
	v5 =	vor.u32 s7, v0  }
0x99: {  	v6 =	vshll.u32 v5, $0x3;
	[tilespmem:s9], [sflag:$0x4] =	stream.indirect.gather [hbm4b:s3+s20], $0x8, s17, s20, $0xb8;
	[tilespmem:$0xB000] =	vst v63  }
0x9a: {  	v7 =	vor.u32 $0x2, v6;
	s26 =	simm.s32 @!p1 $0x5  }
0x9b: {  	v8 =	vor.u32 $0x1, v6;
	[tilespmem:s16], [sflag:$0x4] =	stream.indirect.gather [hbm4b:s3+s20], $0x8, s10, s20, $0xb8;
	[tilespmem:$0xB000] =	vst v63  }
0x9c: {  	_ =	swait.ge @!p1 [sflag:s26], $0x1000  }
0x9d: {  	[sflag:s26] =	ssyncset.done @!p1 $0x0  }
0x9e: {  	v9 =	vor.u32 $0x3, v6;
	[sflag:s26] =	ssyncadd.s32 @!p1 $0xFFFFF000  }
0x9f: {  	v10 =	vld.idx.msk [tilespmem:v7+s22+$0x0], $0xffff  }
0xa0: {  	v11 =	vld.idx.msk [tilespmem:v8+s22+$0x0], $0xffff  }
0xa1: {  	v8 =	vld.idx.msk [tilespmem:v8+s21+$0x0], $0xffff  }
0xa2: {  	v7 =	vld.idx.msk [tilespmem:v7+s21+$0x0], $0xffff  }
0xa3: {  	v12 =	vld.idx.msk [tilespmem:v9+s21+$0x0], $0xffff  }
0xa4: {  	v9 =	vld.idx.msk [tilespmem:v9+s22+$0x0], $0xffff  }
0xa5: {  	v13 =	vor.u32 $0x4, v6;
	v14 =	vld.idx.msk [tilespmem:v6+s22+$0x0], $0xffff  }
0xa6: {  	v6 =	vld.idx.msk [tilespmem:v6+s21+$0x0], $0xffff  }
0xa7: {  	v8 =	vmul.f32 v11, v8;
	v7 =	vmul.f32 v10, v7  }
0xa8: {  	v5 =	vshll.u32 v5, $0x2  }
0xa9: {  	v5 =	vand.u32 $0xFE0, v5;
	v7 =	vadd.f32 v7, v8;
	v8 =	vmul.f32 v9, v12  }
0xaa: {  	v10 =	vor.u32 v1, v5;
	v9 =	vld.idx.msk [tilespmem:v13+s21+$0x0], $0xffff  }
0xab: {  	v11 =	vor.u32 v2, v5;
	v6 =	vmul.f32 v14, v6;
	v8 =	vadd.f32 v8, v7  }
0xac: {  	v63 =	vor.u32 v3, v5;
	v7 =	vld.idx.msk [tilespmem:v13+s22+$0x0], $0xffff  }
0xad: {  	v6 =	vsub.f32 v8, v6;
	_ =	sdelay $0x1  }
0xae: {  	s30 =	simm.s32 $0x10;
	[tilespmem:v10+s1+$0x0] =	vst.idx.msk $0xffff, v9;
	v10 =	vadd.f32 v6, v6  }
0xaf: {  	v8 =	vor.u32 v4, v5;
	[tilespmem:v11+s1+$0x0] =	vst.idx.msk $0xffff, v6;
	v11 =	vor.u32 s30, v0  }
0xb0: {  	s29 =	simm.s32 $0x20;
	s26 =	sshll.u32 s25, $0xF;
	[tilespmem:v63+s1+$0x0] =	vst.idx.msk $0xffff, v7;
	v6 =	vshll.u32 v11, $0x3;
	v5 =	vshll.u32 v11, $0x2;
	v9 =	vsub.f32 v9, v10  }
.LBB2_3:
0xb1: {  	p1 =	sne.s32 s29, $0x3F0;
	v10 =	vor.u32 $0x1, v6;
	v11 =	vor.u32 $0x2, v6;
	s30 =	smov.u32 s29;
	s29 =	sadd.s32 $0x10, s29  }
0xb2: {  	v7 =	vadd.f32 v9, v7;
	_ =	sdelay $0x1  }
0xb3: {  	[tilespmem:v8+s1+$0x0] =	vst.idx.msk $0xffff, v7  }
0xb4: {  	v7 =	vor.u32 $0x3, v6  }
0xb5: {  	v8 =	vld.idx.msk [tilespmem:v11+s22+$0x0], $0xffff  }
0xb6: {  	v9 =	vld.idx.msk [tilespmem:v10+s22+$0x0], $0xffff  }
0xb7: {  	v10 =	vld.idx.msk [tilespmem:v10+s21+$0x0], $0xffff  }
0xb8: {  	v11 =	vld.idx.msk [tilespmem:v11+s21+$0x0], $0xffff  }
0xb9: {  	v12 =	vld.idx.msk [tilespmem:v7+s21+$0x0], $0xffff  }
0xba: {  	v13 =	vor.u32 $0x4, v6;
	v7 =	vld.idx.msk [tilespmem:v7+s22+$0x0], $0xffff  }
0xbb: {  	v14 =	vld.idx.msk [tilespmem:v6+s22+$0x0], $0xffff  }
0xbc: {  	v6 =	vld.idx.msk [tilespmem:v6+s21+$0x0], $0xffff  }
0xbd: {  	v9 =	vmul.f32 v9, v10  }
0xbe: {  	v8 =	vmul.f32 v8, v11  }
0xbf: {  	v5 =	vand.u32 $0xFE0, v5;
	v10 =	vld.idx.msk [tilespmem:v13+s21+$0x0], $0xffff  }
0xc0: {  	v11 =	vor.u32 v1, v5;
	v8 =	vadd.f32 v8, v9;
	v9 =	vmul.f32 v7, v12  }
0xc1: {  	v12 =	vor.u32 v2, v5;
	v7 =	vld.idx.msk [tilespmem:v13+s22+$0x0], $0xffff  }
0xc2: {  	v8 =	vadd.f32 v9, v8;
	v6 =	vmul.f32 v14, v6;
	v9 =	vor.u32 v3, v5;
	_ =	sdelay $0x1  }
.Ltmp0:
0xc3: {  	v6 =	vsub.f32 v8, v6;
	(pc) =	sbr.rel @p1 .LBB2_3-.Ltmp0, $4  }
0xc4: {  	[tilespmem:v11+s1+$0x0] =	vst.idx.msk $0xffff, v10  }
0xc5: {  	v11 =	vadd.f32 v6, v6;
	[tilespmem:v12+s1+$0x0] =	vst.idx.msk $0xffff, v6  }
0xc6: {  	v8 =	vor.u32 v4, v5;
	v12 =	vor.u32 s30, v0;
	[tilespmem:v9+s1+$0x0] =	vst.idx.msk $0xffff, v7  }
0xc7: {  	v6 =	vshll.u32 v12, $0x3;
	v5 =	vshll.u32 v12, $0x2;
	v9 =	vsub.f32 v10, v11  }
0xc8: {  	v10 =	vor.u32 $0x2, v6  }
0xc9: {  	v11 =	vor.u32 $0x1, v6  }
0xca: {  	v7 =	vadd.f32 v9, v7;
	_ =	sdelay $0x1  }
0xcb: {  	[tilespmem:v8+s1+$0x0] =	vst.idx.msk $0xffff, v7;
	v7 =	vor.u32 $0x3, v6  }
0xcc: {  	v8 =	vld.idx.msk [tilespmem:v10+s22+$0x0], $0xffff  }
0xcd: {  	v9 =	vld.idx.msk [tilespmem:v11+s22+$0x0], $0xffff  }
0xce: {  	v11 =	vld.idx.msk [tilespmem:v11+s21+$0x0], $0xffff  }
0xcf: {  	v10 =	vld.idx.msk [tilespmem:v10+s21+$0x0], $0xffff  }
0xd0: {  	v12 =	vld.idx.msk [tilespmem:v7+s21+$0x0], $0xffff  }
0xd1: {  	v7 =	vld.idx.msk [tilespmem:v7+s22+$0x0], $0xffff  }
0xd2: {  	v13 =	vld.idx.msk [tilespmem:v6+s22+$0x0], $0xffff  }
0xd3: {  	v14 =	vld.idx.msk [tilespmem:v6+s21+$0x0], $0xffff  }
0xd4: {  	v6 =	vor.u32 $0x4, v6;
	v9 =	vmul.f32 v9, v11;
	v8 =	vmul.f32 v8, v10;
	_ =	sdelay $0x1  }
0xd5: {  	v8 =	vadd.f32 v8, v9;
	v7 =	vmul.f32 v7, v12;
	_ =	sdelay $0x1  }
0xd6: {  	v7 =	vadd.f32 v7, v8;
	v8 =	vmul.f32 v13, v14  }
0xd7: {  	v5 =	vand.u32 $0xFE0, v5;
	v9 =	vld.idx.msk [tilespmem:v6+s21+$0x0], $0xffff  }
0xd8: {  	v10 =	vor.u32 v1, v5;
	v7 =	vsub.f32 v7, v8  }
0xd9: {  	v6 =	vld.idx.msk [tilespmem:v6+s22+$0x0], $0xffff;
	v8 =	vor.u32 v2, v5  }
0xda: {  	v11 =	vor.u32 v3, v5;
	v59 =	vadd.f32 v7, v7  }
0xdb: {  	v5 =	vor.u32 v4, v5  }
0xdc: {  	v12 =	vsub.f32 v9, v59  }
0xdd: {  	[tilespmem:v10+s1+$0x0] =	vst.idx.msk $0xffff, v9  }
0xde: {  	s29 =	sadd.s32 s26, s13;
	[tilespmem:v8+s1+$0x0] =	vst.idx.msk $0xffff, v7;
	v7 =	vadd.f32 v12, v6  }
0xdf: {  	s29 =	sshrl.u32 s29, $0x3;
	[tilespmem:v11+s1+$0x0] =	vst.idx.msk $0xffff, v6  }
0xe0: {  	s29 =	sadd.s32 s6, s29;
	[tilespmem:v5+s1+$0x0] =	vst.idx.msk $0xffff, v7  }
0xe1: {  	[hbm4b:s29+s11] =	stream.strided.scatter [tilespmem:s1], [sflag:$0x5], $0x1000, s20, s11, $0x38;
	[tilespmem:$0xB000] =	vst v63  }
0xe2: {  	_ =	swait.ge [sflag:s18], $0x400  }
0xe3: {  	[sflag:s18] =	ssyncset.done $0x0  }
0xe4: {  	[sflag:s18] =	ssyncadd.s32 $0xFFFFFC00  }
0xe5: {  	_ =	swait.ge [sflag:s18], $0x400  }
0xe6: {  	[sflag:s18] =	ssyncset.done $0x0  }
0xe7: {  	[sflag:s18] =	ssyncadd.s32 $0xFFFFFC00  }
0xe8: {  	_ =	swait.ge [sflag:s18], $0x400  }
0xe9: {  	[sflag:s18] =	ssyncset.done $0x0  }
0xea: {  	[sflag:s18] =	ssyncadd.s32 $0xFFFFFC00  }
0xeb: {  	_ =	swait.ge [sflag:s18], $0x400  }
0xec: {  	[sflag:s18] =	ssyncset.done $0x0  }
0xed: {  	[sflag:s18] =	ssyncadd.s32 $0xFFFFFC00  }
0xee: {  	_ =	swait.ge [sflag:s18], $0x400  }
0xef: {  	[sflag:s18] =	ssyncset.done $0x0  }
0xf0: {  	[sflag:s18] =	ssyncadd.s32 $0xFFFFFC00  }
0xf1: {  	_ =	swait.ge [sflag:s18], $0x400  }
0xf2: {  	[sflag:s18] =	ssyncset.done $0x0  }
0xf3: {  	[sflag:s18] =	ssyncadd.s32 $0xFFFFFC00  }
0xf4: {  	_ =	swait.ge [sflag:s18], $0x400  }
0xf5: {  	[sflag:s18] =	ssyncset.done $0x0  }
0xf6: {  	[sflag:s18] =	ssyncadd.s32 $0xFFFFFC00  }
0xf7: {  	_ =	swait.ge [sflag:s18], $0x400  }
0xf8: {  	[sflag:s18] =	ssyncset.done $0x0  }
0xf9: {  	[sflag:s18] =	ssyncadd.s32 $0xFFFFFC00  }
0xfa: {  	_ =	swait.ge [sflag:s18], $0x400  }
0xfb: {  	[sflag:s18] =	ssyncset.done $0x0  }
0xfc: {  	[sflag:s18] =	ssyncadd.s32 $0xFFFFFC00  }
0xfd: {  	_ =	swait.ge [sflag:s18], $0x400  }
0xfe: {  	[sflag:s18] =	ssyncset.done $0x0  }
0xff: {  	[sflag:s18] =	ssyncadd.s32 $0xFFFFFC00  }
0x100: {  	_ =	swait.ge [sflag:s18], $0x400  }
0x101: {  	[sflag:s18] =	ssyncset.done $0x0  }
0x102: {  	[sflag:s18] =	ssyncadd.s32 $0xFFFFFC00  }
0x103: {  	_ =	swait.ge [sflag:s18], $0x400  }
0x104: {  	[sflag:s18] =	ssyncset.done $0x0  }
0x105: {  	[sflag:s18] =	ssyncadd.s32 $0xFFFFFC00  }
0x106: {  	_ =	swait.ge [sflag:s18], $0x400  }
0x107: {  	[sflag:s18] =	ssyncset.done $0x0  }
0x108: {  	[sflag:s18] =	ssyncadd.s32 $0xFFFFFC00  }
0x109: {  	_ =	swait.ge [sflag:s18], $0x400  }
0x10a: {  	[sflag:s18] =	ssyncset.done $0x0  }
0x10b: {  	[sflag:s18] =	ssyncadd.s32 $0xFFFFFC00  }
0x10c: {  	_ =	swait.ge [sflag:s18], $0x400  }
0x10d: {  	[sflag:s18] =	ssyncset.done $0x0  }
0x10e: {  	[sflag:s18] =	ssyncadd.s32 $0xFFFFFC00  }
0x10f: {  	s28 =	sadd.s32 @!p0 s28, s14;
	_ =	swait.ge [sflag:s18], $0x400  }
0x110: {  	s30 =	simm.s32 @!p0 $0x0;
	s28 =	sshrl.u32 @!p0 s28, $0x3;
	[sflag:s18] =	ssyncset.done $0x0  }
0x111: {  	s7 =	simm.s32 @!p0 $0x400;
	s29 =	sadd.s32 @!p0 s4, s28;
	[sflag:s18] =	ssyncadd.s32 $0xFFFFFC00  }
0x112: {  	[tilespmem:s7], [sflag:$0x2] =	stream.linear.gather @!p0 [hbm4b:s29+s30], $0x400, $0x38;
	[tilespmem:$0xB000] =	vst v63  }
0x113: {  	s7 =	sadd.s32 @!p0 s5, s28;
	s28 =	simm.s32 @!p0 $0xC00  }
0x114: {  	[tilespmem:s28], [sflag:$0x2] =	stream.linear.gather @!p0 [hbm4b:s7+s30], $0x400, $0x38;
	[tilespmem:$0xB000] =	vst v63  }
0x115: {  	s7 =	simm.s32 @!p0 $0x1  }
0x116: {  	_ =	swait.ge @!p0 [sflag:s7], $0x400  }
0x117: {  	[sflag:s7] =	ssyncset.done @!p0 $0x0  }
0x118: {  	[sflag:s7] =	ssyncadd.s32 @!p0 $0xFFFFFC00  }
0x119: {  	_ =	swait.ge @!p0 [sflag:s7], $0x400  }
0x11a: {  	[sflag:s7] =	ssyncset.done @!p0 $0x0  }
0x11b: {  	s28 =	simm.s32 @!p0 $0x1000;
	[sflag:s7] =	ssyncadd.s32 @!p0 $0xFFFFFC00;
	s7 =	simm.s32 @!p0 $0x80  }
0x11c: {  	[tilespmem:s28], [sflag:$0x3] =	stream.indirect.gather @!p0 [hbm4b:s3+s7], $0x8, s30, s7, $0xb8;
	[tilespmem:$0xB000] =	vst v63  }
0x11d: {  	s29 =	simm.s32 @!p0 $0x5000;
	s28 =	simm.s32 @!p0 $0x800  }
0x11e: {  	[tilespmem:s29], [sflag:$0x3] =	stream.indirect.gather @!p0 [hbm4b:s3+s7], $0x8, s28, s7, $0xb8;
	[tilespmem:$0xB000] =	vst v63  }
0x11f: {  	s28 =	simm.s32 @!p0 $0x1400  }
0x120: {  	[tilespmem:s28], [sflag:$0x3] =	stream.indirect.gather @!p0 [hbm4b:s3+s7], $0x8, s7, s7, $0xb8;
	[tilespmem:$0xB000] =	vst v63  }
0x121: {  	s29 =	simm.s32 @!p0 $0x5400;
	s28 =	simm.s32 @!p0 $0x880  }
0x122: {  	[tilespmem:s29], [sflag:$0x3] =	stream.indirect.gather @!p0 [hbm4b:s3+s7], $0x8, s28, s7, $0xb8;
	[tilespmem:$0xB000] =	vst v63  }
0x123: {  	s28 =	simm.s32 @!p0 $0x100;
	s29 =	simm.s32 @!p0 $0x1800  }
0x124: {  	[tilespmem:s29], [sflag:$0x3] =	stream.indirect.gather @!p0 [hbm4b:s3+s7], $0x8, s28, s7, $0xb8;
	[tilespmem:$0xB000] =	vst v63  }
0x125: {  	s28 =	simm.s32 @!p0 $0x900;
	s29 =	simm.s32 @!p0 $0x5800  }
0x126: {  	[tilespmem:s29], [sflag:$0x3] =	stream.indirect.gather @!p0 [hbm4b:s3+s7], $0x8, s28, s7, $0xb8;
	[tilespmem:$0xB000] =	vst v63  }
0x127: {  	s28 =	simm.s32 @!p0 $0x180;
	s29 =	simm.s32 @!p0 $0x1C00  }
0x128: {  	[tilespmem:s29], [sflag:$0x3] =	stream.indirect.gather @!p0 [hbm4b:s3+s7], $0x8, s28, s7, $0xb8;
	[tilespmem:$0xB000] =	vst v63  }
0x129: {  	s28 =	simm.s32 @!p0 $0x980;
	s29 =	simm.s32 @!p0 $0x5C00  }
0x12a: {  	[tilespmem:s29], [sflag:$0x3] =	stream.indirect.gather @!p0 [hbm4b:s3+s7], $0x8, s28, s7, $0xb8;
	[tilespmem:$0xB000] =	vst v63  }
0x12b: {  	s28 =	simm.s32 @!p0 $0x200;
	s29 =	simm.s32 @!p0 $0x2000  }
0x12c: {  	[tilespmem:s29], [sflag:$0x3] =	stream.indirect.gather @!p0 [hbm4b:s3+s7], $0x8, s28, s7, $0xb8;
	[tilespmem:$0xB000] =	vst v63  }
0x12d: {  	s28 =	simm.s32 @!p0 $0xA00;
	s29 =	simm.s32 @!p0 $0x6000  }
0x12e: {  	[tilespmem:s29], [sflag:$0x3] =	stream.indirect.gather @!p0 [hbm4b:s3+s7], $0x8, s28, s7, $0xb8;
	[tilespmem:$0xB000] =	vst v63  }
0x12f: {  	s28 =	simm.s32 @!p0 $0x280;
	s29 =	simm.s32 @!p0 $0x2400  }
0x130: {  	[tilespmem:s29], [sflag:$0x3] =	stream.indirect.gather @!p0 [hbm4b:s3+s7], $0x8, s28, s7, $0xb8;
	[tilespmem:$0xB000] =	vst v63  }
0x131: {  	s28 =	simm.s32 @!p0 $0xA80;
	s29 =	simm.s32 @!p0 $0x6400  }
0x132: {  	[tilespmem:s29], [sflag:$0x3] =	stream.indirect.gather @!p0 [hbm4b:s3+s7], $0x8, s28, s7, $0xb8;
	[tilespmem:$0xB000] =	vst v63  }
0x133: {  	s28 =	simm.s32 @!p0 $0x300;
	s29 =	simm.s32 @!p0 $0x2800  }
0x134: {  	[tilespmem:s29], [sflag:$0x3] =	stream.indirect.gather @!p0 [hbm4b:s3+s7], $0x8, s28, s7, $0xb8;
	[tilespmem:$0xB000] =	vst v63  }
0x135: {  	s28 =	simm.s32 @!p0 $0xB00;
	s29 =	simm.s32 @!p0 $0x6800  }
0x136: {  	[tilespmem:s29], [sflag:$0x3] =	stream.indirect.gather @!p0 [hbm4b:s3+s7], $0x8, s28, s7, $0xb8;
	[tilespmem:$0xB000] =	vst v63  }
0x137: {  	s28 =	simm.s32 @!p0 $0x380;
	s29 =	simm.s32 @!p0 $0x2C00  }
0x138: {  	[tilespmem:s29], [sflag:$0x3] =	stream.indirect.gather @!p0 [hbm4b:s3+s7], $0x8, s28, s7, $0xb8;
	[tilespmem:$0xB000] =	vst v63  }
0x139: {  	s28 =	simm.s32 @!p0 $0xB80;
	s29 =	simm.s32 @!p0 $0x6C00  }
0x13a: {  	[tilespmem:s29], [sflag:$0x3] =	stream.indirect.gather @!p0 [hbm4b:s3+s7], $0x8, s28, s7, $0xb8;
	[tilespmem:$0xB000] =	vst v63  }
0x13b: {  	s29 =	simm.s32 $0x0  }
0x13c: {  	v5 =	vor.u32 s29, v0  }
0x13d: {  	v6 =	vshll.u32 v5, $0x3  }
0x13e: {  	p1 =	seq.s32 @!p0 s25, $0x0;
	v7 =	vor.u32 $0x2, v6  }
0x13f: {  	p0 =	por p0, !p1;
	v8 =	vor.u32 $0x1, v6  }
0x140: {  	_ =	swait.ge @p0 [sflag:s24], $0x1000  }
0x141: {  	[sflag:s24] =	ssyncset.done @p0 $0x0  }
0x142: {  	[sflag:s24] =	ssyncadd.s32 @p0 $0xFFFFF000;
	v9 =	vor.u32 $0x3, v6  }
0x143: {  	v10 =	vld.idx.msk [tilespmem:v7+s23+$0x0], $0xffff  }
0x144: {  	v11 =	vld.idx.msk [tilespmem:v8+s23+$0x0], $0xffff  }
0x145: {  	v8 =	vld.idx.msk [tilespmem:v8+s2+$0x0], $0xffff  }
0x146: {  	v7 =	vld.idx.msk [tilespmem:v7+s2+$0x0], $0xffff  }
0x147: {  	v60 =	vld.idx.msk [tilespmem:v9+s2+$0x0], $0xffff  }
0x148: {  	v9 =	vld.idx.msk [tilespmem:v9+s23+$0x0], $0xffff  }
0x149: {  	v61 =	vor.u32 $0x4, v6;
	v62 =	vld.idx.msk [tilespmem:v6+s23+$0x0], $0xffff  }
0x14a: {  	v6 =	vld.idx.msk [tilespmem:v6+s2+$0x0], $0xffff  }
0x14b: {  	v8 =	vmul.f32 v11, v8;
	v7 =	vmul.f32 v10, v7  }
0x14c: {  	v5 =	vshll.u32 v5, $0x2  }
0x14d: {  	v5 =	vand.u32 $0xFE0, v5;
	v7 =	vadd.f32 v7, v8;
	v8 =	vmul.f32 v9, v60  }
0x14e: {  	v10 =	vor.u32 v1, v5;
	v9 =	vld.idx.msk [tilespmem:v61+s2+$0x0], $0xffff  }
0x14f: {  	v6 =	vmul.f32 v62, v6;
	v11 =	vor.u32 v2, v5;
	v8 =	vadd.f32 v8, v7  }
0x150: {  	v63 =	vor.u32 v3, v5;
	v7 =	vld.idx.msk [tilespmem:v61+s23+$0x0], $0xffff  }
0x151: {  	v6 =	vsub.f32 v8, v6;
	_ =	sdelay $0x1  }
0x152: {  	s30 =	simm.s32 $0x10;
	[tilespmem:v10+s19+$0x0] =	vst.idx.msk $0xffff, v9;
	v10 =	vadd.f32 v6, v6  }
0x153: {  	v8 =	vor.u32 v4, v5;
	[tilespmem:v11+s19+$0x0] =	vst.idx.msk $0xffff, v6;
	v11 =	vor.u32 s30, v0  }
0x154: {  	s28 =	simm.s32 $0x20;
	[tilespmem:v63+s19+$0x0] =	vst.idx.msk $0xffff, v7;
	v6 =	vshll.u32 v11, $0x3;
	v5 =	vshll.u32 v11, $0x2;
	v9 =	vsub.f32 v9, v10  }
.LBB2_5:
0x155: {  	p0 =	sne.s32 s28, $0x3F0;
	v10 =	vor.u32 $0x1, v6;
	v11 =	vor.u32 $0x2, v6;
	s7 =	smov.u32 s28;
	s28 =	sadd.s32 $0x10, s28  }
0x156: {  	v7 =	vadd.f32 v9, v7;
	_ =	sdelay $0x1  }
0x157: {  	[tilespmem:v8+s19+$0x0] =	vst.idx.msk $0xffff, v7  }
0x158: {  	v7 =	vor.u32 $0x3, v6  }
0x159: {  	v8 =	vld.idx.msk [tilespmem:v11+s23+$0x0], $0xffff  }
0x15a: {  	v9 =	vld.idx.msk [tilespmem:v10+s23+$0x0], $0xffff  }
0x15b: {  	v10 =	vld.idx.msk [tilespmem:v10+s2+$0x0], $0xffff  }
0x15c: {  	v11 =	vld.idx.msk [tilespmem:v11+s2+$0x0], $0xffff  }
0x15d: {  	v12 =	vld.idx.msk [tilespmem:v7+s2+$0x0], $0xffff  }
0x15e: {  	v13 =	vor.u32 $0x4, v6;
	v7 =	vld.idx.msk [tilespmem:v7+s23+$0x0], $0xffff  }
0x15f: {  	v14 =	vld.idx.msk [tilespmem:v6+s23+$0x0], $0xffff  }
0x160: {  	v6 =	vld.idx.msk [tilespmem:v6+s2+$0x0], $0xffff  }
0x161: {  	v9 =	vmul.f32 v9, v10  }
0x162: {  	v8 =	vmul.f32 v8, v11  }
0x163: {  	v5 =	vand.u32 $0xFE0, v5;
	v10 =	vld.idx.msk [tilespmem:v13+s2+$0x0], $0xffff  }
0x164: {  	v11 =	vor.u32 v1, v5;
	v8 =	vadd.f32 v8, v9;
	v9 =	vmul.f32 v7, v12  }
0x165: {  	v12 =	vor.u32 v2, v5;
	v7 =	vld.idx.msk [tilespmem:v13+s23+$0x0], $0xffff  }
0x166: {  	v8 =	vadd.f32 v9, v8;
	v6 =	vmul.f32 v14, v6;
	v9 =	vor.u32 v3, v5;
	_ =	sdelay $0x1  }
.Ltmp1:
0x167: {  	v6 =	vsub.f32 v8, v6;
	(pc) =	sbr.rel @p0 .LBB2_5-.Ltmp1, $4  }
0x168: {  	[tilespmem:v11+s19+$0x0] =	vst.idx.msk $0xffff, v10  }
0x169: {  	v11 =	vadd.f32 v6, v6;
	[tilespmem:v12+s19+$0x0] =	vst.idx.msk $0xffff, v6  }
0x16a: {  	v8 =	vor.u32 v4, v5;
	v12 =	vor.u32 s7, v0;
	[tilespmem:v9+s19+$0x0] =	vst.idx.msk $0xffff, v7  }
0x16b: {  	v6 =	vshll.u32 v12, $0x3;
	v5 =	vshll.u32 v12, $0x2;
	v9 =	vsub.f32 v10, v11  }
0x16c: {  	v10 =	vor.u32 $0x2, v6  }
0x16d: {  	v11 =	vor.u32 $0x1, v6  }
0x16e: {  	v7 =	vadd.f32 v9, v7;
	_ =	sdelay $0x1  }
0x16f: {  	[tilespmem:v8+s19+$0x0] =	vst.idx.msk $0xffff, v7;
	v7 =	vor.u32 $0x3, v6  }
0x170: {  	v8 =	vld.idx.msk [tilespmem:v10+s23+$0x0], $0xffff  }
0x171: {  	v57 =	vld.idx.msk [tilespmem:v11+s23+$0x0], $0xffff  }
0x172: {  	v11 =	vld.idx.msk [tilespmem:v11+s2+$0x0], $0xffff  }
0x173: {  	v10 =	vld.idx.msk [tilespmem:v10+s2+$0x0], $0xffff  }
0x174: {  	v12 =	vld.idx.msk [tilespmem:v7+s2+$0x0], $0xffff  }
0x175: {  	v7 =	vld.idx.msk [tilespmem:v7+s23+$0x0], $0xffff  }
0x176: {  	v13 =	vld.idx.msk [tilespmem:v6+s23+$0x0], $0xffff  }
0x177: {  	v14 =	vld.idx.msk [tilespmem:v6+s2+$0x0], $0xffff  }
0x178: {  	v6 =	vor.u32 $0x4, v6;
	v9 =	vmul.f32 v57, v11;
	v8 =	vmul.f32 v8, v10;
	_ =	sdelay $0x1  }
0x179: {  	v8 =	vadd.f32 v8, v9;
	v7 =	vmul.f32 v7, v12;
	_ =	sdelay $0x1  }
0x17a: {  	v58 =	vmul.f32 v13, v14;
	v7 =	vadd.f32 v7, v8  }
0x17b: {  	v5 =	vand.u32 $0xFE0, v5;
	v59 =	vld.idx.msk [tilespmem:v6+s2+$0x0], $0xffff  }
0x17c: {  	v60 =	vor.u32 v1, v5;
	v7 =	vsub.f32 v7, v58  }
0x17d: {  	v61 =	vor.u32 v2, v5;
	v6 =	vld.idx.msk [tilespmem:v6+s23+$0x0], $0xffff  }
0x17e: {  	v62 =	vor.u32 v3, v5;
	v63 =	vadd.f32 v7, v7  }
0x17f: {  	s25 =	sadd.s32 $0x1, s25;
	v5 =	vor.u32 v4, v5  }
0x180: {  	p0 =	sne.s32 s25, $0x31;
	v12 =	vsub.f32 v59, v63  }
.Ltmp2:
0x181: {  	[tilespmem:v60+s19+$0x0] =	vst.idx.msk $0xffff, v59;
	(pc) =	sbr.rel @p0 .LBB2_2-.Ltmp2, $4  }
0x182: {  	s7 =	sadd.s32 s26, s15;
	[tilespmem:v61+s19+$0x0] =	vst.idx.msk $0xffff, v7;
	v7 =	vadd.f32 v12, v6  }
0x183: {  	s7 =	sshrl.u32 s7, $0x3;
	[tilespmem:v62+s19+$0x0] =	vst.idx.msk $0xffff, v6  }
0x184: {  	s7 =	sadd.s32 s6, s7;
	[tilespmem:v5+s19+$0x0] =	vst.idx.msk $0xffff, v7  }
0x185: {  	[hbm4b:s7+s11] =	stream.strided.scatter [tilespmem:s19], [sflag:$0x6], $0x1000, s20, s11, $0x38;
	[tilespmem:$0xB000] =	vst v63  }
0x186: {  	s7 =	simm.s32 $0x5  }
0x187: {  	_ =	swait.ge [sflag:s7], $0x1000  }
0x188: {  	[sflag:s7] =	ssyncset.done $0x0  }
0x189: {  	[sflag:s7] =	ssyncadd.s32 $0xFFFFF000  }
0x18a: {  	_ =	swait.ge [sflag:s24], $0x1000  }
0x18b: {  	s25 =	rddreg [dreg:$0x7]  }
0x18c: {  	s30 =	rddreg [dreg:$0x6];
	s25 =	sadd.s32 $0x1, s25  }
0x18d: {  	p0 =	sne.s32 s25, s30  }
.Ltmp3:
0x18e: {  	_ = 	snop;
	(pc) =	sbr.rel @p0 .LBB2_1-.Ltmp3, $3  }
0x18f: {  	_ =	sdelay $0x1  }
0x190: {  	[sflag:s24] =	ssyncset.done $0x0  }
0x191: {  	[sflag:s24] =	ssyncadd.s32 $0xFFFFF000  }
0x192: {  	_ =	sfence.sel $0x180000  }
0x193: {  	[bflag:$0x0] =	sbarrier.arrive $0xFFFF  }
0x194: {  	_ =	strace $0x90000047  }
0x195: {  	s0 =	stileid.u32;
	[bflag:$0x2] =	sbarrier.arrive $0xFFFF  }
0x196: {  	p0 =	sne.s32 s0, $0x0;
	s0 =	rddreg [dreg:$0x1]  }
0x197: {  	s0 =	sadd.s32 @!p0 $0x100000, s0  }
0x198: {  	[sflag:s0] =	ssyncadd.tile.s32 @!p0 $0x1;
	_ =	shalt  }
.Lfunc_end2:
_tile_overlayer_lowered:
.L_overlay_start_2:
0x199: {  	(tag) =	ssettag $0x2  }
0x19a: {  	s0 =	rddreg [dreg:$0x0];
	s2 =	stileid.u32  }
0x19b: {  	s1 =	rddreg [dreg:$0x1];
	p0 =	sne.s32 s2, $0x0  }
0x19c: {  	s3 =	rddreg [dreg:$0x2];
	[bflag:$0x3] =	sbarrier.arrive $0xFFFF;
	s2 =	simm.s32 @!p0 $0x1C07  }
0x19d: {  	[timem:s3], [sflag:s2] =	dma.local @!p0 [hbm:s0], s1  }
0x19e: {  	s0 =	simm.s32 @!p0 $0x7  }
0x19f: {  	_ =	swait.ge @!p0 [sflag:s0], s1  }
0x1a0: {  	s1 =	ssub.s32 @!p0 $0x0, s1;
	[sflag:s0] =	ssyncset.done @!p0 $0x0  }
0x1a1: {  	[sflag:s0] =	ssyncadd.s32 @!p0 s1  }
0x1a2: {  	[bflag:$0x3] =	sbarrier.arrive $0xFFFF  }
0x1a3: {  	_ =	shalt  }

</sc_bundles>
